<compile_context>
chip_gen: v7x
topology: tpu7x:2x2x1
jax: 0.10.2.dev20260603
libtpu: 0.0.44.dev20260713+nightly
codegen_flags: <defaults>
</compile_context>

<pallas_src>
import functools

import jax
import jax.numpy as jnp
from jax import lax
from jax.experimental import pallas as pl
from jax.experimental.pallas import tpu as pltpu
from jax.experimental.pallas import tpu_sc as plsc

N = 50000
D = 512
S = 512

_FMIN = jnp.finfo(jnp.float32).min

_RA = 2000
_NBA = N // _RA

_NC = 2
_NS = 16
_NPAD = 51200
_STAT_PER_T = _NPAD // _NS
_ALPHA_PER_T = _NPAD // (_NC * _NS)

_RSH = 8
_CG = 4
_CGW = D // _CG
_CH = 64
_PER_SH = _NPAD // _RSH
_NCH = _PER_SH // _CH


def _gate_body(nodes_ref, wg_ref, bg_ref, x_ref):
    x_ref[...] = jnp.dot(nodes_ref[...], wg_ref[...],
                         preferred_element_type=jnp.float32) + bg_ref[0, 0]


def _gate_call(nodes, w_gate, b_gate):
    return pl.pallas_call(
        _gate_body,
        grid=(_NBA,),
        in_specs=[
            pl.BlockSpec((_RA, D), lambda i: (i, 0)),
            pl.BlockSpec((D, 1), lambda i: (0, 0)),
            pl.BlockSpec((1, 1), lambda i: (0, 0)),
        ],
        out_specs=pl.BlockSpec((_RA, 1), lambda i: (i, 0)),
        out_shape=jax.ShapeDtypeStruct((N, 1), jnp.float32),
    )(nodes, w_gate, b_gate)


def _stats_body(x_hbm, idx_hbm, alpha_hbm, gsum_hbm,
                x_sl, idx_sl, tab, gmax, gsum, comb, alpha_buf,
                stage_max, stage_sum):
    c = lax.axis_index("c")
    s = lax.axis_index("s")
    iota16 = lax.broadcasted_iota(jnp.int32, (16,), 0)

    stat0 = s * _STAT_PER_T
    pltpu.sync_copy(x_hbm.at[pl.ds(stat0, _STAT_PER_T)], x_sl)
    pltpu.sync_copy(idx_hbm.at[pl.ds(stat0, _STAT_PER_T)], idx_sl)

    fmin16 = jnp.full((16,), _FMIN, jnp.float32)

    def _init_tab(v, carry):
        tab[pl.ds(v * 16, 16)] = fmin16
        return carry

    lax.fori_loop(0, S * 16 // 16, _init_tab, 0)

    def _max_step(t, carry):
        x16 = x_sl[pl.ds(t * 16, 16)]
        seg16 = idx_sl[pl.ds(t * 16, 16)]
        addr = seg16 * 16 + iota16
        cur = plsc.load_gather(tab, [addr])
        plsc.store_scatter(tab, [addr], jnp.maximum(cur, x16))
        return carry

    lax.fori_loop(0, _STAT_PER_T // 16, _max_step, 0)

    def _lane_red_max(g, carry):
        segs = (g * 16 + iota16) * 16
        acc = plsc.load_gather(tab, [segs])
        for l in range(1, 16):
            acc = jnp.maximum(acc, plsc.load_gather(tab, [segs + l]))
        gmax[pl.ds(g * 16, 16)] = acc
        return carry

    lax.fori_loop(0, S // 16, _lane_red_max, 0)
    pltpu.sync_copy(gmax, stage_max.at[s])
    plsc.subcore_barrier()
    pltpu.sync_copy(stage_max, comb)

    def _comb_max(g, carry):
        acc = comb[0, pl.ds(g * 16, 16)]
        for t in range(1, _NS):
            acc = jnp.maximum(acc, comb[t, pl.ds(g * 16, 16)])
        gmax[pl.ds(g * 16, 16)] = acc
        return carry

    lax.fori_loop(0, S // 16, _comb_max, 0)

    zero16 = jnp.zeros((16,), jnp.float32)

    def _zero_tab(v, carry):
        tab[pl.ds(v * 16, 16)] = zero16
        return carry

    lax.fori_loop(0, S * 16 // 16, _zero_tab, 0)

    def _sum_step(t, carry):
        x16 = x_sl[pl.ds(t * 16, 16)]
        seg16 = idx_sl[pl.ds(t * 16, 16)]
        m16 = plsc.load_gather(gmax, [seg16])
        e16 = jnp.exp(x16 - m16)
        plsc.addupdate_scatter(tab, [seg16 * 16 + iota16], e16)
        return carry

    lax.fori_loop(0, _STAT_PER_T // 16, _sum_step, 0)

    def _lane_red_sum(g, carry):
        segs = (g * 16 + iota16) * 16
        acc = plsc.load_gather(tab, [segs])
        for l in range(1, 16):
            acc = acc + plsc.load_gather(tab, [segs + l])
        gsum[pl.ds(g * 16, 16)] = acc
        return carry

    lax.fori_loop(0, S // 16, _lane_red_sum, 0)
    pltpu.sync_copy(gsum, stage_sum.at[s])
    plsc.subcore_barrier()
    pltpu.sync_copy(stage_sum, comb)

    def _comb_sum(g, carry):
        acc = comb[0, pl.ds(g * 16, 16)]
        for t in range(1, _NS):
            acc = acc + comb[t, pl.ds(g * 16, 16)]
        gsum[pl.ds(g * 16, 16)] = acc
        return carry

    lax.fori_loop(0, S // 16, _comb_sum, 0)

    @pl.when((c == 0) & (s == 0))
    def _emit_gsum():
        pltpu.sync_copy(gsum, gsum_hbm)

    a0 = (c * _NS + s) * _ALPHA_PER_T
    pltpu.sync_copy(x_hbm.at[pl.ds(a0, _ALPHA_PER_T)], x_sl.at[pl.ds(0, _ALPHA_PER_T)])
    pltpu.sync_copy(idx_hbm.at[pl.ds(a0, _ALPHA_PER_T)], idx_sl.at[pl.ds(0, _ALPHA_PER_T)])

    def _alpha_step(t, carry):
        x16 = x_sl[pl.ds(t * 16, 16)]
        seg16 = idx_sl[pl.ds(t * 16, 16)]
        m16 = plsc.load_gather(gmax, [seg16])
        d16 = plsc.load_gather(gsum, [seg16]) + 1e-16
        alpha_buf[pl.ds(t * 16, 16)] = jnp.exp(x16 - m16) / d16
        return carry

    lax.fori_loop(0, _ALPHA_PER_T // 16, _alpha_step, 0)
    pltpu.sync_copy(alpha_buf, alpha_hbm.at[pl.ds(a0, _ALPHA_PER_T)])


def _stats_call(x_pad, idx_pad):
    mesh = plsc.VectorSubcoreMesh(core_axis_name="c", subcore_axis_name="s",
                                  num_cores=_NC, num_subcores=_NS)
    fn = pl.kernel(
        _stats_body,
        out_type=[
            jax.ShapeDtypeStruct((_NPAD,), jnp.float32),
            jax.ShapeDtypeStruct((S,), jnp.float32),
        ],
        mesh=mesh,
        compiler_params=pltpu.CompilerParams(needs_layout_passes=False),
        scratch_types=[
            pltpu.VMEM((_STAT_PER_T,), jnp.float32),
            pltpu.VMEM((_STAT_PER_T,), jnp.int32),
            pltpu.VMEM((S * 16,), jnp.float32),
            pltpu.VMEM((S,), jnp.float32),
            pltpu.VMEM((S,), jnp.float32),
            pltpu.VMEM((_NS, S), jnp.float32),
            pltpu.VMEM((_ALPHA_PER_T,), jnp.float32),
            pltpu.VMEM_SHARED((_NS, S), jnp.float32),
            pltpu.VMEM_SHARED((_NS, S), jnp.float32),
        ],
    )
    return fn(x_pad, idx_pad)


def _pool_body(nodes_hbm, alpha_hbm, seg_hbm, out_hbm,
               rows0, rows1, alpha0, alpha1, seg0, seg1, ridx0, ridx1,
               acc, sem0, sem1):
    c = lax.axis_index("c")
    s = lax.axis_index("s")
    w = c * _NS + s
    rsh = w % _RSH
    cg = w // _RSH
    col0 = cg * _CGW
    shard0 = rsh * _PER_SH

    zero16 = jnp.zeros((16,), jnp.float32)

    def _zero_row(r, carry):
        for cc in range(_CGW // 16):
            acc[r, pl.ds(cc * 16, 16)] = zero16
        return carry

    lax.fori_loop(0, S, _zero_row, 0)

    iota16 = lax.broadcasted_iota(jnp.int32, (16,), 0)
    bufs = ((rows0, alpha0, seg0, ridx0, sem0),
            (rows1, alpha1, seg1, ridx1, sem1))

    def _issue(b, jc):
        rows_b, alpha_b, seg_b, ridx_b, sem_b = bufs[b]
        base = shard0 + jc * _CH
        pltpu.async_copy(alpha_hbm.at[pl.ds(base, _CH)], alpha_b, sem_b)
        pltpu.async_copy(seg_hbm.at[pl.ds(base, _CH)], seg_b, sem_b)

        @pl.when(base + _CH <= N)
        def _linear():
            pltpu.async_copy(nodes_hbm.at[pl.ds(base, _CH), pl.ds(col0, _CGW)],
                             rows_b, sem_b)

        @pl.when(base + _CH > N)
        def _indirect():
            for t in range(_CH // 16):
                ridx_b[pl.ds(t * 16, 16)] = jnp.minimum(
                    base + t * 16 + iota16, N - 1)
            pltpu.async_copy(nodes_hbm.at[ridx_b, pl.ds(col0, _CGW)],
                             rows_b, sem_b)

    def _wait(b):
        rows_b, alpha_b, seg_b, ridx_b, sem_b = bufs[b]
        pltpu.make_async_copy(alpha_hbm.at[pl.ds(0, _CH)], alpha_b,
                              sem_b).wait()
        pltpu.make_async_copy(seg_hbm.at[pl.ds(0, _CH)], seg_b,
                              sem_b).wait()
        pltpu.make_async_copy(nodes_hbm.at[pl.ds(0, _CH), pl.ds(0, _CGW)],
                              rows_b, sem_b).wait()

    def _process(b):
        rows_b, alpha_b, seg_b, ridx_b, sem_b = bufs[b]

        @plsc.parallel_loop(0, _CH // 2, unroll=4)
        def _row(r):
            for half in range(2):
                rr = r + half * (_CH // 2)
                r16 = jnp.broadcast_to(rr, (16,)).astype(jnp.int32)
                a16 = plsc.load_gather(alpha_b, [r16])
                s16 = plsc.load_gather(seg_b, [r16])
                for cc in range(_CGW // 16):
                    val = rows_b[rr, pl.ds(cc * 16, 16)] * a16
                    plsc.addupdate_scatter(acc, [s16, cc * 16 + iota16], val)

    _issue(0, 0)

    def _pair(k, carry):
        j0 = 2 * k
        _issue(1, j0 + 1)
        _wait(0)
        _process(0)

        @pl.when(j0 + 2 < _NCH)
        def _prefetch():
            _issue(0, j0 + 2)

        _wait(1)
        _process(1)
        return carry

    lax.fori_loop(0, _NCH // 2, _pair, 0)
    pltpu.sync_copy(acc, out_hbm.at[rsh, :, pl.ds(col0, _CGW)])


def _pool_call(nodes, alpha_pad, idx_pad):
    mesh = plsc.VectorSubcoreMesh(core_axis_name="c", subcore_axis_name="s",
                                  num_cores=_NC, num_subcores=_NS)
    fn = pl.kernel(
        _pool_body,
        out_type=jax.ShapeDtypeStruct((_RSH, S, D), jnp.float32),
        mesh=mesh,
        compiler_params=pltpu.CompilerParams(needs_layout_passes=False),
        scratch_types=[
            pltpu.VMEM((_CH, _CGW), jnp.float32),
            pltpu.VMEM((_CH, _CGW), jnp.float32),
            pltpu.VMEM((_CH,), jnp.float32),
            pltpu.VMEM((_CH,), jnp.float32),
            pltpu.VMEM((_CH,), jnp.int32),
            pltpu.VMEM((_CH,), jnp.int32),
            pltpu.VMEM((_CH,), jnp.int32),
            pltpu.VMEM((_CH,), jnp.int32),
            pltpu.VMEM((S, _CGW), jnp.float32),
            pltpu.SemaphoreType.DMA,
            pltpu.SemaphoreType.DMA,
        ],
    )
    return fn(nodes, alpha_pad, idx_pad)


def _final_body(pooled_ref, c_ref, wa_ref, ba_ref, out_ref):
    p = pooled_ref[0]
    for k in range(1, _RSH):
        p = p + pooled_ref[k]
    out_ref[...] = (jnp.dot(p, wa_ref[...], preferred_element_type=jnp.float32)
                    + c_ref[...] * ba_ref[...])


def _final_call(pooled, c_col, w_attn, b_attn_row):
    return pl.pallas_call(
        _final_body,
        out_shape=jax.ShapeDtypeStruct((S, D), jnp.float32),
    )(pooled, c_col, w_attn, b_attn_row)


def kernel(nodes, batch_idx, W_gate, b_gate, W_attn, b_attn):
    idx32 = batch_idx.astype(jnp.int32)
    x = _gate_call(nodes, W_gate, b_gate.reshape(1, 1))
    x_pad = jnp.concatenate(
        [x.reshape(N), jnp.full((_NPAD - N,), -jnp.inf, jnp.float32)])
    idx_pad = jnp.concatenate([idx32, jnp.zeros((_NPAD - N,), jnp.int32)])
    alpha_pad, gsum = _stats_call(x_pad, idx_pad)
    pooled = _pool_call(nodes, alpha_pad, idx_pad)
    gsum_col = gsum.reshape(S, 1)
    c_col = gsum_col / (gsum_col + 1e-16)
    return _final_call(pooled, c_col, W_attn, b_attn.reshape(1, D))

# --- scband reference (transcript-rebuilt; emitter-appended) ---
"""Pipeline reference for scband-attentional-aggregation-15564961481301 (READ-ONLY COPY).

The authoritative reference and input builder live on the scoring server;
editing this copy changes nothing except your own understanding.
"""

import jax, jax.numpy as jnp
import numpy as np

N = 50000
D = 512
NUM_SEG_MAX = 512

def setup_inputs(seed: int = 0) -> dict:
    key = jax.random.key(seed)
    k1, k2, k3, k4, k5 = jax.random.split(key, 5)
    nodes = jax.random.normal(k1, (N, D), dtype=jnp.float32)
    batch_idx = jnp.sort(jax.random.randint(k2, (N,), 0, NUM_SEG_MAX, dtype=jnp.int64))
    s = 1.0 / np.sqrt(D)
    W_gate = jax.random.uniform(k3, (D, 1), dtype=jnp.float32, minval=-s, maxval=s)
    b_gate = jnp.zeros((1,), dtype=jnp.float32)
    W_attn = jax.random.uniform(k4, (D, D), dtype=jnp.float32, minval=-s, maxval=s)
    b_attn = jax.random.uniform(k5, (D,), dtype=jnp.float32, minval=-s, maxval=s)
    return {"nodes": nodes, "batch_idx": batch_idx, "W_gate": W_gate, "b_gate": b_gate, "W_attn": W_attn, "b_attn": b_attn}

def reference(nodes, batch_idx, W_gate, b_gate, W_attn, b_attn):
    # gate: Linear(emb_size, 1)
    x = nodes @ W_gate + b_gate  # [N, 1]
    n_seg = NUM_SEG_MAX
    # segmented softmax over dim 0 grouped by batch_idx
    src_max = jax.ops.segment_max(jax.lax.stop_gradient(x), batch_idx, num_segments=n_seg)
    out = jnp.exp(x - src_max[batch_idx])
    out_sum = jax.ops.segment_sum(out, batch_idx, num_segments=n_seg) + 1e-16
    alpha = out / out_sum[batch_idx]  # [N, 1]
    # attn: Linear(emb_size, emb_size)
    h = alpha * (nodes @ W_attn + b_attn)  # [N, D]
    return jax.ops.segment_sum(h, batch_idx, num_segments=n_seg)  # [n_seg, D]

if __name__ == "__main__":
    import jax
    _d = setup_inputs()
    print(jax.jit(kernel)(*tuple(_d.values())))

</pallas_src>

<mosaic_0001>
#map = affine_map<(d0, d1) -> (0, 0)>
#map1 = affine_map<(d0, d1) -> (0)>
#map2 = affine_map<(d0, d1) -> (0, 0, 0)>
module attributes {stable_mosaic.version = 14 : i64} {
  func.func @_pool_body(%arg0: i32, %arg1: i32, %arg2: memref<50000x512xf32, #tpu.memory_space<hbm>>, %arg3: memref<51200xf32, #tpu.memory_space<hbm>>, %arg4: memref<51200xi32, #tpu.memory_space<hbm>>, %arg5: memref<8x512x512xf32, #tpu.memory_space<hbm>>, %arg6: memref<64x128xf32, #tpu.memory_space<vmem>>, %arg7: memref<64x128xf32, #tpu.memory_space<vmem>>, %arg8: memref<64xf32, #tpu.memory_space<vmem>>, %arg9: memref<64xf32, #tpu.memory_space<vmem>>, %arg10: memref<64xi32, #tpu.memory_space<vmem>>, %arg11: memref<64xi32, #tpu.memory_space<vmem>>, %arg12: memref<64xi32, #tpu.memory_space<vmem>>, %arg13: memref<64xi32, #tpu.memory_space<vmem>>, %arg14: memref<512x128xf32, #tpu.memory_space<vmem>>, %arg15: memref<!tpu.dma_semaphore, #tpu.memory_space<semaphore_mem>>, %arg16: memref<!tpu.dma_semaphore, #tpu.memory_space<semaphore_mem>>) attributes {dimension_semantics = [#tpu.dimension_semantics<core_parallel>, #tpu.dimension_semantics<subcore_parallel>], iteration_bounds = array<i64: 2, 16>, scalar_prefetch = 0 : i64, scratch_operands = 11 : i64, tpu.core_type = #tpu.core_type<sc_vector_subcore>, window_params = [{transform_indices = #map}, {transform_indices = #map1}, {transform_indices = #map1}, {transform_indices = #map2}]} {
    %mul3A = arith.constant 16 : i32
    %mul3A_0 = arith.muli %arg0, %mul3A : i32
    %add3A = arith.addi %mul3A_0, %arg1 : i32
    %jit3A = arith.constant 8 : i32
    %eq3A = arith.constant 0 : i32
    %eq3A_1 = arith.cmpi eq, %jit3A, %eq3A : i32
    %jit3A_2 = arith.constant 1 : i32
    %select_n3A = arith.select %eq3A_1, %jit3A_2, %jit3A : i32
    %rem3A = arith.remsi %add3A, %select_n3A : i32
    %ne3A = arith.constant 0 : i32
    %ne3A_3 = arith.cmpi ne, %rem3A, %ne3A : i32
    %lt3A = arith.constant 0 : i32
    %lt3A_4 = arith.cmpi slt, %rem3A, %lt3A : i32
    %lt3A_5 = arith.constant 0 : i32
    %lt3A_6 = arith.cmpi slt, %select_n3A, %lt3A_5 : i32
    %ne3A_7 = arith.xori %lt3A_4, %lt3A_6 : i1
    %and3A = arith.andi %ne3A_7, %ne3A_3 : i1
    %add3A_8 = arith.addi %rem3A, %select_n3A : i32
    %select_n3A_9 = arith.select %and3A, %add3A_8, %rem3A : i32
    %jit3A_10 = arith.constant 8 : i32
    %div3A = arith.divsi %add3A, %jit3A_10 : i32
    %sign3A = arith.constant 0 : i32
    %sign3A_11 = arith.cmpi sgt, %add3A, %sign3A : i32
    %sign3A_12 = arith.extui %sign3A_11 : i1 to i32
    %sign3A_13 = arith.constant 0 : i32
    %sign3A_14 = arith.cmpi slt, %add3A, %sign3A_13 : i32
    %sign3A_15 = arith.extui %sign3A_14 : i1 to i32
    %sign3A_16 = arith.subi %sign3A_12, %sign3A_15 : i32
    %sign3A_17 = arith.constant 0 : i32
    %sign3A_18 = arith.cmpi sgt, %jit3A_10, %sign3A_17 : i32
    %sign3A_19 = arith.extui %sign3A_18 : i1 to i32
    %sign3A_20 = arith.constant 0 : i32
    %sign3A_21 = arith.cmpi slt, %jit3A_10, %sign3A_20 : i32
    %sign3A_22 = arith.extui %sign3A_21 : i1 to i32
    %sign3A_23 = arith.subi %sign3A_19, %sign3A_22 : i32
    %ne3A_24 = arith.cmpi ne, %sign3A_16, %sign3A_23 : i32
    %rem3A_25 = arith.remsi %add3A, %jit3A_10 : i32
    %ne3A_26 = arith.constant 0 : i32
    %ne3A_27 = arith.cmpi ne, %rem3A_25, %ne3A_26 : i32
    %and3A_28 = arith.andi %ne3A_24, %ne3A_27 : i1
    %sub3A = arith.constant 1 : i32
    %sub3A_29 = arith.subi %div3A, %sub3A : i32
    %select_n3A_30 = arith.select %and3A_28, %sub3A_29, %div3A : i32
    %mul3A_31 = arith.constant 128 : i32
    %mul3A_32 = arith.muli %select_n3A_30, %mul3A_31 : i32
    %mul3A_33 = arith.constant 6400 : i32
    %mul3A_34 = arith.muli %select_n3A_9, %mul3A_33 : i32
    %broadcast_in_dim3A = arith.constant 0.000000e+00 : f32
    %broadcast_in_dim3A_35 = vector.broadcast %broadcast_in_dim3A : f32 to vector<16xf32>
    %scan3A = arith.constant 0 : i32
    %scan3A_36 = arith.constant 0 : i32
    %scan3A_37 = arith.constant 512 : i32
    %scan3A_38 = arith.addi %scan3A_36, %scan3A_37 : i32
    %scan3A_39 = arith.constant 1 : i32
    scf.for %scan3A_62 = %scan3A_36 to %scan3A_38 step %scan3A_39  : i32 {
      %swap3A = arith.index_cast %scan3A_62 : i32 to index
      %swap3A_63 = arith.constant 0 : index
      %swap3A_64 = tpu.vector_load %arg14[%swap3A, %swap3A_63] {strides = array<i32>} : memref<512x128xf32, #tpu.memory_space<vmem>>, vector<16xf32>,
      tpu.vector_store %arg14[%swap3A, %swap3A_63], %broadcast_in_dim3A_35 {strides = array<i32>} : memref<512x128xf32, #tpu.memory_space<vmem>>, vector<16xf32>,
      %swap3A_65 = arith.index_cast %scan3A_62 : i32 to index
      %swap3A_66 = arith.constant 16 : index
      %swap3A_67 = tpu.vector_load %arg14[%swap3A_65, %swap3A_66] {strides = array<i32>} : memref<512x128xf32, #tpu.memory_space<vmem>>, vector<16xf32>,
      tpu.vector_store %arg14[%swap3A_65, %swap3A_66], %broadcast_in_dim3A_35 {strides = array<i32>} : memref<512x128xf32, #tpu.memory_space<vmem>>, vector<16xf32>,
      %swap3A_68 = arith.index_cast %scan3A_62 : i32 to index
      %swap3A_69 = arith.constant 32 : index
      %swap3A_70 = tpu.vector_load %arg14[%swap3A_68, %swap3A_69] {strides = array<i32>} : memref<512x128xf32, #tpu.memory_space<vmem>>, vector<16xf32>,
      tpu.vector_store %arg14[%swap3A_68, %swap3A_69], %broadcast_in_dim3A_35 {strides = array<i32>} : memref<512x128xf32, #tpu.memory_space<vmem>>, vector<16xf32>,
      %swap3A_71 = arith.index_cast %scan3A_62 : i32 to index
      %swap3A_72 = arith.constant 48 : index
      %swap3A_73 = tpu.vector_load %arg14[%swap3A_71, %swap3A_72] {strides = array<i32>} : memref<512x128xf32, #tpu.memory_space<vmem>>, vector<16xf32>,
      tpu.vector_store %arg14[%swap3A_71, %swap3A_72], %broadcast_in_dim3A_35 {strides = array<i32>} : memref<512x128xf32, #tpu.memory_space<vmem>>, vector<16xf32>,
      %swap3A_74 = arith.index_cast %scan3A_62 : i32 to index
      %swap3A_75 = arith.constant 64 : index
      %swap3A_76 = tpu.vector_load %arg14[%swap3A_74, %swap3A_75] {strides = array<i32>} : memref<512x128xf32, #tpu.memory_space<vmem>>, vector<16xf32>,
      tpu.vector_store %arg14[%swap3A_74, %swap3A_75], %broadcast_in_dim3A_35 {strides = array<i32>} : memref<512x128xf32, #tpu.memory_space<vmem>>, vector<16xf32>,
      %swap3A_77 = arith.index_cast %scan3A_62 : i32 to index
      %swap3A_78 = arith.constant 80 : index
      %swap3A_79 = tpu.vector_load %arg14[%swap3A_77, %swap3A_78] {strides = array<i32>} : memref<512x128xf32, #tpu.memory_space<vmem>>, vector<16xf32>,
      tpu.vector_store %arg14[%swap3A_77, %swap3A_78], %broadcast_in_dim3A_35 {strides = array<i32>} : memref<512x128xf32, #tpu.memory_space<vmem>>, vector<16xf32>,
      %swap3A_80 = arith.index_cast %scan3A_62 : i32 to index
      %swap3A_81 = arith.constant 96 : index
      %swap3A_82 = tpu.vector_load %arg14[%swap3A_80, %swap3A_81] {strides = array<i32>} : memref<512x128xf32, #tpu.memory_space<vmem>>, vector<16xf32>,
      tpu.vector_store %arg14[%swap3A_80, %swap3A_81], %broadcast_in_dim3A_35 {strides = array<i32>} : memref<512x128xf32, #tpu.memory_space<vmem>>, vector<16xf32>,
      %swap3A_83 = arith.index_cast %scan3A_62 : i32 to index
      %swap3A_84 = arith.constant 112 : index
      %swap3A_85 = tpu.vector_load %arg14[%swap3A_83, %swap3A_84] {strides = array<i32>} : memref<512x128xf32, #tpu.memory_space<vmem>>, vector<16xf32>,
      tpu.vector_store %arg14[%swap3A_83, %swap3A_84], %broadcast_in_dim3A_35 {strides = array<i32>} : memref<512x128xf32, #tpu.memory_space<vmem>>, vector<16xf32>,
    }
    %scan3A_40 = arith.constant 512 : i32
    %iota3A = tpu.iota {dimensions = array<i32: 0>} : vector<16xi32>
    %add3A_41 = arith.constant 0 : i32
    %add3A_42 = arith.addi %mul3A_34, %add3A_41 : i32
    %dma_start3A = tpu.memref_slice %arg3[%add3A_42] : memref<51200xf32, #tpu.memory_space<hbm>> -> memref<64xf32, #tpu.memory_space<hbm>>
    %dma_start3A_43 = tpu.memref_slice %arg3[%add3A_42] : memref<51200xf32, #tpu.memory_space<hbm>> -> memref<64xf32, #tpu.memory_space<hbm>>
    tpu.enqueue_dma source(%dma_start3A_43 : memref<64xf32, #tpu.memory_space<hbm>>) target(%arg8 : memref<64xf32, #tpu.memory_space<vmem>>) target_semaphore(%arg15 : memref<!tpu.dma_semaphore, #tpu.memory_space<semaphore_mem>>)
    %dma_start3A_44 = tpu.memref_slice %arg4[%add3A_42] : memref<51200xi32, #tpu.memory_space<hbm>> -> memref<64xi32, #tpu.memory_space<hbm>>
    %dma_start3A_45 = tpu.memref_slice %arg4[%add3A_42] : memref<51200xi32, #tpu.memory_space<hbm>> -> memref<64xi32, #tpu.memory_space<hbm>>
    tpu.enqueue_dma source(%dma_start3A_45 : memref<64xi32, #tpu.memory_space<hbm>>) target(%arg10 : memref<64xi32, #tpu.memory_space<vmem>>) target_semaphore(%arg15 : memref<!tpu.dma_semaphore, #tpu.memory_space<semaphore_mem>>)
    %add3A_46 = arith.constant 64 : i32
    %add3A_47 = arith.addi %add3A_42, %add3A_46 : i32
    %le3A = arith.constant 50000 : i32
    %le3A_48 = arith.cmpi sle, %add3A_47, %le3A : i32
    %convert_element_type3A = arith.extui %le3A_48 : i1 to i32
    %cond3A = arith.constant 0 : i32
    %cond3A_49 = arith.cmpi ne, %convert_element_type3A, %cond3A : i32
    scf.if %cond3A_49 {
      %dma_start3A_62 = tpu.memref_slice %arg2[%add3A_42, %mul3A_32] : memref<50000x512xf32, #tpu.memory_space<hbm>> -> memref<64x128xf32, #tpu.memory_space<hbm>>
      %dma_start3A_63 = tpu.memref_slice %arg2[%add3A_42, %mul3A_32] : memref<50000x512xf32, #tpu.memory_space<hbm>> -> memref<64x128xf32, #tpu.memory_space<hbm>>
      tpu.enqueue_dma source(%dma_start3A_63 : memref<64x128xf32, #tpu.memory_space<hbm>>) target(%arg6 : memref<64x128xf32, #tpu.memory_space<vmem>>) target_semaphore(%arg15 : memref<!tpu.dma_semaphore, #tpu.memory_space<semaphore_mem>>)
    } else {
    }
    %add3A_50 = arith.constant 64 : i32
    %add3A_51 = arith.addi %add3A_42, %add3A_50 : i32
    %gt3A = arith.constant 50000 : i32
    %gt3A_52 = arith.cmpi sgt, %add3A_51, %gt3A : i32
    %convert_element_type3A_53 = arith.extui %gt3A_52 : i1 to i32
    %cond3A_54 = arith.constant 0 : i32
    %cond3A_55 = arith.cmpi ne, %convert_element_type3A_53, %cond3A_54 : i32
    scf.if %cond3A_55 {
      %add3A_62 = arith.constant 0 : i32
      %add3A_63 = arith.addi %add3A_42, %add3A_62 : i32
      %add3A_64 = vector.broadcast %add3A_63 : i32 to vector<16xi32>
      %add3A_65 = arith.addi %add3A_64, %iota3A : vector<16xi32>
      %min3A = arith.constant 49999 : i32
      %min3A_66 = vector.broadcast %min3A : i32 to vector<16xi32>
      %min3A_67 = arith.minsi %add3A_65, %min3A_66 : vector<16xi32>
      %swap3A = arith.constant 0 : index
      %swap3A_68 = tpu.vector_load %arg12[%swap3A] {strides = array<i32>} : memref<64xi32, #tpu.memory_space<vmem>>, vector<16xi32>,
      tpu.vector_store %arg12[%swap3A], %min3A_67 {strides = array<i32>} : memref<64xi32, #tpu.memory_space<vmem>>, vector<16xi32>,
      %add3A_69 = arith.constant 16 : i32
      %add3A_70 = arith.addi %add3A_42, %add3A_69 : i32
      %add3A_71 = vector.broadcast %add3A_70 : i32 to vector<16xi32>
      %add3A_72 = arith.addi %add3A_71, %iota3A : vector<16xi32>
      %min3A_73 = arith.constant 49999 : i32
      %min3A_74 = vector.broadcast %min3A_73 : i32 to vector<16xi32>
      %min3A_75 = arith.minsi %add3A_72, %min3A_74 : vector<16xi32>
      %swap3A_76 = arith.constant 16 : index
      %swap3A_77 = tpu.vector_load %arg12[%swap3A_76] {strides = array<i32>} : memref<64xi32, #tpu.memory_space<vmem>>, vector<16xi32>,
      tpu.vector_store %arg12[%swap3A_76], %min3A_75 {strides = array<i32>} : memref<64xi32, #tpu.memory_space<vmem>>, vector<16xi32>,
      %add3A_78 = arith.constant 32 : i32
      %add3A_79 = arith.addi %add3A_42, %add3A_78 : i32
      %add3A_80 = vector.broadcast %add3A_79 : i32 to vector<16xi32>
      %add3A_81 = arith.addi %add3A_80, %iota3A : vector<16xi32>
      %min3A_82 = arith.constant 49999 : i32
      %min3A_83 = vector.broadcast %min3A_82 : i32 to vector<16xi32>
      %min3A_84 = arith.minsi %add3A_81, %min3A_83 : vector<16xi32>
      %swap3A_85 = arith.constant 32 : index
      %swap3A_86 = tpu.vector_load %arg12[%swap3A_85] {strides = array<i32>} : memref<64xi32, #tpu.memory_space<vmem>>, vector<16xi32>,
      tpu.vector_store %arg12[%swap3A_85], %min3A_84 {strides = array<i32>} : memref<64xi32, #tpu.memory_space<vmem>>, vector<16xi32>,
      %add3A_87 = arith.constant 48 : i32
      %add3A_88 = arith.addi %add3A_42, %add3A_87 : i32
      %add3A_89 = vector.broadcast %add3A_88 : i32 to vector<16xi32>
      %add3A_90 = arith.addi %add3A_89, %iota3A : vector<16xi32>
      %min3A_91 = arith.constant 49999 : i32
      %min3A_92 = vector.broadcast %min3A_91 : i32 to vector<16xi32>
      %min3A_93 = arith.minsi %add3A_90, %min3A_92 : vector<16xi32>
      %swap3A_94 = arith.constant 48 : index
      %swap3A_95 = tpu.vector_load %arg12[%swap3A_94] {strides = array<i32>} : memref<64xi32, #tpu.memory_space<vmem>>, vector<16xi32>,
      tpu.vector_store %arg12[%swap3A_94], %min3A_93 {strides = array<i32>} : memref<64xi32, #tpu.memory_space<vmem>>, vector<16xi32>,
      %dma_start3A_96 = arith.constant 0 : i32
      %dma_start3A_97 = tpu.memref_slice %arg2[%dma_start3A_96, %mul3A_32] : memref<50000x512xf32, #tpu.memory_space<hbm>> -> memref<50000x128xf32, #tpu.memory_space<hbm>>
      tpu.enqueue_indirect_dma source(%dma_start3A_97 : memref<50000x128xf32, #tpu.memory_space<hbm>>) target(%arg6 : memref<64x128xf32, #tpu.memory_space<vmem>>) offsets(%arg12 : memref<64xi32, #tpu.memory_space<vmem>>) semaphore(%arg15 : memref<!tpu.dma_semaphore, #tpu.memory_space<semaphore_mem>>)
    } else {
    }
    %scan3A_56 = arith.constant 0 : i32
    %scan3A_57 = arith.constant 0 : i32
    %scan3A_58 = arith.constant 50 : i32
    %scan3A_59 = arith.addi %scan3A_57, %scan3A_58 : i32
    %scan3A_60 = arith.constant 1 : i32
    scf.for %scan3A_62 = %scan3A_57 to %scan3A_59 step %scan3A_60  : i32 {
      %mul3A_63 = arith.constant 2 : i32
      %mul3A_64 = arith.muli %mul3A_63, %scan3A_62 : i32
      %add3A_65 = arith.constant 1 : i32
      %add3A_66 = arith.addi %mul3A_64, %add3A_65 : i32
      %mul3A_67 = arith.constant 64 : i32
      %mul3A_68 = arith.muli %add3A_66, %mul3A_67 : i32
      %add3A_69 = arith.addi %mul3A_34, %mul3A_68 : i32
      %dma_start3A_70 = tpu.memref_slice %arg3[%add3A_69] : memref<51200xf32, #tpu.memory_space<hbm>> -> memref<64xf32, #tpu.memory_space<hbm>>
      %dma_start3A_71 = tpu.memref_slice %arg3[%add3A_69] : memref<51200xf32, #tpu.memory_space<hbm>> -> memref<64xf32, #tpu.memory_space<hbm>>
      tpu.enqueue_dma source(%dma_start3A_71 : memref<64xf32, #tpu.memory_space<hbm>>) target(%arg9 : memref<64xf32, #tpu.memory_space<vmem>>) target_semaphore(%arg16 : memref<!tpu.dma_semaphore, #tpu.memory_space<semaphore_mem>>)
      %dma_start3A_72 = tpu.memref_slice %arg4[%add3A_69] : memref<51200xi32, #tpu.memory_space<hbm>> -> memref<64xi32, #tpu.memory_space<hbm>>
      %dma_start3A_73 = tpu.memref_slice %arg4[%add3A_69] : memref<51200xi32, #tpu.memory_space<hbm>> -> memref<64xi32, #tpu.memory_space<hbm>>
      tpu.enqueue_dma source(%dma_start3A_73 : memref<64xi32, #tpu.memory_space<hbm>>) target(%arg11 : memref<64xi32, #tpu.memory_space<vmem>>) target_semaphore(%arg16 : memref<!tpu.dma_semaphore, #tpu.memory_space<semaphore_mem>>)
      %add3A_74 = arith.constant 64 : i32
      %add3A_75 = arith.addi %add3A_69, %add3A_74 : i32
      %le3A_76 = arith.constant 50000 : i32
      %le3A_77 = arith.cmpi sle, %add3A_75, %le3A_76 : i32
      %convert_element_type3A_78 = arith.extui %le3A_77 : i1 to i32
      %cond3A_79 = arith.constant 0 : i32
      %cond3A_80 = arith.cmpi ne, %convert_element_type3A_78, %cond3A_79 : i32
      scf.if %cond3A_80 {
        %dma_start3A_127 = tpu.memref_slice %arg2[%add3A_69, %mul3A_32] : memref<50000x512xf32, #tpu.memory_space<hbm>> -> memref<64x128xf32, #tpu.memory_space<hbm>>
        %dma_start3A_128 = tpu.memref_slice %arg2[%add3A_69, %mul3A_32] : memref<50000x512xf32, #tpu.memory_space<hbm>> -> memref<64x128xf32, #tpu.memory_space<hbm>>
        tpu.enqueue_dma source(%dma_start3A_128 : memref<64x128xf32, #tpu.memory_space<hbm>>) target(%arg7 : memref<64x128xf32, #tpu.memory_space<vmem>>) target_semaphore(%arg16 : memref<!tpu.dma_semaphore, #tpu.memory_space<semaphore_mem>>)
      } else {
      }
      %add3A_81 = arith.constant 64 : i32
      %add3A_82 = arith.addi %add3A_69, %add3A_81 : i32
      %gt3A_83 = arith.constant 50000 : i32
      %gt3A_84 = arith.cmpi sgt, %add3A_82, %gt3A_83 : i32
      %convert_element_type3A_85 = arith.extui %gt3A_84 : i1 to i32
      %cond3A_86 = arith.constant 0 : i32
      %cond3A_87 = arith.cmpi ne, %convert_element_type3A_85, %cond3A_86 : i32
      scf.if %cond3A_87 {
        %add3A_127 = arith.constant 0 : i32
        %add3A_128 = arith.addi %add3A_69, %add3A_127 : i32
        %add3A_129 = vector.broadcast %add3A_128 : i32 to vector<16xi32>
        %add3A_130 = arith.addi %add3A_129, %iota3A : vector<16xi32>
        %min3A = arith.constant 49999 : i32
        %min3A_131 = vector.broadcast %min3A : i32 to vector<16xi32>
        %min3A_132 = arith.minsi %add3A_130, %min3A_131 : vector<16xi32>
        %swap3A = arith.constant 0 : index
        %swap3A_133 = tpu.vector_load %arg13[%swap3A] {strides = array<i32>} : memref<64xi32, #tpu.memory_space<vmem>>, vector<16xi32>,
        tpu.vector_store %arg13[%swap3A], %min3A_132 {strides = array<i32>} : memref<64xi32, #tpu.memory_space<vmem>>, vector<16xi32>,
        %add3A_134 = arith.constant 16 : i32
        %add3A_135 = arith.addi %add3A_69, %add3A_134 : i32
        %add3A_136 = vector.broadcast %add3A_135 : i32 to vector<16xi32>
        %add3A_137 = arith.addi %add3A_136, %iota3A : vector<16xi32>
        %min3A_138 = arith.constant 49999 : i32
        %min3A_139 = vector.broadcast %min3A_138 : i32 to vector<16xi32>
        %min3A_140 = arith.minsi %add3A_137, %min3A_139 : vector<16xi32>
        %swap3A_141 = arith.constant 16 : index
        %swap3A_142 = tpu.vector_load %arg13[%swap3A_141] {strides = array<i32>} : memref<64xi32, #tpu.memory_space<vmem>>, vector<16xi32>,
        tpu.vector_store %arg13[%swap3A_141], %min3A_140 {strides = array<i32>} : memref<64xi32, #tpu.memory_space<vmem>>, vector<16xi32>,
        %add3A_143 = arith.constant 32 : i32
        %add3A_144 = arith.addi %add3A_69, %add3A_143 : i32
        %add3A_145 = vector.broadcast %add3A_144 : i32 to vector<16xi32>
        %add3A_146 = arith.addi %add3A_145, %iota3A : vector<16xi32>
        %min3A_147 = arith.constant 49999 : i32
        %min3A_148 = vector.broadcast %min3A_147 : i32 to vector<16xi32>
        %min3A_149 = arith.minsi %add3A_146, %min3A_148 : vector<16xi32>
        %swap3A_150 = arith.constant 32 : index
        %swap3A_151 = tpu.vector_load %arg13[%swap3A_150] {strides = array<i32>} : memref<64xi32, #tpu.memory_space<vmem>>, vector<16xi32>,
        tpu.vector_store %arg13[%swap3A_150], %min3A_149 {strides = array<i32>} : memref<64xi32, #tpu.memory_space<vmem>>, vector<16xi32>,
        %add3A_152 = arith.constant 48 : i32
        %add3A_153 = arith.addi %add3A_69, %add3A_152 : i32
        %add3A_154 = vector.broadcast %add3A_153 : i32 to vector<16xi32>
        %add3A_155 = arith.addi %add3A_154, %iota3A : vector<16xi32>
        %min3A_156 = arith.constant 49999 : i32
        %min3A_157 = vector.broadcast %min3A_156 : i32 to vector<16xi32>
        %min3A_158 = arith.minsi %add3A_155, %min3A_157 : vector<16xi32>
        %swap3A_159 = arith.constant 48 : index
        %swap3A_160 = tpu.vector_load %arg13[%swap3A_159] {strides = array<i32>} : memref<64xi32, #tpu.memory_space<vmem>>, vector<16xi32>,
        tpu.vector_store %arg13[%swap3A_159], %min3A_158 {strides = array<i32>} : memref<64xi32, #tpu.memory_space<vmem>>, vector<16xi32>,
        %dma_start3A_161 = arith.constant 0 : i32
        %dma_start3A_162 = tpu.memref_slice %arg2[%dma_start3A_161, %mul3A_32] : memref<50000x512xf32, #tpu.memory_space<hbm>> -> memref<50000x128xf32, #tpu.memory_space<hbm>>
        tpu.enqueue_indirect_dma source(%dma_start3A_162 : memref<50000x128xf32, #tpu.memory_space<hbm>>) target(%arg7 : memref<64x128xf32, #tpu.memory_space<vmem>>) offsets(%arg13 : memref<64xi32, #tpu.memory_space<vmem>>) semaphore(%arg16 : memref<!tpu.dma_semaphore, #tpu.memory_space<semaphore_mem>>)
      } else {
      }
      %dma_wait3A = arith.constant 0 : i32
      %dma_wait3A_88 = tpu.memref_slice %arg3[%dma_wait3A] : memref<51200xf32, #tpu.memory_space<hbm>> -> memref<64xf32, #tpu.memory_space<hbm>>
      %dma_wait3A_89 = arith.constant 0 : i32
      %dma_wait3A_90 = tpu.memref_slice %arg3[%dma_wait3A_89] : memref<51200xf32, #tpu.memory_space<hbm>> -> memref<64xf32, #tpu.memory_space<hbm>>
      tpu.wait_dma2 semaphore(%arg15 : memref<!tpu.dma_semaphore, #tpu.memory_space<semaphore_mem>>) src(%dma_wait3A_90 : memref<64xf32, #tpu.memory_space<hbm>>) dst(%arg8 : memref<64xf32, #tpu.memory_space<vmem>>)
      %dma_wait3A_91 = arith.constant 0 : i32
      %dma_wait3A_92 = tpu.memref_slice %arg4[%dma_wait3A_91] : memref<51200xi32, #tpu.memory_space<hbm>> -> memref<64xi32, #tpu.memory_space<hbm>>
      %dma_wait3A_93 = arith.constant 0 : i32
      %dma_wait3A_94 = tpu.memref_slice %arg4[%dma_wait3A_93] : memref<51200xi32, #tpu.memory_space<hbm>> -> memref<64xi32, #tpu.memory_space<hbm>>
      tpu.wait_dma2 semaphore(%arg15 : memref<!tpu.dma_semaphore, #tpu.memory_space<semaphore_mem>>) src(%dma_wait3A_94 : memref<64xi32, #tpu.memory_space<hbm>>) dst(%arg10 : memref<64xi32, #tpu.memory_space<vmem>>)
      %dma_wait3A_95 = arith.constant 0 : i32
      %dma_wait3A_96 = arith.constant 0 : i32
      %dma_wait3A_97 = tpu.memref_slice %arg2[%dma_wait3A_95, %dma_wait3A_96] : memref<50000x512xf32, #tpu.memory_space<hbm>> -> memref<64x128xf32, #tpu.memory_space<hbm>>
      %dma_wait3A_98 = arith.constant 0 : i32
      %dma_wait3A_99 = arith.constant 0 : i32
      %dma_wait3A_100 = tpu.memref_slice %arg2[%dma_wait3A_98, %dma_wait3A_99] : memref<50000x512xf32, #tpu.memory_space<hbm>> -> memref<64x128xf32, #tpu.memory_space<hbm>>
      tpu.wait_dma2 semaphore(%arg15 : memref<!tpu.dma_semaphore, #tpu.memory_space<semaphore_mem>>) src(%dma_wait3A_100 : memref<64x128xf32, #tpu.memory_space<hbm>>) dst(%arg6 : memref<64x128xf32, #tpu.memory_space<vmem>>)
      %parallel_loop3A = arith.constant 0 : i32
      %parallel_loop3A_101 = arith.constant 32 : i32
      %parallel_loop3A_102 = arith.constant 1 : i32
      scf.for %parallel_loop3A_127 = %parallel_loop3A to %parallel_loop3A_101 step %parallel_loop3A_102  : i32 {
        %parallel_loop3A_128 = arith.constant 0 : i32
        %parallel_loop3A_129 = arith.addi %parallel_loop3A_127, %parallel_loop3A_128 : i32
        %parallel_loop3A_130 = vector.broadcast %parallel_loop3A_129 : i32 to vector<16xi32>
        %parallel_loop3A_131 = tpu.vector_load_idx %arg8[%parallel_loop3A_130] : memref<64xf32, #tpu.memory_space<vmem>>[vector<16xi32>], vector<16xf32>,
        %parallel_loop3A_132 = tpu.vector_load_idx %arg10[%parallel_loop3A_130] : memref<64xi32, #tpu.memory_space<vmem>>[vector<16xi32>], vector<16xi32>,
        %parallel_loop3A_133 = arith.index_cast %parallel_loop3A_129 : i32 to index
        %parallel_loop3A_134 = arith.constant 0 : index
        %parallel_loop3A_135 = tpu.vector_load %arg6[%parallel_loop3A_133, %parallel_loop3A_134] {strides = array<i32>} : memref<64x128xf32, #tpu.memory_space<vmem>>, vector<16xf32>,
        %parallel_loop3A_136 = arith.mulf %parallel_loop3A_135, %parallel_loop3A_131 : vector<16xf32>
        %parallel_loop3A_137 = arith.constant 0 : i32
        %parallel_loop3A_138 = vector.broadcast %parallel_loop3A_137 : i32 to vector<16xi32>
        %parallel_loop3A_139 = arith.addi %parallel_loop3A_138, %iota3A : vector<16xi32>
        tpu.vector_store_idx %arg14[%parallel_loop3A_132, %parallel_loop3A_139], %parallel_loop3A_136 {add = true} : memref<512x128xf32, #tpu.memory_space<vmem>>[vector<16xi32>, vector<16xi32>], vector<16xf32>,
        %parallel_loop3A_140 = arith.index_cast %parallel_loop3A_129 : i32 to index
        %parallel_loop3A_141 = arith.constant 16 : index
        %parallel_loop3A_142 = tpu.vector_load %arg6[%parallel_loop3A_140, %parallel_loop3A_141] {strides = array<i32>} : memref<64x128xf32, #tpu.memory_space<vmem>>, vector<16xf32>,
        %parallel_loop3A_143 = arith.mulf %parallel_loop3A_142, %parallel_loop3A_131 : vector<16xf32>
        %parallel_loop3A_144 = arith.constant 16 : i32
        %parallel_loop3A_145 = vector.broadcast %parallel_loop3A_144 : i32 to vector<16xi32>
        %parallel_loop3A_146 = arith.addi %parallel_loop3A_145, %iota3A : vector<16xi32>
        tpu.vector_store_idx %arg14[%parallel_loop3A_132, %parallel_loop3A_146], %parallel_loop3A_143 {add = true} : memref<512x128xf32, #tpu.memory_space<vmem>>[vector<16xi32>, vector<16xi32>], vector<16xf32>,
        %parallel_loop3A_147 = arith.index_cast %parallel_loop3A_129 : i32 to index
        %parallel_loop3A_148 = arith.constant 32 : index
        %parallel_loop3A_149 = tpu.vector_load %arg6[%parallel_loop3A_147, %parallel_loop3A_148] {strides = array<i32>} : memref<64x128xf32, #tpu.memory_space<vmem>>, vector<16xf32>,
        %parallel_loop3A_150 = arith.mulf %parallel_loop3A_149, %parallel_loop3A_131 : vector<16xf32>
        %parallel_loop3A_151 = arith.constant 32 : i32
        %parallel_loop3A_152 = vector.broadcast %parallel_loop3A_151 : i32 to vector<16xi32>
        %parallel_loop3A_153 = arith.addi %parallel_loop3A_152, %iota3A : vector<16xi32>
        tpu.vector_store_idx %arg14[%parallel_loop3A_132, %parallel_loop3A_153], %parallel_loop3A_150 {add = true} : memref<512x128xf32, #tpu.memory_space<vmem>>[vector<16xi32>, vector<16xi32>], vector<16xf32>,
        %parallel_loop3A_154 = arith.index_cast %parallel_loop3A_129 : i32 to index
        %parallel_loop3A_155 = arith.constant 48 : index
        %parallel_loop3A_156 = tpu.vector_load %arg6[%parallel_loop3A_154, %parallel_loop3A_155] {strides = array<i32>} : memref<64x128xf32, #tpu.memory_space<vmem>>, vector<16xf32>,
        %parallel_loop3A_157 = arith.mulf %parallel_loop3A_156, %parallel_loop3A_131 : vector<16xf32>
        %parallel_loop3A_158 = arith.constant 48 : i32
        %parallel_loop3A_159 = vector.broadcast %parallel_loop3A_158 : i32 to vector<16xi32>
        %parallel_loop3A_160 = arith.addi %parallel_loop3A_159, %iota3A : vector<16xi32>
        tpu.vector_store_idx %arg14[%parallel_loop3A_132, %parallel_loop3A_160], %parallel_loop3A_157 {add = true} : memref<512x128xf32, #tpu.memory_space<vmem>>[vector<16xi32>, vector<16xi32>], vector<16xf32>,
        %parallel_loop3A_161 = arith.index_cast %parallel_loop3A_129 : i32 to index
        %parallel_loop3A_162 = arith.constant 64 : index
        %parallel_loop3A_163 = tpu.vector_load %arg6[%parallel_loop3A_161, %parallel_loop3A_162] {strides = array<i32>} : memref<64x128xf32, #tpu.memory_space<vmem>>, vector<16xf32>,
        %parallel_loop3A_164 = arith.mulf %parallel_loop3A_163, %parallel_loop3A_131 : vector<16xf32>
        %parallel_loop3A_165 = arith.constant 64 : i32
        %parallel_loop3A_166 = vector.broadcast %parallel_loop3A_165 : i32 to vector<16xi32>
        %parallel_loop3A_167 = arith.addi %parallel_loop3A_166, %iota3A : vector<16xi32>
        tpu.vector_store_idx %arg14[%parallel_loop3A_132, %parallel_loop3A_167], %parallel_loop3A_164 {add = true} : memref<512x128xf32, #tpu.memory_space<vmem>>[vector<16xi32>, vector<16xi32>], vector<16xf32>,
        %parallel_loop3A_168 = arith.index_cast %parallel_loop3A_129 : i32 to index
        %parallel_loop3A_169 = arith.constant 80 : index
        %parallel_loop3A_170 = tpu.vector_load %arg6[%parallel_loop3A_168, %parallel_loop3A_169] {strides = array<i32>} : memref<64x128xf32, #tpu.memory_space<vmem>>, vector<16xf32>,
        %parallel_loop3A_171 = arith.mulf %parallel_loop3A_170, %parallel_loop3A_131 : vector<16xf32>
        %parallel_loop3A_172 = arith.constant 80 : i32
        %parallel_loop3A_173 = vector.broadcast %parallel_loop3A_172 : i32 to vector<16xi32>
        %parallel_loop3A_174 = arith.addi %parallel_loop3A_173, %iota3A : vector<16xi32>
        tpu.vector_store_idx %arg14[%parallel_loop3A_132, %parallel_loop3A_174], %parallel_loop3A_171 {add = true} : memref<512x128xf32, #tpu.memory_space<vmem>>[vector<16xi32>, vector<16xi32>], vector<16xf32>,
        %parallel_loop3A_175 = arith.index_cast %parallel_loop3A_129 : i32 to index
        %parallel_loop3A_176 = arith.constant 96 : index
        %parallel_loop3A_177 = tpu.vector_load %arg6[%parallel_loop3A_175, %parallel_loop3A_176] {strides = array<i32>} : memref<64x128xf32, #tpu.memory_space<vmem>>, vector<16xf32>,
        %parallel_loop3A_178 = arith.mulf %parallel_loop3A_177, %parallel_loop3A_131 : vector<16xf32>
        %parallel_loop3A_179 = arith.constant 96 : i32
        %parallel_loop3A_180 = vector.broadcast %parallel_loop3A_179 : i32 to vector<16xi32>
        %parallel_loop3A_181 = arith.addi %parallel_loop3A_180, %iota3A : vector<16xi32>
        tpu.vector_store_idx %arg14[%parallel_loop3A_132, %parallel_loop3A_181], %parallel_loop3A_178 {add = true} : memref<512x128xf32, #tpu.memory_space<vmem>>[vector<16xi32>, vector<16xi32>], vector<16xf32>,
        %parallel_loop3A_182 = arith.index_cast %parallel_loop3A_129 : i32 to index
        %parallel_loop3A_183 = arith.constant 112 : index
        %parallel_loop3A_184 = tpu.vector_load %arg6[%parallel_loop3A_182, %parallel_loop3A_183] {strides = array<i32>} : memref<64x128xf32, #tpu.memory_space<vmem>>, vector<16xf32>,
        %parallel_loop3A_185 = arith.mulf %parallel_loop3A_184, %parallel_loop3A_131 : vector<16xf32>
        %parallel_loop3A_186 = arith.constant 112 : i32
        %parallel_loop3A_187 = vector.broadcast %parallel_loop3A_186 : i32 to vector<16xi32>
        %parallel_loop3A_188 = arith.addi %parallel_loop3A_187, %iota3A : vector<16xi32>
        tpu.vector_store_idx %arg14[%parallel_loop3A_132, %parallel_loop3A_188], %parallel_loop3A_185 {add = true} : memref<512x128xf32, #tpu.memory_space<vmem>>[vector<16xi32>, vector<16xi32>], vector<16xf32>,
        %parallel_loop3A_189 = arith.constant 32 : i32
        %parallel_loop3A_190 = arith.addi %parallel_loop3A_127, %parallel_loop3A_189 : i32
        %parallel_loop3A_191 = vector.broadcast %parallel_loop3A_190 : i32 to vector<16xi32>
        %parallel_loop3A_192 = tpu.vector_load_idx %arg8[%parallel_loop3A_191] : memref<64xf32, #tpu.memory_space<vmem>>[vector<16xi32>], vector<16xf32>,
        %parallel_loop3A_193 = tpu.vector_load_idx %arg10[%parallel_loop3A_191] : memref<64xi32, #tpu.memory_space<vmem>>[vector<16xi32>], vector<16xi32>,
        %parallel_loop3A_194 = arith.index_cast %parallel_loop3A_190 : i32 to index
        %parallel_loop3A_195 = arith.constant 0 : index
        %parallel_loop3A_196 = tpu.vector_load %arg6[%parallel_loop3A_194, %parallel_loop3A_195] {strides = array<i32>} : memref<64x128xf32, #tpu.memory_space<vmem>>, vector<16xf32>,
        %parallel_loop3A_197 = arith.mulf %parallel_loop3A_196, %parallel_loop3A_192 : vector<16xf32>
        %parallel_loop3A_198 = arith.constant 0 : i32
        %parallel_loop3A_199 = vector.broadcast %parallel_loop3A_198 : i32 to vector<16xi32>
        %parallel_loop3A_200 = arith.addi %parallel_loop3A_199, %iota3A : vector<16xi32>
        tpu.vector_store_idx %arg14[%parallel_loop3A_193, %parallel_loop3A_200], %parallel_loop3A_197 {add = true} : memref<512x128xf32, #tpu.memory_space<vmem>>[vector<16xi32>, vector<16xi32>], vector<16xf32>,
        %parallel_loop3A_201 = arith.index_cast %parallel_loop3A_190 : i32 to index
        %parallel_loop3A_202 = arith.constant 16 : index
        %parallel_loop3A_203 = tpu.vector_load %arg6[%parallel_loop3A_201, %parallel_loop3A_202] {strides = array<i32>} : memref<64x128xf32, #tpu.memory_space<vmem>>, vector<16xf32>,
        %parallel_loop3A_204 = arith.mulf %parallel_loop3A_203, %parallel_loop3A_192 : vector<16xf32>
        %parallel_loop3A_205 = arith.constant 16 : i32
        %parallel_loop3A_206 = vector.broadcast %parallel_loop3A_205 : i32 to vector<16xi32>
        %parallel_loop3A_207 = arith.addi %parallel_loop3A_206, %iota3A : vector<16xi32>
        tpu.vector_store_idx %arg14[%parallel_loop3A_193, %parallel_loop3A_207], %parallel_loop3A_204 {add = true} : memref<512x128xf32, #tpu.memory_space<vmem>>[vector<16xi32>, vector<16xi32>], vector<16xf32>,
        %parallel_loop3A_208 = arith.index_cast %parallel_loop3A_190 : i32 to index
        %parallel_loop3A_209 = arith.constant 32 : index
        %parallel_loop3A_210 = tpu.vector_load %arg6[%parallel_loop3A_208, %parallel_loop3A_209] {strides = array<i32>} : memref<64x128xf32, #tpu.memory_space<vmem>>, vector<16xf32>,
        %parallel_loop3A_211 = arith.mulf %parallel_loop3A_210, %parallel_loop3A_192 : vector<16xf32>
        %parallel_loop3A_212 = arith.constant 32 : i32
        %parallel_loop3A_213 = vector.broadcast %parallel_loop3A_212 : i32 to vector<16xi32>
        %parallel_loop3A_214 = arith.addi %parallel_loop3A_213, %iota3A : vector<16xi32>
        tpu.vector_store_idx %arg14[%parallel_loop3A_193, %parallel_loop3A_214], %parallel_loop3A_211 {add = true} : memref<512x128xf32, #tpu.memory_space<vmem>>[vector<16xi32>, vector<16xi32>], vector<16xf32>,
        %parallel_loop3A_215 = arith.index_cast %parallel_loop3A_190 : i32 to index
        %parallel_loop3A_216 = arith.constant 48 : index
        %parallel_loop3A_217 = tpu.vector_load %arg6[%parallel_loop3A_215, %parallel_loop3A_216] {strides = array<i32>} : memref<64x128xf32, #tpu.memory_space<vmem>>, vector<16xf32>,
        %parallel_loop3A_218 = arith.mulf %parallel_loop3A_217, %parallel_loop3A_192 : vector<16xf32>
        %parallel_loop3A_219 = arith.constant 48 : i32
        %parallel_loop3A_220 = vector.broadcast %parallel_loop3A_219 : i32 to vector<16xi32>
        %parallel_loop3A_221 = arith.addi %parallel_loop3A_220, %iota3A : vector<16xi32>
        tpu.vector_store_idx %arg14[%parallel_loop3A_193, %parallel_loop3A_221], %parallel_loop3A_218 {add = true} : memref<512x128xf32, #tpu.memory_space<vmem>>[vector<16xi32>, vector<16xi32>], vector<16xf32>,
        %parallel_loop3A_222 = arith.index_cast %parallel_loop3A_190 : i32 to index
        %parallel_loop3A_223 = arith.constant 64 : index
        %parallel_loop3A_224 = tpu.vector_load %arg6[%parallel_loop3A_222, %parallel_loop3A_223] {strides = array<i32>} : memref<64x128xf32, #tpu.memory_space<vmem>>, vector<16xf32>,
        %parallel_loop3A_225 = arith.mulf %parallel_loop3A_224, %parallel_loop3A_192 : vector<16xf32>
        %parallel_loop3A_226 = arith.constant 64 : i32
        %parallel_loop3A_227 = vector.broadcast %parallel_loop3A_226 : i32 to vector<16xi32>
        %parallel_loop3A_228 = arith.addi %parallel_loop3A_227, %iota3A : vector<16xi32>
        tpu.vector_store_idx %arg14[%parallel_loop3A_193, %parallel_loop3A_228], %parallel_loop3A_225 {add = true} : memref<512x128xf32, #tpu.memory_space<vmem>>[vector<16xi32>, vector<16xi32>], vector<16xf32>,
        %parallel_loop3A_229 = arith.index_cast %parallel_loop3A_190 : i32 to index
        %parallel_loop3A_230 = arith.constant 80 : index
        %parallel_loop3A_231 = tpu.vector_load %arg6[%parallel_loop3A_229, %parallel_loop3A_230] {strides = array<i32>} : memref<64x128xf32, #tpu.memory_space<vmem>>, vector<16xf32>,
        %parallel_loop3A_232 = arith.mulf %parallel_loop3A_231, %parallel_loop3A_192 : vector<16xf32>
        %parallel_loop3A_233 = arith.constant 80 : i32
        %parallel_loop3A_234 = vector.broadcast %parallel_loop3A_233 : i32 to vector<16xi32>
        %parallel_loop3A_235 = arith.addi %parallel_loop3A_234, %iota3A : vector<16xi32>
        tpu.vector_store_idx %arg14[%parallel_loop3A_193, %parallel_loop3A_235], %parallel_loop3A_232 {add = true} : memref<512x128xf32, #tpu.memory_space<vmem>>[vector<16xi32>, vector<16xi32>], vector<16xf32>,
        %parallel_loop3A_236 = arith.index_cast %parallel_loop3A_190 : i32 to index
        %parallel_loop3A_237 = arith.constant 96 : index
        %parallel_loop3A_238 = tpu.vector_load %arg6[%parallel_loop3A_236, %parallel_loop3A_237] {strides = array<i32>} : memref<64x128xf32, #tpu.memory_space<vmem>>, vector<16xf32>,
        %parallel_loop3A_239 = arith.mulf %parallel_loop3A_238, %parallel_loop3A_192 : vector<16xf32>
        %parallel_loop3A_240 = arith.constant 96 : i32
        %parallel_loop3A_241 = vector.broadcast %parallel_loop3A_240 : i32 to vector<16xi32>
        %parallel_loop3A_242 = arith.addi %parallel_loop3A_241, %iota3A : vector<16xi32>
        tpu.vector_store_idx %arg14[%parallel_loop3A_193, %parallel_loop3A_242], %parallel_loop3A_239 {add = true} : memref<512x128xf32, #tpu.memory_space<vmem>>[vector<16xi32>, vector<16xi32>], vector<16xf32>,
        %parallel_loop3A_243 = arith.index_cast %parallel_loop3A_190 : i32 to index
        %parallel_loop3A_244 = arith.constant 112 : index
        %parallel_loop3A_245 = tpu.vector_load %arg6[%parallel_loop3A_243, %parallel_loop3A_244] {strides = array<i32>} : memref<64x128xf32, #tpu.memory_space<vmem>>, vector<16xf32>,
        %parallel_loop3A_246 = arith.mulf %parallel_loop3A_245, %parallel_loop3A_192 : vector<16xf32>
        %parallel_loop3A_247 = arith.constant 112 : i32
        %parallel_loop3A_248 = vector.broadcast %parallel_loop3A_247 : i32 to vector<16xi32>
        %parallel_loop3A_249 = arith.addi %parallel_loop3A_248, %iota3A : vector<16xi32>
        tpu.vector_store_idx %arg14[%parallel_loop3A_193, %parallel_loop3A_249], %parallel_loop3A_246 {add = true} : memref<512x128xf32, #tpu.memory_space<vmem>>[vector<16xi32>, vector<16xi32>], vector<16xf32>,
      } {sc.loop_unroll_factor = 4 : i64, sc.parallel_access}
      %add3A_103 = arith.constant 2 : i32
      %add3A_104 = arith.addi %mul3A_64, %add3A_103 : i32
      %lt3A_105 = arith.constant 100 : i32
      %lt3A_106 = arith.cmpi slt, %add3A_104, %lt3A_105 : i32
      %convert_element_type3A_107 = arith.extui %lt3A_106 : i1 to i32
      %cond3A_108 = arith.constant 0 : i32
      %cond3A_109 = arith.cmpi ne, %convert_element_type3A_107, %cond3A_108 : i32
      scf.if %cond3A_109 {
        %add3A_127 = arith.constant 2 : i32
        %add3A_128 = arith.addi %mul3A_64, %add3A_127 : i32
        %mul3A_129 = arith.constant 64 : i32
        %mul3A_130 = arith.muli %add3A_128, %mul3A_129 : i32
        %add3A_131 = arith.addi %mul3A_34, %mul3A_130 : i32
        %dma_start3A_132 = tpu.memref_slice %arg3[%add3A_131] : memref<51200xf32, #tpu.memory_space<hbm>> -> memref<64xf32, #tpu.memory_space<hbm>>
        %dma_start3A_133 = tpu.memref_slice %arg3[%add3A_131] : memref<51200xf32, #tpu.memory_space<hbm>> -> memref<64xf32, #tpu.memory_space<hbm>>
        tpu.enqueue_dma source(%dma_start3A_133 : memref<64xf32, #tpu.memory_space<hbm>>) target(%arg8 : memref<64xf32, #tpu.memory_space<vmem>>) target_semaphore(%arg15 : memref<!tpu.dma_semaphore, #tpu.memory_space<semaphore_mem>>)
        %dma_start3A_134 = tpu.memref_slice %arg4[%add3A_131] : memref<51200xi32, #tpu.memory_space<hbm>> -> memref<64xi32, #tpu.memory_space<hbm>>
        %dma_start3A_135 = tpu.memref_slice %arg4[%add3A_131] : memref<51200xi32, #tpu.memory_space<hbm>> -> memref<64xi32, #tpu.memory_space<hbm>>
        tpu.enqueue_dma source(%dma_start3A_135 : memref<64xi32, #tpu.memory_space<hbm>>) target(%arg10 : memref<64xi32, #tpu.memory_space<vmem>>) target_semaphore(%arg15 : memref<!tpu.dma_semaphore, #tpu.memory_space<semaphore_mem>>)
        %add3A_136 = arith.constant 64 : i32
        %add3A_137 = arith.addi %add3A_131, %add3A_136 : i32
        %le3A_138 = arith.constant 50000 : i32
        %le3A_139 = arith.cmpi sle, %add3A_137, %le3A_138 : i32
        %convert_element_type3A_140 = arith.extui %le3A_139 : i1 to i32
        %cond3A_141 = arith.constant 0 : i32
        %cond3A_142 = arith.cmpi ne, %convert_element_type3A_140, %cond3A_141 : i32
        scf.if %cond3A_142 {
          %dma_start3A_150 = tpu.memref_slice %arg2[%add3A_131, %mul3A_32] : memref<50000x512xf32, #tpu.memory_space<hbm>> -> memref<64x128xf32, #tpu.memory_space<hbm>>
          %dma_start3A_151 = tpu.memref_slice %arg2[%add3A_131, %mul3A_32] : memref<50000x512xf32, #tpu.memory_space<hbm>> -> memref<64x128xf32, #tpu.memory_space<hbm>>
          tpu.enqueue_dma source(%dma_start3A_151 : memref<64x128xf32, #tpu.memory_space<hbm>>) target(%arg6 : memref<64x128xf32, #tpu.memory_space<vmem>>) target_semaphore(%arg15 : memref<!tpu.dma_semaphore, #tpu.memory_space<semaphore_mem>>)
        } else {
        }
        %add3A_143 = arith.constant 64 : i32
        %add3A_144 = arith.addi %add3A_131, %add3A_143 : i32
        %gt3A_145 = arith.constant 50000 : i32
        %gt3A_146 = arith.cmpi sgt, %add3A_144, %gt3A_145 : i32
        %convert_element_type3A_147 = arith.extui %gt3A_146 : i1 to i32
        %cond3A_148 = arith.constant 0 : i32
        %cond3A_149 = arith.cmpi ne, %convert_element_type3A_147, %cond3A_148 : i32
        scf.if %cond3A_149 {
          %add3A_150 = arith.constant 0 : i32
          %add3A_151 = arith.addi %add3A_131, %add3A_150 : i32
          %add3A_152 = vector.broadcast %add3A_151 : i32 to vector<16xi32>
          %add3A_153 = arith.addi %add3A_152, %iota3A : vector<16xi32>
          %min3A = arith.constant 49999 : i32
          %min3A_154 = vector.broadcast %min3A : i32 to vector<16xi32>
          %min3A_155 = arith.minsi %add3A_153, %min3A_154 : vector<16xi32>
          %swap3A = arith.constant 0 : index
          %swap3A_156 = tpu.vector_load %arg12[%swap3A] {strides = array<i32>} : memref<64xi32, #tpu.memory_space<vmem>>, vector<16xi32>,
          tpu.vector_store %arg12[%swap3A], %min3A_155 {strides = array<i32>} : memref<64xi32, #tpu.memory_space<vmem>>, vector<16xi32>,
          %add3A_157 = arith.constant 16 : i32
          %add3A_158 = arith.addi %add3A_131, %add3A_157 : i32
          %add3A_159 = vector.broadcast %add3A_158 : i32 to vector<16xi32>
          %add3A_160 = arith.addi %add3A_159, %iota3A : vector<16xi32>
          %min3A_161 = arith.constant 49999 : i32
          %min3A_162 = vector.broadcast %min3A_161 : i32 to vector<16xi32>
          %min3A_163 = arith.minsi %add3A_160, %min3A_162 : vector<16xi32>
          %swap3A_164 = arith.constant 16 : index
          %swap3A_165 = tpu.vector_load %arg12[%swap3A_164] {strides = array<i32>} : memref<64xi32, #tpu.memory_space<vmem>>, vector<16xi32>,
          tpu.vector_store %arg12[%swap3A_164], %min3A_163 {strides = array<i32>} : memref<64xi32, #tpu.memory_space<vmem>>, vector<16xi32>,
          %add3A_166 = arith.constant 32 : i32
          %add3A_167 = arith.addi %add3A_131, %add3A_166 : i32
          %add3A_168 = vector.broadcast %add3A_167 : i32 to vector<16xi32>
          %add3A_169 = arith.addi %add3A_168, %iota3A : vector<16xi32>
          %min3A_170 = arith.constant 49999 : i32
          %min3A_171 = vector.broadcast %min3A_170 : i32 to vector<16xi32>
          %min3A_172 = arith.minsi %add3A_169, %min3A_171 : vector<16xi32>
          %swap3A_173 = arith.constant 32 : index
          %swap3A_174 = tpu.vector_load %arg12[%swap3A_173] {strides = array<i32>} : memref<64xi32, #tpu.memory_space<vmem>>, vector<16xi32>,
          tpu.vector_store %arg12[%swap3A_173], %min3A_172 {strides = array<i32>} : memref<64xi32, #tpu.memory_space<vmem>>, vector<16xi32>,
          %add3A_175 = arith.constant 48 : i32
          %add3A_176 = arith.addi %add3A_131, %add3A_175 : i32
          %add3A_177 = vector.broadcast %add3A_176 : i32 to vector<16xi32>
          %add3A_178 = arith.addi %add3A_177, %iota3A : vector<16xi32>
          %min3A_179 = arith.constant 49999 : i32
          %min3A_180 = vector.broadcast %min3A_179 : i32 to vector<16xi32>
          %min3A_181 = arith.minsi %add3A_178, %min3A_180 : vector<16xi32>
          %swap3A_182 = arith.constant 48 : index
          %swap3A_183 = tpu.vector_load %arg12[%swap3A_182] {strides = array<i32>} : memref<64xi32, #tpu.memory_space<vmem>>, vector<16xi32>,
          tpu.vector_store %arg12[%swap3A_182], %min3A_181 {strides = array<i32>} : memref<64xi32, #tpu.memory_space<vmem>>, vector<16xi32>,
          %dma_start3A_184 = arith.constant 0 : i32
          %dma_start3A_185 = tpu.memref_slice %arg2[%dma_start3A_184, %mul3A_32] : memref<50000x512xf32, #tpu.memory_space<hbm>> -> memref<50000x128xf32, #tpu.memory_space<hbm>>
          tpu.enqueue_indirect_dma source(%dma_start3A_185 : memref<50000x128xf32, #tpu.memory_space<hbm>>) target(%arg6 : memref<64x128xf32, #tpu.memory_space<vmem>>) offsets(%arg12 : memref<64xi32, #tpu.memory_space<vmem>>) semaphore(%arg15 : memref<!tpu.dma_semaphore, #tpu.memory_space<semaphore_mem>>)
        } else {
        }
      } else {
      }
      %dma_wait3A_110 = arith.constant 0 : i32
      %dma_wait3A_111 = tpu.memref_slice %arg3[%dma_wait3A_110] : memref<51200xf32, #tpu.memory_space<hbm>> -> memref<64xf32, #tpu.memory_space<hbm>>
      %dma_wait3A_112 = arith.constant 0 : i32
      %dma_wait3A_113 = tpu.memref_slice %arg3[%dma_wait3A_112] : memref<51200xf32, #tpu.memory_space<hbm>> -> memref<64xf32, #tpu.memory_space<hbm>>
      tpu.wait_dma2 semaphore(%arg16 : memref<!tpu.dma_semaphore, #tpu.memory_space<semaphore_mem>>) src(%dma_wait3A_113 : memref<64xf32, #tpu.memory_space<hbm>>) dst(%arg9 : memref<64xf32, #tpu.memory_space<vmem>>)
      %dma_wait3A_114 = arith.constant 0 : i32
      %dma_wait3A_115 = tpu.memref_slice %arg4[%dma_wait3A_114] : memref<51200xi32, #tpu.memory_space<hbm>> -> memref<64xi32, #tpu.memory_space<hbm>>
      %dma_wait3A_116 = arith.constant 0 : i32
      %dma_wait3A_117 = tpu.memref_slice %arg4[%dma_wait3A_116] : memref<51200xi32, #tpu.memory_space<hbm>> -> memref<64xi32, #tpu.memory_space<hbm>>
      tpu.wait_dma2 semaphore(%arg16 : memref<!tpu.dma_semaphore, #tpu.memory_space<semaphore_mem>>) src(%dma_wait3A_117 : memref<64xi32, #tpu.memory_space<hbm>>) dst(%arg11 : memref<64xi32, #tpu.memory_space<vmem>>)
      %dma_wait3A_118 = arith.constant 0 : i32
      %dma_wait3A_119 = arith.constant 0 : i32
      %dma_wait3A_120 = tpu.memref_slice %arg2[%dma_wait3A_118, %dma_wait3A_119] : memref<50000x512xf32, #tpu.memory_space<hbm>> -> memref<64x128xf32, #tpu.memory_space<hbm>>
      %dma_wait3A_121 = arith.constant 0 : i32
      %dma_wait3A_122 = arith.constant 0 : i32
      %dma_wait3A_123 = tpu.memref_slice %arg2[%dma_wait3A_121, %dma_wait3A_122] : memref<50000x512xf32, #tpu.memory_space<hbm>> -> memref<64x128xf32, #tpu.memory_space<hbm>>
      tpu.wait_dma2 semaphore(%arg16 : memref<!tpu.dma_semaphore, #tpu.memory_space<semaphore_mem>>) src(%dma_wait3A_123 : memref<64x128xf32, #tpu.memory_space<hbm>>) dst(%arg7 : memref<64x128xf32, #tpu.memory_space<vmem>>)
      %parallel_loop3A_124 = arith.constant 0 : i32
      %parallel_loop3A_125 = arith.constant 32 : i32
      %parallel_loop3A_126 = arith.constant 1 : i32
      scf.for %parallel_loop3A_127 = %parallel_loop3A_124 to %parallel_loop3A_125 step %parallel_loop3A_126  : i32 {
        %parallel_loop3A_128 = arith.constant 0 : i32
        %parallel_loop3A_129 = arith.addi %parallel_loop3A_127, %parallel_loop3A_128 : i32
        %parallel_loop3A_130 = vector.broadcast %parallel_loop3A_129 : i32 to vector<16xi32>
        %parallel_loop3A_131 = tpu.vector_load_idx %arg9[%parallel_loop3A_130] : memref<64xf32, #tpu.memory_space<vmem>>[vector<16xi32>], vector<16xf32>,
        %parallel_loop3A_132 = tpu.vector_load_idx %arg11[%parallel_loop3A_130] : memref<64xi32, #tpu.memory_space<vmem>>[vector<16xi32>], vector<16xi32>,
        %parallel_loop3A_133 = arith.index_cast %parallel_loop3A_129 : i32 to index
        %parallel_loop3A_134 = arith.constant 0 : index
        %parallel_loop3A_135 = tpu.vector_load %arg7[%parallel_loop3A_133, %parallel_loop3A_134] {strides = array<i32>} : memref<64x128xf32, #tpu.memory_space<vmem>>, vector<16xf32>,
        %parallel_loop3A_136 = arith.mulf %parallel_loop3A_135, %parallel_loop3A_131 : vector<16xf32>
        %parallel_loop3A_137 = arith.constant 0 : i32
        %parallel_loop3A_138 = vector.broadcast %parallel_loop3A_137 : i32 to vector<16xi32>
        %parallel_loop3A_139 = arith.addi %parallel_loop3A_138, %iota3A : vector<16xi32>
        tpu.vector_store_idx %arg14[%parallel_loop3A_132, %parallel_loop3A_139], %parallel_loop3A_136 {add = true} : memref<512x128xf32, #tpu.memory_space<vmem>>[vector<16xi32>, vector<16xi32>], vector<16xf32>,
        %parallel_loop3A_140 = arith.index_cast %parallel_loop3A_129 : i32 to index
        %parallel_loop3A_141 = arith.constant 16 : index
        %parallel_loop3A_142 = tpu.vector_load %arg7[%parallel_loop3A_140, %parallel_loop3A_141] {strides = array<i32>} : memref<64x128xf32, #tpu.memory_space<vmem>>, vector<16xf32>,
        %parallel_loop3A_143 = arith.mulf %parallel_loop3A_142, %parallel_loop3A_131 : vector<16xf32>
        %parallel_loop3A_144 = arith.constant 16 : i32
        %parallel_loop3A_145 = vector.broadcast %parallel_loop3A_144 : i32 to vector<16xi32>
        %parallel_loop3A_146 = arith.addi %parallel_loop3A_145, %iota3A : vector<16xi32>
        tpu.vector_store_idx %arg14[%parallel_loop3A_132, %parallel_loop3A_146], %parallel_loop3A_143 {add = true} : memref<512x128xf32, #tpu.memory_space<vmem>>[vector<16xi32>, vector<16xi32>], vector<16xf32>,
        %parallel_loop3A_147 = arith.index_cast %parallel_loop3A_129 : i32 to index
        %parallel_loop3A_148 = arith.constant 32 : index
        %parallel_loop3A_149 = tpu.vector_load %arg7[%parallel_loop3A_147, %parallel_loop3A_148] {strides = array<i32>} : memref<64x128xf32, #tpu.memory_space<vmem>>, vector<16xf32>,
        %parallel_loop3A_150 = arith.mulf %parallel_loop3A_149, %parallel_loop3A_131 : vector<16xf32>
        %parallel_loop3A_151 = arith.constant 32 : i32
        %parallel_loop3A_152 = vector.broadcast %parallel_loop3A_151 : i32 to vector<16xi32>
        %parallel_loop3A_153 = arith.addi %parallel_loop3A_152, %iota3A : vector<16xi32>
        tpu.vector_store_idx %arg14[%parallel_loop3A_132, %parallel_loop3A_153], %parallel_loop3A_150 {add = true} : memref<512x128xf32, #tpu.memory_space<vmem>>[vector<16xi32>, vector<16xi32>], vector<16xf32>,
        %parallel_loop3A_154 = arith.index_cast %parallel_loop3A_129 : i32 to index
        %parallel_loop3A_155 = arith.constant 48 : index
        %parallel_loop3A_156 = tpu.vector_load %arg7[%parallel_loop3A_154, %parallel_loop3A_155] {strides = array<i32>} : memref<64x128xf32, #tpu.memory_space<vmem>>, vector<16xf32>,
        %parallel_loop3A_157 = arith.mulf %parallel_loop3A_156, %parallel_loop3A_131 : vector<16xf32>
        %parallel_loop3A_158 = arith.constant 48 : i32
        %parallel_loop3A_159 = vector.broadcast %parallel_loop3A_158 : i32 to vector<16xi32>
        %parallel_loop3A_160 = arith.addi %parallel_loop3A_159, %iota3A : vector<16xi32>
        tpu.vector_store_idx %arg14[%parallel_loop3A_132, %parallel_loop3A_160], %parallel_loop3A_157 {add = true} : memref<512x128xf32, #tpu.memory_space<vmem>>[vector<16xi32>, vector<16xi32>], vector<16xf32>,
        %parallel_loop3A_161 = arith.index_cast %parallel_loop3A_129 : i32 to index
        %parallel_loop3A_162 = arith.constant 64 : index
        %parallel_loop3A_163 = tpu.vector_load %arg7[%parallel_loop3A_161, %parallel_loop3A_162] {strides = array<i32>} : memref<64x128xf32, #tpu.memory_space<vmem>>, vector<16xf32>,
        %parallel_loop3A_164 = arith.mulf %parallel_loop3A_163, %parallel_loop3A_131 : vector<16xf32>
        %parallel_loop3A_165 = arith.constant 64 : i32
        %parallel_loop3A_166 = vector.broadcast %parallel_loop3A_165 : i32 to vector<16xi32>
        %parallel_loop3A_167 = arith.addi %parallel_loop3A_166, %iota3A : vector<16xi32>
        tpu.vector_store_idx %arg14[%parallel_loop3A_132, %parallel_loop3A_167], %parallel_loop3A_164 {add = true} : memref<512x128xf32, #tpu.memory_space<vmem>>[vector<16xi32>, vector<16xi32>], vector<16xf32>,
        %parallel_loop3A_168 = arith.index_cast %parallel_loop3A_129 : i32 to index
        %parallel_loop3A_169 = arith.constant 80 : index
        %parallel_loop3A_170 = tpu.vector_load %arg7[%parallel_loop3A_168, %parallel_loop3A_169] {strides = array<i32>} : memref<64x128xf32, #tpu.memory_space<vmem>>, vector<16xf32>,
        %parallel_loop3A_171 = arith.mulf %parallel_loop3A_170, %parallel_loop3A_131 : vector<16xf32>
        %parallel_loop3A_172 = arith.constant 80 : i32
        %parallel_loop3A_173 = vector.broadcast %parallel_loop3A_172 : i32 to vector<16xi32>
        %parallel_loop3A_174 = arith.addi %parallel_loop3A_173, %iota3A : vector<16xi32>
        tpu.vector_store_idx %arg14[%parallel_loop3A_132, %parallel_loop3A_174], %parallel_loop3A_171 {add = true} : memref<512x128xf32, #tpu.memory_space<vmem>>[vector<16xi32>, vector<16xi32>], vector<16xf32>,
        %parallel_loop3A_175 = arith.index_cast %parallel_loop3A_129 : i32 to index
        %parallel_loop3A_176 = arith.constant 96 : index
        %parallel_loop3A_177 = tpu.vector_load %arg7[%parallel_loop3A_175, %parallel_loop3A_176] {strides = array<i32>} : memref<64x128xf32, #tpu.memory_space<vmem>>, vector<16xf32>,
        %parallel_loop3A_178 = arith.mulf %parallel_loop3A_177, %parallel_loop3A_131 : vector<16xf32>
        %parallel_loop3A_179 = arith.constant 96 : i32
        %parallel_loop3A_180 = vector.broadcast %parallel_loop3A_179 : i32 to vector<16xi32>
        %parallel_loop3A_181 = arith.addi %parallel_loop3A_180, %iota3A : vector<16xi32>
        tpu.vector_store_idx %arg14[%parallel_loop3A_132, %parallel_loop3A_181], %parallel_loop3A_178 {add = true} : memref<512x128xf32, #tpu.memory_space<vmem>>[vector<16xi32>, vector<16xi32>], vector<16xf32>,
        %parallel_loop3A_182 = arith.index_cast %parallel_loop3A_129 : i32 to index
        %parallel_loop3A_183 = arith.constant 112 : index
        %parallel_loop3A_184 = tpu.vector_load %arg7[%parallel_loop3A_182, %parallel_loop3A_183] {strides = array<i32>} : memref<64x128xf32, #tpu.memory_space<vmem>>, vector<16xf32>,
        %parallel_loop3A_185 = arith.mulf %parallel_loop3A_184, %parallel_loop3A_131 : vector<16xf32>
        %parallel_loop3A_186 = arith.constant 112 : i32
        %parallel_loop3A_187 = vector.broadcast %parallel_loop3A_186 : i32 to vector<16xi32>
        %parallel_loop3A_188 = arith.addi %parallel_loop3A_187, %iota3A : vector<16xi32>
        tpu.vector_store_idx %arg14[%parallel_loop3A_132, %parallel_loop3A_188], %parallel_loop3A_185 {add = true} : memref<512x128xf32, #tpu.memory_space<vmem>>[vector<16xi32>, vector<16xi32>], vector<16xf32>,
        %parallel_loop3A_189 = arith.constant 32 : i32
        %parallel_loop3A_190 = arith.addi %parallel_loop3A_127, %parallel_loop3A_189 : i32
        %parallel_loop3A_191 = vector.broadcast %parallel_loop3A_190 : i32 to vector<16xi32>
        %parallel_loop3A_192 = tpu.vector_load_idx %arg9[%parallel_loop3A_191] : memref<64xf32, #tpu.memory_space<vmem>>[vector<16xi32>], vector<16xf32>,
        %parallel_loop3A_193 = tpu.vector_load_idx %arg11[%parallel_loop3A_191] : memref<64xi32, #tpu.memory_space<vmem>>[vector<16xi32>], vector<16xi32>,
        %parallel_loop3A_194 = arith.index_cast %parallel_loop3A_190 : i32 to index
        %parallel_loop3A_195 = arith.constant 0 : index
        %parallel_loop3A_196 = tpu.vector_load %arg7[%parallel_loop3A_194, %parallel_loop3A_195] {strides = array<i32>} : memref<64x128xf32, #tpu.memory_space<vmem>>, vector<16xf32>,
        %parallel_loop3A_197 = arith.mulf %parallel_loop3A_196, %parallel_loop3A_192 : vector<16xf32>
        %parallel_loop3A_198 = arith.constant 0 : i32
        %parallel_loop3A_199 = vector.broadcast %parallel_loop3A_198 : i32 to vector<16xi32>
        %parallel_loop3A_200 = arith.addi %parallel_loop3A_199, %iota3A : vector<16xi32>
        tpu.vector_store_idx %arg14[%parallel_loop3A_193, %parallel_loop3A_200], %parallel_loop3A_197 {add = true} : memref<512x128xf32, #tpu.memory_space<vmem>>[vector<16xi32>, vector<16xi32>], vector<16xf32>,
        %parallel_loop3A_201 = arith.index_cast %parallel_loop3A_190 : i32 to index
        %parallel_loop3A_202 = arith.constant 16 : index
        %parallel_loop3A_203 = tpu.vector_load %arg7[%parallel_loop3A_201, %parallel_loop3A_202] {strides = array<i32>} : memref<64x128xf32, #tpu.memory_space<vmem>>, vector<16xf32>,
        %parallel_loop3A_204 = arith.mulf %parallel_loop3A_203, %parallel_loop3A_192 : vector<16xf32>
        %parallel_loop3A_205 = arith.constant 16 : i32
        %parallel_loop3A_206 = vector.broadcast %parallel_loop3A_205 : i32 to vector<16xi32>
        %parallel_loop3A_207 = arith.addi %parallel_loop3A_206, %iota3A : vector<16xi32>
        tpu.vector_store_idx %arg14[%parallel_loop3A_193, %parallel_loop3A_207], %parallel_loop3A_204 {add = true} : memref<512x128xf32, #tpu.memory_space<vmem>>[vector<16xi32>, vector<16xi32>], vector<16xf32>,
        %parallel_loop3A_208 = arith.index_cast %parallel_loop3A_190 : i32 to index
        %parallel_loop3A_209 = arith.constant 32 : index
        %parallel_loop3A_210 = tpu.vector_load %arg7[%parallel_loop3A_208, %parallel_loop3A_209] {strides = array<i32>} : memref<64x128xf32, #tpu.memory_space<vmem>>, vector<16xf32>,
        %parallel_loop3A_211 = arith.mulf %parallel_loop3A_210, %parallel_loop3A_192 : vector<16xf32>
        %parallel_loop3A_212 = arith.constant 32 : i32
        %parallel_loop3A_213 = vector.broadcast %parallel_loop3A_212 : i32 to vector<16xi32>
        %parallel_loop3A_214 = arith.addi %parallel_loop3A_213, %iota3A : vector<16xi32>
        tpu.vector_store_idx %arg14[%parallel_loop3A_193, %parallel_loop3A_214], %parallel_loop3A_211 {add = true} : memref<512x128xf32, #tpu.memory_space<vmem>>[vector<16xi32>, vector<16xi32>], vector<16xf32>,
        %parallel_loop3A_215 = arith.index_cast %parallel_loop3A_190 : i32 to index
        %parallel_loop3A_216 = arith.constant 48 : index
        %parallel_loop3A_217 = tpu.vector_load %arg7[%parallel_loop3A_215, %parallel_loop3A_216] {strides = array<i32>} : memref<64x128xf32, #tpu.memory_space<vmem>>, vector<16xf32>,
        %parallel_loop3A_218 = arith.mulf %parallel_loop3A_217, %parallel_loop3A_192 : vector<16xf32>
        %parallel_loop3A_219 = arith.constant 48 : i32
        %parallel_loop3A_220 = vector.broadcast %parallel_loop3A_219 : i32 to vector<16xi32>
        %parallel_loop3A_221 = arith.addi %parallel_loop3A_220, %iota3A : vector<16xi32>
        tpu.vector_store_idx %arg14[%parallel_loop3A_193, %parallel_loop3A_221], %parallel_loop3A_218 {add = true} : memref<512x128xf32, #tpu.memory_space<vmem>>[vector<16xi32>, vector<16xi32>], vector<16xf32>,
        %parallel_loop3A_222 = arith.index_cast %parallel_loop3A_190 : i32 to index
        %parallel_loop3A_223 = arith.constant 64 : index
        %parallel_loop3A_224 = tpu.vector_load %arg7[%parallel_loop3A_222, %parallel_loop3A_223] {strides = array<i32>} : memref<64x128xf32, #tpu.memory_space<vmem>>, vector<16xf32>,
        %parallel_loop3A_225 = arith.mulf %parallel_loop3A_224, %parallel_loop3A_192 : vector<16xf32>
        %parallel_loop3A_226 = arith.constant 64 : i32
        %parallel_loop3A_227 = vector.broadcast %parallel_loop3A_226 : i32 to vector<16xi32>
        %parallel_loop3A_228 = arith.addi %parallel_loop3A_227, %iota3A : vector<16xi32>
        tpu.vector_store_idx %arg14[%parallel_loop3A_193, %parallel_loop3A_228], %parallel_loop3A_225 {add = true} : memref<512x128xf32, #tpu.memory_space<vmem>>[vector<16xi32>, vector<16xi32>], vector<16xf32>,
        %parallel_loop3A_229 = arith.index_cast %parallel_loop3A_190 : i32 to index
        %parallel_loop3A_230 = arith.constant 80 : index
        %parallel_loop3A_231 = tpu.vector_load %arg7[%parallel_loop3A_229, %parallel_loop3A_230] {strides = array<i32>} : memref<64x128xf32, #tpu.memory_space<vmem>>, vector<16xf32>,
        %parallel_loop3A_232 = arith.mulf %parallel_loop3A_231, %parallel_loop3A_192 : vector<16xf32>
        %parallel_loop3A_233 = arith.constant 80 : i32
        %parallel_loop3A_234 = vector.broadcast %parallel_loop3A_233 : i32 to vector<16xi32>
        %parallel_loop3A_235 = arith.addi %parallel_loop3A_234, %iota3A : vector<16xi32>
        tpu.vector_store_idx %arg14[%parallel_loop3A_193, %parallel_loop3A_235], %parallel_loop3A_232 {add = true} : memref<512x128xf32, #tpu.memory_space<vmem>>[vector<16xi32>, vector<16xi32>], vector<16xf32>,
        %parallel_loop3A_236 = arith.index_cast %parallel_loop3A_190 : i32 to index
        %parallel_loop3A_237 = arith.constant 96 : index
        %parallel_loop3A_238 = tpu.vector_load %arg7[%parallel_loop3A_236, %parallel_loop3A_237] {strides = array<i32>} : memref<64x128xf32, #tpu.memory_space<vmem>>, vector<16xf32>,
        %parallel_loop3A_239 = arith.mulf %parallel_loop3A_238, %parallel_loop3A_192 : vector<16xf32>
        %parallel_loop3A_240 = arith.constant 96 : i32
        %parallel_loop3A_241 = vector.broadcast %parallel_loop3A_240 : i32 to vector<16xi32>
        %parallel_loop3A_242 = arith.addi %parallel_loop3A_241, %iota3A : vector<16xi32>
        tpu.vector_store_idx %arg14[%parallel_loop3A_193, %parallel_loop3A_242], %parallel_loop3A_239 {add = true} : memref<512x128xf32, #tpu.memory_space<vmem>>[vector<16xi32>, vector<16xi32>], vector<16xf32>,
        %parallel_loop3A_243 = arith.index_cast %parallel_loop3A_190 : i32 to index
        %parallel_loop3A_244 = arith.constant 112 : index
        %parallel_loop3A_245 = tpu.vector_load %arg7[%parallel_loop3A_243, %parallel_loop3A_244] {strides = array<i32>} : memref<64x128xf32, #tpu.memory_space<vmem>>, vector<16xf32>,
        %parallel_loop3A_246 = arith.mulf %parallel_loop3A_245, %parallel_loop3A_192 : vector<16xf32>
        %parallel_loop3A_247 = arith.constant 112 : i32
        %parallel_loop3A_248 = vector.broadcast %parallel_loop3A_247 : i32 to vector<16xi32>
        %parallel_loop3A_249 = arith.addi %parallel_loop3A_248, %iota3A : vector<16xi32>
        tpu.vector_store_idx %arg14[%parallel_loop3A_193, %parallel_loop3A_249], %parallel_loop3A_246 {add = true} : memref<512x128xf32, #tpu.memory_space<vmem>>[vector<16xi32>, vector<16xi32>], vector<16xf32>,
      } {sc.loop_unroll_factor = 4 : i64, sc.parallel_access}
    }
    %scan3A_61 = arith.constant 50 : i32
    "tpu.region"() ({
      %run_scoped3A = tpu.sem_alloc : memref<!tpu.dma_semaphore, #tpu.memory_space<semaphore_mem>>
      %dma_start3A_62 = arith.constant 0 : i32
      %dma_start3A_63 = tpu.memref_slice %arg5[%select_n3A_9, %dma_start3A_62, %mul3A_32] : memref<8x512x512xf32, #tpu.memory_space<hbm>> -> memref<1x512x128xf32, #tpu.memory_space<hbm>>
      %dma_start3A_64 = tpu.memref_squeeze %dma_start3A_63 : memref<1x512x128xf32, #tpu.memory_space<hbm>> -> memref<512x128xf32, #tpu.memory_space<hbm>>
      %dma_start3A_65 = arith.constant 0 : i32
      %dma_start3A_66 = tpu.memref_slice %arg5[%select_n3A_9, %dma_start3A_65, %mul3A_32] : memref<8x512x512xf32, #tpu.memory_space<hbm>> -> memref<1x512x128xf32, #tpu.memory_space<hbm>>
      %dma_start3A_67 = tpu.memref_squeeze %dma_start3A_66 : memref<1x512x128xf32, #tpu.memory_space<hbm>> -> memref<512x128xf32, #tpu.memory_space<hbm>>
      tpu.enqueue_dma source(%arg14 : memref<512x128xf32, #tpu.memory_space<vmem>>) target(%dma_start3A_67 : memref<512x128xf32, #tpu.memory_space<hbm>>) target_semaphore(%run_scoped3A : memref<!tpu.dma_semaphore, #tpu.memory_space<semaphore_mem>>)
      %dma_wait3A = arith.constant 0 : i32
      %dma_wait3A_68 = tpu.memref_slice %arg5[%select_n3A_9, %dma_wait3A, %mul3A_32] : memref<8x512x512xf32, #tpu.memory_space<hbm>> -> memref<1x512x128xf32, #tpu.memory_space<hbm>>
      %dma_wait3A_69 = tpu.memref_squeeze %dma_wait3A_68 : memref<1x512x128xf32, #tpu.memory_space<hbm>> -> memref<512x128xf32, #tpu.memory_space<hbm>>
      %dma_wait3A_70 = arith.constant 0 : i32
      %dma_wait3A_71 = tpu.memref_slice %arg5[%select_n3A_9, %dma_wait3A_70, %mul3A_32] : memref<8x512x512xf32, #tpu.memory_space<hbm>> -> memref<1x512x128xf32, #tpu.memory_space<hbm>>
      %dma_wait3A_72 = tpu.memref_squeeze %dma_wait3A_71 : memref<1x512x128xf32, #tpu.memory_space<hbm>> -> memref<512x128xf32, #tpu.memory_space<hbm>>
      tpu.wait_dma2 semaphore(%run_scoped3A : memref<!tpu.dma_semaphore, #tpu.memory_space<semaphore_mem>>) src(%arg14 : memref<512x128xf32, #tpu.memory_space<vmem>>) dst(%dma_wait3A_72 : memref<512x128xf32, #tpu.memory_space<hbm>>)
      tpu.yield
    }) : () -> ()
    return
  }
}

#map = affine_map<(d0, d1) -> (0)>
module attributes {stable_mosaic.version = 14 : i64} {
  func.func @_stats_body(%arg0: i32, %arg1: i32, %arg2: memref<51200xf32, #tpu.memory_space<hbm>>, %arg3: memref<51200xi32, #tpu.memory_space<hbm>>, %arg4: memref<51200xf32, #tpu.memory_space<hbm>>, %arg5: memref<512xf32, #tpu.memory_space<hbm>>, %arg6: memref<3200xf32, #tpu.memory_space<vmem>>, %arg7: memref<3200xi32, #tpu.memory_space<vmem>>, %arg8: memref<8192xf32, #tpu.memory_space<vmem>>, %arg9: memref<512xf32, #tpu.memory_space<vmem>>, %arg10: memref<512xf32, #tpu.memory_space<vmem>>, %arg11: memref<16x512xf32, #tpu.memory_space<vmem>>, %arg12: memref<1600xf32, #tpu.memory_space<vmem>>, %arg13: memref<16x512xf32, #tpu.memory_space<vmem_shared>>, %arg14: memref<16x512xf32, #tpu.memory_space<vmem_shared>>) attributes {dimension_semantics = [#tpu.dimension_semantics<core_parallel>, #tpu.dimension_semantics<subcore_parallel>], iteration_bounds = array<i64: 2, 16>, scalar_prefetch = 0 : i64, scratch_operands = 9 : i64, tpu.core_type = #tpu.core_type<sc_vector_subcore>, window_params = [{transform_indices = #map}, {transform_indices = #map}, {transform_indices = #map}, {transform_indices = #map}]} {
    %iota3A = tpu.iota {dimensions = array<i32: 0>} : vector<16xi32>
    %mul3A = arith.constant 3200 : i32
    %mul3A_0 = arith.muli %arg1, %mul3A : i32
    "tpu.region"() ({
      %run_scoped3A = tpu.sem_alloc : memref<!tpu.dma_semaphore, #tpu.memory_space<semaphore_mem>>
      %dma_start3A = tpu.memref_slice %arg2[%mul3A_0] : memref<51200xf32, #tpu.memory_space<hbm>> -> memref<3200xf32, #tpu.memory_space<hbm>>
      %dma_start3A_66 = tpu.memref_slice %arg2[%mul3A_0] : memref<51200xf32, #tpu.memory_space<hbm>> -> memref<3200xf32, #tpu.memory_space<hbm>>
      tpu.enqueue_dma source(%dma_start3A_66 : memref<3200xf32, #tpu.memory_space<hbm>>) target(%arg6 : memref<3200xf32, #tpu.memory_space<vmem>>) target_semaphore(%run_scoped3A : memref<!tpu.dma_semaphore, #tpu.memory_space<semaphore_mem>>)
      %dma_wait3A = tpu.memref_slice %arg2[%mul3A_0] : memref<51200xf32, #tpu.memory_space<hbm>> -> memref<3200xf32, #tpu.memory_space<hbm>>
      %dma_wait3A_67 = tpu.memref_slice %arg2[%mul3A_0] : memref<51200xf32, #tpu.memory_space<hbm>> -> memref<3200xf32, #tpu.memory_space<hbm>>
      tpu.wait_dma2 semaphore(%run_scoped3A : memref<!tpu.dma_semaphore, #tpu.memory_space<semaphore_mem>>) src(%dma_wait3A_67 : memref<3200xf32, #tpu.memory_space<hbm>>) dst(%arg6 : memref<3200xf32, #tpu.memory_space<vmem>>)
      tpu.yield
    }) : () -> ()
    "tpu.region"() ({
      %run_scoped3A = tpu.sem_alloc : memref<!tpu.dma_semaphore, #tpu.memory_space<semaphore_mem>>
      %dma_start3A = tpu.memref_slice %arg3[%mul3A_0] : memref<51200xi32, #tpu.memory_space<hbm>> -> memref<3200xi32, #tpu.memory_space<hbm>>
      %dma_start3A_66 = tpu.memref_slice %arg3[%mul3A_0] : memref<51200xi32, #tpu.memory_space<hbm>> -> memref<3200xi32, #tpu.memory_space<hbm>>
      tpu.enqueue_dma source(%dma_start3A_66 : memref<3200xi32, #tpu.memory_space<hbm>>) target(%arg7 : memref<3200xi32, #tpu.memory_space<vmem>>) target_semaphore(%run_scoped3A : memref<!tpu.dma_semaphore, #tpu.memory_space<semaphore_mem>>)
      %dma_wait3A = tpu.memref_slice %arg3[%mul3A_0] : memref<51200xi32, #tpu.memory_space<hbm>> -> memref<3200xi32, #tpu.memory_space<hbm>>
      %dma_wait3A_67 = tpu.memref_slice %arg3[%mul3A_0] : memref<51200xi32, #tpu.memory_space<hbm>> -> memref<3200xi32, #tpu.memory_space<hbm>>
      tpu.wait_dma2 semaphore(%run_scoped3A : memref<!tpu.dma_semaphore, #tpu.memory_space<semaphore_mem>>) src(%dma_wait3A_67 : memref<3200xi32, #tpu.memory_space<hbm>>) dst(%arg7 : memref<3200xi32, #tpu.memory_space<vmem>>)
      tpu.yield
    }) : () -> ()
    %broadcast_in_dim3A = arith.constant -3.40282347E+38 : f32
    %broadcast_in_dim3A_1 = vector.broadcast %broadcast_in_dim3A : f32 to vector<16xf32>
    %scan3A = arith.constant 0 : i32
    %scan3A_2 = arith.constant 0 : i32
    %scan3A_3 = arith.constant 512 : i32
    %scan3A_4 = arith.addi %scan3A_2, %scan3A_3 : i32
    %scan3A_5 = arith.constant 1 : i32
    scf.for %scan3A_66 = %scan3A_2 to %scan3A_4 step %scan3A_5  : i32 {
      %mul3A_67 = arith.constant 16 : i32
      %mul3A_68 = arith.muli %scan3A_66, %mul3A_67 : i32
      %swap3A = arith.index_cast %mul3A_68 : i32 to index
      %swap3A_69 = tpu.vector_load %arg8[%swap3A] {strides = array<i32>} : memref<8192xf32, #tpu.memory_space<vmem>>, vector<16xf32>,
      tpu.vector_store %arg8[%swap3A], %broadcast_in_dim3A_1 {strides = array<i32>} : memref<8192xf32, #tpu.memory_space<vmem>>, vector<16xf32>,
    }
    %scan3A_6 = arith.constant 512 : i32
    %scan3A_7 = arith.constant 0 : i32
    %scan3A_8 = arith.constant 0 : i32
    %scan3A_9 = arith.constant 200 : i32
    %scan3A_10 = arith.addi %scan3A_8, %scan3A_9 : i32
    %scan3A_11 = arith.constant 1 : i32
    scf.for %scan3A_66 = %scan3A_8 to %scan3A_10 step %scan3A_11  : i32 {
      %mul3A_67 = arith.constant 16 : i32
      %mul3A_68 = arith.muli %scan3A_66, %mul3A_67 : i32
      %get3A = arith.index_cast %mul3A_68 : i32 to index
      %get3A_69 = tpu.vector_load %arg6[%get3A] {strides = array<i32>} : memref<3200xf32, #tpu.memory_space<vmem>>, vector<16xf32>,
      %mul3A_70 = arith.constant 16 : i32
      %mul3A_71 = arith.muli %scan3A_66, %mul3A_70 : i32
      %get3A_72 = arith.index_cast %mul3A_71 : i32 to index
      %get3A_73 = tpu.vector_load %arg7[%get3A_72] {strides = array<i32>} : memref<3200xi32, #tpu.memory_space<vmem>>, vector<16xi32>,
      %mul3A_74 = arith.constant 16 : i32
      %mul3A_75 = vector.broadcast %mul3A_74 : i32 to vector<16xi32>
      %mul3A_76 = arith.muli %get3A_73, %mul3A_75 : vector<16xi32>
      %add3A_77 = arith.addi %mul3A_76, %iota3A : vector<16xi32>
      %gather3A = tpu.vector_load_idx %arg8[%add3A_77] : memref<8192xf32, #tpu.memory_space<vmem>>[vector<16xi32>], vector<16xf32>,
      %max3A = arith.maximumf %gather3A, %get3A_69 : vector<16xf32>
      tpu.vector_store_idx %arg8[%add3A_77], %max3A : memref<8192xf32, #tpu.memory_space<vmem>>[vector<16xi32>], vector<16xf32>,
    }
    %scan3A_12 = arith.constant 200 : i32
    %scan3A_13 = arith.constant 0 : i32
    %scan3A_14 = arith.constant 0 : i32
    %scan3A_15 = arith.constant 32 : i32
    %scan3A_16 = arith.addi %scan3A_14, %scan3A_15 : i32
    %scan3A_17 = arith.constant 1 : i32
    scf.for %scan3A_66 = %scan3A_14 to %scan3A_16 step %scan3A_17  : i32 {
      %mul3A_67 = arith.constant 16 : i32
      %mul3A_68 = arith.muli %scan3A_66, %mul3A_67 : i32
      %add3A_69 = vector.broadcast %mul3A_68 : i32 to vector<16xi32>
      %add3A_70 = arith.addi %add3A_69, %iota3A : vector<16xi32>
      %mul3A_71 = arith.constant 16 : i32
      %mul3A_72 = vector.broadcast %mul3A_71 : i32 to vector<16xi32>
      %mul3A_73 = arith.muli %add3A_70, %mul3A_72 : vector<16xi32>
      %gather3A = tpu.vector_load_idx %arg8[%mul3A_73] : memref<8192xf32, #tpu.memory_space<vmem>>[vector<16xi32>], vector<16xf32>,
      %add3A_74 = arith.constant 1 : i32
      %add3A_75 = vector.broadcast %add3A_74 : i32 to vector<16xi32>
      %add3A_76 = arith.addi %mul3A_73, %add3A_75 : vector<16xi32>
      %gather3A_77 = tpu.vector_load_idx %arg8[%add3A_76] : memref<8192xf32, #tpu.memory_space<vmem>>[vector<16xi32>], vector<16xf32>,
      %max3A = arith.maximumf %gather3A, %gather3A_77 : vector<16xf32>
      %add3A_78 = arith.constant 2 : i32
      %add3A_79 = vector.broadcast %add3A_78 : i32 to vector<16xi32>
      %add3A_80 = arith.addi %mul3A_73, %add3A_79 : vector<16xi32>
      %gather3A_81 = tpu.vector_load_idx %arg8[%add3A_80] : memref<8192xf32, #tpu.memory_space<vmem>>[vector<16xi32>], vector<16xf32>,
      %max3A_82 = arith.maximumf %max3A, %gather3A_81 : vector<16xf32>
      %add3A_83 = arith.constant 3 : i32
      %add3A_84 = vector.broadcast %add3A_83 : i32 to vector<16xi32>
      %add3A_85 = arith.addi %mul3A_73, %add3A_84 : vector<16xi32>
      %gather3A_86 = tpu.vector_load_idx %arg8[%add3A_85] : memref<8192xf32, #tpu.memory_space<vmem>>[vector<16xi32>], vector<16xf32>,
      %max3A_87 = arith.maximumf %max3A_82, %gather3A_86 : vector<16xf32>
      %add3A_88 = arith.constant 4 : i32
      %add3A_89 = vector.broadcast %add3A_88 : i32 to vector<16xi32>
      %add3A_90 = arith.addi %mul3A_73, %add3A_89 : vector<16xi32>
      %gather3A_91 = tpu.vector_load_idx %arg8[%add3A_90] : memref<8192xf32, #tpu.memory_space<vmem>>[vector<16xi32>], vector<16xf32>,
      %max3A_92 = arith.maximumf %max3A_87, %gather3A_91 : vector<16xf32>
      %add3A_93 = arith.constant 5 : i32
      %add3A_94 = vector.broadcast %add3A_93 : i32 to vector<16xi32>
      %add3A_95 = arith.addi %mul3A_73, %add3A_94 : vector<16xi32>
      %gather3A_96 = tpu.vector_load_idx %arg8[%add3A_95] : memref<8192xf32, #tpu.memory_space<vmem>>[vector<16xi32>], vector<16xf32>,
      %max3A_97 = arith.maximumf %max3A_92, %gather3A_96 : vector<16xf32>
      %add3A_98 = arith.constant 6 : i32
      %add3A_99 = vector.broadcast %add3A_98 : i32 to vector<16xi32>
      %add3A_100 = arith.addi %mul3A_73, %add3A_99 : vector<16xi32>
      %gather3A_101 = tpu.vector_load_idx %arg8[%add3A_100] : memref<8192xf32, #tpu.memory_space<vmem>>[vector<16xi32>], vector<16xf32>,
      %max3A_102 = arith.maximumf %max3A_97, %gather3A_101 : vector<16xf32>
      %add3A_103 = arith.constant 7 : i32
      %add3A_104 = vector.broadcast %add3A_103 : i32 to vector<16xi32>
      %add3A_105 = arith.addi %mul3A_73, %add3A_104 : vector<16xi32>
      %gather3A_106 = tpu.vector_load_idx %arg8[%add3A_105] : memref<8192xf32, #tpu.memory_space<vmem>>[vector<16xi32>], vector<16xf32>,
      %max3A_107 = arith.maximumf %max3A_102, %gather3A_106 : vector<16xf32>
      %add3A_108 = arith.constant 8 : i32
      %add3A_109 = vector.broadcast %add3A_108 : i32 to vector<16xi32>
      %add3A_110 = arith.addi %mul3A_73, %add3A_109 : vector<16xi32>
      %gather3A_111 = tpu.vector_load_idx %arg8[%add3A_110] : memref<8192xf32, #tpu.memory_space<vmem>>[vector<16xi32>], vector<16xf32>,
      %max3A_112 = arith.maximumf %max3A_107, %gather3A_111 : vector<16xf32>
      %add3A_113 = arith.constant 9 : i32
      %add3A_114 = vector.broadcast %add3A_113 : i32 to vector<16xi32>
      %add3A_115 = arith.addi %mul3A_73, %add3A_114 : vector<16xi32>
      %gather3A_116 = tpu.vector_load_idx %arg8[%add3A_115] : memref<8192xf32, #tpu.memory_space<vmem>>[vector<16xi32>], vector<16xf32>,
      %max3A_117 = arith.maximumf %max3A_112, %gather3A_116 : vector<16xf32>
      %add3A_118 = arith.constant 10 : i32
      %add3A_119 = vector.broadcast %add3A_118 : i32 to vector<16xi32>
      %add3A_120 = arith.addi %mul3A_73, %add3A_119 : vector<16xi32>
      %gather3A_121 = tpu.vector_load_idx %arg8[%add3A_120] : memref<8192xf32, #tpu.memory_space<vmem>>[vector<16xi32>], vector<16xf32>,
      %max3A_122 = arith.maximumf %max3A_117, %gather3A_121 : vector<16xf32>
      %add3A_123 = arith.constant 11 : i32
      %add3A_124 = vector.broadcast %add3A_123 : i32 to vector<16xi32>
      %add3A_125 = arith.addi %mul3A_73, %add3A_124 : vector<16xi32>
      %gather3A_126 = tpu.vector_load_idx %arg8[%add3A_125] : memref<8192xf32, #tpu.memory_space<vmem>>[vector<16xi32>], vector<16xf32>,
      %max3A_127 = arith.maximumf %max3A_122, %gather3A_126 : vector<16xf32>
      %add3A_128 = arith.constant 12 : i32
      %add3A_129 = vector.broadcast %add3A_128 : i32 to vector<16xi32>
      %add3A_130 = arith.addi %mul3A_73, %add3A_129 : vector<16xi32>
      %gather3A_131 = tpu.vector_load_idx %arg8[%add3A_130] : memref<8192xf32, #tpu.memory_space<vmem>>[vector<16xi32>], vector<16xf32>,
      %max3A_132 = arith.maximumf %max3A_127, %gather3A_131 : vector<16xf32>
      %add3A_133 = arith.constant 13 : i32
      %add3A_134 = vector.broadcast %add3A_133 : i32 to vector<16xi32>
      %add3A_135 = arith.addi %mul3A_73, %add3A_134 : vector<16xi32>
      %gather3A_136 = tpu.vector_load_idx %arg8[%add3A_135] : memref<8192xf32, #tpu.memory_space<vmem>>[vector<16xi32>], vector<16xf32>,
      %max3A_137 = arith.maximumf %max3A_132, %gather3A_136 : vector<16xf32>
      %add3A_138 = arith.constant 14 : i32
      %add3A_139 = vector.broadcast %add3A_138 : i32 to vector<16xi32>
      %add3A_140 = arith.addi %mul3A_73, %add3A_139 : vector<16xi32>
      %gather3A_141 = tpu.vector_load_idx %arg8[%add3A_140] : memref<8192xf32, #tpu.memory_space<vmem>>[vector<16xi32>], vector<16xf32>,
      %max3A_142 = arith.maximumf %max3A_137, %gather3A_141 : vector<16xf32>
      %add3A_143 = arith.constant 15 : i32
      %add3A_144 = vector.broadcast %add3A_143 : i32 to vector<16xi32>
      %add3A_145 = arith.addi %mul3A_73, %add3A_144 : vector<16xi32>
      %gather3A_146 = tpu.vector_load_idx %arg8[%add3A_145] : memref<8192xf32, #tpu.memory_space<vmem>>[vector<16xi32>], vector<16xf32>,
      %max3A_147 = arith.maximumf %max3A_142, %gather3A_146 : vector<16xf32>
      %mul3A_148 = arith.constant 16 : i32
      %mul3A_149 = arith.muli %scan3A_66, %mul3A_148 : i32
      %swap3A = arith.index_cast %mul3A_149 : i32 to index
      %swap3A_150 = tpu.vector_load %arg9[%swap3A] {strides = array<i32>} : memref<512xf32, #tpu.memory_space<vmem>>, vector<16xf32>,
      tpu.vector_store %arg9[%swap3A], %max3A_147 {strides = array<i32>} : memref<512xf32, #tpu.memory_space<vmem>>, vector<16xf32>,
    }
    %scan3A_18 = arith.constant 32 : i32
    "tpu.region"() ({
      %run_scoped3A = tpu.sem_alloc : memref<!tpu.dma_semaphore, #tpu.memory_space<semaphore_mem>>
      %dma_start3A = arith.constant 0 : i32
      %dma_start3A_66 = tpu.memref_slice %arg13[%arg1, %dma_start3A] : memref<16x512xf32, #tpu.memory_space<vmem_shared>> -> memref<1x512xf32, #tpu.memory_space<vmem_shared>>
      %dma_start3A_67 = tpu.memref_squeeze %dma_start3A_66 : memref<1x512xf32, #tpu.memory_space<vmem_shared>> -> memref<512xf32, #tpu.memory_space<vmem_shared>>
      %dma_start3A_68 = arith.constant 0 : i32
      %dma_start3A_69 = tpu.memref_slice %arg13[%arg1, %dma_start3A_68] : memref<16x512xf32, #tpu.memory_space<vmem_shared>> -> memref<1x512xf32, #tpu.memory_space<vmem_shared>>
      %dma_start3A_70 = tpu.memref_squeeze %dma_start3A_69 : memref<1x512xf32, #tpu.memory_space<vmem_shared>> -> memref<512xf32, #tpu.memory_space<vmem_shared>>
      tpu.enqueue_dma source(%arg9 : memref<512xf32, #tpu.memory_space<vmem>>) target(%dma_start3A_70 : memref<512xf32, #tpu.memory_space<vmem_shared>>) target_semaphore(%run_scoped3A : memref<!tpu.dma_semaphore, #tpu.memory_space<semaphore_mem>>)
      %dma_wait3A = arith.constant 0 : i32
      %dma_wait3A_71 = tpu.memref_slice %arg13[%arg1, %dma_wait3A] : memref<16x512xf32, #tpu.memory_space<vmem_shared>> -> memref<1x512xf32, #tpu.memory_space<vmem_shared>>
      %dma_wait3A_72 = tpu.memref_squeeze %dma_wait3A_71 : memref<1x512xf32, #tpu.memory_space<vmem_shared>> -> memref<512xf32, #tpu.memory_space<vmem_shared>>
      %dma_wait3A_73 = arith.constant 0 : i32
      %dma_wait3A_74 = tpu.memref_slice %arg13[%arg1, %dma_wait3A_73] : memref<16x512xf32, #tpu.memory_space<vmem_shared>> -> memref<1x512xf32, #tpu.memory_space<vmem_shared>>
      %dma_wait3A_75 = tpu.memref_squeeze %dma_wait3A_74 : memref<1x512xf32, #tpu.memory_space<vmem_shared>> -> memref<512xf32, #tpu.memory_space<vmem_shared>>
      tpu.wait_dma2 semaphore(%run_scoped3A : memref<!tpu.dma_semaphore, #tpu.memory_space<semaphore_mem>>) src(%arg9 : memref<512xf32, #tpu.memory_space<vmem>>) dst(%dma_wait3A_75 : memref<512xf32, #tpu.memory_space<vmem_shared>>)
      tpu.yield
    }) : () -> ()
    %barrier3A = arith.constant 0 : index
    tpu.barrier barrier_id(%barrier3A)
    "tpu.region"() ({
      %run_scoped3A = tpu.sem_alloc : memref<!tpu.dma_semaphore, #tpu.memory_space<semaphore_mem>>
      tpu.enqueue_dma source(%arg13 : memref<16x512xf32, #tpu.memory_space<vmem_shared>>) target(%arg11 : memref<16x512xf32, #tpu.memory_space<vmem>>) target_semaphore(%run_scoped3A : memref<!tpu.dma_semaphore, #tpu.memory_space<semaphore_mem>>)
      tpu.wait_dma2 semaphore(%run_scoped3A : memref<!tpu.dma_semaphore, #tpu.memory_space<semaphore_mem>>) src(%arg13 : memref<16x512xf32, #tpu.memory_space<vmem_shared>>) dst(%arg11 : memref<16x512xf32, #tpu.memory_space<vmem>>)
      tpu.yield
    }) : () -> ()
    %scan3A_19 = arith.constant 0 : i32
    %scan3A_20 = arith.constant 0 : i32
    %scan3A_21 = arith.constant 32 : i32
    %scan3A_22 = arith.addi %scan3A_20, %scan3A_21 : i32
    %scan3A_23 = arith.constant 1 : i32
    scf.for %scan3A_66 = %scan3A_20 to %scan3A_22 step %scan3A_23  : i32 {
      %mul3A_67 = arith.constant 16 : i32
      %mul3A_68 = arith.muli %scan3A_66, %mul3A_67 : i32
      %get3A = arith.constant 0 : i32
      %get3A_69 = arith.index_cast %get3A : i32 to index
      %get3A_70 = arith.index_cast %mul3A_68 : i32 to index
      %get3A_71 = tpu.vector_load %arg11[%get3A_69, %get3A_70] {strides = array<i32>} : memref<16x512xf32, #tpu.memory_space<vmem>>, vector<16xf32>,
      %mul3A_72 = arith.constant 16 : i32
      %mul3A_73 = arith.muli %scan3A_66, %mul3A_72 : i32
      %get3A_74 = arith.constant 1 : i32
      %get3A_75 = arith.index_cast %get3A_74 : i32 to index
      %get3A_76 = arith.index_cast %mul3A_73 : i32 to index
      %get3A_77 = tpu.vector_load %arg11[%get3A_75, %get3A_76] {strides = array<i32>} : memref<16x512xf32, #tpu.memory_space<vmem>>, vector<16xf32>,
      %max3A = arith.maximumf %get3A_71, %get3A_77 : vector<16xf32>
      %mul3A_78 = arith.constant 16 : i32
      %mul3A_79 = arith.muli %scan3A_66, %mul3A_78 : i32
      %get3A_80 = arith.constant 2 : i32
      %get3A_81 = arith.index_cast %get3A_80 : i32 to index
      %get3A_82 = arith.index_cast %mul3A_79 : i32 to index
      %get3A_83 = tpu.vector_load %arg11[%get3A_81, %get3A_82] {strides = array<i32>} : memref<16x512xf32, #tpu.memory_space<vmem>>, vector<16xf32>,
      %max3A_84 = arith.maximumf %max3A, %get3A_83 : vector<16xf32>
      %mul3A_85 = arith.constant 16 : i32
      %mul3A_86 = arith.muli %scan3A_66, %mul3A_85 : i32
      %get3A_87 = arith.constant 3 : i32
      %get3A_88 = arith.index_cast %get3A_87 : i32 to index
      %get3A_89 = arith.index_cast %mul3A_86 : i32 to index
      %get3A_90 = tpu.vector_load %arg11[%get3A_88, %get3A_89] {strides = array<i32>} : memref<16x512xf32, #tpu.memory_space<vmem>>, vector<16xf32>,
      %max3A_91 = arith.maximumf %max3A_84, %get3A_90 : vector<16xf32>
      %mul3A_92 = arith.constant 16 : i32
      %mul3A_93 = arith.muli %scan3A_66, %mul3A_92 : i32
      %get3A_94 = arith.constant 4 : i32
      %get3A_95 = arith.index_cast %get3A_94 : i32 to index
      %get3A_96 = arith.index_cast %mul3A_93 : i32 to index
      %get3A_97 = tpu.vector_load %arg11[%get3A_95, %get3A_96] {strides = array<i32>} : memref<16x512xf32, #tpu.memory_space<vmem>>, vector<16xf32>,
      %max3A_98 = arith.maximumf %max3A_91, %get3A_97 : vector<16xf32>
      %mul3A_99 = arith.constant 16 : i32
      %mul3A_100 = arith.muli %scan3A_66, %mul3A_99 : i32
      %get3A_101 = arith.constant 5 : i32
      %get3A_102 = arith.index_cast %get3A_101 : i32 to index
      %get3A_103 = arith.index_cast %mul3A_100 : i32 to index
      %get3A_104 = tpu.vector_load %arg11[%get3A_102, %get3A_103] {strides = array<i32>} : memref<16x512xf32, #tpu.memory_space<vmem>>, vector<16xf32>,
      %max3A_105 = arith.maximumf %max3A_98, %get3A_104 : vector<16xf32>
      %mul3A_106 = arith.constant 16 : i32
      %mul3A_107 = arith.muli %scan3A_66, %mul3A_106 : i32
      %get3A_108 = arith.constant 6 : i32
      %get3A_109 = arith.index_cast %get3A_108 : i32 to index
      %get3A_110 = arith.index_cast %mul3A_107 : i32 to index
      %get3A_111 = tpu.vector_load %arg11[%get3A_109, %get3A_110] {strides = array<i32>} : memref<16x512xf32, #tpu.memory_space<vmem>>, vector<16xf32>,
      %max3A_112 = arith.maximumf %max3A_105, %get3A_111 : vector<16xf32>
      %mul3A_113 = arith.constant 16 : i32
      %mul3A_114 = arith.muli %scan3A_66, %mul3A_113 : i32
      %get3A_115 = arith.constant 7 : i32
      %get3A_116 = arith.index_cast %get3A_115 : i32 to index
      %get3A_117 = arith.index_cast %mul3A_114 : i32 to index
      %get3A_118 = tpu.vector_load %arg11[%get3A_116, %get3A_117] {strides = array<i32>} : memref<16x512xf32, #tpu.memory_space<vmem>>, vector<16xf32>,
      %max3A_119 = arith.maximumf %max3A_112, %get3A_118 : vector<16xf32>
      %mul3A_120 = arith.constant 16 : i32
      %mul3A_121 = arith.muli %scan3A_66, %mul3A_120 : i32
      %get3A_122 = arith.constant 8 : i32
      %get3A_123 = arith.index_cast %get3A_122 : i32 to index
      %get3A_124 = arith.index_cast %mul3A_121 : i32 to index
      %get3A_125 = tpu.vector_load %arg11[%get3A_123, %get3A_124] {strides = array<i32>} : memref<16x512xf32, #tpu.memory_space<vmem>>, vector<16xf32>,
      %max3A_126 = arith.maximumf %max3A_119, %get3A_125 : vector<16xf32>
      %mul3A_127 = arith.constant 16 : i32
      %mul3A_128 = arith.muli %scan3A_66, %mul3A_127 : i32
      %get3A_129 = arith.constant 9 : i32
      %get3A_130 = arith.index_cast %get3A_129 : i32 to index
      %get3A_131 = arith.index_cast %mul3A_128 : i32 to index
      %get3A_132 = tpu.vector_load %arg11[%get3A_130, %get3A_131] {strides = array<i32>} : memref<16x512xf32, #tpu.memory_space<vmem>>, vector<16xf32>,
      %max3A_133 = arith.maximumf %max3A_126, %get3A_132 : vector<16xf32>
      %mul3A_134 = arith.constant 16 : i32
      %mul3A_135 = arith.muli %scan3A_66, %mul3A_134 : i32
      %get3A_136 = arith.constant 10 : i32
      %get3A_137 = arith.index_cast %get3A_136 : i32 to index
      %get3A_138 = arith.index_cast %mul3A_135 : i32 to index
      %get3A_139 = tpu.vector_load %arg11[%get3A_137, %get3A_138] {strides = array<i32>} : memref<16x512xf32, #tpu.memory_space<vmem>>, vector<16xf32>,
      %max3A_140 = arith.maximumf %max3A_133, %get3A_139 : vector<16xf32>
      %mul3A_141 = arith.constant 16 : i32
      %mul3A_142 = arith.muli %scan3A_66, %mul3A_141 : i32
      %get3A_143 = arith.constant 11 : i32
      %get3A_144 = arith.index_cast %get3A_143 : i32 to index
      %get3A_145 = arith.index_cast %mul3A_142 : i32 to index
      %get3A_146 = tpu.vector_load %arg11[%get3A_144, %get3A_145] {strides = array<i32>} : memref<16x512xf32, #tpu.memory_space<vmem>>, vector<16xf32>,
      %max3A_147 = arith.maximumf %max3A_140, %get3A_146 : vector<16xf32>
      %mul3A_148 = arith.constant 16 : i32
      %mul3A_149 = arith.muli %scan3A_66, %mul3A_148 : i32
      %get3A_150 = arith.constant 12 : i32
      %get3A_151 = arith.index_cast %get3A_150 : i32 to index
      %get3A_152 = arith.index_cast %mul3A_149 : i32 to index
      %get3A_153 = tpu.vector_load %arg11[%get3A_151, %get3A_152] {strides = array<i32>} : memref<16x512xf32, #tpu.memory_space<vmem>>, vector<16xf32>,
      %max3A_154 = arith.maximumf %max3A_147, %get3A_153 : vector<16xf32>
      %mul3A_155 = arith.constant 16 : i32
      %mul3A_156 = arith.muli %scan3A_66, %mul3A_155 : i32
      %get3A_157 = arith.constant 13 : i32
      %get3A_158 = arith.index_cast %get3A_157 : i32 to index
      %get3A_159 = arith.index_cast %mul3A_156 : i32 to index
      %get3A_160 = tpu.vector_load %arg11[%get3A_158, %get3A_159] {strides = array<i32>} : memref<16x512xf32, #tpu.memory_space<vmem>>, vector<16xf32>,
      %max3A_161 = arith.maximumf %max3A_154, %get3A_160 : vector<16xf32>
      %mul3A_162 = arith.constant 16 : i32
      %mul3A_163 = arith.muli %scan3A_66, %mul3A_162 : i32
      %get3A_164 = arith.constant 14 : i32
      %get3A_165 = arith.index_cast %get3A_164 : i32 to index
      %get3A_166 = arith.index_cast %mul3A_163 : i32 to index
      %get3A_167 = tpu.vector_load %arg11[%get3A_165, %get3A_166] {strides = array<i32>} : memref<16x512xf32, #tpu.memory_space<vmem>>, vector<16xf32>,
      %max3A_168 = arith.maximumf %max3A_161, %get3A_167 : vector<16xf32>
      %mul3A_169 = arith.constant 16 : i32
      %mul3A_170 = arith.muli %scan3A_66, %mul3A_169 : i32
      %get3A_171 = arith.constant 15 : i32
      %get3A_172 = arith.index_cast %get3A_171 : i32 to index
      %get3A_173 = arith.index_cast %mul3A_170 : i32 to index
      %get3A_174 = tpu.vector_load %arg11[%get3A_172, %get3A_173] {strides = array<i32>} : memref<16x512xf32, #tpu.memory_space<vmem>>, vector<16xf32>,
      %max3A_175 = arith.maximumf %max3A_168, %get3A_174 : vector<16xf32>
      %mul3A_176 = arith.constant 16 : i32
      %mul3A_177 = arith.muli %scan3A_66, %mul3A_176 : i32
      %swap3A = arith.index_cast %mul3A_177 : i32 to index
      %swap3A_178 = tpu.vector_load %arg9[%swap3A] {strides = array<i32>} : memref<512xf32, #tpu.memory_space<vmem>>, vector<16xf32>,
      tpu.vector_store %arg9[%swap3A], %max3A_175 {strides = array<i32>} : memref<512xf32, #tpu.memory_space<vmem>>, vector<16xf32>,
    }
    %scan3A_24 = arith.constant 32 : i32
    %broadcast_in_dim3A_25 = arith.constant 0.000000e+00 : f32
    %broadcast_in_dim3A_26 = vector.broadcast %broadcast_in_dim3A_25 : f32 to vector<16xf32>
    %scan3A_27 = arith.constant 0 : i32
    %scan3A_28 = arith.constant 0 : i32
    %scan3A_29 = arith.constant 512 : i32
    %scan3A_30 = arith.addi %scan3A_28, %scan3A_29 : i32
    %scan3A_31 = arith.constant 1 : i32
    scf.for %scan3A_66 = %scan3A_28 to %scan3A_30 step %scan3A_31  : i32 {
      %mul3A_67 = arith.constant 16 : i32
      %mul3A_68 = arith.muli %scan3A_66, %mul3A_67 : i32
      %swap3A = arith.index_cast %mul3A_68 : i32 to index
      %swap3A_69 = tpu.vector_load %arg8[%swap3A] {strides = array<i32>} : memref<8192xf32, #tpu.memory_space<vmem>>, vector<16xf32>,
      tpu.vector_store %arg8[%swap3A], %broadcast_in_dim3A_26 {strides = array<i32>} : memref<8192xf32, #tpu.memory_space<vmem>>, vector<16xf32>,
    }
    %scan3A_32 = arith.constant 512 : i32
    %scan3A_33 = arith.constant 0 : i32
    %scan3A_34 = arith.constant 0 : i32
    %scan3A_35 = arith.constant 200 : i32
    %scan3A_36 = arith.addi %scan3A_34, %scan3A_35 : i32
    %scan3A_37 = arith.constant 1 : i32
    scf.for %scan3A_66 = %scan3A_34 to %scan3A_36 step %scan3A_37  : i32 {
      %mul3A_67 = arith.constant 16 : i32
      %mul3A_68 = arith.muli %scan3A_66, %mul3A_67 : i32
      %get3A = arith.index_cast %mul3A_68 : i32 to index
      %get3A_69 = tpu.vector_load %arg6[%get3A] {strides = array<i32>} : memref<3200xf32, #tpu.memory_space<vmem>>, vector<16xf32>,
      %mul3A_70 = arith.constant 16 : i32
      %mul3A_71 = arith.muli %scan3A_66, %mul3A_70 : i32
      %get3A_72 = arith.index_cast %mul3A_71 : i32 to index
      %get3A_73 = tpu.vector_load %arg7[%get3A_72] {strides = array<i32>} : memref<3200xi32, #tpu.memory_space<vmem>>, vector<16xi32>,
      %gather3A = tpu.vector_load_idx %arg9[%get3A_73] : memref<512xf32, #tpu.memory_space<vmem>>[vector<16xi32>], vector<16xf32>,
      %sub3A = arith.subf %get3A_69, %gather3A : vector<16xf32>
      %exp3A = math.exp %sub3A : vector<16xf32>
      %mul3A_74 = arith.constant 16 : i32
      %mul3A_75 = vector.broadcast %mul3A_74 : i32 to vector<16xi32>
      %mul3A_76 = arith.muli %get3A_73, %mul3A_75 : vector<16xi32>
      %add3A_77 = arith.addi %mul3A_76, %iota3A : vector<16xi32>
      tpu.vector_store_idx %arg8[%add3A_77], %exp3A {add = true} : memref<8192xf32, #tpu.memory_space<vmem>>[vector<16xi32>], vector<16xf32>,
    }
    %scan3A_38 = arith.constant 200 : i32
    %scan3A_39 = arith.constant 0 : i32
    %scan3A_40 = arith.constant 0 : i32
    %scan3A_41 = arith.constant 32 : i32
    %scan3A_42 = arith.addi %scan3A_40, %scan3A_41 : i32
    %scan3A_43 = arith.constant 1 : i32
    scf.for %scan3A_66 = %scan3A_40 to %scan3A_42 step %scan3A_43  : i32 {
      %mul3A_67 = arith.constant 16 : i32
      %mul3A_68 = arith.muli %scan3A_66, %mul3A_67 : i32
      %add3A_69 = vector.broadcast %mul3A_68 : i32 to vector<16xi32>
      %add3A_70 = arith.addi %add3A_69, %iota3A : vector<16xi32>
      %mul3A_71 = arith.constant 16 : i32
      %mul3A_72 = vector.broadcast %mul3A_71 : i32 to vector<16xi32>
      %mul3A_73 = arith.muli %add3A_70, %mul3A_72 : vector<16xi32>
      %gather3A = tpu.vector_load_idx %arg8[%mul3A_73] : memref<8192xf32, #tpu.memory_space<vmem>>[vector<16xi32>], vector<16xf32>,
      %add3A_74 = arith.constant 1 : i32
      %add3A_75 = vector.broadcast %add3A_74 : i32 to vector<16xi32>
      %add3A_76 = arith.addi %mul3A_73, %add3A_75 : vector<16xi32>
      %gather3A_77 = tpu.vector_load_idx %arg8[%add3A_76] : memref<8192xf32, #tpu.memory_space<vmem>>[vector<16xi32>], vector<16xf32>,
      %add3A_78 = arith.addf %gather3A, %gather3A_77 : vector<16xf32>
      %add3A_79 = arith.constant 2 : i32
      %add3A_80 = vector.broadcast %add3A_79 : i32 to vector<16xi32>
      %add3A_81 = arith.addi %mul3A_73, %add3A_80 : vector<16xi32>
      %gather3A_82 = tpu.vector_load_idx %arg8[%add3A_81] : memref<8192xf32, #tpu.memory_space<vmem>>[vector<16xi32>], vector<16xf32>,
      %add3A_83 = arith.addf %add3A_78, %gather3A_82 : vector<16xf32>
      %add3A_84 = arith.constant 3 : i32
      %add3A_85 = vector.broadcast %add3A_84 : i32 to vector<16xi32>
      %add3A_86 = arith.addi %mul3A_73, %add3A_85 : vector<16xi32>
      %gather3A_87 = tpu.vector_load_idx %arg8[%add3A_86] : memref<8192xf32, #tpu.memory_space<vmem>>[vector<16xi32>], vector<16xf32>,
      %add3A_88 = arith.addf %add3A_83, %gather3A_87 : vector<16xf32>
      %add3A_89 = arith.constant 4 : i32
      %add3A_90 = vector.broadcast %add3A_89 : i32 to vector<16xi32>
      %add3A_91 = arith.addi %mul3A_73, %add3A_90 : vector<16xi32>
      %gather3A_92 = tpu.vector_load_idx %arg8[%add3A_91] : memref<8192xf32, #tpu.memory_space<vmem>>[vector<16xi32>], vector<16xf32>,
      %add3A_93 = arith.addf %add3A_88, %gather3A_92 : vector<16xf32>
      %add3A_94 = arith.constant 5 : i32
      %add3A_95 = vector.broadcast %add3A_94 : i32 to vector<16xi32>
      %add3A_96 = arith.addi %mul3A_73, %add3A_95 : vector<16xi32>
      %gather3A_97 = tpu.vector_load_idx %arg8[%add3A_96] : memref<8192xf32, #tpu.memory_space<vmem>>[vector<16xi32>], vector<16xf32>,
      %add3A_98 = arith.addf %add3A_93, %gather3A_97 : vector<16xf32>
      %add3A_99 = arith.constant 6 : i32
      %add3A_100 = vector.broadcast %add3A_99 : i32 to vector<16xi32>
      %add3A_101 = arith.addi %mul3A_73, %add3A_100 : vector<16xi32>
      %gather3A_102 = tpu.vector_load_idx %arg8[%add3A_101] : memref<8192xf32, #tpu.memory_space<vmem>>[vector<16xi32>], vector<16xf32>,
      %add3A_103 = arith.addf %add3A_98, %gather3A_102 : vector<16xf32>
      %add3A_104 = arith.constant 7 : i32
      %add3A_105 = vector.broadcast %add3A_104 : i32 to vector<16xi32>
      %add3A_106 = arith.addi %mul3A_73, %add3A_105 : vector<16xi32>
      %gather3A_107 = tpu.vector_load_idx %arg8[%add3A_106] : memref<8192xf32, #tpu.memory_space<vmem>>[vector<16xi32>], vector<16xf32>,
      %add3A_108 = arith.addf %add3A_103, %gather3A_107 : vector<16xf32>
      %add3A_109 = arith.constant 8 : i32
      %add3A_110 = vector.broadcast %add3A_109 : i32 to vector<16xi32>
      %add3A_111 = arith.addi %mul3A_73, %add3A_110 : vector<16xi32>
      %gather3A_112 = tpu.vector_load_idx %arg8[%add3A_111] : memref<8192xf32, #tpu.memory_space<vmem>>[vector<16xi32>], vector<16xf32>,
      %add3A_113 = arith.addf %add3A_108, %gather3A_112 : vector<16xf32>
      %add3A_114 = arith.constant 9 : i32
      %add3A_115 = vector.broadcast %add3A_114 : i32 to vector<16xi32>
      %add3A_116 = arith.addi %mul3A_73, %add3A_115 : vector<16xi32>
      %gather3A_117 = tpu.vector_load_idx %arg8[%add3A_116] : memref<8192xf32, #tpu.memory_space<vmem>>[vector<16xi32>], vector<16xf32>,
      %add3A_118 = arith.addf %add3A_113, %gather3A_117 : vector<16xf32>
      %add3A_119 = arith.constant 10 : i32
      %add3A_120 = vector.broadcast %add3A_119 : i32 to vector<16xi32>
      %add3A_121 = arith.addi %mul3A_73, %add3A_120 : vector<16xi32>
      %gather3A_122 = tpu.vector_load_idx %arg8[%add3A_121] : memref<8192xf32, #tpu.memory_space<vmem>>[vector<16xi32>], vector<16xf32>,
      %add3A_123 = arith.addf %add3A_118, %gather3A_122 : vector<16xf32>
      %add3A_124 = arith.constant 11 : i32
      %add3A_125 = vector.broadcast %add3A_124 : i32 to vector<16xi32>
      %add3A_126 = arith.addi %mul3A_73, %add3A_125 : vector<16xi32>
      %gather3A_127 = tpu.vector_load_idx %arg8[%add3A_126] : memref<8192xf32, #tpu.memory_space<vmem>>[vector<16xi32>], vector<16xf32>,
      %add3A_128 = arith.addf %add3A_123, %gather3A_127 : vector<16xf32>
      %add3A_129 = arith.constant 12 : i32
      %add3A_130 = vector.broadcast %add3A_129 : i32 to vector<16xi32>
      %add3A_131 = arith.addi %mul3A_73, %add3A_130 : vector<16xi32>
      %gather3A_132 = tpu.vector_load_idx %arg8[%add3A_131] : memref<8192xf32, #tpu.memory_space<vmem>>[vector<16xi32>], vector<16xf32>,
      %add3A_133 = arith.addf %add3A_128, %gather3A_132 : vector<16xf32>
      %add3A_134 = arith.constant 13 : i32
      %add3A_135 = vector.broadcast %add3A_134 : i32 to vector<16xi32>
      %add3A_136 = arith.addi %mul3A_73, %add3A_135 : vector<16xi32>
      %gather3A_137 = tpu.vector_load_idx %arg8[%add3A_136] : memref<8192xf32, #tpu.memory_space<vmem>>[vector<16xi32>], vector<16xf32>,
      %add3A_138 = arith.addf %add3A_133, %gather3A_137 : vector<16xf32>
      %add3A_139 = arith.constant 14 : i32
      %add3A_140 = vector.broadcast %add3A_139 : i32 to vector<16xi32>
      %add3A_141 = arith.addi %mul3A_73, %add3A_140 : vector<16xi32>
      %gather3A_142 = tpu.vector_load_idx %arg8[%add3A_141] : memref<8192xf32, #tpu.memory_space<vmem>>[vector<16xi32>], vector<16xf32>,
      %add3A_143 = arith.addf %add3A_138, %gather3A_142 : vector<16xf32>
      %add3A_144 = arith.constant 15 : i32
      %add3A_145 = vector.broadcast %add3A_144 : i32 to vector<16xi32>
      %add3A_146 = arith.addi %mul3A_73, %add3A_145 : vector<16xi32>
      %gather3A_147 = tpu.vector_load_idx %arg8[%add3A_146] : memref<8192xf32, #tpu.memory_space<vmem>>[vector<16xi32>], vector<16xf32>,
      %add3A_148 = arith.addf %add3A_143, %gather3A_147 : vector<16xf32>
      %mul3A_149 = arith.constant 16 : i32
      %mul3A_150 = arith.muli %scan3A_66, %mul3A_149 : i32
      %swap3A = arith.index_cast %mul3A_150 : i32 to index
      %swap3A_151 = tpu.vector_load %arg10[%swap3A] {strides = array<i32>} : memref<512xf32, #tpu.memory_space<vmem>>, vector<16xf32>,
      tpu.vector_store %arg10[%swap3A], %add3A_148 {strides = array<i32>} : memref<512xf32, #tpu.memory_space<vmem>>, vector<16xf32>,
    }
    %scan3A_44 = arith.constant 32 : i32
    "tpu.region"() ({
      %run_scoped3A = tpu.sem_alloc : memref<!tpu.dma_semaphore, #tpu.memory_space<semaphore_mem>>
      %dma_start3A = arith.constant 0 : i32
      %dma_start3A_66 = tpu.memref_slice %arg14[%arg1, %dma_start3A] : memref<16x512xf32, #tpu.memory_space<vmem_shared>> -> memref<1x512xf32, #tpu.memory_space<vmem_shared>>
      %dma_start3A_67 = tpu.memref_squeeze %dma_start3A_66 : memref<1x512xf32, #tpu.memory_space<vmem_shared>> -> memref<512xf32, #tpu.memory_space<vmem_shared>>
      %dma_start3A_68 = arith.constant 0 : i32
      %dma_start3A_69 = tpu.memref_slice %arg14[%arg1, %dma_start3A_68] : memref<16x512xf32, #tpu.memory_space<vmem_shared>> -> memref<1x512xf32, #tpu.memory_space<vmem_shared>>
      %dma_start3A_70 = tpu.memref_squeeze %dma_start3A_69 : memref<1x512xf32, #tpu.memory_space<vmem_shared>> -> memref<512xf32, #tpu.memory_space<vmem_shared>>
      tpu.enqueue_dma source(%arg10 : memref<512xf32, #tpu.memory_space<vmem>>) target(%dma_start3A_70 : memref<512xf32, #tpu.memory_space<vmem_shared>>) target_semaphore(%run_scoped3A : memref<!tpu.dma_semaphore, #tpu.memory_space<semaphore_mem>>)
      %dma_wait3A = arith.constant 0 : i32
      %dma_wait3A_71 = tpu.memref_slice %arg14[%arg1, %dma_wait3A] : memref<16x512xf32, #tpu.memory_space<vmem_shared>> -> memref<1x512xf32, #tpu.memory_space<vmem_shared>>
      %dma_wait3A_72 = tpu.memref_squeeze %dma_wait3A_71 : memref<1x512xf32, #tpu.memory_space<vmem_shared>> -> memref<512xf32, #tpu.memory_space<vmem_shared>>
      %dma_wait3A_73 = arith.constant 0 : i32
      %dma_wait3A_74 = tpu.memref_slice %arg14[%arg1, %dma_wait3A_73] : memref<16x512xf32, #tpu.memory_space<vmem_shared>> -> memref<1x512xf32, #tpu.memory_space<vmem_shared>>
      %dma_wait3A_75 = tpu.memref_squeeze %dma_wait3A_74 : memref<1x512xf32, #tpu.memory_space<vmem_shared>> -> memref<512xf32, #tpu.memory_space<vmem_shared>>
      tpu.wait_dma2 semaphore(%run_scoped3A : memref<!tpu.dma_semaphore, #tpu.memory_space<semaphore_mem>>) src(%arg10 : memref<512xf32, #tpu.memory_space<vmem>>) dst(%dma_wait3A_75 : memref<512xf32, #tpu.memory_space<vmem_shared>>)
      tpu.yield
    }) : () -> ()
    %barrier3A_45 = arith.constant 0 : index
    tpu.barrier barrier_id(%barrier3A_45)
    "tpu.region"() ({
      %run_scoped3A = tpu.sem_alloc : memref<!tpu.dma_semaphore, #tpu.memory_space<semaphore_mem>>
      tpu.enqueue_dma source(%arg14 : memref<16x512xf32, #tpu.memory_space<vmem_shared>>) target(%arg11 : memref<16x512xf32, #tpu.memory_space<vmem>>) target_semaphore(%run_scoped3A : memref<!tpu.dma_semaphore, #tpu.memory_space<semaphore_mem>>)
      tpu.wait_dma2 semaphore(%run_scoped3A : memref<!tpu.dma_semaphore, #tpu.memory_space<semaphore_mem>>) src(%arg14 : memref<16x512xf32, #tpu.memory_space<vmem_shared>>) dst(%arg11 : memref<16x512xf32, #tpu.memory_space<vmem>>)
      tpu.yield
    }) : () -> ()
    %scan3A_46 = arith.constant 0 : i32
    %scan3A_47 = arith.constant 0 : i32
    %scan3A_48 = arith.constant 32 : i32
    %scan3A_49 = arith.addi %scan3A_47, %scan3A_48 : i32
    %scan3A_50 = arith.constant 1 : i32
    scf.for %scan3A_66 = %scan3A_47 to %scan3A_49 step %scan3A_50  : i32 {
      %mul3A_67 = arith.constant 16 : i32
      %mul3A_68 = arith.muli %scan3A_66, %mul3A_67 : i32
      %get3A = arith.constant 0 : i32
      %get3A_69 = arith.index_cast %get3A : i32 to index
      %get3A_70 = arith.index_cast %mul3A_68 : i32 to index
      %get3A_71 = tpu.vector_load %arg11[%get3A_69, %get3A_70] {strides = array<i32>} : memref<16x512xf32, #tpu.memory_space<vmem>>, vector<16xf32>,
      %mul3A_72 = arith.constant 16 : i32
      %mul3A_73 = arith.muli %scan3A_66, %mul3A_72 : i32
      %get3A_74 = arith.constant 1 : i32
      %get3A_75 = arith.index_cast %get3A_74 : i32 to index
      %get3A_76 = arith.index_cast %mul3A_73 : i32 to index
      %get3A_77 = tpu.vector_load %arg11[%get3A_75, %get3A_76] {strides = array<i32>} : memref<16x512xf32, #tpu.memory_space<vmem>>, vector<16xf32>,
      %add3A_78 = arith.addf %get3A_71, %get3A_77 : vector<16xf32>
      %mul3A_79 = arith.constant 16 : i32
      %mul3A_80 = arith.muli %scan3A_66, %mul3A_79 : i32
      %get3A_81 = arith.constant 2 : i32
      %get3A_82 = arith.index_cast %get3A_81 : i32 to index
      %get3A_83 = arith.index_cast %mul3A_80 : i32 to index
      %get3A_84 = tpu.vector_load %arg11[%get3A_82, %get3A_83] {strides = array<i32>} : memref<16x512xf32, #tpu.memory_space<vmem>>, vector<16xf32>,
      %add3A_85 = arith.addf %add3A_78, %get3A_84 : vector<16xf32>
      %mul3A_86 = arith.constant 16 : i32
      %mul3A_87 = arith.muli %scan3A_66, %mul3A_86 : i32
      %get3A_88 = arith.constant 3 : i32
      %get3A_89 = arith.index_cast %get3A_88 : i32 to index
      %get3A_90 = arith.index_cast %mul3A_87 : i32 to index
      %get3A_91 = tpu.vector_load %arg11[%get3A_89, %get3A_90] {strides = array<i32>} : memref<16x512xf32, #tpu.memory_space<vmem>>, vector<16xf32>,
      %add3A_92 = arith.addf %add3A_85, %get3A_91 : vector<16xf32>
      %mul3A_93 = arith.constant 16 : i32
      %mul3A_94 = arith.muli %scan3A_66, %mul3A_93 : i32
      %get3A_95 = arith.constant 4 : i32
      %get3A_96 = arith.index_cast %get3A_95 : i32 to index
      %get3A_97 = arith.index_cast %mul3A_94 : i32 to index
      %get3A_98 = tpu.vector_load %arg11[%get3A_96, %get3A_97] {strides = array<i32>} : memref<16x512xf32, #tpu.memory_space<vmem>>, vector<16xf32>,
      %add3A_99 = arith.addf %add3A_92, %get3A_98 : vector<16xf32>
      %mul3A_100 = arith.constant 16 : i32
      %mul3A_101 = arith.muli %scan3A_66, %mul3A_100 : i32
      %get3A_102 = arith.constant 5 : i32
      %get3A_103 = arith.index_cast %get3A_102 : i32 to index
      %get3A_104 = arith.index_cast %mul3A_101 : i32 to index
      %get3A_105 = tpu.vector_load %arg11[%get3A_103, %get3A_104] {strides = array<i32>} : memref<16x512xf32, #tpu.memory_space<vmem>>, vector<16xf32>,
      %add3A_106 = arith.addf %add3A_99, %get3A_105 : vector<16xf32>
      %mul3A_107 = arith.constant 16 : i32
      %mul3A_108 = arith.muli %scan3A_66, %mul3A_107 : i32
      %get3A_109 = arith.constant 6 : i32
      %get3A_110 = arith.index_cast %get3A_109 : i32 to index
      %get3A_111 = arith.index_cast %mul3A_108 : i32 to index
      %get3A_112 = tpu.vector_load %arg11[%get3A_110, %get3A_111] {strides = array<i32>} : memref<16x512xf32, #tpu.memory_space<vmem>>, vector<16xf32>,
      %add3A_113 = arith.addf %add3A_106, %get3A_112 : vector<16xf32>
      %mul3A_114 = arith.constant 16 : i32
      %mul3A_115 = arith.muli %scan3A_66, %mul3A_114 : i32
      %get3A_116 = arith.constant 7 : i32
      %get3A_117 = arith.index_cast %get3A_116 : i32 to index
      %get3A_118 = arith.index_cast %mul3A_115 : i32 to index
      %get3A_119 = tpu.vector_load %arg11[%get3A_117, %get3A_118] {strides = array<i32>} : memref<16x512xf32, #tpu.memory_space<vmem>>, vector<16xf32>,
      %add3A_120 = arith.addf %add3A_113, %get3A_119 : vector<16xf32>
      %mul3A_121 = arith.constant 16 : i32
      %mul3A_122 = arith.muli %scan3A_66, %mul3A_121 : i32
      %get3A_123 = arith.constant 8 : i32
      %get3A_124 = arith.index_cast %get3A_123 : i32 to index
      %get3A_125 = arith.index_cast %mul3A_122 : i32 to index
      %get3A_126 = tpu.vector_load %arg11[%get3A_124, %get3A_125] {strides = array<i32>} : memref<16x512xf32, #tpu.memory_space<vmem>>, vector<16xf32>,
      %add3A_127 = arith.addf %add3A_120, %get3A_126 : vector<16xf32>
      %mul3A_128 = arith.constant 16 : i32
      %mul3A_129 = arith.muli %scan3A_66, %mul3A_128 : i32
      %get3A_130 = arith.constant 9 : i32
      %get3A_131 = arith.index_cast %get3A_130 : i32 to index
      %get3A_132 = arith.index_cast %mul3A_129 : i32 to index
      %get3A_133 = tpu.vector_load %arg11[%get3A_131, %get3A_132] {strides = array<i32>} : memref<16x512xf32, #tpu.memory_space<vmem>>, vector<16xf32>,
      %add3A_134 = arith.addf %add3A_127, %get3A_133 : vector<16xf32>
      %mul3A_135 = arith.constant 16 : i32
      %mul3A_136 = arith.muli %scan3A_66, %mul3A_135 : i32
      %get3A_137 = arith.constant 10 : i32
      %get3A_138 = arith.index_cast %get3A_137 : i32 to index
      %get3A_139 = arith.index_cast %mul3A_136 : i32 to index
      %get3A_140 = tpu.vector_load %arg11[%get3A_138, %get3A_139] {strides = array<i32>} : memref<16x512xf32, #tpu.memory_space<vmem>>, vector<16xf32>,
      %add3A_141 = arith.addf %add3A_134, %get3A_140 : vector<16xf32>
      %mul3A_142 = arith.constant 16 : i32
      %mul3A_143 = arith.muli %scan3A_66, %mul3A_142 : i32
      %get3A_144 = arith.constant 11 : i32
      %get3A_145 = arith.index_cast %get3A_144 : i32 to index
      %get3A_146 = arith.index_cast %mul3A_143 : i32 to index
      %get3A_147 = tpu.vector_load %arg11[%get3A_145, %get3A_146] {strides = array<i32>} : memref<16x512xf32, #tpu.memory_space<vmem>>, vector<16xf32>,
      %add3A_148 = arith.addf %add3A_141, %get3A_147 : vector<16xf32>
      %mul3A_149 = arith.constant 16 : i32
      %mul3A_150 = arith.muli %scan3A_66, %mul3A_149 : i32
      %get3A_151 = arith.constant 12 : i32
      %get3A_152 = arith.index_cast %get3A_151 : i32 to index
      %get3A_153 = arith.index_cast %mul3A_150 : i32 to index
      %get3A_154 = tpu.vector_load %arg11[%get3A_152, %get3A_153] {strides = array<i32>} : memref<16x512xf32, #tpu.memory_space<vmem>>, vector<16xf32>,
      %add3A_155 = arith.addf %add3A_148, %get3A_154 : vector<16xf32>
      %mul3A_156 = arith.constant 16 : i32
      %mul3A_157 = arith.muli %scan3A_66, %mul3A_156 : i32
      %get3A_158 = arith.constant 13 : i32
      %get3A_159 = arith.index_cast %get3A_158 : i32 to index
      %get3A_160 = arith.index_cast %mul3A_157 : i32 to index
      %get3A_161 = tpu.vector_load %arg11[%get3A_159, %get3A_160] {strides = array<i32>} : memref<16x512xf32, #tpu.memory_space<vmem>>, vector<16xf32>,
      %add3A_162 = arith.addf %add3A_155, %get3A_161 : vector<16xf32>
      %mul3A_163 = arith.constant 16 : i32
      %mul3A_164 = arith.muli %scan3A_66, %mul3A_163 : i32
      %get3A_165 = arith.constant 14 : i32
      %get3A_166 = arith.index_cast %get3A_165 : i32 to index
      %get3A_167 = arith.index_cast %mul3A_164 : i32 to index
      %get3A_168 = tpu.vector_load %arg11[%get3A_166, %get3A_167] {strides = array<i32>} : memref<16x512xf32, #tpu.memory_space<vmem>>, vector<16xf32>,
      %add3A_169 = arith.addf %add3A_162, %get3A_168 : vector<16xf32>
      %mul3A_170 = arith.constant 16 : i32
      %mul3A_171 = arith.muli %scan3A_66, %mul3A_170 : i32
      %get3A_172 = arith.constant 15 : i32
      %get3A_173 = arith.index_cast %get3A_172 : i32 to index
      %get3A_174 = arith.index_cast %mul3A_171 : i32 to index
      %get3A_175 = tpu.vector_load %arg11[%get3A_173, %get3A_174] {strides = array<i32>} : memref<16x512xf32, #tpu.memory_space<vmem>>, vector<16xf32>,
      %add3A_176 = arith.addf %add3A_169, %get3A_175 : vector<16xf32>
      %mul3A_177 = arith.constant 16 : i32
      %mul3A_178 = arith.muli %scan3A_66, %mul3A_177 : i32
      %swap3A = arith.index_cast %mul3A_178 : i32 to index
      %swap3A_179 = tpu.vector_load %arg10[%swap3A] {strides = array<i32>} : memref<512xf32, #tpu.memory_space<vmem>>, vector<16xf32>,
      tpu.vector_store %arg10[%swap3A], %add3A_176 {strides = array<i32>} : memref<512xf32, #tpu.memory_space<vmem>>, vector<16xf32>,
    }
    %scan3A_51 = arith.constant 32 : i32
    %eq3A = arith.constant 0 : i32
    %eq3A_52 = arith.cmpi eq, %arg0, %eq3A : i32
    %eq3A_53 = arith.constant 0 : i32
    %eq3A_54 = arith.cmpi eq, %arg1, %eq3A_53 : i32
    %and3A = arith.andi %eq3A_52, %eq3A_54 : i1
    %convert_element_type3A = arith.extui %and3A : i1 to i32
    %cond3A = arith.constant 0 : i32
    %cond3A_55 = arith.cmpi ne, %convert_element_type3A, %cond3A : i32
    scf.if %cond3A_55 {
      "tpu.region"() ({
        %run_scoped3A = tpu.sem_alloc : memref<!tpu.dma_semaphore, #tpu.memory_space<semaphore_mem>>
        tpu.enqueue_dma source(%arg10 : memref<512xf32, #tpu.memory_space<vmem>>) target(%arg5 : memref<512xf32, #tpu.memory_space<hbm>>) target_semaphore(%run_scoped3A : memref<!tpu.dma_semaphore, #tpu.memory_space<semaphore_mem>>)
        tpu.wait_dma2 semaphore(%run_scoped3A : memref<!tpu.dma_semaphore, #tpu.memory_space<semaphore_mem>>) src(%arg10 : memref<512xf32, #tpu.memory_space<vmem>>) dst(%arg5 : memref<512xf32, #tpu.memory_space<hbm>>)
        tpu.yield
      }) : () -> ()
    } else {
    }
    %mul3A_56 = arith.constant 16 : i32
    %mul3A_57 = arith.muli %arg0, %mul3A_56 : i32
    %add3A = arith.addi %mul3A_57, %arg1 : i32
    %mul3A_58 = arith.constant 1600 : i32
    %mul3A_59 = arith.muli %add3A, %mul3A_58 : i32
    "tpu.region"() ({
      %run_scoped3A = tpu.sem_alloc : memref<!tpu.dma_semaphore, #tpu.memory_space<semaphore_mem>>
      %dma_start3A = arith.constant 0 : i32
      %dma_start3A_66 = tpu.memref_slice %arg6[%dma_start3A] : memref<3200xf32, #tpu.memory_space<vmem>> -> memref<1600xf32, #tpu.memory_space<vmem>>
      %dma_start3A_67 = tpu.memref_slice %arg2[%mul3A_59] : memref<51200xf32, #tpu.memory_space<hbm>> -> memref<1600xf32, #tpu.memory_space<hbm>>
      %dma_start3A_68 = arith.constant 0 : i32
      %dma_start3A_69 = tpu.memref_slice %arg6[%dma_start3A_68] : memref<3200xf32, #tpu.memory_space<vmem>> -> memref<1600xf32, #tpu.memory_space<vmem>>
      %dma_start3A_70 = tpu.memref_slice %arg2[%mul3A_59] : memref<51200xf32, #tpu.memory_space<hbm>> -> memref<1600xf32, #tpu.memory_space<hbm>>
      tpu.enqueue_dma source(%dma_start3A_70 : memref<1600xf32, #tpu.memory_space<hbm>>) target(%dma_start3A_69 : memref<1600xf32, #tpu.memory_space<vmem>>) target_semaphore(%run_scoped3A : memref<!tpu.dma_semaphore, #tpu.memory_space<semaphore_mem>>)
      %dma_wait3A = arith.constant 0 : i32
      %dma_wait3A_71 = tpu.memref_slice %arg6[%dma_wait3A] : memref<3200xf32, #tpu.memory_space<vmem>> -> memref<1600xf32, #tpu.memory_space<vmem>>
      %dma_wait3A_72 = tpu.memref_slice %arg2[%mul3A_59] : memref<51200xf32, #tpu.memory_space<hbm>> -> memref<1600xf32, #tpu.memory_space<hbm>>
      %dma_wait3A_73 = arith.constant 0 : i32
      %dma_wait3A_74 = tpu.memref_slice %arg6[%dma_wait3A_73] : memref<3200xf32, #tpu.memory_space<vmem>> -> memref<1600xf32, #tpu.memory_space<vmem>>
      %dma_wait3A_75 = tpu.memref_slice %arg2[%mul3A_59] : memref<51200xf32, #tpu.memory_space<hbm>> -> memref<1600xf32, #tpu.memory_space<hbm>>
      tpu.wait_dma2 semaphore(%run_scoped3A : memref<!tpu.dma_semaphore, #tpu.memory_space<semaphore_mem>>) src(%dma_wait3A_75 : memref<1600xf32, #tpu.memory_space<hbm>>) dst(%dma_wait3A_74 : memref<1600xf32, #tpu.memory_space<vmem>>)
      tpu.yield
    }) : () -> ()
    "tpu.region"() ({
      %run_scoped3A = tpu.sem_alloc : memref<!tpu.dma_semaphore, #tpu.memory_space<semaphore_mem>>
      %dma_start3A = arith.constant 0 : i32
      %dma_start3A_66 = tpu.memref_slice %arg7[%dma_start3A] : memref<3200xi32, #tpu.memory_space<vmem>> -> memref<1600xi32, #tpu.memory_space<vmem>>
      %dma_start3A_67 = tpu.memref_slice %arg3[%mul3A_59] : memref<51200xi32, #tpu.memory_space<hbm>> -> memref<1600xi32, #tpu.memory_space<hbm>>
      %dma_start3A_68 = arith.constant 0 : i32
      %dma_start3A_69 = tpu.memref_slice %arg7[%dma_start3A_68] : memref<3200xi32, #tpu.memory_space<vmem>> -> memref<1600xi32, #tpu.memory_space<vmem>>
      %dma_start3A_70 = tpu.memref_slice %arg3[%mul3A_59] : memref<51200xi32, #tpu.memory_space<hbm>> -> memref<1600xi32, #tpu.memory_space<hbm>>
      tpu.enqueue_dma source(%dma_start3A_70 : memref<1600xi32, #tpu.memory_space<hbm>>) target(%dma_start3A_69 : memref<1600xi32, #tpu.memory_space<vmem>>) target_semaphore(%run_scoped3A : memref<!tpu.dma_semaphore, #tpu.memory_space<semaphore_mem>>)
      %dma_wait3A = arith.constant 0 : i32
      %dma_wait3A_71 = tpu.memref_slice %arg7[%dma_wait3A] : memref<3200xi32, #tpu.memory_space<vmem>> -> memref<1600xi32, #tpu.memory_space<vmem>>
      %dma_wait3A_72 = tpu.memref_slice %arg3[%mul3A_59] : memref<51200xi32, #tpu.memory_space<hbm>> -> memref<1600xi32, #tpu.memory_space<hbm>>
      %dma_wait3A_73 = arith.constant 0 : i32
      %dma_wait3A_74 = tpu.memref_slice %arg7[%dma_wait3A_73] : memref<3200xi32, #tpu.memory_space<vmem>> -> memref<1600xi32, #tpu.memory_space<vmem>>
      %dma_wait3A_75 = tpu.memref_slice %arg3[%mul3A_59] : memref<51200xi32, #tpu.memory_space<hbm>> -> memref<1600xi32, #tpu.memory_space<hbm>>
      tpu.wait_dma2 semaphore(%run_scoped3A : memref<!tpu.dma_semaphore, #tpu.memory_space<semaphore_mem>>) src(%dma_wait3A_75 : memref<1600xi32, #tpu.memory_space<hbm>>) dst(%dma_wait3A_74 : memref<1600xi32, #tpu.memory_space<vmem>>)
      tpu.yield
    }) : () -> ()
    %scan3A_60 = arith.constant 0 : i32
    %scan3A_61 = arith.constant 0 : i32
    %scan3A_62 = arith.constant 100 : i32
    %scan3A_63 = arith.addi %scan3A_61, %scan3A_62 : i32
    %scan3A_64 = arith.constant 1 : i32
    scf.for %scan3A_66 = %scan3A_61 to %scan3A_63 step %scan3A_64  : i32 {
      %mul3A_67 = arith.constant 16 : i32
      %mul3A_68 = arith.muli %scan3A_66, %mul3A_67 : i32
      %get3A = arith.index_cast %mul3A_68 : i32 to index
      %get3A_69 = tpu.vector_load %arg6[%get3A] {strides = array<i32>} : memref<3200xf32, #tpu.memory_space<vmem>>, vector<16xf32>,
      %mul3A_70 = arith.constant 16 : i32
      %mul3A_71 = arith.muli %scan3A_66, %mul3A_70 : i32
      %get3A_72 = arith.index_cast %mul3A_71 : i32 to index
      %get3A_73 = tpu.vector_load %arg7[%get3A_72] {strides = array<i32>} : memref<3200xi32, #tpu.memory_space<vmem>>, vector<16xi32>,
      %gather3A = tpu.vector_load_idx %arg9[%get3A_73] : memref<512xf32, #tpu.memory_space<vmem>>[vector<16xi32>], vector<16xf32>,
      %gather3A_74 = tpu.vector_load_idx %arg10[%get3A_73] : memref<512xf32, #tpu.memory_space<vmem>>[vector<16xi32>], vector<16xf32>,
      %add3A_75 = arith.constant 1.000000e-16 : f32
      %add3A_76 = vector.broadcast %add3A_75 : f32 to vector<16xf32>
      %add3A_77 = arith.addf %gather3A_74, %add3A_76 : vector<16xf32>
      %sub3A = arith.subf %get3A_69, %gather3A : vector<16xf32>
      %exp3A = math.exp %sub3A : vector<16xf32>
      %div3A = arith.divf %exp3A, %add3A_77 : vector<16xf32>
      %mul3A_78 = arith.constant 16 : i32
      %mul3A_79 = arith.muli %scan3A_66, %mul3A_78 : i32
      %swap3A = arith.index_cast %mul3A_79 : i32 to index
      %swap3A_80 = tpu.vector_load %arg12[%swap3A] {strides = array<i32>} : memref<1600xf32, #tpu.memory_space<vmem>>, vector<16xf32>,
      tpu.vector_store %arg12[%swap3A], %div3A {strides = array<i32>} : memref<1600xf32, #tpu.memory_space<vmem>>, vector<16xf32>,
    }
    %scan3A_65 = arith.constant 100 : i32
    "tpu.region"() ({
      %run_scoped3A = tpu.sem_alloc : memref<!tpu.dma_semaphore, #tpu.memory_space<semaphore_mem>>
      %dma_start3A = tpu.memref_slice %arg4[%mul3A_59] : memref<51200xf32, #tpu.memory_space<hbm>> -> memref<1600xf32, #tpu.memory_space<hbm>>
      %dma_start3A_66 = tpu.memref_slice %arg4[%mul3A_59] : memref<51200xf32, #tpu.memory_space<hbm>> -> memref<1600xf32, #tpu.memory_space<hbm>>
      tpu.enqueue_dma source(%arg12 : memref<1600xf32, #tpu.memory_space<vmem>>) target(%dma_start3A_66 : memref<1600xf32, #tpu.memory_space<hbm>>) target_semaphore(%run_scoped3A : memref<!tpu.dma_semaphore, #tpu.memory_space<semaphore_mem>>)
      %dma_wait3A = tpu.memref_slice %arg4[%mul3A_59] : memref<51200xf32, #tpu.memory_space<hbm>> -> memref<1600xf32, #tpu.memory_space<hbm>>
      %dma_wait3A_67 = tpu.memref_slice %arg4[%mul3A_59] : memref<51200xf32, #tpu.memory_space<hbm>> -> memref<1600xf32, #tpu.memory_space<hbm>>
      tpu.wait_dma2 semaphore(%run_scoped3A : memref<!tpu.dma_semaphore, #tpu.memory_space<semaphore_mem>>) src(%arg12 : memref<1600xf32, #tpu.memory_space<vmem>>) dst(%dma_wait3A_67 : memref<1600xf32, #tpu.memory_space<hbm>>)
      tpu.yield
    }) : () -> ()
    return
  }
}

module attributes {stable_mosaic.version = 14 : i64} {
  func.func @_gate_body(%arg0: i32, %arg1: memref<2000x512xf32, #tpu.memory_space<vmem>>, %arg2: memref<512x1xf32, #tpu.memory_space<vmem>>, %arg3: memref<1x1xf32, #tpu.memory_space<vmem>>, %arg4: memref<2000x1xf32, #tpu.memory_space<vmem>>) attributes {dimension_semantics = [#tpu.dimension_semantics<arbitrary>], iteration_bounds = array<i64: 25>, scalar_prefetch = 0 : i64, scratch_operands = 0 : i64, tpu.core_type = #tpu.core_type<tc>, window_params = [{transform_indices = @transform_0, window_bounds = array<i64: 2000, 512>}, {pipeline_mode = #tpu.pipeline_mode<synchronous>, transform_indices = @transform_1, window_bounds = array<i64: 512, 1>}, {pipeline_mode = #tpu.pipeline_mode<synchronous>, transform_indices = @transform_2, window_bounds = array<i64: 1, 1>}, {transform_indices = @transform_3, window_bounds = array<i64: 2000, 1>}]} {
    %get3A = arith.constant 0 : index
    %get3A_0 = arith.constant 0 : index
    %get3A_1 = vector.load %arg1[%get3A, %get3A_0] : memref<2000x512xf32, #tpu.memory_space<vmem>>, vector<2000x512xf32>
    %get3A_2 = arith.constant 0 : index
    %get3A_3 = arith.constant 0 : index
    %get3A_4 = vector.load %arg2[%get3A_2, %get3A_3] : memref<512x1xf32, #tpu.memory_space<vmem>>, vector<512x1xf32>
    %dot_general3A = arith.constant dense<0.000000e+00> : vector<2000x1xf32>
    %dot_general3A_5 = tpu.matmul %get3A_1, %get3A_4, %dot_general3A {dimension_numbers = #tpu.dot_dimension_numbers<[1], [0], [0], [1], [0, 0, 1, 1], [], []>, transpose_lhs_hint = false} : vector<2000x512xf32>, vector<512x1xf32>, vector<2000x1xf32> -> vector<2000x1xf32>
    %get3A_6 = arith.constant 0 : index
    %get3A_7 = arith.constant 0 : index
    %get3A_8 = vector.load %arg3[%get3A_6, %get3A_7] : memref<1x1xf32, #tpu.memory_space<vmem>>, vector<1x1xf32>
    %get3A_9 = vector.extract %get3A_8[0, 0] : f32 from vector<1x1xf32>
    %add3A = vector.broadcast %get3A_9 : f32 to vector<2000x1xf32>
    %add3A_10 = arith.addf %dot_general3A_5, %add3A : vector<2000x1xf32>
    %swap3A = arith.constant 0 : index
    %swap3A_11 = arith.constant 0 : index
    %swap3A_12 = vector.load %arg4[%swap3A, %swap3A_11] : memref<2000x1xf32, #tpu.memory_space<vmem>>, vector<2000x1xf32>
    tpu.vector_store %arg4[%swap3A, %swap3A_11], %add3A_10 {strides = array<i32>} : memref<2000x1xf32, #tpu.memory_space<vmem>>, vector<2000x1xf32>,
    return
  }
  func.func @transform_0(%arg0: i32) -> (i32, i32) {
    %c0_i32 = arith.constant 0 : i32
    %c0_i32_0 = arith.constant 0 : i32
    return %arg0, %c0_i32 : i32, i32
  }
  func.func @transform_1(%arg0: i32) -> (i32, i32) {
    %c0_i32 = arith.constant 0 : i32
    %c0_i32_0 = arith.constant 0 : i32
    %c0_i32_1 = arith.constant 0 : i32
    return %c0_i32, %c0_i32_0 : i32, i32
  }
  func.func @transform_2(%arg0: i32) -> (i32, i32) {
    %c0_i32 = arith.constant 0 : i32
    %c0_i32_0 = arith.constant 0 : i32
    %c0_i32_1 = arith.constant 0 : i32
    return %c0_i32, %c0_i32_0 : i32, i32
  }
  func.func @transform_3(%arg0: i32) -> (i32, i32) {
    %c0_i32 = arith.constant 0 : i32
    %c0_i32_0 = arith.constant 0 : i32
    return %arg0, %c0_i32 : i32, i32
  }
}

module attributes {stable_mosaic.version = 14 : i64} {
  func.func @_final_body(%arg0: memref<8x512x512xf32, #tpu.memory_space<vmem>>, %arg1: memref<512x1xf32, #tpu.memory_space<vmem>>, %arg2: memref<512x512xf32, #tpu.memory_space<vmem>>, %arg3: memref<1x512xf32, #tpu.memory_space<vmem>>, %arg4: memref<512x512xf32, #tpu.memory_space<vmem>>) attributes {dimension_semantics = [], scalar_prefetch = 0 : i64, scratch_operands = 0 : i64, tpu.core_type = #tpu.core_type<tc>} {
    %get3A = arith.constant 0 : index
    %get3A_0 = arith.constant 0 : index
    %get3A_1 = arith.constant 0 : index
    %get3A_2 = vector.load %arg0[%get3A, %get3A_0, %get3A_1] : memref<8x512x512xf32, #tpu.memory_space<vmem>>, vector<1x512x512xf32>
    %get3A_3 = vector.shape_cast %get3A_2 : vector<1x512x512xf32> to vector<512x512xf32>
    %get3A_4 = arith.constant 1 : index
    %get3A_5 = arith.constant 0 : index
    %get3A_6 = arith.constant 0 : index
    %get3A_7 = vector.load %arg0[%get3A_4, %get3A_5, %get3A_6] : memref<8x512x512xf32, #tpu.memory_space<vmem>>, vector<1x512x512xf32>
    %get3A_8 = vector.shape_cast %get3A_7 : vector<1x512x512xf32> to vector<512x512xf32>
    %add3A = arith.addf %get3A_3, %get3A_8 : vector<512x512xf32>
    %get3A_9 = arith.constant 2 : index
    %get3A_10 = arith.constant 0 : index
    %get3A_11 = arith.constant 0 : index
    %get3A_12 = vector.load %arg0[%get3A_9, %get3A_10, %get3A_11] : memref<8x512x512xf32, #tpu.memory_space<vmem>>, vector<1x512x512xf32>
    %get3A_13 = vector.shape_cast %get3A_12 : vector<1x512x512xf32> to vector<512x512xf32>
    %add3A_14 = arith.addf %add3A, %get3A_13 : vector<512x512xf32>
    %get3A_15 = arith.constant 3 : index
    %get3A_16 = arith.constant 0 : index
    %get3A_17 = arith.constant 0 : index
    %get3A_18 = vector.load %arg0[%get3A_15, %get3A_16, %get3A_17] : memref<8x512x512xf32, #tpu.memory_space<vmem>>, vector<1x512x512xf32>
    %get3A_19 = vector.shape_cast %get3A_18 : vector<1x512x512xf32> to vector<512x512xf32>
    %add3A_20 = arith.addf %add3A_14, %get3A_19 : vector<512x512xf32>
    %get3A_21 = arith.constant 4 : index
    %get3A_22 = arith.constant 0 : index
    %get3A_23 = arith.constant 0 : index
    %get3A_24 = vector.load %arg0[%get3A_21, %get3A_22, %get3A_23] : memref<8x512x512xf32, #tpu.memory_space<vmem>>, vector<1x512x512xf32>
    %get3A_25 = vector.shape_cast %get3A_24 : vector<1x512x512xf32> to vector<512x512xf32>
    %add3A_26 = arith.addf %add3A_20, %get3A_25 : vector<512x512xf32>
    %get3A_27 = arith.constant 5 : index
    %get3A_28 = arith.constant 0 : index
    %get3A_29 = arith.constant 0 : index
    %get3A_30 = vector.load %arg0[%get3A_27, %get3A_28, %get3A_29] : memref<8x512x512xf32, #tpu.memory_space<vmem>>, vector<1x512x512xf32>
    %get3A_31 = vector.shape_cast %get3A_30 : vector<1x512x512xf32> to vector<512x512xf32>
    %add3A_32 = arith.addf %add3A_26, %get3A_31 : vector<512x512xf32>
    %get3A_33 = arith.constant 6 : index
    %get3A_34 = arith.constant 0 : index
    %get3A_35 = arith.constant 0 : index
    %get3A_36 = vector.load %arg0[%get3A_33, %get3A_34, %get3A_35] : memref<8x512x512xf32, #tpu.memory_space<vmem>>, vector<1x512x512xf32>
    %get3A_37 = vector.shape_cast %get3A_36 : vector<1x512x512xf32> to vector<512x512xf32>
    %add3A_38 = arith.addf %add3A_32, %get3A_37 : vector<512x512xf32>
    %get3A_39 = arith.constant 7 : index
    %get3A_40 = arith.constant 0 : index
    %get3A_41 = arith.constant 0 : index
    %get3A_42 = vector.load %arg0[%get3A_39, %get3A_40, %get3A_41] : memref<8x512x512xf32, #tpu.memory_space<vmem>>, vector<1x512x512xf32>
    %get3A_43 = vector.shape_cast %get3A_42 : vector<1x512x512xf32> to vector<512x512xf32>
    %add3A_44 = arith.addf %add3A_38, %get3A_43 : vector<512x512xf32>
    %get3A_45 = arith.constant 0 : index
    %get3A_46 = arith.constant 0 : index
    %get3A_47 = vector.load %arg2[%get3A_45, %get3A_46] : memref<512x512xf32, #tpu.memory_space<vmem>>, vector<512x512xf32>
    %dot_general3A = arith.constant dense<0.000000e+00> : vector<512x512xf32>
    %dot_general3A_48 = tpu.matmul %add3A_44, %get3A_47, %dot_general3A {dimension_numbers = #tpu.dot_dimension_numbers<[1], [0], [0], [1], [0, 0, 1, 1], [], []>, transpose_lhs_hint = false} : vector<512x512xf32>, vector<512x512xf32>, vector<512x512xf32> -> vector<512x512xf32>
    %get3A_49 = arith.constant 0 : index
    %get3A_50 = arith.constant 0 : index
    %get3A_51 = vector.load %arg1[%get3A_49, %get3A_50] : memref<512x1xf32, #tpu.memory_space<vmem>>, vector<512x1xf32>
    %get3A_52 = arith.constant 0 : index
    %get3A_53 = arith.constant 0 : index
    %get3A_54 = vector.load %arg3[%get3A_52, %get3A_53] : memref<1x512xf32, #tpu.memory_space<vmem>>, vector<1x512xf32>
    %mul3A = vector.broadcast %get3A_51 : vector<512x1xf32> to vector<512x512xf32>
    %mul3A_55 = vector.broadcast %get3A_54 : vector<1x512xf32> to vector<512x512xf32>
    %mul3A_56 = arith.mulf %mul3A, %mul3A_55 : vector<512x512xf32>
    %add3A_57 = arith.addf %dot_general3A_48, %mul3A_56 : vector<512x512xf32>
    %swap3A = arith.constant 0 : index
    %swap3A_58 = arith.constant 0 : index
    %swap3A_59 = vector.load %arg4[%swap3A, %swap3A_58] : memref<512x512xf32, #tpu.memory_space<vmem>>, vector<512x512xf32>
    tpu.vector_store %arg4[%swap3A, %swap3A_58], %add3A_57 {strides = array<i32>} : memref<512x512xf32, #tpu.memory_space<vmem>>, vector<512x512xf32>,
    return
  }
}

</mosaic_0001>

<sc_bundles>
// kernel: kernel.6.cloned.1.call-start
scs
__scs_entry_jumppad:
0x0: {  	(pc) =	sbr.rel $0x88, $3  }
0x1: {  	(tag) =	ssettag $0x0;
	lr =	simm.s32 $0x1  }
0x2: {  	[smem:$0x3F9B] =	sst lr;
	_ =	strace $0xD0000000  }
0x3: {  	_ = 	snop  }
0x4: {  	_ = 	snop  }
0x5: {  	_ = 	snop  }
0x6: {  	_ = 	snop  }
0x7: {  	_ = 	snop  }
__scs_overlays_trampoline_lowered:
0x8: {  	[smem:$0x3FAA] =	sst s0  }
0x9: {  	[smem:$0x3FAB] =	sst s1  }
0xa: {  	[smem:$0x3FAC] =	sst s2  }
0xb: {  	[smem:$0x3FAD] =	sst s3  }
0xc: {  	[smem:$0x3FAE] =	sst s4  }
0xd: {  	[smem:$0x3FAF] =	sst s5  }
0xe: {  	[smem:$0x3FB0] =	sst s6  }
0xf: {  	[smem:$0x3FB1] =	sst s7  }
0x10: {  	[smem:$0x3FB2] =	sst s8  }
0x11: {  	[smem:$0x3FB3] =	sst s9;
	s0 =	simm.s32 @!p0 $0x0  }
0x12: {  	s1 =	sld [smem:$0x3F99];
	s0 =	simm.s32 @p0 $0x1  }
0x13: {  	[smem:$0x3FB4] =	sst s0;
	s0 =	simm.s32 @!p1 $0x0  }
0x14: {  	s2 =	sld [smem:$0x3F98];
	s0 =	simm.s32 @p1 $0x1  }
0x15: {  	[smem:$0x3FB5] =	sst s0;
	s0 =	simm.s32 @!p2 $0x0  }
0x16: {  	s3 =	sld [smem:$0x3FDB];
	s0 =	simm.s32 @p2 $0x1  }
0x17: {  	s4 =	simm.s32 $0x1BF5;
	[smem:$0x3FB7] =	sst s0  }
0x18: {  	s0 =	sld [smem:$0x3F9A];
	_ =	swait.ge [sflag:s4], $0x0  }
0x19: {  	s7 =	sld [smem:$0x3F9B]  }
0x1a: {  	s8 =	sadd.s32 $0xFFFFE003, lr  }
0x1b: {  	s9 =	sadd.s32 $0xFFFFFEF7, lr;
	s5 =	simm.s32 $0xFFFFFFFF;
	p2 =	slt.u32 s8, $0xFFFFF086  }
0x1c: {  	p1 =	slt.u32 s9, $0xF7A;
	s5 =	simm.s32 @!p2 $0x0  }
0x1d: {  	s5 =	simm.s32 @p1 $0x1;
	p0 =	seq.s32 s7, s2  }
0x1e: {  	s7 =	smul.u32 @!p0 $0xF7A, s2;
	p2 =	seq.s32 @!p0 s5, $0x0  }
0x1f: {  	s9 =	smul.u32 $0xF7A, s1;
	s8 =	simm.s32 @!p0 $0x1BF5;
	p2 =	por !p2, p0  }
0x20: {  	[sflag:s8] =	ssyncset.s32 @!p0 $0xFFFFF086;
	s6 =	sadd.s32 @!p0 s3, s7;
	s7 =	simm.s32 @!p0 $0x108  }
0x21: {  	s3 =	sadd.s32 s3, s9;
	s6 =	sadd.s32 @!p0 $0x88, s6;
	s7 =	simm.s32 @p2 $0x1082  }
0x22: {  	[simem:s7], [sflag:s8] =	dma.local @!p0 [hbm:s6], $0xF7A  }
0x23: {  	s9 =	sor.u32 $0xD0000000, s2;
	s6 =	simm.s32 $0x108;
	_ =	swait.ge @!p0 [sflag:s8], $0x0  }
0x24: {  	s3 =	sadd.s32 $0x88, s3;
	s6 =	simm.s32 @!p1 $0x1082;
	[sflag:s4] =	ssyncset.s32 $0xFFFFF086  }
0x25: {  	[simem:s6], [sflag:s4] =	dma.local [hbm:s3], $0xF7A  }
0x26: {  	[smem:$0x3F9B] =	sst s1;
	(tag) =	ssettag s2;
	_ =	strace s9  }
0x27: {  	s1 =	sld [smem:$0x3FAB]  }
0x28: {  	s2 =	sld [smem:$0x3FAC]  }
0x29: {  	s4 =	sld [smem:$0x3FAE]  }
0x2a: {  	p0 =	seq.s32 s5, $0x0;
	s5 =	sld [smem:$0x3FAF]  }
0x2b: {  	s6 =	sld [smem:$0x3FB0]  }
0x2c: {  	s7 =	sld [smem:$0x3FB1]  }
0x2d: {  	s3 =	simm.s32 $0x108;
	s8 =	sld [smem:$0x3FB2]  }
0x2e: {  	s3 =	simm.s32 @!p0 $0x1082;
	s9 =	sld [smem:$0x3FB3]  }
0x2f: {  	lr =	sadd.s32 s0, s3;
	s0 =	sld [smem:$0x3FAA]  }
0x30: {  	s3 =	sld [smem:$0x3FAD]  }
0x31: {  	[smem:$0x3FB6] =	sst s10  }
0x32: {  	s10 =	sld [smem:$0x3FB4];
	_ =	sdelay $0x3  }
0x33: {  	p0 =	seq.s32 s10, $0x1;
	s10 =	sld [smem:$0x3FB6];
	_ =	sdelay $0x3  }
0x34: {  	[smem:$0x3FB6] =	sst s10  }
0x35: {  	s10 =	sld [smem:$0x3FB5];
	_ =	sdelay $0x3  }
0x36: {  	p1 =	seq.s32 s10, $0x1;
	s10 =	sld [smem:$0x3FB6];
	_ =	sdelay $0x3  }
0x37: {  	[smem:$0x3FB6] =	sst s10  }
0x38: {  	s10 =	sld [smem:$0x3FB7]  }
0x39: {  	_ = 	snop;
	(pc) =	sbr.ind lr, $3  }
0x3a: {  	_ = 	snop  }
0x3b: {  	_ = 	snop  }
0x3c: {  	p2 =	seq.s32 s10, $0x1;
	s10 =	sld [smem:$0x3FB6]  }
0x3d: {  	_ =	shalt  }
0x3e: {  	_ =	shalt  }
0x3f: {  	_ =	shalt  }
0x40: {  	_ =	shalt  }
0x41: {  	_ =	shalt  }
0x42: {  	_ =	shalt  }
0x43: {  	_ =	shalt  }
0x44: {  	_ =	shalt  }
0x45: {  	_ =	shalt  }
0x46: {  	_ =	shalt  }
0x47: {  	_ =	shalt  }
0x48: {  	_ =	shalt  }
0x49: {  	_ =	shalt  }
0x4a: {  	_ =	shalt  }
0x4b: {  	_ =	shalt  }
0x4c: {  	_ =	shalt  }
0x4d: {  	_ =	shalt  }
0x4e: {  	_ =	shalt  }
0x4f: {  	_ =	shalt  }
0x50: {  	_ =	shalt  }
0x51: {  	_ =	shalt  }
0x52: {  	_ =	shalt  }
0x53: {  	_ =	shalt  }
0x54: {  	_ =	shalt  }
0x55: {  	_ =	shalt  }
0x56: {  	_ =	shalt  }
0x57: {  	_ =	shalt  }
0x58: {  	_ =	shalt  }
0x59: {  	_ =	shalt  }
0x5a: {  	_ =	shalt  }
0x5b: {  	_ =	shalt  }
0x5c: {  	_ =	shalt  }
0x5d: {  	_ =	shalt  }
0x5e: {  	_ =	shalt  }
0x5f: {  	_ =	shalt  }
0x60: {  	_ =	shalt  }
0x61: {  	_ =	shalt  }
0x62: {  	_ =	shalt  }
0x63: {  	_ =	shalt  }
0x64: {  	_ =	shalt  }
0x65: {  	_ =	shalt  }
0x66: {  	_ =	shalt  }
0x67: {  	_ =	shalt  }
0x68: {  	_ =	shalt  }
0x69: {  	_ =	shalt  }
0x6a: {  	_ =	shalt  }
0x6b: {  	_ =	shalt  }
0x6c: {  	_ =	shalt  }
0x6d: {  	_ =	shalt  }
0x6e: {  	_ =	shalt  }
0x6f: {  	_ =	shalt  }
0x70: {  	_ =	shalt  }
0x71: {  	_ =	shalt  }
0x72: {  	_ =	shalt  }
0x73: {  	_ =	shalt  }
0x74: {  	_ =	shalt  }
0x75: {  	_ =	shalt  }
0x76: {  	_ =	shalt  }
0x77: {  	_ =	shalt  }
0x78: {  	_ =	shalt  }
0x79: {  	_ =	shalt  }
0x7a: {  	_ =	shalt  }
0x7b: {  	_ =	shalt  }
0x7c: {  	_ =	shalt  }
0x7d: {  	_ =	shalt  }
0x7e: {  	_ =	shalt  }
0x7f: {  	_ =	shalt  }
0x80: {  	_ =	shalt  }
0x81: {  	_ =	shalt  }
0x82: {  	_ =	shalt  }
0x83: {  	_ =	shalt  }
0x84: {  	_ =	shalt  }
0x85: {  	_ =	shalt  }
0x86: {  	_ =	shalt  }
0x87: {  	_ =	shalt  }
.Lfunc_end0:
.L_simem_size_0:
called_computation_lowered:
.L_overlay_start_0:
0x88: {  	s2 =	sld [smem:$0x3FD9]  }
0x89: {  	s3 =	sld [smem:$0x3FFE];
	_ =	sdelay $0x1  }
0x8a: {  	s1 =	srdreg.scid  }
0x8b: {  	s0 =	sand.u32 $0x1, s1  }
0x8c: {  	s17 =	sshll.u32 s0, $0xA;
	s2 =	sadd.s32 s3, s2  }
0x8d: {  	s2 =	sadd.s32 s2, s17  }
0x8e: {  	[smem:$0x3FC2] =	sst s2  }
0x8f: {  	_ = 	snop  }
0x90: {  	s2 =	sld [smem:$0x3FD0];
	(tm) =	ssettm $0x1  }
0x91: {  	s18 =	sld [smem:$0x3FFB];
	_ =	sdelay $0x3  }
0x92: {  	_ =	strace s18  }
0x93: {  	s3 =	sld [smem:$0x3FFC];
	_ =	sdelay $0x3  }
0x94: {  	_ =	strace s3  }
0x95: {  	s3 =	sld [smem:$0x3FFD];
	_ =	sdelay $0x3  }
0x96: {  	_ =	strace s3  }
0x97: {  	_ =	strace $0x8FFFFFFF  }
0x98: {  	s19 =	sld [smem:$0x3FDB];
	_ =	sdelay $0x1  }
0x99: {  	s4 =	simm.s32 $_scs_section_size  }
0x9a: {  	s5 =	simm.s32 $_size__tile_overlayer_lowered;
	s6 =	simm.s32 $_tile_overlayer_lowered  }
0x9b: {  	s22 =	simm.s32 $0x1BFF;
	s21 =	sshll.u32 s6, $0x1;
	s3 =	sadd.s32 s4, s19  }
0x9c: {  	s7 =	simm.s32 $0x0;
	s20 =	sshll.u32 s5, $0x1;
	s5 =	sadd.s32 s21, s3  }
0x9d: {  	[timem:s7], [sflag:s22] =	dma.local [hbm:s5], s20  }
0x9e: {  	_ =	swait.ge [sflag:s22], s20  }
0x9f: {  	s4 =	ssub.s32 $0x0, s20;
	[sflag:s22] =	ssyncset.done $0x0  }
0xa0: {  	[sflag:s22] =	ssyncadd.s32 s4;
	_ =	sdelay $0x1  }
0xa1: {  	s23 =	simm.s32 $0x1B8B  }
0xa2: {  	_ =	swait.ge [sflag:s23], $0x1  }
0xa3: {  	[sflag:s23] =	ssyncset.done $0x0  }
0xa4: {  	s25 =	simm.s32 $0x1B8E;
	s24 =	sld [smem:$0x3FFE];
	[sflag:s23] =	ssyncadd.s32 $0xFFFFFFFF  }
0xa5: {  	s26 =	simm.s32 $execute0_lowered;
	[smem:$0x3FD2] =	sst s25  }
0xa6: {  	s5 =	sshll.u32 s26, $0x1;
	_ =	strace $0x80000046;
	[dreg:$0x1] =	wrdreg $0xFFFFFFFF  }
0xa7: {  	s28 =	simm.s32 $_size_execute0_lowered;
	s3 =	sadd.s32 s3, s5;
	[dreg:$0x0] =	wrdreg $0x0  }
0xa8: {  	s5 =	sshll.u32 s28, $0x1;
	[dreg:$0x2] =	wrdreg s3  }
0xa9: {  	[dreg:$0x3] =	wrdreg s5  }
0xaa: {  	[dreg:$0x4] =	wrdreg $0xC0  }
0xab: {  	_ =	task [dreg:s7], $0x5FFFF  }
0xac: {  	[dreg:$0x1] =	wrdreg $0xFFFFFFFF  }
0xad: {  	[dreg:$0x0] =	wrdreg $0x60  }
0xae: {  	[dreg:$0x2] =	wrdreg s2  }
0xaf: {  	[dreg:$0x3] =	wrdreg s24  }
0xb0: {  	[dreg:$0x4] =	wrdreg $0x63800  }
0xb1: {  	[dreg:$0x5] =	wrdreg $0x65800  }
0xb2: {  	[dreg:$0x6] =	wrdreg $0x9  }
0xb3: {  	_ =	task.clear_ibuf [dreg:s7], $0x7FFFF;
	_ =	strace $0x90000046  }
0xb4: {  	s29 =	simm.s32 $0x9;
	_ =	strace $0x80000048  }
0xb5: {  	_ =	swait.ge [sflag:s29], $0x1  }
0xb6: {  	[sflag:s29] =	ssyncadd.s32 $0xFFFFFFFF  }
0xb7: {  	_ =	strace $0x90000048  }
0xb8: {  	_ =	sfence  }
0xb9: {  	s30 =	sld [smem:$0x0];
	_ =	sdelay $0x2  }
0xba: {  	s31 =	sshll.u32 s1, $0xD;
	s1 =	sshrl.u32 s1, $0x2  }
0xbb: {  	s3 =	sand.u32 $0x4000, s31;
	s1 =	sadd.s32 s1, s30  }
0xbc: {  	s0 =	sor.u32 s3, s0;
	s1 =	sshll.u32 s1, $0x11  }
0xbd: {  	s0 =	sor.u32 s1, s0  }
0xbe: {  	s0 =	sadd.s32 $0x8F2B, s0  }
0xbf: {  	[sflag:s0] =	ssyncadd.remote.s32 $0x1  }
0xc0: {  	_ =	sfence.sel $0xFFFF  }
0xc1: {  	[dreg:$0x0] =	wrdreg $0xFFFFFFFF;
	(pc) =	sbr.abs _section_cstart, $3  }
0xc2: {  	[dreg:$0x1] =	wrdreg $0xFFFFFFFF  }
0xc3: {  	_ =	task.clear_ibuf [dreg:s7], $0x2FFFF;
	_ =	strace $0x9FFFFFFF  }
0xc4: {  	(tm) =	ssettm $0x7FFFFFFF  }
0xc5: {  	_ =	shalt  }
tec
execute0_lowered:
.L_overlay_start_1:
0x0: {  	(tag) =	ssettag $0x1  }
0x1: {  	s10 =	rddreg [dreg:$0x0]  }
0x2: {  	s5 =	rddreg [dreg:$0x1]  }
0x3: {  	s0 =	srdreg.scid;
	s2 =	rddreg [dreg:$0x2]  }
0x4: {  	s3 =	rddreg [dreg:$0x3];
	s1 =	stileid.u32;
	s4 =	simm.s32 $0x0  }
0x5: {  	s17 =	simm.s32 $0x80;
	s18 =	simm.s32 $0x400;
	s19 =	simm.s32 $0x3D00  }
0x6: {  	s20 =	simm.s32 $0x3900;
	s11 =	sand.u32 $0x1, s0;
	s0 =	rddreg [dreg:$0x4]  }
0x7: {  	s22 =	simm.s32 $0x5D00;
	s23 =	simm.s32 $0x0;
	[smem:$0x7FF] =	sst s4  }
0x8: {  	s13 =	sadd.s32 $0x1200, s5;
	s8 =	smul.u32 $0x190, s1;
	s9 =	sshll.u32 s1, $0x9  }
0x9: {  	s15 =	sshll.u32 s1, $0x7;
	s6 =	sshll.u32 s11, $0x4;
	_ =	strace $0x80000047  }
0xa: {  	s31 =	ssub.s32 $0x2, s11;
	s9 =	sand.u32 $0x1000, s9;
	s15 =	sand.u32 $0x380, s15  }
0xb: {  	s21 =	sor.u32 s1, s11;
	s6 =	sor.u32 s1, s6;
	s7 =	sshrl.u32 s31, $0x1  }
0xc: {  	s9 =	sor.u32 s15, s9;
	s15 =	simm.s32 $0xC80;
	p0 =	sne.s32 s21, $0x0  }
0xd: {  	s21 =	simm.s32 $0x3B00;
	s12 =	smul.u32 $0xC8, s6;
	s16 =	ssub.s32 s31, s7  }
0xe: {  	s6 =	sadd.s32 s10, s8;
	s7 =	sadd.s32 s13, s8;
	s8 =	sadd.s32 s9, s2  }
0xf: {  	v0 =	vlaneseq.u32;
	s9 =	sadd.s32 s9, s3;
	s14 =	sadd.s32 s12, s5;
	s5 =	sadd.s32 $0x2C00, s5  }
0x10: {  	v2 =	vmul.u32 $0x10, v0;
	s10 =	sadd.s32 s10, s12;
	s11 =	sadd.s32 s13, s12;
	s13 =	smax.u32 s16, $0x1  }
0x11: {  	v1 =	vimm.f32 $-3.402823470e+38;
	v3 =	vimm.f32 $0.0e+00;
	s16 =	simm.s32 $0x1900;
	s12 =	sadd.s32 $0x2E00, s14;
	s14 =	simm.s32 $0x1  }
.LBB2_1:
0x12: {  	[tilespmem:s4], [sflag:$0x1] =	stream.linear.gather [hbm4b:s6+s4], $0xC80, $0x38;
	[tilespmem:$0x6780] =	vst v63  }
0x13: {  	_ =	swait.ge [sflag:s14], $0xC80  }
0x14: {  	[sflag:s14] =	ssyncset.done $0x0  }
0x15: {  	[sflag:s14] =	ssyncadd.s32 $0xFFFFF380  }
0x16: {  	[tilespmem:s15], [sflag:$0x1] =	stream.linear.gather [hbm4b:s7+s4], $0xC80, $0x38;
	[tilespmem:$0x6780] =	vst v63  }
0x17: {  	_ =	swait.ge [sflag:s14], $0xC80  }
0x18: {  	[sflag:s14] =	ssyncset.done $0x0  }
0x19: {  	s24 =	simm.s32 $0x40;
	s25 =	simm.s32 $0x0;
	[sflag:s14] =	ssyncadd.s32 $0xFFFFF380  }
.LBB2_2:
0x1a: {  	p1 =	sne.s32 s24, $0x7FC0;
	[tilespmem:s25+$0x1900] =	vst v1;
	s25 =	smov.u32 s24;
	s24 =	sadd.s32 $0x40, s24  }
.Ltmp0:
0x1b: {  	(pc) =	sbr.rel @p1 .LBB2_2-.Ltmp0, $2  }
0x1c: {  	_ =	sdelay $0x2  }
0x1d: {  	s25 =	sshra.s32 s25, $0x2  }
0x1e: {  	[tilespmem:s25+$0x1900] =	vst v1;
	s24 =	simm.s32 $0x0;
	s25 =	simm.s32 $0x0  }
.LBB2_4:
0x1f: {  	s26 =	sshra.s32 s25, $0x2  }
0x20: {  	v4 =	vld [tilespmem:s26+$0xC80];
	_ =	sdelay $0x4  }
0x21: {  	v4 =	vshll.u32 v4, $0x4  }
0x22: {  	v4 =	vor.u32 v0, v4;
	_ =	sdelay $0x3  }
0x23: {  	v5 =	vld [tilespmem:s26+$0x0]  }
0x24: {  	v6 =	vld.idx.msk [tilespmem:v4+s16+$0x0], $0xffff  }
0x25: {  	p1 =	sne.s32 s25, $0x31C0  }
.Ltmp1:
0x26: {  	_ = 	snop;
	(pc) =	sbr.rel @p1 .LBB2_4-.Ltmp1, $3  }
0x27: {  	_ =	sdelay $0x1  }
0x28: {  	v5 =	vmax.f32 v6, v5  }
0x29: {  	s25 =	sadd.s32 $0x40, s25;
	[tilespmem:v4+s16+$0x0] =	vst.idx.msk $0xffff, v5  }
0x2a: {  	v4 =	vmov s24  }
0x2b: {  	v4 =	vshll.u32 v4, $0x4  }
0x2c: {  	v4 =	vor.u32 v2, v4  }
0x2d: {  	v5 =	vor.u32 $0x1, v4  }
0x2e: {  	v6 =	vor.u32 $0x2, v4  }
0x2f: {  	v7 =	vor.u32 $0x3, v4  }
0x30: {  	v8 =	vor.u32 $0x4, v4  }
0x31: {  	v9 =	vor.u32 $0x5, v4;
	v10 =	vld.idx.msk [tilespmem:v4+s16+$0x0], $0xffff  }
0x32: {  	v11 =	vor.u32 $0x6, v4;
	v5 =	vld.idx.msk [tilespmem:v5+s16+$0x0], $0xffff  }
0x33: {  	v12 =	vor.u32 $0x7, v4;
	v6 =	vld.idx.msk [tilespmem:v6+s16+$0x0], $0xffff  }
0x34: {  	v13 =	vor.u32 $0x8, v4;
	v7 =	vld.idx.msk [tilespmem:v7+s16+$0x0], $0xffff  }
0x35: {  	v14 =	vor.u32 $0x9, v4;
	v8 =	vld.idx.msk [tilespmem:v8+s16+$0x0], $0xffff  }
0x36: {  	v15 =	vor.u32 $0xA, v4;
	v9 =	vld.idx.msk [tilespmem:v9+s16+$0x0], $0xffff  }
0x37: {  	v16 =	vor.u32 $0xB, v4;
	v11 =	vld.idx.msk [tilespmem:v11+s16+$0x0], $0xffff;
	v5 =	vmax.f32 v10, v5  }
0x38: {  	v53 =	vor.u32 $0xC, v4;
	v10 =	vld.idx.msk [tilespmem:v12+s16+$0x0], $0xffff;
	v5 =	vmax.f32 v5, v6  }
0x39: {  	v54 =	vor.u32 $0xD, v4;
	v6 =	vld.idx.msk [tilespmem:v13+s16+$0x0], $0xffff;
	v5 =	vmax.f32 v5, v7  }
0x3a: {  	v55 =	vor.u32 $0xE, v4;
	v7 =	vld.idx.msk [tilespmem:v14+s16+$0x0], $0xffff;
	v5 =	vmax.f32 v5, v8  }
0x3b: {  	v4 =	vor.u32 $0xF, v4;
	v8 =	vld.idx.msk [tilespmem:v15+s16+$0x0], $0xffff;
	v5 =	vmax.f32 v5, v9  }
0x3c: {  	v9 =	vld.idx.msk [tilespmem:v16+s16+$0x0], $0xffff;
	v5 =	vmax.f32 v5, v11  }
0x3d: {  	v11 =	vld.idx.msk [tilespmem:v53+s16+$0x0], $0xffff;
	v5 =	vmax.f32 v5, v10  }
0x3e: {  	s31 =	simm.s32 $0x10;
	v10 =	vld.idx.msk [tilespmem:v54+s16+$0x0], $0xffff;
	v5 =	vmax.f32 v5, v6  }
0x3f: {  	v56 =	vmov s31;
	v6 =	vld.idx.msk [tilespmem:v55+s16+$0x0], $0xffff;
	v5 =	vmax.f32 v5, v7  }
0x40: {  	v4 =	vld.idx.msk [tilespmem:v4+s16+$0x0], $0xffff;
	v7 =	vshll.u32 v56, $0x4;
	v5 =	vmax.f32 v5, v8  }
0x41: {  	v7 =	vor.u32 v2, v7;
	v5 =	vmax.f32 v5, v9  }
0x42: {  	v8 =	vor.u32 $0x1, v7;
	v5 =	vmax.f32 v5, v11  }
0x43: {  	v5 =	vmax.f32 v5, v10  }
0x44: {  	v9 =	vor.u32 $0x2, v7;
	v5 =	vmax.f32 v5, v6  }
0x45: {  	s24 =	simm.s32 $0x3900;
	v6 =	vor.u32 $0x3, v7;
	v4 =	vmax.f32 v5, v4  }
0x46: {  	v5 =	vor.u32 $0x4, v7;
	[tilespmem:s24+$0x0] =	vst v4  }
0x47: {  	v4 =	vld.idx.msk [tilespmem:v8+s16+$0x0], $0xffff;
	v8 =	vor.u32 $0x5, v7  }
0x48: {  	v11 =	vor.u32 $0x6, v7;
	v10 =	vld.idx.msk [tilespmem:v7+s16+$0x0], $0xffff  }
0x49: {  	v57 =	vor.u32 $0x7, v7;
	v9 =	vld.idx.msk [tilespmem:v9+s16+$0x0], $0xffff  }
0x4a: {  	v58 =	vor.u32 $0x8, v7;
	v6 =	vld.idx.msk [tilespmem:v6+s16+$0x0], $0xffff  }
0x4b: {  	v59 =	vor.u32 $0x9, v7;
	v5 =	vld.idx.msk [tilespmem:v5+s16+$0x0], $0xffff  }
0x4c: {  	v60 =	vor.u32 $0xA, v7;
	v8 =	vld.idx.msk [tilespmem:v8+s16+$0x0], $0xffff  }
0x4d: {  	v61 =	vor.u32 $0xB, v7;
	v11 =	vld.idx.msk [tilespmem:v11+s16+$0x0], $0xffff;
	v4 =	vmax.f32 v10, v4  }
0x4e: {  	v62 =	vor.u32 $0xC, v7;
	v10 =	vld.idx.msk [tilespmem:v57+s16+$0x0], $0xffff;
	v4 =	vmax.f32 v4, v9  }
0x4f: {  	v63 =	vor.u32 $0xD, v7;
	v9 =	vld.idx.msk [tilespmem:v58+s16+$0x0], $0xffff;
	v4 =	vmax.f32 v4, v6  }
0x50: {  	v17 =	vor.u32 $0xE, v7;
	v14 =	vld.idx.msk [tilespmem:v59+s16+$0x0], $0xffff;
	v4 =	vmax.f32 v4, v5  }
0x51: {  	v18 =	vor.u32 $0xF, v7;
	v15 =	vld.idx.msk [tilespmem:v60+s16+$0x0], $0xffff;
	v5 =	vmax.f32 v4, v8  }
0x52: {  	v4 =	vld.idx.msk [tilespmem:v61+s16+$0x0], $0xffff;
	v6 =	vmax.f32 v5, v11  }
0x53: {  	v5 =	vld.idx.msk [tilespmem:v62+s16+$0x0], $0xffff;
	v7 =	vmax.f32 v6, v10  }
0x54: {  	s25 =	simm.s32 $0x20;
	v6 =	vld.idx.msk [tilespmem:v63+s16+$0x0], $0xffff;
	v8 =	vmax.f32 v7, v9  }
0x55: {  	v7 =	vld.idx.msk [tilespmem:v17+s16+$0x0], $0xffff;
	v9 =	vmov s25;
	v10 =	vmax.f32 v8, v14  }
0x56: {  	s25 =	simm.s32 $0x30;
	v8 =	vld.idx.msk [tilespmem:v18+s16+$0x0], $0xffff;
	v9 =	vshll.u32 v9, $0x4;
	v10 =	vmax.f32 v10, v15  }
.LBB2_6:
0x57: {  	p1 =	sne.s32 s25, $0x1F0;
	v9 =	vor.u32 v2, v9;
	v4 =	vmax.f32 v10, v4  }
0x58: {  	v10 =	vor.u32 $0x1, v9;
	v4 =	vmax.f32 v4, v5  }
0x59: {  	v4 =	vmax.f32 v4, v6  }
0x5a: {  	v5 =	vor.u32 $0x2, v9;
	v4 =	vmax.f32 v4, v7  }
0x5b: {  	s24 =	sadd.s32 $0x10, s24;
	v6 =	vor.u32 $0x3, v9;
	v4 =	vmax.f32 v4, v8  }
0x5c: {  	v7 =	vor.u32 $0x4, v9;
	[tilespmem:s24+$0x0] =	vst v4  }
0x5d: {  	v8 =	vor.u32 $0x5, v9;
	v4 =	vld.idx.msk [tilespmem:v10+s16+$0x0], $0xffff  }
0x5e: {  	v11 =	vor.u32 $0x6, v9;
	v10 =	vld.idx.msk [tilespmem:v9+s16+$0x0], $0xffff  }
0x5f: {  	v12 =	vor.u32 $0x7, v9;
	v5 =	vld.idx.msk [tilespmem:v5+s16+$0x0], $0xffff  }
0x60: {  	v13 =	vor.u32 $0x8, v9;
	v6 =	vld.idx.msk [tilespmem:v6+s16+$0x0], $0xffff  }
0x61: {  	v14 =	vor.u32 $0x9, v9;
	v7 =	vld.idx.msk [tilespmem:v7+s16+$0x0], $0xffff  }
0x62: {  	v15 =	vor.u32 $0xA, v9;
	v8 =	vld.idx.msk [tilespmem:v8+s16+$0x0], $0xffff  }
0x63: {  	v16 =	vor.u32 $0xB, v9;
	v11 =	vld.idx.msk [tilespmem:v11+s16+$0x0], $0xffff  }
0x64: {  	v4 =	vmax.f32 v10, v4;
	v10 =	vld.idx.msk [tilespmem:v12+s16+$0x0], $0xffff;
	v12 =	vor.u32 $0xC, v9  }
0x65: {  	v17 =	vor.u32 $0xD, v9;
	v4 =	vmax.f32 v4, v5;
	v13 =	vld.idx.msk [tilespmem:v13+s16+$0x0], $0xffff  }
0x66: {  	v18 =	vor.u32 $0xE, v9;
	v4 =	vmax.f32 v4, v6;
	v14 =	vld.idx.msk [tilespmem:v14+s16+$0x0], $0xffff  }
0x67: {  	v9 =	vor.u32 $0xF, v9;
	v4 =	vmax.f32 v4, v7;
	v15 =	vld.idx.msk [tilespmem:v15+s16+$0x0], $0xffff  }
0x68: {  	v5 =	vmax.f32 v4, v8;
	v4 =	vld.idx.msk [tilespmem:v16+s16+$0x0], $0xffff  }
.Ltmp2:
0x69: {  	v6 =	vmax.f32 v5, v11;
	v5 =	vld.idx.msk [tilespmem:v12+s16+$0x0], $0xffff;
	(pc) =	sbr.rel @p1 .LBB2_6-.Ltmp2, $4  }
0x6a: {  	v7 =	vmax.f32 v6, v10;
	v6 =	vld.idx.msk [tilespmem:v17+s16+$0x0], $0xffff  }
0x6b: {  	v8 =	vmax.f32 v7, v13;
	v7 =	vld.idx.msk [tilespmem:v18+s16+$0x0], $0xffff  }
0x6c: {  	v10 =	vmov s25;
	v11 =	vmax.f32 v8, v14;
	v8 =	vld.idx.msk [tilespmem:v9+s16+$0x0], $0xffff  }
0x6d: {  	s25 =	sadd.s32 $0x10, s25;
	v9 =	vshll.u32 v10, $0x4;
	v10 =	vmax.f32 v11, v15  }
0x6e: {  	v9 =	vor.u32 v2, v9;
	v4 =	vmax.f32 v10, v4  }
0x6f: {  	v37 =	vor.u32 $0x1, v9;
	v4 =	vmax.f32 v4, v5  }
0x70: {  	v4 =	vmax.f32 v4, v6  }
0x71: {  	v5 =	vor.u32 $0x2, v9;
	v4 =	vmax.f32 v4, v7  }
0x72: {  	s24 =	sadd.s32 $0x10, s24;
	v38 =	vor.u32 $0x3, v9;
	v4 =	vmax.f32 v4, v8  }
0x73: {  	v39 =	vor.u32 $0x4, v9;
	[tilespmem:s24+$0x0] =	vst v4  }
0x74: {  	v40 =	vor.u32 $0x5, v9;
	v4 =	vld.idx.msk [tilespmem:v37+s16+$0x0], $0xffff  }
0x75: {  	v11 =	vor.u32 $0x6, v9;
	v41 =	vld.idx.msk [tilespmem:v9+s16+$0x0], $0xffff  }
0x76: {  	v12 =	vor.u32 $0x7, v9;
	v5 =	vld.idx.msk [tilespmem:v5+s16+$0x0], $0xffff  }
0x77: {  	v13 =	vor.u32 $0x8, v9;
	v6 =	vld.idx.msk [tilespmem:v38+s16+$0x0], $0xffff  }
0x78: {  	v14 =	vor.u32 $0x9, v9;
	v7 =	vld.idx.msk [tilespmem:v39+s16+$0x0], $0xffff  }
0x79: {  	v15 =	vor.u32 $0xA, v9;
	v8 =	vld.idx.msk [tilespmem:v40+s16+$0x0], $0xffff  }
0x7a: {  	v16 =	vor.u32 $0xB, v9;
	v11 =	vld.idx.msk [tilespmem:v11+s16+$0x0], $0xffff;
	v4 =	vmax.f32 v41, v4  }
0x7b: {  	v43 =	vor.u32 $0xC, v9;
	v42 =	vld.idx.msk [tilespmem:v12+s16+$0x0], $0xffff;
	v4 =	vmax.f32 v4, v5  }
0x7c: {  	v44 =	vor.u32 $0xD, v9;
	v5 =	vld.idx.msk [tilespmem:v13+s16+$0x0], $0xffff;
	v4 =	vmax.f32 v4, v6  }
0x7d: {  	v46 =	vor.u32 $0xE, v9;
	v45 =	vld.idx.msk [tilespmem:v14+s16+$0x0], $0xffff;
	v4 =	vmax.f32 v4, v7  }
0x7e: {  	v47 =	vld.idx.msk [tilespmem:v15+s16+$0x0], $0xffff;
	v9 =	vor.u32 $0xF, v9;
	v4 =	vmax.f32 v4, v8  }
0x7f: {  	v48 =	vld.idx.msk [tilespmem:v16+s16+$0x0], $0xffff;
	v4 =	vmax.f32 v4, v11  }
0x80: {  	v49 =	vld.idx.msk [tilespmem:v43+s16+$0x0], $0xffff;
	v4 =	vmax.f32 v4, v42  }
0x81: {  	v50 =	vld.idx.msk [tilespmem:v44+s16+$0x0], $0xffff;
	v4 =	vmax.f32 v4, v5  }
0x82: {  	v5 =	vld.idx.msk [tilespmem:v46+s16+$0x0], $0xffff;
	v4 =	vmax.f32 v4, v45  }
0x83: {  	v51 =	vld.idx.msk [tilespmem:v9+s16+$0x0], $0xffff;
	v4 =	vmax.f32 v4, v47  }
0x84: {  	v4 =	vmax.f32 v4, v48  }
0x85: {  	v4 =	vmax.f32 v4, v49  }
0x86: {  	v4 =	vmax.f32 v4, v50  }
0x87: {  	v4 =	vmax.f32 v4, v5  }
0x88: {  	s24 =	sadd.s32 $0x10, s24;
	v4 =	vmax.f32 v4, v51  }
0x89: {  	[tilespmem:s24+$0x0] =	vst v4;
	s24 =	simm.s32 $0x3900  }
0x8a: {  	[spmem:s8] =	stream.strided.scatter [tilespmem:s24], [sflag:$0x1], $0x200, s18, s17, $0x38;
	[tilespmem:$0x6780] =	vst v63  }
0x8b: {  	_ =	swait.ge [sflag:s14], $0x200  }
0x8c: {  	[sflag:s14] =	ssyncset.done $0x0  }
0x8d: {  	[sflag:s14] =	ssyncadd.s32 $0xFFFFFE00  }
0x8e: {  	[bflag:$0x0] =	sbarrier.arrive $0xFFFF  }
0x8f: {  	[tilespmem:s19], [sflag:$0x1] =	stream.linear.gather [spmem:s2], $0x2000, $0x38;
	[tilespmem:$0x6780] =	vst v63  }
0x90: {  	s25 =	simm.s32 $0x0;
	_ =	swait.ge [sflag:s14], $0x2000  }
0x91: {  	s26 =	sand.u32 $0x70, s25;
	s25 =	sand.u32 $0xC00, s25;
	[sflag:s14] =	ssyncset.done $0x0  }
0x92: {  	s25 =	sor.u32 s26, s25;
	[sflag:s14] =	ssyncadd.s32 $0xFFFFE000  }
0x93: {  	v4 =	vld [tilespmem:s25+$0x3D80]  }
0x94: {  	v5 =	vld [tilespmem:s25+$0x3D00]  }
0x95: {  	v52 =	vld [tilespmem:s25+$0x3E00]  }
0x96: {  	v53 =	vld [tilespmem:s25+$0x3E80]  }
0x97: {  	v54 =	vld [tilespmem:s25+$0x3F00]  }
0x98: {  	v55 =	vld [tilespmem:s25+$0x3F80]  }
0x99: {  	v4 =	vmax.f32 v5, v4;
	v5 =	vld [tilespmem:s25+$0x4000]  }
0x9a: {  	v56 =	vld [tilespmem:s25+$0x4080];
	v4 =	vmax.f32 v4, v52  }
0x9b: {  	v57 =	vld [tilespmem:s25+$0x4D00];
	v4 =	vmax.f32 v4, v53  }
0x9c: {  	v58 =	vld [tilespmem:s25+$0x4D80];
	v4 =	vmax.f32 v4, v54  }
0x9d: {  	v59 =	vld [tilespmem:s25+$0x4E00];
	v4 =	vmax.f32 v4, v55  }
0x9e: {  	v4 =	vmax.f32 v4, v5;
	v5 =	vld [tilespmem:s25+$0x4E80]  }
0x9f: {  	v60 =	vld [tilespmem:s25+$0x4F00];
	v4 =	vmax.f32 v4, v56  }
0xa0: {  	v61 =	vld [tilespmem:s25+$0x4F80];
	v4 =	vmax.f32 v4, v57  }
0xa1: {  	v62 =	vld [tilespmem:s25+$0x5000];
	v4 =	vmax.f32 v4, v58  }
0xa2: {  	v63 =	vld [tilespmem:s25+$0x5080];
	v4 =	vmax.f32 v4, v59  }
0xa3: {  	v4 =	vmax.f32 v4, v5  }
0xa4: {  	v4 =	vmax.f32 v4, v60  }
0xa5: {  	v4 =	vmax.f32 v4, v61  }
0xa6: {  	s31 =	simm.s32 $0x10;
	s26 =	simm.s32 $0x80;
	v4 =	vmax.f32 v4, v62  }
0xa7: {  	s28 =	sand.u32 $0xC00, s26;
	s25 =	sand.u32 $0x70, s31;
	v4 =	vmax.f32 v4, v63  }
0xa8: {  	s25 =	sor.u32 s25, s28;
	s28 =	simm.s32 $0x20;
	[tilespmem:s24+$0x0] =	vst v4  }
.LBB2_8:
0xa9: {  	p1 =	sne.s32 s28, $0x1F0;
	v4 =	vld [tilespmem:s25+$0x3D80]  }
0xaa: {  	v5 =	vld [tilespmem:s25+$0x3D00]  }
0xab: {  	v6 =	vld [tilespmem:s25+$0x3E00]  }
0xac: {  	v7 =	vld [tilespmem:s25+$0x3E80]  }
0xad: {  	v8 =	vld [tilespmem:s25+$0x3F00]  }
0xae: {  	v9 =	vld [tilespmem:s25+$0x3F80]  }
0xaf: {  	v4 =	vmax.f32 v5, v4;
	v5 =	vld [tilespmem:s25+$0x4000]  }
0xb0: {  	v4 =	vmax.f32 v4, v6;
	v6 =	vld [tilespmem:s25+$0x4080]  }
0xb1: {  	v4 =	vmax.f32 v4, v7;
	v7 =	vld [tilespmem:s25+$0x4D00]  }
0xb2: {  	v4 =	vmax.f32 v4, v8;
	v8 =	vld [tilespmem:s25+$0x4D80]  }
0xb3: {  	v4 =	vmax.f32 v4, v9;
	v9 =	vld [tilespmem:s25+$0x4E00]  }
0xb4: {  	v4 =	vmax.f32 v4, v5;
	v5 =	vld [tilespmem:s25+$0x4E80]  }
0xb5: {  	v4 =	vmax.f32 v4, v6;
	v6 =	vld [tilespmem:s25+$0x4F00]  }
0xb6: {  	v4 =	vmax.f32 v4, v7;
	v7 =	vld [tilespmem:s25+$0x4F80]  }
0xb7: {  	v4 =	vmax.f32 v4, v8;
	v8 =	vld [tilespmem:s25+$0x5000]  }
0xb8: {  	v4 =	vmax.f32 v4, v9;
	v9 =	vld [tilespmem:s25+$0x5080]  }
0xb9: {  	v4 =	vmax.f32 v4, v5  }
.Ltmp3:
0xba: {  	v4 =	vmax.f32 v4, v6;
	(pc) =	sbr.rel @p1 .LBB2_8-.Ltmp3, $4  }
0xbb: {  	v4 =	vmax.f32 v4, v7  }
0xbc: {  	s26 =	sadd.s32 $0x80, s26;
	v4 =	vmax.f32 v4, v8  }
0xbd: {  	s24 =	sadd.s32 $0x10, s24;
	s29 =	sand.u32 $0xC00, s26;
	s25 =	sand.u32 $0x70, s28;
	v4 =	vmax.f32 v4, v9  }
0xbe: {  	s28 =	sadd.s32 $0x10, s28;
	s25 =	sor.u32 s25, s29;
	[tilespmem:s24+$0x0] =	vst v4  }
0xbf: {  	v4 =	vld [tilespmem:s25+$0x3D80]  }
0xc0: {  	v5 =	vld [tilespmem:s25+$0x3D00]  }
0xc1: {  	v6 =	vld [tilespmem:s25+$0x3E00]  }
0xc2: {  	v7 =	vld [tilespmem:s25+$0x3E80]  }
0xc3: {  	v8 =	vld [tilespmem:s25+$0x3F00]  }
0xc4: {  	v9 =	vld [tilespmem:s25+$0x3F80]  }
0xc5: {  	v4 =	vmax.f32 v5, v4;
	v5 =	vld [tilespmem:s25+$0x4000]  }
0xc6: {  	v56 =	vld [tilespmem:s25+$0x4080];
	v4 =	vmax.f32 v4, v6  }
0xc7: {  	v57 =	vld [tilespmem:s25+$0x4D00];
	v4 =	vmax.f32 v4, v7  }
0xc8: {  	v58 =	vld [tilespmem:s25+$0x4D80];
	v4 =	vmax.f32 v4, v8  }
0xc9: {  	v59 =	vld [tilespmem:s25+$0x4E00];
	v4 =	vmax.f32 v4, v9  }
0xca: {  	v4 =	vmax.f32 v4, v5;
	v5 =	vld [tilespmem:s25+$0x4E80]  }
0xcb: {  	v60 =	vld [tilespmem:s25+$0x4F00];
	v4 =	vmax.f32 v4, v56  }
0xcc: {  	v61 =	vld [tilespmem:s25+$0x4F80];
	v4 =	vmax.f32 v4, v57  }
0xcd: {  	v62 =	vld [tilespmem:s25+$0x5000];
	v4 =	vmax.f32 v4, v58  }
0xce: {  	v63 =	vld [tilespmem:s25+$0x5080];
	v4 =	vmax.f32 v4, v59  }
0xcf: {  	v4 =	vmax.f32 v4, v5  }
0xd0: {  	v4 =	vmax.f32 v4, v60  }
0xd1: {  	v4 =	vmax.f32 v4, v61  }
0xd2: {  	v4 =	vmax.f32 v4, v62  }
0xd3: {  	s24 =	sadd.s32 $0x10, s24;
	v4 =	vmax.f32 v4, v63  }
0xd4: {  	s25 =	simm.s32 $0x0;
	[tilespmem:s24+$0x0] =	vst v4;
	s24 =	simm.s32 $0x40  }
.LBB2_10:
0xd5: {  	p1 =	sne.s32 s24, $0x7FC0;
	[tilespmem:s25+$0x1900] =	vst v3;
	s25 =	smov.u32 s24;
	s24 =	sadd.s32 $0x40, s24  }
.Ltmp4:
0xd6: {  	(pc) =	sbr.rel @p1 .LBB2_10-.Ltmp4, $2  }
0xd7: {  	_ =	sdelay $0x2  }
0xd8: {  	s25 =	sshra.s32 s25, $0x2  }
0xd9: {  	[tilespmem:s25+$0x1900] =	vst v3;
	s24 =	simm.s32 $0x0;
	s25 =	simm.s32 $0x0  }
.LBB2_12:
0xda: {  	s26 =	sshra.s32 s25, $0x2  }
0xdb: {  	v4 =	vld [tilespmem:s26+$0xC80];
	_ =	sdelay $0x6  }
0xdc: {  	v5 =	vld [tilespmem:s26+$0x0]  }
0xdd: {  	v6 =	vld.idx.msk [tilespmem:v4+s20+$0x0], $0xffff;
	_ =	sdelay $0x4  }
0xde: {  	v5 =	vsub.f32 v5, v6;
	_ =	sdelay $0x1  }
0xdf: {  	v5 =	vmul.f32 $1.442695020e+00, v5;
	_ =	sdelay $0x1  }
0xe0: {  	(erf) = vpow2.f32 v5;
	_ =	sdelay $0x3  }
0xe1: {  	v4 =	vshll.u32 v4, $0x4  }
0xe2: {  	p1 =	sne.s32 s25, $0x31C0;
	v4 =	vor.u32 v0, v4  }
.Ltmp5:
0xe3: {  	_ = 	snop;
	(pc) =	sbr.rel @p1 .LBB2_12-.Ltmp5, $3  }
0xe4: {  	_ =	sdelay $0x1  }
0xe5: {  	v5 =	vpop (erf)  }
0xe6: {  	s25 =	sadd.s32 $0x40, s25;
	[tilespmem:v4+s16+$0x0] =	vst.idx.add.f32.msk $0xffff, v5  }
0xe7: {  	v4 =	vmov s24  }
0xe8: {  	v4 =	vshll.u32 v4, $0x4  }
0xe9: {  	v4 =	vor.u32 v2, v4  }
0xea: {  	v5 =	vor.u32 $0x1, v4;
	_ =	sdelay $0x1  }
0xeb: {  	v6 =	vor.u32 $0x2, v4;
	_ =	sdelay $0x1  }
0xec: {  	v7 =	vor.u32 $0x3, v4;
	v8 =	vld.idx.msk [tilespmem:v4+s16+$0x0], $0xffff  }
0xed: {  	v5 =	vld.idx.msk [tilespmem:v5+s16+$0x0], $0xffff  }
0xee: {  	v9 =	vor.u32 $0x4, v4  }
0xef: {  	v6 =	vld.idx.msk [tilespmem:v6+s16+$0x0], $0xffff  }
0xf0: {  	v10 =	vor.u32 $0x5, v4  }
0xf1: {  	v7 =	vld.idx.msk [tilespmem:v7+s16+$0x0], $0xffff  }
0xf2: {  	v11 =	vor.u32 $0x6, v4;
	v5 =	vadd.f32 v5, v8  }
0xf3: {  	v8 =	vld.idx.msk [tilespmem:v9+s16+$0x0], $0xffff  }
0xf4: {  	v44 =	vor.u32 $0x7, v4;
	v5 =	vadd.f32 v6, v5  }
0xf5: {  	v6 =	vld.idx.msk [tilespmem:v10+s16+$0x0], $0xffff  }
0xf6: {  	v45 =	vor.u32 $0x8, v4;
	v5 =	vadd.f32 v7, v5  }
0xf7: {  	v7 =	vld.idx.msk [tilespmem:v11+s16+$0x0], $0xffff  }
0xf8: {  	v46 =	vor.u32 $0x9, v4;
	v5 =	vadd.f32 v8, v5  }
0xf9: {  	v8 =	vld.idx.msk [tilespmem:v44+s16+$0x0], $0xffff  }
0xfa: {  	v47 =	vor.u32 $0xA, v4;
	v5 =	vadd.f32 v6, v5  }
0xfb: {  	v6 =	vld.idx.msk [tilespmem:v45+s16+$0x0], $0xffff  }
0xfc: {  	v48 =	vor.u32 $0xB, v4;
	v5 =	vadd.f32 v7, v5  }
0xfd: {  	v7 =	vld.idx.msk [tilespmem:v46+s16+$0x0], $0xffff  }
0xfe: {  	v49 =	vor.u32 $0xC, v4;
	v5 =	vadd.f32 v8, v5  }
0xff: {  	v8 =	vld.idx.msk [tilespmem:v47+s16+$0x0], $0xffff  }
0x100: {  	v50 =	vor.u32 $0xD, v4;
	v5 =	vadd.f32 v6, v5  }
0x101: {  	v6 =	vld.idx.msk [tilespmem:v48+s16+$0x0], $0xffff  }
0x102: {  	v51 =	vor.u32 $0xE, v4;
	v5 =	vadd.f32 v7, v5  }
0x103: {  	v7 =	vld.idx.msk [tilespmem:v49+s16+$0x0], $0xffff  }
0x104: {  	v4 =	vor.u32 $0xF, v4;
	v5 =	vadd.f32 v8, v5  }
0x105: {  	v8 =	vld.idx.msk [tilespmem:v50+s16+$0x0], $0xffff  }
0x106: {  	v5 =	vadd.f32 v6, v5  }
0x107: {  	v6 =	vld.idx.msk [tilespmem:v51+s16+$0x0], $0xffff  }
0x108: {  	s31 =	simm.s32 $0x10;
	v5 =	vadd.f32 v7, v5  }
0x109: {  	v4 =	vld.idx.msk [tilespmem:v4+s16+$0x0], $0xffff;
	v7 =	vmov s31  }
0x10a: {  	v7 =	vshll.u32 v7, $0x4;
	v5 =	vadd.f32 v8, v5  }
0x10b: {  	v7 =	vor.u32 v2, v7  }
0x10c: {  	v8 =	vor.u32 $0x1, v7;
	v5 =	vadd.f32 v6, v5;
	_ =	sdelay $0x1  }
0x10d: {  	v4 =	vadd.f32 v4, v5  }
0x10e: {  	s24 =	simm.s32 $0x3B00;
	v5 =	vor.u32 $0x2, v7  }
0x10f: {  	[tilespmem:s24+$0x0] =	vst v4  }
0x110: {  	v6 =	vor.u32 $0x3, v7;
	v4 =	vld.idx.msk [tilespmem:v8+s16+$0x0], $0xffff  }
0x111: {  	v8 =	vld.idx.msk [tilespmem:v7+s16+$0x0], $0xffff  }
0x112: {  	v52 =	vor.u32 $0x4, v7  }
0x113: {  	v5 =	vld.idx.msk [tilespmem:v5+s16+$0x0], $0xffff  }
0x114: {  	v53 =	vor.u32 $0x5, v7  }
0x115: {  	v6 =	vld.idx.msk [tilespmem:v6+s16+$0x0], $0xffff  }
0x116: {  	v54 =	vor.u32 $0x6, v7;
	v4 =	vadd.f32 v4, v8  }
0x117: {  	v8 =	vld.idx.msk [tilespmem:v52+s16+$0x0], $0xffff  }
0x118: {  	v55 =	vor.u32 $0x7, v7;
	v4 =	vadd.f32 v5, v4  }
0x119: {  	v5 =	vld.idx.msk [tilespmem:v53+s16+$0x0], $0xffff  }
0x11a: {  	v56 =	vor.u32 $0x8, v7;
	v4 =	vadd.f32 v6, v4  }
0x11b: {  	v6 =	vld.idx.msk [tilespmem:v54+s16+$0x0], $0xffff  }
0x11c: {  	v57 =	vor.u32 $0x9, v7;
	v4 =	vadd.f32 v8, v4  }
0x11d: {  	v8 =	vld.idx.msk [tilespmem:v55+s16+$0x0], $0xffff  }
0x11e: {  	v58 =	vor.u32 $0xA, v7;
	v4 =	vadd.f32 v5, v4  }
0x11f: {  	v5 =	vld.idx.msk [tilespmem:v56+s16+$0x0], $0xffff  }
0x120: {  	v59 =	vor.u32 $0xB, v7;
	v4 =	vadd.f32 v6, v4  }
0x121: {  	v6 =	vld.idx.msk [tilespmem:v57+s16+$0x0], $0xffff  }
0x122: {  	v60 =	vor.u32 $0xC, v7;
	v4 =	vadd.f32 v8, v4  }
0x123: {  	v8 =	vld.idx.msk [tilespmem:v58+s16+$0x0], $0xffff  }
0x124: {  	v4 =	vadd.f32 v5, v4  }
0x125: {  	v61 =	vor.u32 $0xD, v7;
	v5 =	vld.idx.msk [tilespmem:v59+s16+$0x0], $0xffff  }
0x126: {  	v4 =	vadd.f32 v6, v4  }
0x127: {  	v62 =	vor.u32 $0xE, v7;
	v6 =	vld.idx.msk [tilespmem:v60+s16+$0x0], $0xffff  }
0x128: {  	v4 =	vadd.f32 v8, v4  }
0x129: {  	v7 =	vor.u32 $0xF, v7  }
0x12a: {  	v8 =	vld.idx.msk [tilespmem:v61+s16+$0x0], $0xffff;
	v4 =	vadd.f32 v5, v4;
	_ =	sdelay $0x1  }
0x12b: {  	v6 =	vadd.f32 v6, v4;
	v4 =	vld.idx.msk [tilespmem:v62+s16+$0x0], $0xffff  }
0x12c: {  	s25 =	simm.s32 $0x20  }
0x12d: {  	v63 =	vmov s25;
	v5 =	vld.idx.msk [tilespmem:v7+s16+$0x0], $0xffff  }
0x12e: {  	s25 =	simm.s32 $0x30;
	v7 =	vshll.u32 v63, $0x4;
	v6 =	vadd.f32 v8, v6  }
.LBB2_14:
0x12f: {  	p1 =	sne.s32 s25, $0x1F0;
	v7 =	vor.u32 v2, v7  }
0x130: {  	v8 =	vor.u32 $0x1, v7;
	v4 =	vadd.f32 v4, v6;
	_ =	sdelay $0x1  }
0x131: {  	v4 =	vadd.f32 v5, v4  }
0x132: {  	s24 =	sadd.s32 $0x10, s24;
	v5 =	vor.u32 $0x2, v7  }
0x133: {  	[tilespmem:s24+$0x0] =	vst v4  }
0x134: {  	v6 =	vor.u32 $0x3, v7;
	v4 =	vld.idx.msk [tilespmem:v8+s16+$0x0], $0xffff  }
0x135: {  	v8 =	vld.idx.msk [tilespmem:v7+s16+$0x0], $0xffff  }
0x136: {  	v9 =	vor.u32 $0x4, v7  }
0x137: {  	v5 =	vld.idx.msk [tilespmem:v5+s16+$0x0], $0xffff  }
0x138: {  	v10 =	vor.u32 $0x5, v7  }
0x139: {  	v6 =	vld.idx.msk [tilespmem:v6+s16+$0x0], $0xffff  }
0x13a: {  	v11 =	vor.u32 $0x6, v7  }
0x13b: {  	v4 =	vadd.f32 v4, v8;
	v8 =	vld.idx.msk [tilespmem:v9+s16+$0x0], $0xffff  }
0x13c: {  	v9 =	vor.u32 $0x7, v7  }
0x13d: {  	v4 =	vadd.f32 v5, v4;
	v5 =	vld.idx.msk [tilespmem:v10+s16+$0x0], $0xffff  }
0x13e: {  	v10 =	vor.u32 $0x8, v7  }
0x13f: {  	v4 =	vadd.f32 v6, v4;
	v6 =	vld.idx.msk [tilespmem:v11+s16+$0x0], $0xffff  }
0x140: {  	v11 =	vor.u32 $0x9, v7  }
0x141: {  	v4 =	vadd.f32 v8, v4;
	v8 =	vld.idx.msk [tilespmem:v9+s16+$0x0], $0xffff  }
0x142: {  	v9 =	vor.u32 $0xA, v7  }
0x143: {  	v4 =	vadd.f32 v5, v4;
	v5 =	vld.idx.msk [tilespmem:v10+s16+$0x0], $0xffff  }
0x144: {  	v10 =	vor.u32 $0xB, v7  }
0x145: {  	v4 =	vadd.f32 v6, v4;
	v6 =	vld.idx.msk [tilespmem:v11+s16+$0x0], $0xffff  }
0x146: {  	v11 =	vor.u32 $0xC, v7  }
0x147: {  	v4 =	vadd.f32 v8, v4;
	v8 =	vld.idx.msk [tilespmem:v9+s16+$0x0], $0xffff  }
0x148: {  	v9 =	vor.u32 $0xD, v7  }
0x149: {  	v4 =	vadd.f32 v5, v4;
	v5 =	vld.idx.msk [tilespmem:v10+s16+$0x0], $0xffff  }
0x14a: {  	v10 =	vor.u32 $0xE, v7  }
0x14b: {  	v4 =	vadd.f32 v6, v4;
	v6 =	vld.idx.msk [tilespmem:v11+s16+$0x0], $0xffff  }
0x14c: {  	v7 =	vor.u32 $0xF, v7  }
0x14d: {  	v4 =	vadd.f32 v8, v4;
	v8 =	vld.idx.msk [tilespmem:v9+s16+$0x0], $0xffff;
	_ =	sdelay $0x1  }
.Ltmp6:
0x14e: {  	v5 =	vadd.f32 v5, v4;
	v4 =	vld.idx.msk [tilespmem:v10+s16+$0x0], $0xffff;
	(pc) =	sbr.rel @p1 .LBB2_14-.Ltmp6, $4  }
0x14f: {  	_ = 	snop  }
0x150: {  	v6 =	vadd.f32 v6, v5;
	v5 =	vld.idx.msk [tilespmem:v7+s16+$0x0], $0xffff  }
0x151: {  	v7 =	vmov s25  }
0x152: {  	s25 =	sadd.s32 $0x10, s25;
	v7 =	vshll.u32 v7, $0x4;
	v6 =	vadd.f32 v8, v6  }
0x153: {  	v7 =	vor.u32 v2, v7  }
0x154: {  	v8 =	vor.u32 $0x1, v7;
	v4 =	vadd.f32 v4, v6;
	_ =	sdelay $0x1  }
0x155: {  	v4 =	vadd.f32 v5, v4  }
0x156: {  	s24 =	sadd.s32 $0x10, s24;
	v5 =	vor.u32 $0x2, v7  }
0x157: {  	[tilespmem:s24+$0x0] =	vst v4  }
0x158: {  	v36 =	vor.u32 $0x3, v7;
	v4 =	vld.idx.msk [tilespmem:v8+s16+$0x0], $0xffff  }
0x159: {  	v37 =	vld.idx.msk [tilespmem:v7+s16+$0x0], $0xffff  }
0x15a: {  	v9 =	vor.u32 $0x4, v7  }
0x15b: {  	v5 =	vld.idx.msk [tilespmem:v5+s16+$0x0], $0xffff  }
0x15c: {  	v10 =	vor.u32 $0x5, v7  }
0x15d: {  	v6 =	vld.idx.msk [tilespmem:v36+s16+$0x0], $0xffff  }
0x15e: {  	v11 =	vor.u32 $0x6, v7;
	v4 =	vadd.f32 v4, v37  }
0x15f: {  	v38 =	vld.idx.msk [tilespmem:v9+s16+$0x0], $0xffff  }
0x160: {  	v39 =	vor.u32 $0x7, v7;
	v4 =	vadd.f32 v5, v4  }
0x161: {  	v5 =	vld.idx.msk [tilespmem:v10+s16+$0x0], $0xffff  }
0x162: {  	v40 =	vor.u32 $0x8, v7;
	v4 =	vadd.f32 v6, v4  }
0x163: {  	v41 =	vld.idx.msk [tilespmem:v11+s16+$0x0], $0xffff  }
0x164: {  	v42 =	vor.u32 $0x9, v7;
	v4 =	vadd.f32 v38, v4  }
0x165: {  	v43 =	vld.idx.msk [tilespmem:v39+s16+$0x0], $0xffff  }
0x166: {  	v44 =	vor.u32 $0xA, v7;
	v4 =	vadd.f32 v5, v4  }
0x167: {  	v5 =	vld.idx.msk [tilespmem:v40+s16+$0x0], $0xffff  }
0x168: {  	v45 =	vor.u32 $0xB, v7;
	v4 =	vadd.f32 v41, v4  }
0x169: {  	v46 =	vld.idx.msk [tilespmem:v42+s16+$0x0], $0xffff  }
0x16a: {  	v47 =	vor.u32 $0xC, v7;
	v4 =	vadd.f32 v43, v4  }
0x16b: {  	v48 =	vld.idx.msk [tilespmem:v44+s16+$0x0], $0xffff  }
0x16c: {  	v49 =	vor.u32 $0xD, v7;
	v4 =	vadd.f32 v5, v4  }
0x16d: {  	v5 =	vld.idx.msk [tilespmem:v45+s16+$0x0], $0xffff  }
0x16e: {  	v50 =	vor.u32 $0xE, v7;
	v4 =	vadd.f32 v46, v4  }
0x16f: {  	v51 =	vld.idx.msk [tilespmem:v47+s16+$0x0], $0xffff  }
0x170: {  	v7 =	vor.u32 $0xF, v7;
	v4 =	vadd.f32 v48, v4  }
0x171: {  	v52 =	vld.idx.msk [tilespmem:v49+s16+$0x0], $0xffff  }
0x172: {  	v4 =	vadd.f32 v5, v4  }
0x173: {  	v5 =	vld.idx.msk [tilespmem:v50+s16+$0x0], $0xffff  }
0x174: {  	v4 =	vadd.f32 v51, v4  }
0x175: {  	v53 =	vld.idx.msk [tilespmem:v7+s16+$0x0], $0xffff  }
0x176: {  	v4 =	vadd.f32 v52, v4;
	_ =	sdelay $0x1  }
0x177: {  	v4 =	vadd.f32 v5, v4;
	_ =	sdelay $0x1  }
0x178: {  	v4 =	vadd.f32 v53, v4  }
0x179: {  	s24 =	sadd.s32 $0x10, s24  }
0x17a: {  	[tilespmem:s24+$0x0] =	vst v4;
	s24 =	simm.s32 $0x3B00  }
0x17b: {  	[spmem:s9] =	stream.strided.scatter [tilespmem:s24], [sflag:$0x1], $0x200, s18, s17, $0x38;
	[tilespmem:$0x6780] =	vst v63  }
0x17c: {  	_ =	swait.ge [sflag:s14], $0x200  }
0x17d: {  	[sflag:s14] =	ssyncset.done $0x0  }
0x17e: {  	[sflag:s14] =	ssyncadd.s32 $0xFFFFFE00  }
0x17f: {  	[bflag:$0x0] =	sbarrier.arrive $0xFFFF  }
0x180: {  	[tilespmem:s19], [sflag:$0x1] =	stream.linear.gather [spmem:s3], $0x2000, $0x38;
	[tilespmem:$0x6780] =	vst v63  }
0x181: {  	s25 =	simm.s32 $0x0;
	_ =	swait.ge [sflag:s14], $0x2000  }
0x182: {  	s26 =	sand.u32 $0x70, s25;
	s25 =	sand.u32 $0xC00, s25;
	[sflag:s14] =	ssyncset.done $0x0  }
0x183: {  	s25 =	sor.u32 s26, s25;
	[sflag:s14] =	ssyncadd.s32 $0xFFFFE000  }
0x184: {  	v4 =	vld [tilespmem:s25+$0x3D80]  }
0x185: {  	v5 =	vld [tilespmem:s25+$0x3D00];
	_ =	sdelay $0x1  }
0x186: {  	v54 =	vld [tilespmem:s25+$0x3E00];
	_ =	sdelay $0x1  }
0x187: {  	v55 =	vld [tilespmem:s25+$0x3E80]  }
0x188: {  	v4 =	vadd.f32 v4, v5  }
0x189: {  	v5 =	vld [tilespmem:s25+$0x3F00]  }
0x18a: {  	v4 =	vadd.f32 v54, v4  }
0x18b: {  	v56 =	vld [tilespmem:s25+$0x3F80]  }
0x18c: {  	v4 =	vadd.f32 v55, v4  }
0x18d: {  	v57 =	vld [tilespmem:s25+$0x4000]  }
0x18e: {  	v4 =	vadd.f32 v5, v4  }
0x18f: {  	v5 =	vld [tilespmem:s25+$0x4080]  }
0x190: {  	v4 =	vadd.f32 v56, v4  }
0x191: {  	v58 =	vld [tilespmem:s25+$0x4D00]  }
0x192: {  	v4 =	vadd.f32 v57, v4  }
0x193: {  	v59 =	vld [tilespmem:s25+$0x4D80]  }
0x194: {  	v4 =	vadd.f32 v5, v4  }
0x195: {  	v5 =	vld [tilespmem:s25+$0x4E00]  }
0x196: {  	v4 =	vadd.f32 v58, v4  }
0x197: {  	v60 =	vld [tilespmem:s25+$0x4E80]  }
0x198: {  	v4 =	vadd.f32 v59, v4  }
0x199: {  	v61 =	vld [tilespmem:s25+$0x4F00]  }
0x19a: {  	v4 =	vadd.f32 v5, v4  }
0x19b: {  	v5 =	vld [tilespmem:s25+$0x4F80]  }
0x19c: {  	v4 =	vadd.f32 v60, v4  }
0x19d: {  	v62 =	vld [tilespmem:s25+$0x5000]  }
0x19e: {  	v4 =	vadd.f32 v61, v4  }
0x19f: {  	v63 =	vld [tilespmem:s25+$0x5080]  }
0x1a0: {  	v4 =	vadd.f32 v5, v4;
	_ =	sdelay $0x1  }
0x1a1: {  	v4 =	vadd.f32 v62, v4;
	_ =	sdelay $0x1  }
0x1a2: {  	s31 =	simm.s32 $0x10;
	s26 =	simm.s32 $0x80;
	v4 =	vadd.f32 v63, v4  }
0x1a3: {  	s28 =	sand.u32 $0xC00, s26;
	s25 =	sand.u32 $0x70, s31  }
0x1a4: {  	s25 =	sor.u32 s25, s28;
	s28 =	simm.s32 $0x20;
	[tilespmem:s24+$0x0] =	vst v4  }
.LBB2_16:
0x1a5: {  	p1 =	sne.s32 s28, $0x1F0;
	v4 =	vld [tilespmem:s25+$0x3D80]  }
0x1a6: {  	v5 =	vld [tilespmem:s25+$0x3D00];
	_ =	sdelay $0x1  }
0x1a7: {  	v6 =	vld [tilespmem:s25+$0x3E00];
	_ =	sdelay $0x1  }
0x1a8: {  	v7 =	vld [tilespmem:s25+$0x3E80]  }
0x1a9: {  	v4 =	vadd.f32 v4, v5  }
0x1aa: {  	v5 =	vld [tilespmem:s25+$0x3F00]  }
0x1ab: {  	v4 =	vadd.f32 v6, v4  }
0x1ac: {  	v6 =	vld [tilespmem:s25+$0x3F80]  }
0x1ad: {  	v4 =	vadd.f32 v7, v4  }
0x1ae: {  	v7 =	vld [tilespmem:s25+$0x4000]  }
0x1af: {  	v4 =	vadd.f32 v5, v4  }
0x1b0: {  	v5 =	vld [tilespmem:s25+$0x4080]  }
0x1b1: {  	v4 =	vadd.f32 v6, v4  }
0x1b2: {  	v6 =	vld [tilespmem:s25+$0x4D00]  }
0x1b3: {  	v4 =	vadd.f32 v7, v4  }
0x1b4: {  	v7 =	vld [tilespmem:s25+$0x4D80]  }
0x1b5: {  	v4 =	vadd.f32 v5, v4  }
0x1b6: {  	v5 =	vld [tilespmem:s25+$0x4E00]  }
0x1b7: {  	v4 =	vadd.f32 v6, v4  }
0x1b8: {  	v6 =	vld [tilespmem:s25+$0x4E80]  }
0x1b9: {  	v4 =	vadd.f32 v7, v4  }
0x1ba: {  	v7 =	vld [tilespmem:s25+$0x4F00]  }
0x1bb: {  	v4 =	vadd.f32 v5, v4  }
0x1bc: {  	v5 =	vld [tilespmem:s25+$0x4F80]  }
0x1bd: {  	v4 =	vadd.f32 v6, v4  }
0x1be: {  	v6 =	vld [tilespmem:s25+$0x5000]  }
0x1bf: {  	v4 =	vadd.f32 v7, v4  }
0x1c0: {  	v7 =	vld [tilespmem:s25+$0x5080]  }
0x1c1: {  	v4 =	vadd.f32 v5, v4;
	_ =	sdelay $0x1  }
.Ltmp7:
0x1c2: {  	v4 =	vadd.f32 v6, v4;
	(pc) =	sbr.rel @p1 .LBB2_16-.Ltmp7, $4  }
0x1c3: {  	_ = 	snop  }
0x1c4: {  	s26 =	sadd.s32 $0x80, s26;
	v4 =	vadd.f32 v7, v4  }
0x1c5: {  	s24 =	sadd.s32 $0x10, s24;
	s29 =	sand.u32 $0xC00, s26;
	s25 =	sand.u32 $0x70, s28  }
0x1c6: {  	s28 =	sadd.s32 $0x10, s28;
	s25 =	sor.u32 s25, s29;
	[tilespmem:s24+$0x0] =	vst v4  }
0x1c7: {  	v4 =	vld [tilespmem:s25+$0x3D80]  }
0x1c8: {  	v5 =	vld [tilespmem:s25+$0x3D00];
	_ =	sdelay $0x1  }
0x1c9: {  	v6 =	vld [tilespmem:s25+$0x3E00];
	_ =	sdelay $0x1  }
0x1ca: {  	v7 =	vld [tilespmem:s25+$0x3E80]  }
0x1cb: {  	v4 =	vadd.f32 v4, v5  }
0x1cc: {  	v5 =	vld [tilespmem:s25+$0x3F00]  }
0x1cd: {  	v4 =	vadd.f32 v6, v4  }
0x1ce: {  	v55 =	vld [tilespmem:s25+$0x3F80]  }
0x1cf: {  	v4 =	vadd.f32 v7, v4  }
0x1d0: {  	v56 =	vld [tilespmem:s25+$0x4000]  }
0x1d1: {  	v4 =	vadd.f32 v5, v4  }
0x1d2: {  	v5 =	vld [tilespmem:s25+$0x4080]  }
0x1d3: {  	v4 =	vadd.f32 v55, v4  }
0x1d4: {  	v57 =	vld [tilespmem:s25+$0x4D00]  }
0x1d5: {  	v4 =	vadd.f32 v56, v4  }
0x1d6: {  	v58 =	vld [tilespmem:s25+$0x4D80]  }
0x1d7: {  	v4 =	vadd.f32 v5, v4  }
0x1d8: {  	v5 =	vld [tilespmem:s25+$0x4E00]  }
0x1d9: {  	v4 =	vadd.f32 v57, v4  }
0x1da: {  	v59 =	vld [tilespmem:s25+$0x4E80]  }
0x1db: {  	v4 =	vadd.f32 v58, v4  }
0x1dc: {  	v60 =	vld [tilespmem:s25+$0x4F00]  }
0x1dd: {  	v4 =	vadd.f32 v5, v4  }
0x1de: {  	v5 =	vld [tilespmem:s25+$0x4F80]  }
0x1df: {  	v4 =	vadd.f32 v59, v4  }
0x1e0: {  	v61 =	vld [tilespmem:s25+$0x5000]  }
0x1e1: {  	v4 =	vadd.f32 v60, v4  }
0x1e2: {  	v62 =	vld [tilespmem:s25+$0x5080]  }
0x1e3: {  	v4 =	vadd.f32 v5, v4;
	_ =	sdelay $0x1  }
0x1e4: {  	v4 =	vadd.f32 v61, v4;
	_ =	sdelay $0x1  }
0x1e5: {  	v4 =	vadd.f32 v62, v4  }
0x1e6: {  	s24 =	sadd.s32 $0x10, s24  }
0x1e7: {  	s25 =	simm.s32 @!p0 $0x3B00;
	[tilespmem:s24+$0x0] =	vst v4;
	s24 =	simm.s32 @!p0 $0x0  }
0x1e8: {  	[hbm4b:s5+s24] =	stream.linear.scatter @!p0 [tilespmem:s25], [sflag:$0x1], $0x200, $0x38;
	[tilespmem:$0x6780] =	vst v63  }
0x1e9: {  	s24 =	simm.s32 @!p0 $0x1  }
0x1ea: {  	_ =	swait.ge @!p0 [sflag:s24], $0x200  }
0x1eb: {  	[sflag:s24] =	ssyncset.done @!p0 $0x0  }
0x1ec: {  	s31 =	simm.s32 $0x0;
	[sflag:s24] =	ssyncadd.s32 @!p0 $0xFFFFFE00  }
0x1ed: {  	[tilespmem:s31], [sflag:$0x1] =	stream.linear.gather [hbm4b:s10+s31], $0x640, $0x38;
	[tilespmem:$0x6780] =	vst v63  }
0x1ee: {  	_ =	swait.ge [sflag:s14], $0x640  }
0x1ef: {  	[sflag:s14] =	ssyncset.done $0x0  }
0x1f0: {  	[sflag:s14] =	ssyncadd.s32 $0xFFFFF9C0  }
0x1f1: {  	[tilespmem:s15], [sflag:$0x1] =	stream.linear.gather [hbm4b:s11+s31], $0x640, $0x38;
	[tilespmem:$0x6780] =	vst v63  }
0x1f2: {  	_ =	swait.ge [sflag:s14], $0x640  }
0x1f3: {  	[sflag:s14] =	ssyncset.done $0x0  }
0x1f4: {  	s24 =	simm.s32 $0x0;
	[sflag:s14] =	ssyncadd.s32 $0xFFFFF9C0  }
0x1f5: {  	v4 =	vld [tilespmem:s24+$0xC80];
	_ =	sdelay $0x6  }
0x1f6: {  	v5 =	vld [tilespmem:s24+$0x0]  }
0x1f7: {  	v63 =	vld.idx.msk [tilespmem:v4+s20+$0x0], $0xffff  }
0x1f8: {  	v4 =	vld.idx.msk [tilespmem:v4+s21+$0x0], $0xffff;
	_ =	sdelay $0x3  }
0x1f9: {  	v5 =	vsub.f32 v5, v63  }
0x1fa: {  	v4 =	vadd.f32 $1.000000020e-16, v4  }
0x1fb: {  	v5 =	vmul.f32 $1.442695020e+00, v5  }
0x1fc: {  	(erf) = vrcp.f32 v4  }
0x1fd: {  	(erf) = vpow2.f32 v5;
	_ =	sdelay $0x3  }
0x1fe: {  	s26 =	simm.s32 $0x10;
	s25 =	simm.s32 $0x80  }
.LBB2_18:
0x1ff: {  	p1 =	sne.s32 s25, $0x18C0;
	v4 =	vld [tilespmem:s26+$0xC80];
	_ =	sdelay $0x2  }
0x200: {  	v5 =	vpop (erf)  }
0x201: {  	v6 =	vpop (erf)  }
0x202: {  	v5 =	vmul.f32 v5, v6;
	_ =	sdelay $0x1  }
0x203: {  	v6 =	vld [tilespmem:s26+$0x0];
	[tilespmem:s24+$0x5D00] =	vst v5;
	s24 =	smov.u32 s26  }
0x204: {  	v5 =	vld.idx.msk [tilespmem:v4+s20+$0x0], $0xffff  }
0x205: {  	v4 =	vld.idx.msk [tilespmem:v4+s21+$0x0], $0xffff;
	_ =	sdelay $0x4  }
0x206: {  	v5 =	vsub.f32 v6, v5  }
0x207: {  	v4 =	vadd.f32 $1.000000020e-16, v4  }
0x208: {  	v5 =	vmul.f32 $1.442695020e+00, v5  }
0x209: {  	(erf) = vrcp.f32 v4  }
.Ltmp8:
0x20a: {  	(erf) = vpow2.f32 v5;
	(pc) =	sbr.rel @p1 .LBB2_18-.Ltmp8, $2  }
0x20b: {  	_ =	sdelay $0x2  }
0x20c: {  	s26 =	sshra.s32 s25, $0x2;
	s25 =	sadd.s32 $0x40, s25  }
0x20d: {  	v4 =	vld [tilespmem:s26+$0xC80];
	_ =	sdelay $0x2  }
0x20e: {  	v5 =	vpop (erf)  }
0x20f: {  	v6 =	vpop (erf)  }
0x210: {  	v5 =	vmul.f32 v5, v6;
	_ =	sdelay $0x1  }
0x211: {  	v63 =	vld [tilespmem:s26+$0x0];
	[tilespmem:s24+$0x5D00] =	vst v5  }
0x212: {  	v5 =	vld.idx.msk [tilespmem:v4+s20+$0x0], $0xffff  }
0x213: {  	v4 =	vld.idx.msk [tilespmem:v4+s21+$0x0], $0xffff;
	_ =	sdelay $0x3  }
0x214: {  	v5 =	vsub.f32 v63, v5  }
0x215: {  	v4 =	vadd.f32 $1.000000020e-16, v4  }
0x216: {  	v5 =	vmul.f32 $1.442695020e+00, v5  }
0x217: {  	(erf) = vrcp.f32 v4  }
0x218: {  	(erf) = vpow2.f32 v5;
	_ =	sdelay $0x7  }
0x219: {  	v4 =	vpop (erf)  }
0x21a: {  	v5 =	vpop (erf)  }
0x21b: {  	s23 =	sadd.s32 $0x1, s23;
	v4 =	vmul.f32 v4, v5  }
0x21c: {  	p1 =	sne.s32 s23, s13  }
.Ltmp9:
0x21d: {  	[tilespmem:s26+$0x5D00] =	vst v4;
	(pc) =	sbr.rel @p1 .LBB2_1-.Ltmp9, $4  }
0x21e: {  	[hbm4b:s12+s4] =	stream.linear.scatter [tilespmem:s22], [sflag:$0x1], $0x640, $0x38;
	[tilespmem:$0x6780] =	vst v63  }
0x21f: {  	_ =	swait.ge [sflag:s14], $0x640  }
0x220: {  	[sflag:s14] =	ssyncset.done $0x0  }
0x221: {  	[sflag:s14] =	ssyncadd.s32 $0xFFFFF9C0  }
0x222: {  	_ =	sfence.sel $0x180000  }
0x223: {  	[bflag:$0x0] =	sbarrier.arrive $0xFFFF  }
0x224: {  	p0 =	sne.s32 s1, $0x0;
	_ =	strace $0x90000047  }
0x225: {  	s0 =	sadd.s32 @!p0 $0x100000, s0;
	[bflag:$0x2] =	sbarrier.arrive $0xFFFF  }
0x226: {  	[sflag:s0] =	ssyncadd.tile.s32 @!p0 $0x1;
	_ =	shalt  }
.Lfunc_end2:
_tile_overlayer_lowered:
.L_overlay_start_2:
0x227: {  	(tag) =	ssettag $0x2  }
0x228: {  	s0 =	rddreg [dreg:$0x0];
	s2 =	stileid.u32  }
0x229: {  	s1 =	rddreg [dreg:$0x1];
	p0 =	sne.s32 s2, $0x0  }
0x22a: {  	s3 =	rddreg [dreg:$0x2];
	[bflag:$0x3] =	sbarrier.arrive $0xFFFF;
	s2 =	simm.s32 @!p0 $0x1C01  }
0x22b: {  	[timem:s3], [sflag:s2] =	dma.local @!p0 [hbm:s0], s1  }
0x22c: {  	s0 =	simm.s32 @!p0 $0x1  }
0x22d: {  	_ =	swait.ge @!p0 [sflag:s0], s1  }
0x22e: {  	s1 =	ssub.s32 @!p0 $0x0, s1;
	[sflag:s0] =	ssyncset.done @!p0 $0x0  }
0x22f: {  	[sflag:s0] =	ssyncadd.s32 @!p0 s1  }
0x230: {  	[bflag:$0x3] =	sbarrier.arrive $0xFFFF  }
0x231: {  	_ =	shalt  }

// kernel: kernel.9.cloned.1.call-start
scs
__scs_entry_jumppad:
0x0: {  	(pc) =	sbr.rel $0x88, $3  }
0x1: {  	(tag) =	ssettag $0x0;
	lr =	simm.s32 $0x1  }
0x2: {  	[smem:$0x3F9B] =	sst lr;
	_ =	strace $0xD0000000  }
0x3: {  	_ = 	snop  }
0x4: {  	_ = 	snop  }
0x5: {  	_ = 	snop  }
0x6: {  	_ = 	snop  }
0x7: {  	_ = 	snop  }
__scs_overlays_trampoline_lowered:
0x8: {  	[smem:$0x3FAA] =	sst s0  }
0x9: {  	[smem:$0x3FAB] =	sst s1  }
0xa: {  	[smem:$0x3FAC] =	sst s2  }
0xb: {  	[smem:$0x3FAD] =	sst s3  }
0xc: {  	[smem:$0x3FAE] =	sst s4  }
0xd: {  	[smem:$0x3FAF] =	sst s5  }
0xe: {  	[smem:$0x3FB0] =	sst s6  }
0xf: {  	[smem:$0x3FB1] =	sst s7  }
0x10: {  	[smem:$0x3FB2] =	sst s8  }
0x11: {  	[smem:$0x3FB3] =	sst s9;
	s0 =	simm.s32 @!p0 $0x0  }
0x12: {  	s1 =	sld [smem:$0x3F99];
	s0 =	simm.s32 @p0 $0x1  }
0x13: {  	[smem:$0x3FB4] =	sst s0;
	s0 =	simm.s32 @!p1 $0x0  }
0x14: {  	s2 =	sld [smem:$0x3F98];
	s0 =	simm.s32 @p1 $0x1  }
0x15: {  	[smem:$0x3FB5] =	sst s0;
	s0 =	simm.s32 @!p2 $0x0  }
0x16: {  	s3 =	sld [smem:$0x3FDB];
	s0 =	simm.s32 @p2 $0x1  }
0x17: {  	s4 =	simm.s32 $0x1BF5;
	[smem:$0x3FB7] =	sst s0  }
0x18: {  	s0 =	sld [smem:$0x3F9A];
	_ =	swait.ge [sflag:s4], $0x0  }
0x19: {  	s7 =	sld [smem:$0x3F9B]  }
0x1a: {  	s8 =	sadd.s32 $0xFFFFE003, lr  }
0x1b: {  	s9 =	sadd.s32 $0xFFFFFEF7, lr;
	s5 =	simm.s32 $0xFFFFFFFF;
	p2 =	slt.u32 s8, $0xFFFFF086  }
0x1c: {  	p1 =	slt.u32 s9, $0xF7A;
	s5 =	simm.s32 @!p2 $0x0  }
0x1d: {  	s5 =	simm.s32 @p1 $0x1;
	p0 =	seq.s32 s7, s2  }
0x1e: {  	s7 =	smul.u32 @!p0 $0xF7A, s2;
	p2 =	seq.s32 @!p0 s5, $0x0  }
0x1f: {  	s9 =	smul.u32 $0xF7A, s1;
	s8 =	simm.s32 @!p0 $0x1BF5;
	p2 =	por !p2, p0  }
0x20: {  	[sflag:s8] =	ssyncset.s32 @!p0 $0xFFFFF086;
	s6 =	sadd.s32 @!p0 s3, s7;
	s7 =	simm.s32 @!p0 $0x108  }
0x21: {  	s3 =	sadd.s32 s3, s9;
	s6 =	sadd.s32 @!p0 $0x88, s6;
	s7 =	simm.s32 @p2 $0x1082  }
0x22: {  	[simem:s7], [sflag:s8] =	dma.local @!p0 [hbm:s6], $0xF7A  }
0x23: {  	s9 =	sor.u32 $0xD0000000, s2;
	s6 =	simm.s32 $0x108;
	_ =	swait.ge @!p0 [sflag:s8], $0x0  }
0x24: {  	s3 =	sadd.s32 $0x88, s3;
	s6 =	simm.s32 @!p1 $0x1082;
	[sflag:s4] =	ssyncset.s32 $0xFFFFF086  }
0x25: {  	[simem:s6], [sflag:s4] =	dma.local [hbm:s3], $0xF7A  }
0x26: {  	[smem:$0x3F9B] =	sst s1;
	(tag) =	ssettag s2;
	_ =	strace s9  }
0x27: {  	s1 =	sld [smem:$0x3FAB]  }
0x28: {  	s2 =	sld [smem:$0x3FAC]  }
0x29: {  	s4 =	sld [smem:$0x3FAE]  }
0x2a: {  	p0 =	seq.s32 s5, $0x0;
	s5 =	sld [smem:$0x3FAF]  }
0x2b: {  	s6 =	sld [smem:$0x3FB0]  }
0x2c: {  	s7 =	sld [smem:$0x3FB1]  }
0x2d: {  	s3 =	simm.s32 $0x108;
	s8 =	sld [smem:$0x3FB2]  }
0x2e: {  	s3 =	simm.s32 @!p0 $0x1082;
	s9 =	sld [smem:$0x3FB3]  }
0x2f: {  	lr =	sadd.s32 s0, s3;
	s0 =	sld [smem:$0x3FAA]  }
0x30: {  	s3 =	sld [smem:$0x3FAD]  }
0x31: {  	[smem:$0x3FB6] =	sst s10  }
0x32: {  	s10 =	sld [smem:$0x3FB4];
	_ =	sdelay $0x3  }
0x33: {  	p0 =	seq.s32 s10, $0x1;
	s10 =	sld [smem:$0x3FB6];
	_ =	sdelay $0x3  }
0x34: {  	[smem:$0x3FB6] =	sst s10  }
0x35: {  	s10 =	sld [smem:$0x3FB5];
	_ =	sdelay $0x3  }
0x36: {  	p1 =	seq.s32 s10, $0x1;
	s10 =	sld [smem:$0x3FB6];
	_ =	sdelay $0x3  }
0x37: {  	[smem:$0x3FB6] =	sst s10  }
0x38: {  	s10 =	sld [smem:$0x3FB7]  }
0x39: {  	_ = 	snop;
	(pc) =	sbr.ind lr, $3  }
0x3a: {  	_ = 	snop  }
0x3b: {  	_ = 	snop  }
0x3c: {  	p2 =	seq.s32 s10, $0x1;
	s10 =	sld [smem:$0x3FB6]  }
0x3d: {  	_ =	shalt  }
0x3e: {  	_ =	shalt  }
0x3f: {  	_ =	shalt  }
0x40: {  	_ =	shalt  }
0x41: {  	_ =	shalt  }
0x42: {  	_ =	shalt  }
0x43: {  	_ =	shalt  }
0x44: {  	_ =	shalt  }
0x45: {  	_ =	shalt  }
0x46: {  	_ =	shalt  }
0x47: {  	_ =	shalt  }
0x48: {  	_ =	shalt  }
0x49: {  	_ =	shalt  }
0x4a: {  	_ =	shalt  }
0x4b: {  	_ =	shalt  }
0x4c: {  	_ =	shalt  }
0x4d: {  	_ =	shalt  }
0x4e: {  	_ =	shalt  }
0x4f: {  	_ =	shalt  }
0x50: {  	_ =	shalt  }
0x51: {  	_ =	shalt  }
0x52: {  	_ =	shalt  }
0x53: {  	_ =	shalt  }
0x54: {  	_ =	shalt  }
0x55: {  	_ =	shalt  }
0x56: {  	_ =	shalt  }
0x57: {  	_ =	shalt  }
0x58: {  	_ =	shalt  }
0x59: {  	_ =	shalt  }
0x5a: {  	_ =	shalt  }
0x5b: {  	_ =	shalt  }
0x5c: {  	_ =	shalt  }
0x5d: {  	_ =	shalt  }
0x5e: {  	_ =	shalt  }
0x5f: {  	_ =	shalt  }
0x60: {  	_ =	shalt  }
0x61: {  	_ =	shalt  }
0x62: {  	_ =	shalt  }
0x63: {  	_ =	shalt  }
0x64: {  	_ =	shalt  }
0x65: {  	_ =	shalt  }
0x66: {  	_ =	shalt  }
0x67: {  	_ =	shalt  }
0x68: {  	_ =	shalt  }
0x69: {  	_ =	shalt  }
0x6a: {  	_ =	shalt  }
0x6b: {  	_ =	shalt  }
0x6c: {  	_ =	shalt  }
0x6d: {  	_ =	shalt  }
0x6e: {  	_ =	shalt  }
0x6f: {  	_ =	shalt  }
0x70: {  	_ =	shalt  }
0x71: {  	_ =	shalt  }
0x72: {  	_ =	shalt  }
0x73: {  	_ =	shalt  }
0x74: {  	_ =	shalt  }
0x75: {  	_ =	shalt  }
0x76: {  	_ =	shalt  }
0x77: {  	_ =	shalt  }
0x78: {  	_ =	shalt  }
0x79: {  	_ =	shalt  }
0x7a: {  	_ =	shalt  }
0x7b: {  	_ =	shalt  }
0x7c: {  	_ =	shalt  }
0x7d: {  	_ =	shalt  }
0x7e: {  	_ =	shalt  }
0x7f: {  	_ =	shalt  }
0x80: {  	_ =	shalt  }
0x81: {  	_ =	shalt  }
0x82: {  	_ =	shalt  }
0x83: {  	_ =	shalt  }
0x84: {  	_ =	shalt  }
0x85: {  	_ =	shalt  }
0x86: {  	_ =	shalt  }
0x87: {  	_ =	shalt  }
.Lfunc_end0:
.L_simem_size_0:
called_computation.1_lowered:
.L_overlay_start_0:
0x88: {  	s2 =	sld [smem:$0x3FD9]  }
0x89: {  	s3 =	sld [smem:$0x3FFE];
	_ =	sdelay $0x1  }
0x8a: {  	s1 =	srdreg.scid  }
0x8b: {  	s0 =	sand.u32 $0x1, s1  }
0x8c: {  	s17 =	sshll.u32 s0, $0xA;
	s2 =	sadd.s32 s3, s2  }
0x8d: {  	s2 =	sadd.s32 s2, s17  }
0x8e: {  	[smem:$0x3FC2] =	sst s2  }
0x8f: {  	_ = 	snop  }
0x90: {  	s2 =	sld [smem:$0x3FC9];
	(tm) =	ssettm $0x1  }
0x91: {  	s18 =	sld [smem:$0x3FFB];
	_ =	sdelay $0x3  }
0x92: {  	_ =	strace s18  }
0x93: {  	s3 =	sld [smem:$0x3FFC];
	_ =	sdelay $0x3  }
0x94: {  	_ =	strace s3  }
0x95: {  	s3 =	sld [smem:$0x3FFD];
	_ =	sdelay $0x3  }
0x96: {  	_ =	strace s3  }
0x97: {  	_ =	strace $0x8FFFFFFF  }
0x98: {  	s19 =	sld [smem:$0x3FDB];
	_ =	sdelay $0x1  }
0x99: {  	s4 =	simm.s32 $_scs_section_size  }
0x9a: {  	s5 =	simm.s32 $_size__tile_overlayer_lowered;
	s6 =	simm.s32 $_tile_overlayer_lowered  }
0x9b: {  	s22 =	simm.s32 $0x1BFF;
	s21 =	sshll.u32 s6, $0x1;
	s3 =	sadd.s32 s4, s19  }
0x9c: {  	s7 =	simm.s32 $0x0;
	s20 =	sshll.u32 s5, $0x1;
	s5 =	sadd.s32 s21, s3  }
0x9d: {  	[timem:s7], [sflag:s22] =	dma.local [hbm:s5], s20  }
0x9e: {  	_ =	swait.ge [sflag:s22], s20  }
0x9f: {  	s4 =	ssub.s32 $0x0, s20;
	[sflag:s22] =	ssyncset.done $0x0  }
0xa0: {  	[sflag:s22] =	ssyncadd.s32 s4;
	_ =	sdelay $0x1  }
0xa1: {  	s23 =	simm.s32 $0x1B8B  }
0xa2: {  	_ =	swait.ge [sflag:s23], $0x1  }
0xa3: {  	[sflag:s23] =	ssyncset.done $0x0  }
0xa4: {  	s25 =	simm.s32 $0x1B8E;
	s24 =	sld [smem:$0x3FFE];
	[sflag:s23] =	ssyncadd.s32 $0xFFFFFFFF  }
0xa5: {  	s26 =	simm.s32 $execute0_lowered;
	[smem:$0x3FD2] =	sst s25  }
0xa6: {  	s5 =	sshll.u32 s26, $0x1;
	_ =	strace $0x80000049;
	[dreg:$0x1] =	wrdreg $0xFFFFFFFF  }
0xa7: {  	s28 =	simm.s32 $_size_execute0_lowered;
	s3 =	sadd.s32 s3, s5;
	[dreg:$0x0] =	wrdreg $0x0  }
0xa8: {  	s5 =	sshll.u32 s28, $0x1;
	[dreg:$0x2] =	wrdreg s3  }
0xa9: {  	[dreg:$0x3] =	wrdreg s5  }
0xaa: {  	[dreg:$0x4] =	wrdreg $0xC0  }
0xab: {  	_ =	task [dreg:s7], $0x5FFFF  }
0xac: {  	[dreg:$0x1] =	wrdreg $0xFFFFFFFF  }
0xad: {  	[dreg:$0x0] =	wrdreg $0x60  }
0xae: {  	[dreg:$0x2] =	wrdreg s2  }
0xaf: {  	[dreg:$0x3] =	wrdreg s24  }
0xb0: {  	[dreg:$0x4] =	wrdreg $0x9  }
0xb1: {  	_ =	task.clear_ibuf [dreg:s7], $0x5FFFF;
	_ =	strace $0x90000049  }
0xb2: {  	s29 =	simm.s32 $0x9;
	_ =	strace $0x8000004B  }
0xb3: {  	_ =	swait.ge [sflag:s29], $0x1  }
0xb4: {  	[sflag:s29] =	ssyncadd.s32 $0xFFFFFFFF  }
0xb5: {  	_ =	strace $0x9000004B  }
0xb6: {  	_ =	sfence  }
0xb7: {  	s30 =	sld [smem:$0x0];
	_ =	sdelay $0x2  }
0xb8: {  	s31 =	sshll.u32 s1, $0xD;
	s1 =	sshrl.u32 s1, $0x2  }
0xb9: {  	s3 =	sand.u32 $0x4000, s31;
	s1 =	sadd.s32 s1, s30  }
0xba: {  	s0 =	sor.u32 s3, s0;
	s1 =	sshll.u32 s1, $0x11  }
0xbb: {  	s0 =	sor.u32 s1, s0  }
0xbc: {  	s0 =	sadd.s32 $0x8F2B, s0  }
0xbd: {  	[sflag:s0] =	ssyncadd.remote.s32 $0x1  }
0xbe: {  	_ =	sfence.sel $0xFFFF  }
0xbf: {  	[dreg:$0x0] =	wrdreg $0xFFFFFFFF;
	(pc) =	sbr.abs _section_cstart, $3  }
0xc0: {  	[dreg:$0x1] =	wrdreg $0xFFFFFFFF  }
0xc1: {  	_ =	task.clear_ibuf [dreg:s7], $0x2FFFF;
	_ =	strace $0x9FFFFFFF  }
0xc2: {  	(tm) =	ssettm $0x7FFFFFFF  }
0xc3: {  	_ =	shalt  }
tec
execute0_lowered:
.L_overlay_start_1:
0x0: {  	(tag) =	ssettag $0x1  }
0x1: {  	s0 =	srdreg.scid;
	s2 =	rddreg [dreg:$0x0]  }
0x2: {  	s3 =	stileid.u32;
	s9 =	rddreg [dreg:$0x1];
	s5 =	simm.s32 $0x1  }
0x3: {  	s16 =	simm.s32 $0x4000;
	s17 =	simm.s32 $0x4100;
	s18 =	simm.s32 $0x400  }
0x4: {  	s19 =	simm.s32 $0x1000;
	s20 =	simm.s32 $0x4080;
	s21 =	simm.s32 $0x4180  }
0x5: {  	s28 =	simm.s32 $0x3D00;
	s29 =	simm.s32 $0x3D80;
	s30 =	simm.s32 $0x3E00  }
0x6: {  	s31 =	simm.s32 $0x3E80;
	s0 =	sand.u32 $0x1, s0;
	s8 =	sand.u32 $0x7, s3  }
0x7: {  	s4 =	sadd.s32 $0x2E00, s9;
	s1 =	sshll.u32 s0, $0x4;
	p0 =	sne.s32 s8, $0x0  }
0x8: {  	s7 =	sshll.u32 s8, $0x12;
	s0 =	ssub.s32 $0x2, s0;
	s1 =	sor.u32 s3, s1  }
0x9: {  	s12 =	smul.u32 $0x320000, s8;
	s3 =	simm.s32 $0x0;
	p1 =	seq.s32 s1, $0x0  }
0xa: {  	s11 =	sshrl.u32 s0, $0x1;
	[smem:$0x7FF] =	sst s3;
	p0 =	por !p0, !p1  }
0xb: {  	s1 =	sshrl.u32 s1, $0x3;
	s0 =	ssub.s32 s0, s11;
	p0 =	por !p0, !p0  }
0xc: {  	_ =	strace $0x8000004A;
	s0 =	smax.u32 s0, $0x1;
	s5 =	simm.s32 @!p0 $0x0  }
0xd: {  	[dreg:$0x7] =	wrdreg s0;
	s0 =	simm.s32 $0x3F80;
	s1 =	ssub.s32 s1, s5  }
0xe: {  	s5 =	sadd.s32 $0x1200, s9;
	s6 =	sshll.u32 s1, $0xA;
	s1 =	sshll.u32 s1, $0x7  }
0xf: {  	v0 =	vlaneseq.u32;
	v1 =	vimm.f32 $0.0e+00;
	s10 =	sadd.s32 s7, s6;
	s7 =	smul.u32 $0x1900, s8;
	s8 =	simm.s32 $0x1  }
0x10: {  	vm0 =	vmmov $0x1;
	v14 =	vimm.s32 $0x3;
	v15 =	vimm.s32 $0x4;
	s23 =	sadd.s32 s12, s6;
	s1 =	sand.u32 $0x1FFFFF80, s1;
	s10 =	sshrl.u32 s10, $0x3  }
0x11: {  	v16 =	vimm.s32 $0x5;
	v17 =	vimm.s32 $0x6;
	v18 =	vimm.s32 $0x8;
	s11 =	sshrl.u32 s23, $0x3;
	s12 =	sadd.s32 s2, s1;
	s23 =	simm.s32 $0x4300  }
0x12: {  	v19 =	vimm.s32 $0x9;
	v20 =	vimm.s32 $0xA;
	v21 =	vimm.s32 $0xB;
	s1 =	simm.s32 $0x3F00;
	s22 =	sshrl.u32 s7, $0x3;
	s25 =	sadd.s32 s2, s11  }
0x13: {  	v22 =	vimm.s32 $0xC;
	v23 =	vimm.s32 $0xD;
	v24 =	vimm.s32 $0xE;
	s9 =	sadd.s32 s10, s9;
	s24 =	sadd.s32 s4, s22;
	[dreg:$0x5] =	wrdreg s25  }
0x14: {  	v25 =	vimm.s32 $0xF;
	v2 =	vor.u32 $0x10, v0;
	v3 =	vor.u32 $0x20, v0;
	s13 =	sor.u32 $0x80, s7;
	s10 =	sadd.s32 s5, s22;
	[dreg:$0x3] =	wrdreg s24  }
0x15: {  	v4 =	vor.u32 $0x30, v0;
	v5 =	vor.u32 $0x40, v0;
	v6 =	vor.u32 $0x50, v0;
	s11 =	simm.s32 $0x0;
	s26 =	sadd.s32 $0x4800, s9;
	[dreg:$0x4] =	wrdreg s10  }
0x16: {  	v7 =	vor.u32 $0x60, v0;
	v8 =	vor.u32 $0x70, v0;
	v12 =	vmul.u32 $0x8, v0;
	s22 =	simm.s32 $0x2000;
	[dreg:$0x6] =	wrdreg s26;
	s24 =	simm.s32 $0x2  }
.LBB2_1:
0x17: {  	[dreg:$0x8] =	wrdreg s11;
	s9 =	simm.s32 $0x0;
	s10 =	simm.s32 $0x200  }
.LBB2_2:
0x18: {  	p0 =	sne.s32 s10, $0x3FE00;
	[tilespmem:s9+$0x4370] =	vst v1  }
0x19: {  	[tilespmem:s9+$0x4300] =	vst v1  }
0x1a: {  	[tilespmem:s9+$0x4310] =	vst v1  }
.Ltmp0:
0x1b: {  	[tilespmem:s9+$0x4320] =	vst v1;
	(pc) =	sbr.rel @p0 .LBB2_2-.Ltmp0, $4  }
0x1c: {  	[tilespmem:s9+$0x4330] =	vst v1  }
0x1d: {  	[tilespmem:s9+$0x4340] =	vst v1  }
0x1e: {  	[tilespmem:s9+$0x4350] =	vst v1  }
0x1f: {  	[tilespmem:s9+$0x4360] =	vst v1;
	s9 =	sshra.s32 s10, $0x2;
	s10 =	sadd.s32 $0x200, s10  }
0x20: {  	[tilespmem:s9+$0x4370] =	vst v1  }
0x21: {  	[tilespmem:s9+$0x4300] =	vst v1  }
0x22: {  	[tilespmem:s9+$0x4310] =	vst v1  }
0x23: {  	[tilespmem:s9+$0x4320] =	vst v1  }
0x24: {  	[tilespmem:s9+$0x4330] =	vst v1  }
0x25: {  	[tilespmem:s9+$0x4340] =	vst v1  }
0x26: {  	[tilespmem:s9+$0x4350] =	vst v1  }
0x27: {  	[tilespmem:s9+$0x4360] =	vst v1;
	s9 =	simm.s32 $0x0;
	s10 =	rddreg [dreg:$0x3]  }
0x28: {  	[tilespmem:s16], [sflag:$0x1] =	stream.linear.gather [hbm4b:s10+s9], $0x40, $0x38;
	[tilespmem:$0x14300] =	vst v63  }
0x29: {  	s25 =	rddreg [dreg:$0x4]  }
0x2a: {  	[tilespmem:s17], [sflag:$0x1] =	stream.linear.gather [hbm4b:s25+s9], $0x40, $0x38;
	[tilespmem:$0x14300] =	vst v63  }
0x2b: {  	s26 =	rddreg [dreg:$0x5]  }
0x2c: {  	[tilespmem:s9], [sflag:$0x1] =	stream.strided.gather [hbm4b:s26+s18], $0x2000, s19, s18, $0x38;
	[tilespmem:$0x14300] =	vst v63  }
.LBB2_4:
0x2d: {  	s10 =	sshll.u32 s9, $0x7  }
0x2e: {  	s11 =	sadd.s32 s10, s7  }
0x2f: {  	s11 =	sadd.s32 $0x40, s11  }
0x30: {  	p0 =	sgt.u32 s11, $0xC310  }
.Ltmp1:
0x31: {  	s14 =	sshrl.u32 s11, $0x3;
	(pc) =	sbr.rel @p0 .LBB2_6-.Ltmp1, $4  }
0x32: {  	s15 =	sadd.s32 s4, s14  }
0x33: {  	[tilespmem:s20], [sflag:$0x2] =	stream.linear.gather [hbm4b:s15+s3], $0x40, $0x38;
	[tilespmem:$0x14300] =	vst v63  }
0x34: {  	s14 =	sadd.s32 s5, s14  }
0x35: {  	[tilespmem:s21], [sflag:$0x2] =	stream.linear.gather [hbm4b:s14+s3], $0x40, $0x38;
	[tilespmem:$0x14300] =	vst v63  }
.Ltmp2:
0x36: {  	s11 =	sshll.u32 s11, $0x9;
	(pc) =	sbr.rel .LBB2_7-.Ltmp2, $4  }
0x37: {  	s11 =	sadd.s32 s6, s11  }
0x38: {  	s11 =	sshrl.u32 s11, $0x3  }
0x39: {  	s11 =	sadd.s32 s2, s11  }
0x3a: {  	[tilespmem:s22], [sflag:$0x2] =	stream.strided.gather [hbm4b:s11+s18], $0x2000, s19, s18, $0x38;
	[tilespmem:$0x14300] =	vst v63  }
.LBB2_6:
0x3b: {  	v26 =	vor.u32 s11, v0  }
0x3c: {  	vm1 =	vlt.s32 v26, $0xC34F  }
0x3d: {  	v26 =	vnsel vm1, $0xC34F, v26  }
0x3e: {  	v27 =	vshll.u32 v26, $0x2  }
0x3f: {  	v28 =	vand.u32 $0x7, v26;
	v27 =	vand.u32 $0x7FFFFFE0, v27  }
0x40: {  	s14 =	sor.u32 $0x10, s11;
	v11 =	vimm.s32 $0x0;
	v27 =	vor.u32 v28, v27  }
0x41: {  	s15 =	sor.u32 $0x20, s11;
	v13 =	vimm.s32 $0x1;
	v37 =	vor.u32 s14, v0;
	v29 =	vperm.xlane v27, v11  }
0x42: {  	v10 =	vimm.s32 $0x2;
	v30 =	vor.u32 s15, v0;
	vm1 =	vlt.s32 v37, $0xC34F  }
0x43: {  	s25 =	sor.u32 $0x30, s11;
	vm2 =	vlt.s32 v30, $0xC34F;
	v31 =	vperm.xlane v27, v13;
	v29 =	vadd.s32 v12, v29  }
0x44: {  	v32 =	vor.u32 s25, v0;
	[tilespmem:$0x4280] =	vst v26;
	v26 =	vnsel vm2, $0xC34F, v30;
	v28 =	vnsel vm1, $0xC34F, v37  }
0x45: {  	[tilespmem:$0x42A0] =	vst v26;
	vm1 =	vlt.s32 v32, $0xC34F;
	v39 =	vperm.xlane v27, v10;
	v38 =	vadd.s32 v12, v31  }
0x46: {  	[tilespmem:$0x4290] =	vst v28;
	v26 =	vnsel vm1, $0xC34F, v32  }
0x47: {  	v40 =	vperm.xlane v27, v14;
	[tilespmem:$0x42B0] =	vst v26;
	v26 =	vadd.s32 v12, v39  }
0x48: {  	[tilespmem:s22], [sflag:$0x2] =	stream.indirect_vreg.gather [hbm4b:s12+s3], $0x80, v29, vm0, $0xb8;
	[tilespmem:$0x14300] =	vst v63  }
0x49: {  	s26 =	simm.s32 $0x2080;
	v42 =	vperm.xlane v27, v15;
	v41 =	vadd.s32 v12, v40  }
0x4a: {  	[tilespmem:s26], [sflag:$0x2] =	stream.indirect_vreg.gather [hbm4b:s12+s3], $0x80, v38, vm0, $0xb8;
	[tilespmem:$0x14300] =	vst v63  }
0x4b: {  	s14 =	simm.s32 $0x2100;
	v44 =	vperm.xlane v27, v16;
	v43 =	vadd.s32 v12, v42  }
0x4c: {  	[tilespmem:s14], [sflag:$0x2] =	stream.indirect_vreg.gather [hbm4b:s12+s3], $0x80, v26, vm0, $0xb8;
	[tilespmem:$0x14300] =	vst v63  }
0x4d: {  	s15 =	simm.s32 $0x2180;
	v45 =	vperm.xlane v27, v17;
	v26 =	vadd.s32 v12, v44  }
0x4e: {  	v9 =	vimm.s32 $0x7;
	[tilespmem:s15], [sflag:$0x2] =	stream.indirect_vreg.gather [hbm4b:s12+s3], $0x80, v41, vm0, $0xb8;
	[tilespmem:$0x14300] =	vst v63  }
0x4f: {  	s25 =	simm.s32 $0x2200;
	v47 =	vperm.xlane v27, v9;
	v46 =	vadd.s32 v12, v45  }
0x50: {  	[tilespmem:s25], [sflag:$0x2] =	stream.indirect_vreg.gather [hbm4b:s12+s3], $0x80, v43, vm0, $0xb8;
	[tilespmem:$0x14300] =	vst v63  }
0x51: {  	v49 =	vperm.xlane v27, v18;
	v48 =	vadd.s32 v12, v47;
	s26 =	simm.s32 $0x2280  }
0x52: {  	[tilespmem:s26], [sflag:$0x2] =	stream.indirect_vreg.gather [hbm4b:s12+s3], $0x80, v26, vm0, $0xb8;
	[tilespmem:$0x14300] =	vst v63  }
0x53: {  	v50 =	vperm.xlane v27, v19;
	s14 =	simm.s32 $0x2300;
	v26 =	vadd.s32 v12, v49  }
0x54: {  	[tilespmem:s14], [sflag:$0x2] =	stream.indirect_vreg.gather [hbm4b:s12+s3], $0x80, v46, vm0, $0xb8;
	[tilespmem:$0x14300] =	vst v63  }
0x55: {  	v52 =	vperm.xlane v27, v20;
	v51 =	vadd.s32 v12, v50;
	s15 =	simm.s32 $0x2380  }
0x56: {  	[tilespmem:s15], [sflag:$0x2] =	stream.indirect_vreg.gather [hbm4b:s12+s3], $0x80, v48, vm0, $0xb8;
	[tilespmem:$0x14300] =	vst v63  }
0x57: {  	v54 =	vperm.xlane v27, v21;
	v53 =	vadd.s32 v12, v52;
	s25 =	simm.s32 $0x2400  }
0x58: {  	[tilespmem:s25], [sflag:$0x2] =	stream.indirect_vreg.gather [hbm4b:s12+s3], $0x80, v26, vm0, $0xb8;
	[tilespmem:$0x14300] =	vst v63  }
0x59: {  	v55 =	vperm.xlane v27, v22;
	s26 =	simm.s32 $0x2480;
	v26 =	vadd.s32 v12, v54  }
0x5a: {  	[tilespmem:s26], [sflag:$0x2] =	stream.indirect_vreg.gather [hbm4b:s12+s3], $0x80, v51, vm0, $0xb8;
	[tilespmem:$0x14300] =	vst v63  }
0x5b: {  	v57 =	vperm.xlane v27, v23;
	v56 =	vadd.s32 v12, v55;
	s14 =	simm.s32 $0x2500  }
0x5c: {  	[tilespmem:s14], [sflag:$0x2] =	stream.indirect_vreg.gather [hbm4b:s12+s3], $0x80, v53, vm0, $0xb8;
	[tilespmem:$0x14300] =	vst v63  }
0x5d: {  	v59 =	vperm.xlane v27, v24;
	v58 =	vadd.s32 v12, v57;
	s15 =	simm.s32 $0x2580  }
0x5e: {  	[tilespmem:s15], [sflag:$0x2] =	stream.indirect_vreg.gather [hbm4b:s12+s3], $0x80, v26, vm0, $0xb8;
	[tilespmem:$0x14300] =	vst v63  }
0x5f: {  	v27 =	vperm.xlane v27, v25;
	s25 =	simm.s32 $0x2600;
	v26 =	vadd.s32 v12, v59  }
0x60: {  	[tilespmem:s25], [sflag:$0x2] =	stream.indirect_vreg.gather [hbm4b:s12+s3], $0x80, v56, vm0, $0xb8;
	[tilespmem:$0x14300] =	vst v63  }
0x61: {  	v27 =	vadd.s32 v12, v27;
	s26 =	simm.s32 $0x2680  }
0x62: {  	[tilespmem:s26], [sflag:$0x2] =	stream.indirect_vreg.gather [hbm4b:s12+s3], $0x80, v58, vm0, $0xb8;
	[tilespmem:$0x14300] =	vst v63  }
0x63: {  	s14 =	simm.s32 $0x2700  }
0x64: {  	[tilespmem:s14], [sflag:$0x2] =	stream.indirect_vreg.gather [hbm4b:s12+s3], $0x80, v26, vm0, $0xb8;
	[tilespmem:$0x14300] =	vst v63  }
0x65: {  	s15 =	simm.s32 $0x2780  }
0x66: {  	[tilespmem:s15], [sflag:$0x2] =	stream.indirect_vreg.gather [hbm4b:s12+s3], $0x80, v27, vm0, $0xb8;
	[tilespmem:$0x14300] =	vst v63  }
0x67: {  	v26 =	vld [tilespmem:$0x4290];
	_ =	sdelay $0x4  }
0x68: {  	v27 =	vshll.u32 v26, $0x2  }
0x69: {  	v26 =	vand.u32 $0x7, v26;
	v27 =	vand.u32 $0xFFFFFFE0, v27  }
0x6a: {  	v26 =	vor.u32 v26, v27  }
0x6b: {  	v27 =	vperm.xlane v26, v11;
	_ =	sdelay $0x1  }
0x6c: {  	v60 =	vperm.xlane v26, v13;
	v27 =	vadd.s32 v12, v27;
	_ =	sdelay $0x1  }
0x6d: {  	v61 =	vperm.xlane v26, v10;
	v28 =	vadd.s32 v12, v60;
	_ =	sdelay $0x1  }
0x6e: {  	s25 =	simm.s32 $0x2800;
	v62 =	vperm.xlane v26, v14;
	v29 =	vadd.s32 v12, v61  }
0x6f: {  	[tilespmem:s25], [sflag:$0x2] =	stream.indirect_vreg.gather [hbm4b:s12+s3], $0x80, v27, vm0, $0xb8;
	[tilespmem:$0x14300] =	vst v63  }
0x70: {  	s26 =	simm.s32 $0x2880;
	v63 =	vperm.xlane v26, v15;
	v27 =	vadd.s32 v12, v62  }
0x71: {  	[tilespmem:s26], [sflag:$0x2] =	stream.indirect_vreg.gather [hbm4b:s12+s3], $0x80, v28, vm0, $0xb8;
	[tilespmem:$0x14300] =	vst v63  }
0x72: {  	s14 =	simm.s32 $0x2900;
	v34 =	vperm.xlane v26, v16;
	v33 =	vadd.s32 v12, v63  }
0x73: {  	[tilespmem:s14], [sflag:$0x2] =	stream.indirect_vreg.gather [hbm4b:s12+s3], $0x80, v29, vm0, $0xb8;
	[tilespmem:$0x14300] =	vst v63  }
0x74: {  	s15 =	simm.s32 $0x2980;
	v36 =	vperm.xlane v26, v17;
	v35 =	vadd.s32 v12, v34  }
0x75: {  	[tilespmem:s15], [sflag:$0x2] =	stream.indirect_vreg.gather [hbm4b:s12+s3], $0x80, v27, vm0, $0xb8;
	[tilespmem:$0x14300] =	vst v63  }
0x76: {  	v37 =	vperm.xlane v26, v9;
	s25 =	simm.s32 $0x2A00;
	v27 =	vadd.s32 v12, v36  }
0x77: {  	[tilespmem:s25], [sflag:$0x2] =	stream.indirect_vreg.gather [hbm4b:s12+s3], $0x80, v33, vm0, $0xb8;
	[tilespmem:$0x14300] =	vst v63  }
0x78: {  	v39 =	vperm.xlane v26, v18;
	v38 =	vadd.s32 v12, v37;
	s26 =	simm.s32 $0x2A80  }
0x79: {  	[tilespmem:s26], [sflag:$0x2] =	stream.indirect_vreg.gather [hbm4b:s12+s3], $0x80, v35, vm0, $0xb8;
	[tilespmem:$0x14300] =	vst v63  }
0x7a: {  	v41 =	vperm.xlane v26, v19;
	v40 =	vadd.s32 v12, v39;
	s14 =	simm.s32 $0x2B00  }
0x7b: {  	[tilespmem:s14], [sflag:$0x2] =	stream.indirect_vreg.gather [hbm4b:s12+s3], $0x80, v27, vm0, $0xb8;
	[tilespmem:$0x14300] =	vst v63  }
0x7c: {  	v42 =	vperm.xlane v26, v20;
	s15 =	simm.s32 $0x2B80;
	v27 =	vadd.s32 v12, v41  }
0x7d: {  	[tilespmem:s15], [sflag:$0x2] =	stream.indirect_vreg.gather [hbm4b:s12+s3], $0x80, v38, vm0, $0xb8;
	[tilespmem:$0x14300] =	vst v63  }
0x7e: {  	v44 =	vperm.xlane v26, v21;
	v43 =	vadd.s32 v12, v42;
	s25 =	simm.s32 $0x2C00  }
0x7f: {  	[tilespmem:s25], [sflag:$0x2] =	stream.indirect_vreg.gather [hbm4b:s12+s3], $0x80, v40, vm0, $0xb8;
	[tilespmem:$0x14300] =	vst v63  }
0x80: {  	v46 =	vperm.xlane v26, v22;
	v45 =	vadd.s32 v12, v44;
	s26 =	simm.s32 $0x2C80  }
0x81: {  	[tilespmem:s26], [sflag:$0x2] =	stream.indirect_vreg.gather [hbm4b:s12+s3], $0x80, v27, vm0, $0xb8;
	[tilespmem:$0x14300] =	vst v63  }
0x82: {  	v47 =	vperm.xlane v26, v23;
	s14 =	simm.s32 $0x2D00;
	v27 =	vadd.s32 v12, v46  }
0x83: {  	[tilespmem:s14], [sflag:$0x2] =	stream.indirect_vreg.gather [hbm4b:s12+s3], $0x80, v43, vm0, $0xb8;
	[tilespmem:$0x14300] =	vst v63  }
0x84: {  	v49 =	vperm.xlane v26, v24;
	v48 =	vadd.s32 v12, v47;
	s15 =	simm.s32 $0x2D80  }
0x85: {  	[tilespmem:s15], [sflag:$0x2] =	stream.indirect_vreg.gather [hbm4b:s12+s3], $0x80, v45, vm0, $0xb8;
	[tilespmem:$0x14300] =	vst v63  }
0x86: {  	v26 =	vperm.xlane v26, v25;
	v50 =	vadd.s32 v12, v49;
	s25 =	simm.s32 $0x2E00  }
0x87: {  	[tilespmem:s25], [sflag:$0x2] =	stream.indirect_vreg.gather [hbm4b:s12+s3], $0x80, v27, vm0, $0xb8;
	[tilespmem:$0x14300] =	vst v63  }
0x88: {  	v26 =	vadd.s32 v12, v26;
	s26 =	simm.s32 $0x2E80  }
0x89: {  	[tilespmem:s26], [sflag:$0x2] =	stream.indirect_vreg.gather [hbm4b:s12+s3], $0x80, v48, vm0, $0xb8;
	[tilespmem:$0x14300] =	vst v63  }
0x8a: {  	s14 =	simm.s32 $0x2F00  }
0x8b: {  	[tilespmem:s14], [sflag:$0x2] =	stream.indirect_vreg.gather [hbm4b:s12+s3], $0x80, v50, vm0, $0xb8;
	[tilespmem:$0x14300] =	vst v63  }
0x8c: {  	s15 =	simm.s32 $0x2F80  }
0x8d: {  	[tilespmem:s15], [sflag:$0x2] =	stream.indirect_vreg.gather [hbm4b:s12+s3], $0x80, v26, vm0, $0xb8;
	[tilespmem:$0x14300] =	vst v63  }
0x8e: {  	v26 =	vld [tilespmem:$0x42A0];
	_ =	sdelay $0x4  }
0x8f: {  	v27 =	vshll.u32 v26, $0x2  }
0x90: {  	v26 =	vand.u32 $0x7, v26;
	v27 =	vand.u32 $0xFFFFFFE0, v27  }
0x91: {  	v26 =	vor.u32 v26, v27  }
0x92: {  	v27 =	vperm.xlane v26, v11;
	_ =	sdelay $0x1  }
0x93: {  	v51 =	vperm.xlane v26, v13;
	v27 =	vadd.s32 v12, v27;
	_ =	sdelay $0x1  }
0x94: {  	v52 =	vperm.xlane v26, v10;
	v28 =	vadd.s32 v12, v51;
	_ =	sdelay $0x1  }
0x95: {  	s25 =	simm.s32 $0x3000;
	v53 =	vperm.xlane v26, v14;
	v29 =	vadd.s32 v12, v52  }
0x96: {  	[tilespmem:s25], [sflag:$0x2] =	stream.indirect_vreg.gather [hbm4b:s12+s3], $0x80, v27, vm0, $0xb8;
	[tilespmem:$0x14300] =	vst v63  }
0x97: {  	s26 =	simm.s32 $0x3080;
	v54 =	vperm.xlane v26, v15;
	v27 =	vadd.s32 v12, v53  }
0x98: {  	[tilespmem:s26], [sflag:$0x2] =	stream.indirect_vreg.gather [hbm4b:s12+s3], $0x80, v28, vm0, $0xb8;
	[tilespmem:$0x14300] =	vst v63  }
0x99: {  	s14 =	simm.s32 $0x3100;
	v56 =	vperm.xlane v26, v16;
	v55 =	vadd.s32 v12, v54  }
0x9a: {  	[tilespmem:s14], [sflag:$0x2] =	stream.indirect_vreg.gather [hbm4b:s12+s3], $0x80, v29, vm0, $0xb8;
	[tilespmem:$0x14300] =	vst v63  }
0x9b: {  	s15 =	simm.s32 $0x3180;
	v58 =	vperm.xlane v26, v17;
	v57 =	vadd.s32 v12, v56  }
0x9c: {  	[tilespmem:s15], [sflag:$0x2] =	stream.indirect_vreg.gather [hbm4b:s12+s3], $0x80, v27, vm0, $0xb8;
	[tilespmem:$0x14300] =	vst v63  }
0x9d: {  	v59 =	vperm.xlane v26, v9;
	s25 =	simm.s32 $0x3200;
	v27 =	vadd.s32 v12, v58  }
0x9e: {  	[tilespmem:s25], [sflag:$0x2] =	stream.indirect_vreg.gather [hbm4b:s12+s3], $0x80, v55, vm0, $0xb8;
	[tilespmem:$0x14300] =	vst v63  }
0x9f: {  	v61 =	vperm.xlane v26, v18;
	v60 =	vadd.s32 v12, v59;
	s26 =	simm.s32 $0x3280  }
0xa0: {  	[tilespmem:s26], [sflag:$0x2] =	stream.indirect_vreg.gather [hbm4b:s12+s3], $0x80, v57, vm0, $0xb8;
	[tilespmem:$0x14300] =	vst v63  }
0xa1: {  	v63 =	vperm.xlane v26, v19;
	v62 =	vadd.s32 v12, v61;
	s14 =	simm.s32 $0x3300  }
0xa2: {  	[tilespmem:s14], [sflag:$0x2] =	stream.indirect_vreg.gather [hbm4b:s12+s3], $0x80, v27, vm0, $0xb8;
	[tilespmem:$0x14300] =	vst v63  }
0xa3: {  	v33 =	vperm.xlane v26, v20;
	s15 =	simm.s32 $0x3380;
	v27 =	vadd.s32 v12, v63  }
0xa4: {  	[tilespmem:s15], [sflag:$0x2] =	stream.indirect_vreg.gather [hbm4b:s12+s3], $0x80, v60, vm0, $0xb8;
	[tilespmem:$0x14300] =	vst v63  }
0xa5: {  	v35 =	vperm.xlane v26, v21;
	v34 =	vadd.s32 v12, v33;
	s25 =	simm.s32 $0x3400  }
0xa6: {  	[tilespmem:s25], [sflag:$0x2] =	stream.indirect_vreg.gather [hbm4b:s12+s3], $0x80, v62, vm0, $0xb8;
	[tilespmem:$0x14300] =	vst v63  }
0xa7: {  	v37 =	vperm.xlane v26, v22;
	v36 =	vadd.s32 v12, v35;
	s26 =	simm.s32 $0x3480  }
0xa8: {  	[tilespmem:s26], [sflag:$0x2] =	stream.indirect_vreg.gather [hbm4b:s12+s3], $0x80, v27, vm0, $0xb8;
	[tilespmem:$0x14300] =	vst v63  }
0xa9: {  	v38 =	vperm.xlane v26, v23;
	s14 =	simm.s32 $0x3500;
	v27 =	vadd.s32 v12, v37  }
0xaa: {  	[tilespmem:s14], [sflag:$0x2] =	stream.indirect_vreg.gather [hbm4b:s12+s3], $0x80, v34, vm0, $0xb8;
	[tilespmem:$0x14300] =	vst v63  }
0xab: {  	v40 =	vperm.xlane v26, v24;
	v39 =	vadd.s32 v12, v38;
	s15 =	simm.s32 $0x3580  }
0xac: {  	[tilespmem:s15], [sflag:$0x2] =	stream.indirect_vreg.gather [hbm4b:s12+s3], $0x80, v36, vm0, $0xb8;
	[tilespmem:$0x14300] =	vst v63  }
0xad: {  	v26 =	vperm.xlane v26, v25;
	v41 =	vadd.s32 v12, v40;
	s25 =	simm.s32 $0x3600  }
0xae: {  	[tilespmem:s25], [sflag:$0x2] =	stream.indirect_vreg.gather [hbm4b:s12+s3], $0x80, v27, vm0, $0xb8;
	[tilespmem:$0x14300] =	vst v63  }
0xaf: {  	v26 =	vadd.s32 v12, v26;
	s26 =	simm.s32 $0x3680  }
0xb0: {  	[tilespmem:s26], [sflag:$0x2] =	stream.indirect_vreg.gather [hbm4b:s12+s3], $0x80, v39, vm0, $0xb8;
	[tilespmem:$0x14300] =	vst v63  }
0xb1: {  	s14 =	simm.s32 $0x3700  }
0xb2: {  	[tilespmem:s14], [sflag:$0x2] =	stream.indirect_vreg.gather [hbm4b:s12+s3], $0x80, v41, vm0, $0xb8;
	[tilespmem:$0x14300] =	vst v63  }
0xb3: {  	s15 =	simm.s32 $0x3780  }
0xb4: {  	[tilespmem:s15], [sflag:$0x2] =	stream.indirect_vreg.gather [hbm4b:s12+s3], $0x80, v26, vm0, $0xb8;
	[tilespmem:$0x14300] =	vst v63  }
0xb5: {  	v26 =	vld [tilespmem:$0x42B0];
	_ =	sdelay $0x4  }
0xb6: {  	v27 =	vshll.u32 v26, $0x2  }
0xb7: {  	v26 =	vand.u32 $0x7, v26;
	v27 =	vand.u32 $0xFFFFFFE0, v27  }
0xb8: {  	v26 =	vor.u32 v26, v27  }
0xb9: {  	v27 =	vperm.xlane v26, v11;
	_ =	sdelay $0x1  }
0xba: {  	v42 =	vperm.xlane v26, v13;
	v27 =	vadd.s32 v12, v27;
	_ =	sdelay $0x1  }
0xbb: {  	v43 =	vperm.xlane v26, v10;
	v28 =	vadd.s32 v12, v42;
	_ =	sdelay $0x1  }
0xbc: {  	s25 =	simm.s32 $0x3800;
	v44 =	vperm.xlane v26, v14;
	v29 =	vadd.s32 v12, v43  }
0xbd: {  	[tilespmem:s25], [sflag:$0x2] =	stream.indirect_vreg.gather [hbm4b:s12+s3], $0x80, v27, vm0, $0xb8;
	[tilespmem:$0x14300] =	vst v63  }
0xbe: {  	s26 =	simm.s32 $0x3880;
	v45 =	vperm.xlane v26, v15;
	v27 =	vadd.s32 v12, v44  }
0xbf: {  	[tilespmem:s26], [sflag:$0x2] =	stream.indirect_vreg.gather [hbm4b:s12+s3], $0x80, v28, vm0, $0xb8;
	[tilespmem:$0x14300] =	vst v63  }
0xc0: {  	s14 =	simm.s32 $0x3900;
	v47 =	vperm.xlane v26, v16;
	v46 =	vadd.s32 v12, v45  }
0xc1: {  	[tilespmem:s14], [sflag:$0x2] =	stream.indirect_vreg.gather [hbm4b:s12+s3], $0x80, v29, vm0, $0xb8;
	[tilespmem:$0x14300] =	vst v63  }
0xc2: {  	s15 =	simm.s32 $0x3980;
	v49 =	vperm.xlane v26, v17;
	v48 =	vadd.s32 v12, v47  }
0xc3: {  	[tilespmem:s15], [sflag:$0x2] =	stream.indirect_vreg.gather [hbm4b:s12+s3], $0x80, v27, vm0, $0xb8;
	[tilespmem:$0x14300] =	vst v63  }
0xc4: {  	v50 =	vperm.xlane v26, v9;
	s25 =	simm.s32 $0x3A00;
	v27 =	vadd.s32 v12, v49  }
0xc5: {  	[tilespmem:s25], [sflag:$0x2] =	stream.indirect_vreg.gather [hbm4b:s12+s3], $0x80, v46, vm0, $0xb8;
	[tilespmem:$0x14300] =	vst v63  }
0xc6: {  	v52 =	vperm.xlane v26, v18;
	v51 =	vadd.s32 v12, v50;
	s26 =	simm.s32 $0x3A80  }
0xc7: {  	[tilespmem:s26], [sflag:$0x2] =	stream.indirect_vreg.gather [hbm4b:s12+s3], $0x80, v48, vm0, $0xb8;
	[tilespmem:$0x14300] =	vst v63  }
0xc8: {  	v54 =	vperm.xlane v26, v19;
	v53 =	vadd.s32 v12, v52;
	s14 =	simm.s32 $0x3B00  }
0xc9: {  	[tilespmem:s14], [sflag:$0x2] =	stream.indirect_vreg.gather [hbm4b:s12+s3], $0x80, v27, vm0, $0xb8;
	[tilespmem:$0x14300] =	vst v63  }
0xca: {  	v55 =	vperm.xlane v26, v20;
	s15 =	simm.s32 $0x3B80;
	v27 =	vadd.s32 v12, v54  }
0xcb: {  	[tilespmem:s15], [sflag:$0x2] =	stream.indirect_vreg.gather [hbm4b:s12+s3], $0x80, v51, vm0, $0xb8;
	[tilespmem:$0x14300] =	vst v63  }
0xcc: {  	v57 =	vperm.xlane v26, v21;
	v56 =	vadd.s32 v12, v55;
	s25 =	simm.s32 $0x3C00  }
0xcd: {  	[tilespmem:s25], [sflag:$0x2] =	stream.indirect_vreg.gather [hbm4b:s12+s3], $0x80, v53, vm0, $0xb8;
	[tilespmem:$0x14300] =	vst v63  }
0xce: {  	v59 =	vperm.xlane v26, v22;
	v58 =	vadd.s32 v12, v57;
	s26 =	simm.s32 $0x3C80  }
0xcf: {  	[tilespmem:s26], [sflag:$0x2] =	stream.indirect_vreg.gather [hbm4b:s12+s3], $0x80, v27, vm0, $0xb8;
	[tilespmem:$0x14300] =	vst v63  }
0xd0: {  	v60 =	vperm.xlane v26, v23;
	v27 =	vadd.s32 v12, v59  }
0xd1: {  	[tilespmem:s28], [sflag:$0x2] =	stream.indirect_vreg.gather [hbm4b:s12+s3], $0x80, v56, vm0, $0xb8;
	[tilespmem:$0x14300] =	vst v63  }
0xd2: {  	v62 =	vperm.xlane v26, v24;
	v61 =	vadd.s32 v12, v60  }
0xd3: {  	[tilespmem:s29], [sflag:$0x2] =	stream.indirect_vreg.gather [hbm4b:s12+s3], $0x80, v58, vm0, $0xb8;
	[tilespmem:$0x14300] =	vst v63  }
0xd4: {  	v26 =	vperm.xlane v26, v25;
	v63 =	vadd.s32 v12, v62  }
0xd5: {  	[tilespmem:s30], [sflag:$0x2] =	stream.indirect_vreg.gather [hbm4b:s12+s3], $0x80, v27, vm0, $0xb8;
	[tilespmem:$0x14300] =	vst v63  }
0xd6: {  	v26 =	vadd.s32 v12, v26  }
0xd7: {  	[tilespmem:s31], [sflag:$0x2] =	stream.indirect_vreg.gather [hbm4b:s12+s3], $0x80, v61, vm0, $0xb8;
	[tilespmem:$0x14300] =	vst v63  }
0xd8: {  	_ = 	snop  }
0xd9: {  	[tilespmem:s1], [sflag:$0x2] =	stream.indirect_vreg.gather [hbm4b:s12+s3], $0x80, v63, vm0, $0xb8;
	[tilespmem:$0x14300] =	vst v63  }
0xda: {  	_ = 	snop  }
0xdb: {  	[tilespmem:s0], [sflag:$0x2] =	stream.indirect_vreg.gather [hbm4b:s12+s3], $0x80, v26, vm0, $0xb8;
	[tilespmem:$0x14300] =	vst v63  }
.LBB2_7:
0xdc: {  	_ =	swait.ge [sflag:s8], $0x40;
	s11 =	simm.s32 $0x2  }
0xdd: {  	[sflag:s8] =	ssyncset.done $0x0;
	v26 =	vmov s11  }
0xde: {  	[sflag:s8] =	ssyncadd.s32 $0xFFFFFFC0;
	v26 =	vand.u32 $0xFFFFFFFE, v26  }
0xdf: {  	_ =	swait.ge [sflag:s8], $0x40;
	v26 =	vbroadcast v26, $0x0  }
0xe0: {  	[sflag:s8] =	ssyncset.done $0x0  }
0xe1: {  	[sflag:s8] =	ssyncadd.s32 $0xFFFFFFC0  }
0xe2: {  	_ =	swait.ge [sflag:s8], $0x2000  }
0xe3: {  	[sflag:s8] =	ssyncset.done $0x0  }
0xe4: {  	[sflag:s8] =	ssyncadd.s32 $0xFFFFE000  }
0xe5: {  	v27 =	vld.idx.msk [tilespmem:v26+s17+$0x0], $0xffff  }
0xe6: {  	s25 =	simm.s32 $0x1  }
0xe7: {  	v28 =	vmov s25  }
0xe8: {  	s11 =	simm.s32 $0x1000;
	v28 =	vand.u32 $0xFFFFFFFD, v28;
	v30 =	vld.idx.msk [tilespmem:v26+s16+$0x0], $0xffff  }
0xe9: {  	v26 =	vbroadcast v28, $0x0;
	v28 =	vld [tilespmem:s11+$0xFFFFF100]  }
0xea: {  	s14 =	simm.s32 $0x0;
	v31 =	vshll.u32 v27, $0x7  }
0xeb: {  	v27 =	vmov s14;
	v29 =	vor.u32 v0, v31  }
0xec: {  	s26 =	simm.s32 $0x3;
	v27 =	vand.u32 $0xFFFFFFFC, v27  }
0xed: {  	v32 =	vmov s26;
	v33 =	vbroadcast v27, $0x0  }
0xee: {  	v27 =	vmul.f32 v28, v30  }
0xef: {  	v28 =	vld.idx.msk [tilespmem:v26+s17+$0x0], $0xffff  }
0xf0: {  	[tilespmem:v29+s23+$0x0] =	vst.idx.add.f32.msk $0xffff, v27  }
0xf1: {  	v29 =	vld [tilespmem:s11+$0xFFFFF110]  }
0xf2: {  	v34 =	vld.idx.msk [tilespmem:v32+s17+$0x0], $0xffff  }
0xf3: {  	v36 =	vor.u32 v2, v31;
	v35 =	vld.idx.msk [tilespmem:v33+s17+$0x0], $0xffff  }
0xf4: {  	v37 =	vld [tilespmem:s11+$0xFFFFF080]  }
0xf5: {  	v27 =	vld.idx.msk [tilespmem:v26+s16+$0x0], $0xffff  }
0xf6: {  	v26 =	vld.idx.msk [tilespmem:v33+s16+$0x0], $0xffff;
	v33 =	vshll.u32 v28, $0x7;
	v28 =	vmul.f32 v29, v30  }
0xf7: {  	v38 =	vld [tilespmem:s11+$0xFFFFF000];
	v39 =	vor.u32 v0, v33  }
0xf8: {  	v29 =	vshll.u32 v35, $0x7;
	[tilespmem:v36+s23+$0x0] =	vst.idx.add.f32.msk $0xffff, v28  }
0xf9: {  	v35 =	vor.u32 v0, v29;
	v36 =	vld [tilespmem:s11+$0xFFFFF120]  }
0xfa: {  	v62 =	vld [tilespmem:s11+$0xFFFFF180];
	v61 =	vmul.f32 v37, v27  }
0xfb: {  	v40 =	vor.u32 v3, v31;
	v28 =	vld.idx.msk [tilespmem:v32+s16+$0x0], $0xffff  }
0xfc: {  	v34 =	vshll.u32 v34, $0x7;
	v38 =	vmul.f32 v38, v26;
	[tilespmem:v39+s23+$0x0] =	vst.idx.add.f32.msk $0xffff, v61  }
0xfd: {  	v63 =	vor.u32 v0, v34;
	v39 =	vld [tilespmem:s11+$0xFFFFF090]  }
0xfe: {  	[tilespmem:v35+s23+$0x0] =	vst.idx.add.f32.msk $0xffff, v38;
	v43 =	vmul.f32 v36, v30  }
0xff: {  	v45 =	vor.u32 v2, v33;
	v44 =	vld [tilespmem:s11+$0xFFFFF010]  }
0x100: {  	v37 =	vmul.f32 v62, v28;
	[tilespmem:v40+s23+$0x0] =	vst.idx.add.f32.msk $0xffff, v43  }
0x101: {  	v46 =	vor.u32 v2, v29;
	v40 =	vld [tilespmem:s11+$0xFFFFF130]  }
0x102: {  	v47 =	vmul.f32 v39, v27;
	[tilespmem:v63+s23+$0x0] =	vst.idx.add.f32.msk $0xffff, v37  }
0x103: {  	v48 =	vor.u32 v4, v31;
	v37 =	vld [tilespmem:s11+$0xFFFFF190]  }
0x104: {  	[tilespmem:v45+s23+$0x0] =	vst.idx.add.f32.msk $0xffff, v47;
	v36 =	vmul.f32 v44, v26  }
0x105: {  	v49 =	vor.u32 v2, v34;
	v38 =	vld [tilespmem:s11+$0xFFFFF0A0]  }
0x106: {  	[tilespmem:v46+s23+$0x0] =	vst.idx.add.f32.msk $0xffff, v36;
	v50 =	vmul.f32 v40, v30  }
0x107: {  	v51 =	vor.u32 v3, v33;
	v52 =	vld [tilespmem:s11+$0xFFFFF020]  }
0x108: {  	v37 =	vmul.f32 v37, v28;
	[tilespmem:v48+s23+$0x0] =	vst.idx.add.f32.msk $0xffff, v50  }
0x109: {  	v53 =	vor.u32 v3, v29;
	v39 =	vld [tilespmem:s11+$0xFFFFF140]  }
0x10a: {  	v54 =	vmul.f32 v38, v27;
	[tilespmem:v49+s23+$0x0] =	vst.idx.add.f32.msk $0xffff, v37  }
0x10b: {  	v55 =	vor.u32 v5, v31;
	v37 =	vld [tilespmem:s11+$0xFFFFF1A0]  }
0x10c: {  	[tilespmem:v51+s23+$0x0] =	vst.idx.add.f32.msk $0xffff, v54;
	v56 =	vmul.f32 v52, v26  }
0x10d: {  	v57 =	vor.u32 v3, v34;
	v58 =	vld [tilespmem:s11+$0xFFFFF0B0]  }
0x10e: {  	[tilespmem:v53+s23+$0x0] =	vst.idx.add.f32.msk $0xffff, v56;
	v59 =	vmul.f32 v39, v30  }
0x10f: {  	v60 =	vor.u32 v4, v33;
	v61 =	vld [tilespmem:s11+$0xFFFFF030]  }
0x110: {  	v37 =	vmul.f32 v37, v28;
	[tilespmem:v55+s23+$0x0] =	vst.idx.add.f32.msk $0xffff, v59  }
0x111: {  	v62 =	vor.u32 v4, v29;
	v38 =	vld [tilespmem:s11+$0xFFFFF150]  }
0x112: {  	v63 =	vmul.f32 v58, v27;
	[tilespmem:v57+s23+$0x0] =	vst.idx.add.f32.msk $0xffff, v37  }
0x113: {  	v44 =	vor.u32 v6, v31;
	v37 =	vld [tilespmem:s11+$0xFFFFF1B0]  }
0x114: {  	[tilespmem:v60+s23+$0x0] =	vst.idx.add.f32.msk $0xffff, v63;
	v45 =	vmul.f32 v61, v26  }
0x115: {  	v46 =	vor.u32 v4, v34;
	v36 =	vld [tilespmem:s11+$0xFFFFF0C0]  }
0x116: {  	[tilespmem:v62+s23+$0x0] =	vst.idx.add.f32.msk $0xffff, v45;
	v47 =	vmul.f32 v38, v30  }
0x117: {  	v48 =	vor.u32 v5, v33;
	v49 =	vld [tilespmem:s11+$0xFFFFF040]  }
0x118: {  	v37 =	vmul.f32 v37, v28;
	[tilespmem:v44+s23+$0x0] =	vst.idx.add.f32.msk $0xffff, v47  }
0x119: {  	v50 =	vor.u32 v5, v29;
	v40 =	vld [tilespmem:s11+$0xFFFFF160]  }
0x11a: {  	v36 =	vmul.f32 v36, v27;
	[tilespmem:v46+s23+$0x0] =	vst.idx.add.f32.msk $0xffff, v37  }
0x11b: {  	v51 =	vor.u32 v7, v31;
	v37 =	vld [tilespmem:s11+$0xFFFFF1C0]  }
0x11c: {  	[tilespmem:v48+s23+$0x0] =	vst.idx.add.f32.msk $0xffff, v36;
	v52 =	vmul.f32 v49, v26  }
0x11d: {  	v53 =	vor.u32 v5, v34;
	v54 =	vld [tilespmem:s11+$0xFFFFF0D0]  }
0x11e: {  	[tilespmem:v50+s23+$0x0] =	vst.idx.add.f32.msk $0xffff, v52;
	v55 =	vmul.f32 v40, v30  }
0x11f: {  	v56 =	vor.u32 v6, v33;
	v57 =	vld [tilespmem:s11+$0xFFFFF050]  }
0x120: {  	s15 =	simm.s32 $0x22;
	v37 =	vmul.f32 v37, v28;
	[tilespmem:v51+s23+$0x0] =	vst.idx.add.f32.msk $0xffff, v55  }
0x121: {  	v41 =	vmov s15;
	v58 =	vor.u32 v6, v29;
	v39 =	vld [tilespmem:s11+$0xFFFFF170]  }
0x122: {  	v60 =	vand.u32 $0xFFFFFFFE, v41;
	v59 =	vmul.f32 v54, v27;
	[tilespmem:v53+s23+$0x0] =	vst.idx.add.f32.msk $0xffff, v37  }
0x123: {  	v31 =	vor.u32 v8, v31;
	v37 =	vbroadcast v60, $0x0;
	v61 =	vld [tilespmem:s11+$0xFFFFF1D0]  }
0x124: {  	[tilespmem:v56+s23+$0x0] =	vst.idx.add.f32.msk $0xffff, v59;
	v62 =	vmul.f32 v57, v26  }
0x125: {  	v63 =	vor.u32 v6, v34;
	v44 =	vld [tilespmem:s11+$0xFFFFF0E0]  }
0x126: {  	[tilespmem:v58+s23+$0x0] =	vst.idx.add.f32.msk $0xffff, v62;
	v30 =	vmul.f32 v39, v30  }
0x127: {  	v32 =	vld [tilespmem:s11+$0xFFFFF060]  }
0x128: {  	v45 =	vmul.f32 v61, v28;
	[tilespmem:v31+s23+$0x0] =	vst.idx.add.f32.msk $0xffff, v30  }
0x129: {  	v30 =	vor.u32 v7, v33;
	v31 =	vld.idx.msk [tilespmem:v37+s17+$0x0], $0xffff  }
0x12a: {  	[tilespmem:v63+s23+$0x0] =	vst.idx.add.f32.msk $0xffff, v45  }
0x12b: {  	v46 =	vor.u32 v7, v29;
	v36 =	vld [tilespmem:s11+$0xFFFFF1E0]  }
0x12c: {  	v47 =	vmul.f32 v44, v27;
	v42 =	vld.idx.msk [tilespmem:v37+s16+$0x0], $0xffff  }
0x12d: {  	v48 =	vor.u32 v7, v34;
	v49 =	vld [tilespmem:s11+$0x100]  }
0x12e: {  	[tilespmem:v30+s23+$0x0] =	vst.idx.add.f32.msk $0xffff, v47;
	v30 =	vmul.f32 v32, v26;
	v43 =	vshll.u32 v31, $0x7  }
0x12f: {  	s25 =	simm.s32 $0x21;
	v31 =	vld [tilespmem:s11+$0xFFFFF0F0];
	v50 =	vor.u32 v0, v43  }
0x130: {  	v51 =	vmov s25;
	[tilespmem:v46+s23+$0x0] =	vst.idx.add.f32.msk $0xffff, v30;
	v30 =	vmul.f32 v36, v28  }
0x131: {  	v52 =	vand.u32 $0xFFFFFFFD, v51;
	v53 =	vld [tilespmem:s11+$0xFFFFF070]  }
0x132: {  	v35 =	vbroadcast v52, $0x0;
	v33 =	vor.u32 v8, v33;
	[tilespmem:v48+s23+$0x0] =	vst.idx.add.f32.msk $0xffff, v30;
	v30 =	vmul.f32 v49, v42  }
0x133: {  	v56 =	vld [tilespmem:s11+$0xFFFFF1F0]  }
0x134: {  	v29 =	vor.u32 v8, v29;
	[tilespmem:v50+s23+$0x0] =	vst.idx.add.f32.msk $0xffff, v30  }
0x135: {  	v27 =	vmul.f32 v31, v27;
	v30 =	vld [tilespmem:s11+$0x110]  }
0x136: {  	s26 =	simm.s32 $0x20;
	v31 =	vor.u32 v8, v34  }
0x137: {  	s15 =	simm.s32 $0x23;
	v54 =	vmov s26;
	[tilespmem:v33+s23+$0x0] =	vst.idx.add.f32.msk $0xffff, v27;
	v26 =	vmul.f32 v53, v26;
	v27 =	vor.u32 v2, v43  }
0x138: {  	v55 =	vand.u32 $0xFFFFFFFC, v54;
	v58 =	vmov s15;
	v57 =	vld.idx.msk [tilespmem:v35+s17+$0x0], $0xffff  }
0x139: {  	v37 =	vbroadcast v55, $0x0;
	[tilespmem:v29+s23+$0x0] =	vst.idx.add.f32.msk $0xffff, v26;
	v26 =	vmul.f32 v56, v28  }
0x13a: {  	v60 =	vld [tilespmem:s11+$0x80];
	v29 =	vmul.f32 v30, v42  }
0x13b: {  	[tilespmem:v31+s23+$0x0] =	vst.idx.add.f32.msk $0xffff, v26  }
0x13c: {  	[tilespmem:v27+s23+$0x0] =	vst.idx.add.f32.msk $0xffff, v29  }
0x13d: {  	v27 =	vld.idx.msk [tilespmem:v58+s17+$0x0], $0xffff  }
0x13e: {  	v26 =	vld [tilespmem:s11+$0x120]  }
0x13f: {  	v28 =	vld.idx.msk [tilespmem:v37+s17+$0x0], $0xffff  }
0x140: {  	v59 =	vor.u32 v3, v43;
	v31 =	vld.idx.msk [tilespmem:v35+s16+$0x0], $0xffff  }
0x141: {  	v30 =	vld.idx.msk [tilespmem:v58+s16+$0x0], $0xffff;
	v36 =	vshll.u32 v57, $0x7  }
0x142: {  	v45 =	vld [tilespmem:s11+$0x180];
	v63 =	vor.u32 v0, v36  }
0x143: {  	v62 =	vld [tilespmem:s11+$0x0];
	v27 =	vshll.u32 v27, $0x7;
	v26 =	vmul.f32 v26, v42  }
0x144: {  	v29 =	vld.idx.msk [tilespmem:v37+s16+$0x0], $0xffff;
	v47 =	vor.u32 v0, v27  }
0x145: {  	v28 =	vshll.u32 v28, $0x7;
	v35 =	vmul.f32 v60, v31;
	[tilespmem:v59+s23+$0x0] =	vst.idx.add.f32.msk $0xffff, v26  }
0x146: {  	v44 =	vor.u32 v0, v28;
	v26 =	vld [tilespmem:s11+$0x130]  }
0x147: {  	v34 =	vmul.f32 v45, v30;
	[tilespmem:v63+s23+$0x0] =	vst.idx.add.f32.msk $0xffff, v35  }
0x148: {  	v46 =	vor.u32 v4, v43;
	v48 =	vld [tilespmem:s11+$0x90]  }
0x149: {  	v38 =	vmul.f32 v62, v29;
	[tilespmem:v47+s23+$0x0] =	vst.idx.add.f32.msk $0xffff, v34  }
0x14a: {  	v34 =	vld [tilespmem:s11+$0x190]  }
0x14b: {  	v49 =	vor.u32 v2, v36;
	[tilespmem:v44+s23+$0x0] =	vst.idx.add.f32.msk $0xffff, v38;
	v26 =	vmul.f32 v26, v42  }
0x14c: {  	v51 =	vor.u32 v2, v27;
	v38 =	vld [tilespmem:s11+$0x10]  }
0x14d: {  	[tilespmem:v46+s23+$0x0] =	vst.idx.add.f32.msk $0xffff, v26  }
0x14e: {  	v33 =	vmul.f32 v48, v31;
	v26 =	vor.u32 v2, v28;
	v40 =	vld [tilespmem:s11+$0x140]  }
0x14f: {  	v34 =	vmul.f32 v34, v30  }
0x150: {  	v50 =	vor.u32 v5, v43;
	[tilespmem:v49+s23+$0x0] =	vst.idx.add.f32.msk $0xffff, v33  }
0x151: {  	s25 =	simm.s32 $0x7;
	s15 =	simm.s32 $0x4;
	v38 =	vmul.f32 v38, v29;
	[tilespmem:v51+s23+$0x0] =	vst.idx.add.f32.msk $0xffff, v34  }
0x152: {  	v61 =	vmov s25;
	v52 =	vmov s15;
	v41 =	vld [tilespmem:s11+$0x1A0]  }
0x153: {  	[tilespmem:v26+s23+$0x0] =	vst.idx.add.f32.msk $0xffff, v38;
	v26 =	vand.u32 $0xFFFFFFFC, v52;
	v53 =	vmul.f32 v40, v42  }
0x154: {  	v54 =	vbroadcast v26, $0x0;
	v26 =	vld [tilespmem:s11+$0xA0]  }
0x155: {  	v45 =	vor.u32 v3, v27;
	[tilespmem:v50+s23+$0x0] =	vst.idx.add.f32.msk $0xffff, v53  }
0x156: {  	v55 =	vor.u32 v3, v36;
	v56 =	vld [tilespmem:s11+$0x150]  }
0x157: {  	v32 =	vld.idx.msk [tilespmem:v61+s16+$0x0], $0xffff  }
0x158: {  	v37 =	vld.idx.msk [tilespmem:v61+s17+$0x0], $0xffff;
	v58 =	vor.u32 v6, v43;
	v59 =	vmul.f32 v41, v30  }
0x159: {  	v57 =	vld [tilespmem:s11+$0x20];
	v26 =	vmul.f32 v26, v31  }
0x15a: {  	[tilespmem:v45+s23+$0x0] =	vst.idx.add.f32.msk $0xffff, v59  }
0x15b: {  	[tilespmem:v55+s23+$0x0] =	vst.idx.add.f32.msk $0xffff, v26;
	v26 =	vmul.f32 v56, v42  }
0x15c: {  	v44 =	vor.u32 v3, v28;
	v35 =	vld [tilespmem:s11+$0xB0]  }
0x15d: {  	[tilespmem:v58+s23+$0x0] =	vst.idx.add.f32.msk $0xffff, v26  }
0x15e: {  	v26 =	vor.u32 v4, v36;
	v39 =	vld [tilespmem:s11+$0x160]  }
0x15f: {  	v34 =	vmul.f32 v57, v29;
	v33 =	vld.idx.msk [tilespmem:v54+s16+$0x0], $0xffff  }
0x160: {  	v60 =	vor.u32 v7, v43;
	v47 =	vld [tilespmem:s11+$0x1B0]  }
0x161: {  	[tilespmem:v44+s23+$0x0] =	vst.idx.add.f32.msk $0xffff, v34;
	v35 =	vmul.f32 v35, v31  }
0x162: {  	v61 =	vld [tilespmem:s11+$0x30]  }
0x163: {  	v49 =	vor.u32 v4, v27;
	[tilespmem:v26+s23+$0x0] =	vst.idx.add.f32.msk $0xffff, v35;
	v26 =	vmul.f32 v39, v42  }
0x164: {  	v48 =	vor.u32 v4, v28;
	v50 =	vld [tilespmem:s11+$0xC0]  }
0x165: {  	s26 =	simm.s32 $0x5;
	v46 =	vor.u32 v5, v27;
	v38 =	vor.u32 v5, v36;
	[tilespmem:v60+s23+$0x0] =	vst.idx.add.f32.msk $0xffff, v26  }
0x166: {  	v52 =	vmov s26;
	v40 =	vor.u32 v6, v27;
	v47 =	vmul.f32 v47, v30;
	v51 =	vld [tilespmem:s11+$0x170]  }
0x167: {  	v41 =	vor.u32 v6, v28;
	v45 =	vor.u32 v5, v28;
	v44 =	vld.idx.msk [tilespmem:v54+s17+$0x0], $0xffff;
	v62 =	vmul.f32 v61, v29  }
0x168: {  	v63 =	vand.u32 $0xFFFFFFFD, v52;
	v34 =	vor.u32 v7, v27;
	[tilespmem:v49+s23+$0x0] =	vst.idx.add.f32.msk $0xffff, v47;
	v49 =	vor.u32 v8, v43  }
0x169: {  	v27 =	vor.u32 v8, v27;
	v47 =	vbroadcast v63, $0x0;
	v35 =	vor.u32 v7, v36;
	[tilespmem:v48+s23+$0x0] =	vst.idx.add.f32.msk $0xffff, v62  }
0x16a: {  	v39 =	vor.u32 v6, v36;
	v48 =	vld [tilespmem:s11+$0x40];
	v26 =	vor.u32 v8, v36;
	v50 =	vmul.f32 v50, v31  }
0x16b: {  	s14 =	simm.s32 $0x1000;
	s25 =	simm.s32 $0x8;
	s26 =	simm.s32 $0x6;
	v43 =	vld [tilespmem:s11+$0x1C0];
	v36 =	vor.u32 v7, v28;
	v28 =	vor.u32 v8, v28;
	v42 =	vmul.f32 v51, v42  }
.LBB2_8:
0x16c: {  	p0 =	slt.u32 s25, $0x1C;
	v51 =	vmov s26;
	[tilespmem:v38+s23+$0x0] =	vst.idx.add.f32.msk $0xffff, v50  }
0x16d: {  	v38 =	vand.u32 $0xFFFFFFFE, v51;
	[tilespmem:v49+s23+$0x0] =	vst.idx.add.f32.msk $0xffff, v42  }
0x16e: {  	v42 =	vbroadcast v38, $0x0;
	v49 =	vld [tilespmem:s11+$0xD0]  }
0x16f: {  	v38 =	vld.idx.msk [tilespmem:v47+s16+$0x0], $0xffff;
	v48 =	vmul.f32 v48, v29  }
0x170: {  	v47 =	vld.idx.msk [tilespmem:v47+s17+$0x0], $0xffff;
	v43 =	vmul.f32 v43, v30  }
0x171: {  	[tilespmem:v45+s23+$0x0] =	vst.idx.add.f32.msk $0xffff, v48  }
0x172: {  	[tilespmem:v46+s23+$0x0] =	vst.idx.add.f32.msk $0xffff, v43  }
0x173: {  	v43 =	vld [tilespmem:s11+$0x50];
	v45 =	vmul.f32 v49, v31  }
0x174: {  	v46 =	vld.idx.msk [tilespmem:v42+s17+$0x0], $0xffff  }
0x175: {  	v48 =	vld [tilespmem:s11+$0x1D0]  }
0x176: {  	[tilespmem:v39+s23+$0x0] =	vst.idx.add.f32.msk $0xffff, v45  }
0x177: {  	v39 =	vld [tilespmem:s11+$0xE0]  }
0x178: {  	s11 =	sadd.s32 $0x200, s11;
	v42 =	vld.idx.msk [tilespmem:v42+s16+$0x0], $0xffff;
	v49 =	vmul.f32 v43, v29  }
0x179: {  	v50 =	vld [tilespmem:s11+$0xFFFFF100]  }
0x17a: {  	v45 =	vshll.u32 v46, $0x7;
	v51 =	vld [tilespmem:s11+$0xFFFFF000];
	v46 =	vmul.f32 v48, v30  }
0x17b: {  	v52 =	vor.u32 v0, v45;
	v48 =	vld [tilespmem:s11+$0xFFFFF080]  }
0x17c: {  	v43 =	vshll.u32 v47, $0x7;
	v47 =	vld [tilespmem:s11+$0xFFFFF180];
	v53 =	vmul.f32 v39, v31  }
0x17d: {  	v39 =	vshll.u32 v44, $0x7;
	v44 =	vor.u32 v0, v43;
	[tilespmem:v41+s23+$0x0] =	vst.idx.add.f32.msk $0xffff, v49  }
0x17e: {  	v37 =	vshll.u32 v37, $0x7;
	v41 =	vor.u32 v0, v39;
	v49 =	vmul.f32 v50, v42;
	[tilespmem:v40+s23+$0x0] =	vst.idx.add.f32.msk $0xffff, v46  }
0x17f: {  	v46 =	vor.u32 v0, v37;
	v40 =	vmul.f32 v51, v33;
	v50 =	vld [tilespmem:s14+$0x60]  }
0x180: {  	v48 =	vmul.f32 v48, v38;
	[tilespmem:v52+s23+$0x0] =	vst.idx.add.f32.msk $0xffff, v49  }
0x181: {  	v49 =	vld [tilespmem:s11+$0xFFFFF110];
	v47 =	vmul.f32 v47, v32  }
0x182: {  	[tilespmem:v44+s23+$0x0] =	vst.idx.add.f32.msk $0xffff, v48  }
0x183: {  	[tilespmem:v41+s23+$0x0] =	vst.idx.add.f32.msk $0xffff, v40;
	v40 =	vor.u32 v2, v45  }
0x184: {  	[tilespmem:v46+s23+$0x0] =	vst.idx.add.f32.msk $0xffff, v47;
	v41 =	vmul.f32 v50, v29  }
0x185: {  	v44 =	vld [tilespmem:s11+$0xFFFFF090]  }
0x186: {  	v46 =	vld [tilespmem:s11+$0xFFFFF010];
	v47 =	vmul.f32 v49, v42  }
0x187: {  	v48 =	vor.u32 v2, v43;
	v49 =	vld [tilespmem:s11+$0xFFFFF190]  }
0x188: {  	v50 =	vor.u32 v2, v39;
	[tilespmem:v40+s23+$0x0] =	vst.idx.add.f32.msk $0xffff, v47  }
0x189: {  	v47 =	vor.u32 v2, v37;
	v40 =	vld [tilespmem:s11+$0xFFFFF120]  }
0x18a: {  	v44 =	vmul.f32 v44, v38;
	v51 =	vld [tilespmem:s14+$0x1E0]  }
0x18b: {  	v52 =	vor.u32 v3, v45;
	v46 =	vmul.f32 v46, v33;
	[tilespmem:v35+s23+$0x0] =	vst.idx.add.f32.msk $0xffff, v53  }
0x18c: {  	[tilespmem:v48+s23+$0x0] =	vst.idx.add.f32.msk $0xffff, v44;
	v35 =	vmul.f32 v49, v32  }
0x18d: {  	[tilespmem:v50+s23+$0x0] =	vst.idx.add.f32.msk $0xffff, v46  }
0x18e: {  	v40 =	vmul.f32 v40, v42;
	[tilespmem:v47+s23+$0x0] =	vst.idx.add.f32.msk $0xffff, v35  }
0x18f: {  	v35 =	vld [tilespmem:s11+$0xFFFFF0A0];
	v44 =	vmul.f32 v51, v30  }
0x190: {  	[tilespmem:v52+s23+$0x0] =	vst.idx.add.f32.msk $0xffff, v40  }
0x191: {  	v40 =	vor.u32 v3, v43;
	v46 =	vld [tilespmem:s11+$0xFFFFF130]  }
0x192: {  	v47 =	vld [tilespmem:s11+$0xFFFFF020]  }
0x193: {  	v48 =	vor.u32 v4, v45;
	v49 =	vld [tilespmem:s11+$0xFFFFF1A0]  }
0x194: {  	v35 =	vmul.f32 v35, v38;
	[tilespmem:v36+s23+$0x0] =	vst.idx.add.f32.msk $0xffff, v41  }
0x195: {  	v36 =	vor.u32 v3, v39;
	[tilespmem:v34+s23+$0x0] =	vst.idx.add.f32.msk $0xffff, v44  }
0x196: {  	[tilespmem:v40+s23+$0x0] =	vst.idx.add.f32.msk $0xffff, v35;
	v34 =	vmul.f32 v46, v42;
	v35 =	vor.u32 v3, v37  }
0x197: {  	v40 =	vmul.f32 v47, v33;
	v41 =	vld [tilespmem:s11+$0xFFFFF0B0]  }
0x198: {  	[tilespmem:v48+s23+$0x0] =	vst.idx.add.f32.msk $0xffff, v34;
	v34 =	vmul.f32 v49, v32  }
0x199: {  	v44 =	vor.u32 v4, v43;
	v46 =	vld [tilespmem:s11+$0xFFFFF140]  }
0x19a: {  	[tilespmem:v36+s23+$0x0] =	vst.idx.add.f32.msk $0xffff, v40  }
0x19b: {  	v36 =	vor.u32 v5, v45;
	[tilespmem:v35+s23+$0x0] =	vst.idx.add.f32.msk $0xffff, v34  }
0x19c: {  	v34 =	vld [tilespmem:s11+$0xFFFFF030];
	v35 =	vmul.f32 v41, v38  }
0x19d: {  	v40 =	vld [tilespmem:s11+$0xFFFFF1B0]  }
0x19e: {  	v41 =	vor.u32 v4, v39;
	[tilespmem:v44+s23+$0x0] =	vst.idx.add.f32.msk $0xffff, v35;
	v35 =	vmul.f32 v46, v42  }
0x19f: {  	v46 =	vor.u32 v4, v37;
	v44 =	vld [tilespmem:s11+$0xFFFFF0C0]  }
0x1a0: {  	[tilespmem:v36+s23+$0x0] =	vst.idx.add.f32.msk $0xffff, v35  }
0x1a1: {  	v34 =	vmul.f32 v34, v33;
	v35 =	vld [tilespmem:s11+$0xFFFFF150]  }
0x1a2: {  	v36 =	vor.u32 v5, v43;
	v40 =	vmul.f32 v40, v32;
	v47 =	vld [tilespmem:s14+$0xF0]  }
0x1a3: {  	[tilespmem:v41+s23+$0x0] =	vst.idx.add.f32.msk $0xffff, v34;
	v34 =	vor.u32 v6, v45  }
0x1a4: {  	v41 =	vmul.f32 v44, v38;
	[tilespmem:v46+s23+$0x0] =	vst.idx.add.f32.msk $0xffff, v40  }
0x1a5: {  	v40 =	vld [tilespmem:s11+$0xFFFFF040]  }
0x1a6: {  	v35 =	vmul.f32 v35, v42;
	v46 =	vld [tilespmem:s11+$0xFFFFF1C0]  }
0x1a7: {  	v48 =	vor.u32 v5, v39;
	[tilespmem:v36+s23+$0x0] =	vst.idx.add.f32.msk $0xffff, v41;
	v44 =	vmul.f32 v47, v31  }
0x1a8: {  	v31 =	vor.u32 v5, v37;
	[tilespmem:v34+s23+$0x0] =	vst.idx.add.f32.msk $0xffff, v35  }
0x1a9: {  	v34 =	vld [tilespmem:s11+$0xFFFFF160]  }
0x1aa: {  	v35 =	vmul.f32 v40, v33;
	v36 =	vld [tilespmem:s11+$0xFFFFF0D0]  }
0x1ab: {  	v40 =	vor.u32 v7, v45;
	v41 =	vmul.f32 v46, v32;
	v46 =	vld [tilespmem:s14+$0x70]  }
0x1ac: {  	[tilespmem:v48+s23+$0x0] =	vst.idx.add.f32.msk $0xffff, v35  }
0x1ad: {  	v35 =	vor.u32 v6, v43;
	[tilespmem:v31+s23+$0x0] =	vst.idx.add.f32.msk $0xffff, v41  }
0x1ae: {  	v31 =	vld [tilespmem:s11+$0xFFFFF050];
	v34 =	vmul.f32 v34, v42  }
0x1af: {  	v36 =	vmul.f32 v36, v38;
	v41 =	vld [tilespmem:s11+$0xFFFFF1D0]  }
0x1b0: {  	s26 =	sadd.s32 $0x22, s15;
	v48 =	vor.u32 v6, v39;
	[tilespmem:v40+s23+$0x0] =	vst.idx.add.f32.msk $0xffff, v34;
	v47 =	vmul.f32 v46, v29  }
0x1b1: {  	v34 =	vmov s26;
	v40 =	vor.u32 v6, v37;
	v29 =	vld [tilespmem:s11+$0xFFFFF170]  }
0x1b2: {  	v34 =	vand.u32 $0xFFFFFFFE, v34;
	[tilespmem:v35+s23+$0x0] =	vst.idx.add.f32.msk $0xffff, v36  }
0x1b3: {  	v36 =	vor.u32 v8, v45;
	v34 =	vbroadcast v34, $0x0;
	v31 =	vmul.f32 v31, v33;
	v35 =	vld [tilespmem:s11+$0xFFFFF0E0]  }
0x1b4: {  	v41 =	vmul.f32 v41, v32;
	v45 =	vld [tilespmem:s14+$0x1F0];
	s14 =	smov.u32 s11  }
0x1b5: {  	[tilespmem:v48+s23+$0x0] =	vst.idx.add.f32.msk $0xffff, v31  }
0x1b6: {  	v31 =	vor.u32 v7, v43;
	v29 =	vmul.f32 v29, v42;
	[tilespmem:v40+s23+$0x0] =	vst.idx.add.f32.msk $0xffff, v41  }
0x1b7: {  	v40 =	vld [tilespmem:s11+$0xFFFFF060]  }
0x1b8: {  	v35 =	vmul.f32 v35, v38;
	[tilespmem:v36+s23+$0x0] =	vst.idx.add.f32.msk $0xffff, v29  }
0x1b9: {  	v29 =	vld.idx.msk [tilespmem:v34+s17+$0x0], $0xffff;
	v48 =	vmul.f32 v45, v30  }
0x1ba: {  	v30 =	vor.u32 v7, v39;
	v36 =	vld [tilespmem:s11+$0xFFFFF1E0]  }
0x1bb: {  	s26 =	sadd.s32 $0x21, s15;
	[tilespmem:v31+s23+$0x0] =	vst.idx.add.f32.msk $0xffff, v35  }
0x1bc: {  	v41 =	vor.u32 v7, v37;
	v31 =	vmul.f32 v40, v33;
	v35 =	vld [tilespmem:s11+$0xFFFFF0F0];
	v40 =	vmov s26  }
0x1bd: {  	v40 =	vand.u32 $0xFFFFFFFD, v40;
	v42 =	vld.idx.msk [tilespmem:v34+s16+$0x0], $0xffff  }
0x1be: {  	v34 =	vor.u32 v8, v43;
	v40 =	vbroadcast v40, $0x0;
	v45 =	vld [tilespmem:s11+$0x100]  }
0x1bf: {  	s26 =	sadd.s32 $0x20, s15;
	v43 =	vshll.u32 v29, $0x7;
	[tilespmem:v30+s23+$0x0] =	vst.idx.add.f32.msk $0xffff, v31;
	v29 =	vmul.f32 v36, v32  }
0x1c0: {  	v31 =	vmov s26;
	v36 =	vor.u32 v0, v43;
	v30 =	vld [tilespmem:s11+$0xFFFFF070]  }
0x1c1: {  	v31 =	vand.u32 $0xFFFFFFFC, v31;
	v35 =	vmul.f32 v35, v38;
	[tilespmem:v41+s23+$0x0] =	vst.idx.add.f32.msk $0xffff, v29  }
0x1c2: {  	v29 =	vor.u32 v8, v39;
	v38 =	vbroadcast v31, $0x0;
	v31 =	vld [tilespmem:s11+$0xFFFFF1F0]  }
0x1c3: {  	[tilespmem:v34+s23+$0x0] =	vst.idx.add.f32.msk $0xffff, v35;
	v34 =	vmul.f32 v45, v42  }
0x1c4: {  	v37 =	vor.u32 v8, v37;
	s26 =	sadd.s32 $0x23, s15;
	s15 =	smov.u32 s25;
	v35 =	vld.idx.msk [tilespmem:v40+s17+$0x0], $0xffff  }
0x1c5: {  	v30 =	vmul.f32 v30, v33;
	[tilespmem:v36+s23+$0x0] =	vst.idx.add.f32.msk $0xffff, v34;
	v33 =	vmov s26  }
0x1c6: {  	v34 =	vld [tilespmem:s11+$0x110]  }
0x1c7: {  	[tilespmem:v29+s23+$0x0] =	vst.idx.add.f32.msk $0xffff, v30;
	v29 =	vmul.f32 v31, v32  }
0x1c8: {  	v32 =	vor.u32 v2, v43;
	v30 =	vld.idx.msk [tilespmem:v38+s17+$0x0], $0xffff  }
0x1c9: {  	[tilespmem:v37+s23+$0x0] =	vst.idx.add.f32.msk $0xffff, v29  }
0x1ca: {  	v36 =	vshll.u32 v35, $0x7;
	v37 =	vld.idx.msk [tilespmem:v33+s17+$0x0], $0xffff  }
0x1cb: {  	v49 =	vor.u32 v0, v36;
	v50 =	vor.u32 v2, v36;
	v31 =	vld.idx.msk [tilespmem:v40+s16+$0x0], $0xffff;
	v34 =	vmul.f32 v34, v42  }
0x1cc: {  	v51 =	vor.u32 v3, v36;
	v52 =	vor.u32 v4, v36;
	v29 =	vld.idx.msk [tilespmem:v38+s16+$0x0], $0xffff;
	v38 =	vor.u32 v5, v36  }
0x1cd: {  	s26 =	sadd.s32 $0x3, s25;
	v39 =	vor.u32 v6, v36;
	v35 =	vor.u32 v7, v36;
	[tilespmem:v32+s23+$0x0] =	vst.idx.add.f32.msk $0xffff, v34  }
0x1ce: {  	v54 =	vor.u32 v8, v36;
	v34 =	vmov s26;
	v53 =	vshll.u32 v30, $0x7;
	v36 =	vld [tilespmem:s11+$0x120]  }
0x1cf: {  	v55 =	vor.u32 v0, v53;
	v56 =	vor.u32 v2, v53;
	v57 =	vor.u32 v3, v53;
	v58 =	vld [tilespmem:s11+$0x80]  }
0x1d0: {  	v61 =	vor.u32 v3, v43;
	v60 =	vor.u32 v4, v53;
	v62 =	vshll.u32 v37, $0x7;
	v59 =	vld [tilespmem:s11+$0x0]  }
0x1d1: {  	v63 =	vor.u32 v2, v62;
	v9 =	vor.u32 v3, v62;
	v30 =	vld.idx.msk [tilespmem:v33+s16+$0x0], $0xffff;
	v33 =	vor.u32 v0, v62  }
0x1d2: {  	v45 =	vor.u32 v5, v53;
	v11 =	vor.u32 v4, v62;
	v46 =	vor.u32 v5, v62;
	v10 =	vld [tilespmem:s11+$0x180]  }
0x1d3: {  	v41 =	vor.u32 v6, v53;
	v40 =	vor.u32 v6, v62;
	v32 =	vld.idx.msk [tilespmem:v34+s16+$0x0], $0xffff;
	v13 =	vmul.f32 v36, v42  }
0x1d4: {  	v36 =	vor.u32 v7, v53;
	v37 =	vld.idx.msk [tilespmem:v34+s17+$0x0], $0xffff;
	v58 =	vmul.f32 v58, v31;
	v34 =	vor.u32 v7, v62  }
0x1d5: {  	v53 =	vor.u32 v8, v53;
	v59 =	vmul.f32 v59, v29;
	[tilespmem:v61+s23+$0x0] =	vst.idx.add.f32.msk $0xffff, v13  }
0x1d6: {  	v61 =	vor.u32 v8, v62;
	v13 =	vld [tilespmem:s11+$0x130]  }
0x1d7: {  	[tilespmem:v49+s23+$0x0] =	vst.idx.add.f32.msk $0xffff, v58;
	v10 =	vmul.f32 v10, v30  }
0x1d8: {  	v49 =	vor.u32 v4, v43;
	[tilespmem:v55+s23+$0x0] =	vst.idx.add.f32.msk $0xffff, v59  }
0x1d9: {  	[tilespmem:v33+s23+$0x0] =	vst.idx.add.f32.msk $0xffff, v10  }
0x1da: {  	v10 =	vld [tilespmem:s11+$0x90]  }
0x1db: {  	v33 =	vld [tilespmem:s11+$0x10];
	v13 =	vmul.f32 v13, v42  }
0x1dc: {  	v55 =	vld [tilespmem:s11+$0x190]  }
0x1dd: {  	[tilespmem:v49+s23+$0x0] =	vst.idx.add.f32.msk $0xffff, v13  }
0x1de: {  	v13 =	vld [tilespmem:s11+$0x140]  }
0x1df: {  	v10 =	vmul.f32 v10, v31;
	[tilespmem:v26+s23+$0x0] =	vst.idx.add.f32.msk $0xffff, v44;
	v26 =	vmov v54  }
0x1e0: {  	v44 =	vor.u32 v5, v43;
	v33 =	vmul.f32 v33, v29;
	[tilespmem:v28+s23+$0x0] =	vst.idx.add.f32.msk $0xffff, v47;
	v28 =	vmov v53  }
0x1e1: {  	[tilespmem:v50+s23+$0x0] =	vst.idx.add.f32.msk $0xffff, v10;
	v10 =	vmul.f32 v55, v30  }
0x1e2: {  	v47 =	vmov s25;
	[tilespmem:v56+s23+$0x0] =	vst.idx.add.f32.msk $0xffff, v33  }
0x1e3: {  	v33 =	vand.u32 $0xFFFFFFFC, v47;
	v13 =	vmul.f32 v13, v42;
	[tilespmem:v63+s23+$0x0] =	vst.idx.add.f32.msk $0xffff, v10  }
0x1e4: {  	v10 =	vbroadcast v33, $0x0;
	v33 =	vld [tilespmem:s11+$0xA0]  }
0x1e5: {  	[tilespmem:v44+s23+$0x0] =	vst.idx.add.f32.msk $0xffff, v13  }
0x1e6: {  	v13 =	vld [tilespmem:s11+$0x150]  }
0x1e7: {  	v44 =	vld [tilespmem:s11+$0x20]  }
0x1e8: {  	v47 =	vor.u32 v6, v43;
	v49 =	vld [tilespmem:s11+$0x1A0]  }
0x1e9: {  	v50 =	vmul.f32 v33, v31;
	[tilespmem:v27+s23+$0x0] =	vst.idx.add.f32.msk $0xffff, v48;
	v27 =	vmov v61  }
0x1ea: {  	v33 =	vld.idx.msk [tilespmem:v10+s16+$0x0], $0xffff  }
0x1eb: {  	[tilespmem:v51+s23+$0x0] =	vst.idx.add.f32.msk $0xffff, v50;
	v13 =	vmul.f32 v13, v42  }
0x1ec: {  	v44 =	vmul.f32 v44, v29;
	v48 =	vld [tilespmem:s11+$0xB0]  }
0x1ed: {  	[tilespmem:v47+s23+$0x0] =	vst.idx.add.f32.msk $0xffff, v13;
	v13 =	vmul.f32 v49, v30  }
0x1ee: {  	v47 =	vld [tilespmem:s11+$0x160]  }
0x1ef: {  	[tilespmem:v57+s23+$0x0] =	vst.idx.add.f32.msk $0xffff, v44  }
0x1f0: {  	v44 =	vor.u32 v7, v43;
	[tilespmem:v9+s23+$0x0] =	vst.idx.add.f32.msk $0xffff, v13  }
0x1f1: {  	v9 =	vld [tilespmem:s11+$0x30];
	v13 =	vmul.f32 v48, v31  }
0x1f2: {  	v48 =	vld [tilespmem:s11+$0x1B0]  }
0x1f3: {  	[tilespmem:v52+s23+$0x0] =	vst.idx.add.f32.msk $0xffff, v13;
	v13 =	vmul.f32 v47, v42  }
0x1f4: {  	v50 =	vld [tilespmem:s11+$0xC0]  }
0x1f5: {  	[tilespmem:v44+s23+$0x0] =	vst.idx.add.f32.msk $0xffff, v13  }
0x1f6: {  	s26 =	sadd.s32 $0x1, s25;
	v9 =	vmul.f32 v9, v29;
	v13 =	vld [tilespmem:s11+$0x170]  }
.Ltmp3:
0x1f7: {  	v44 =	vld.idx.msk [tilespmem:v10+s17+$0x0], $0xffff;
	v10 =	vmov s26;
	v48 =	vmul.f32 v48, v30;
	(pc) =	sbr.rel @p0 .LBB2_8-.Ltmp3, $4  }
0x1f8: {  	v49 =	vor.u32 v8, v43;
	v10 =	vand.u32 $0xFFFFFFFD, v10;
	[tilespmem:v60+s23+$0x0] =	vst.idx.add.f32.msk $0xffff, v9  }
0x1f9: {  	v47 =	vbroadcast v10, $0x0;
	v50 =	vmul.f32 v50, v31;
	[tilespmem:v11+s23+$0x0] =	vst.idx.add.f32.msk $0xffff, v48  }
0x1fa: {  	v48 =	vld [tilespmem:s11+$0x40]  }
0x1fb: {  	s25 =	sadd.s32 $0x4, s25;
	s26 =	sadd.s32 $0x2, s15;
	v42 =	vmul.f32 v13, v42;
	v43 =	vld [tilespmem:s11+$0x1C0]  }
0x1fc: {  	v9 =	vmov s26  }
0x1fd: {  	v9 =	vand.u32 $0xFFFFFFFE, v9  }
0x1fe: {  	v9 =	vbroadcast v9, $0x0;
	_ =	sdelay $0x4  }
0x1ff: {  	[tilespmem:v38+s23+$0x0] =	vst.idx.add.f32.msk $0xffff, v50  }
0x200: {  	v10 =	vld.idx.msk [tilespmem:v9+s17+$0x0], $0xffff  }
0x201: {  	v57 =	vld.idx.msk [tilespmem:v47+s17+$0x0], $0xffff  }
0x202: {  	s25 =	sadd.s32 $0x200, s11;
	v11 =	vld [tilespmem:s11+$0xD0]  }
0x203: {  	v56 =	vld [tilespmem:s25+$0xFFFFF100]  }
0x204: {  	v13 =	vmul.f32 v48, v29;
	v9 =	vld.idx.msk [tilespmem:v9+s16+$0x0], $0xffff  }
0x205: {  	[tilespmem:v49+s23+$0x0] =	vst.idx.add.f32.msk $0xffff, v42;
	v10 =	vshll.u32 v10, $0x7  }
0x206: {  	v43 =	vmul.f32 v43, v30;
	[tilespmem:v45+s23+$0x0] =	vst.idx.add.f32.msk $0xffff, v13;
	v13 =	vor.u32 v0, v10  }
0x207: {  	v42 =	vld.idx.msk [tilespmem:v47+s16+$0x0], $0xffff  }
0x208: {  	[tilespmem:v46+s23+$0x0] =	vst.idx.add.f32.msk $0xffff, v43;
	v11 =	vmul.f32 v11, v31  }
0x209: {  	v59 =	vld [tilespmem:s11+$0x1D0];
	v38 =	vmul.f32 v56, v9  }
0x20a: {  	[tilespmem:v39+s23+$0x0] =	vst.idx.add.f32.msk $0xffff, v11  }
0x20b: {  	[tilespmem:v13+s23+$0x0] =	vst.idx.add.f32.msk $0xffff, v38  }
0x20c: {  	v13 =	vld [tilespmem:s25+$0xFFFFF080]  }
0x20d: {  	v47 =	vshll.u32 v57, $0x7;
	v11 =	vld [tilespmem:s25+$0xFFFFF110]  }
0x20e: {  	v63 =	vor.u32 v0, v47  }
0x20f: {  	v61 =	vld [tilespmem:s25+$0xFFFFF000];
	v60 =	vor.u32 v2, v10  }
0x210: {  	v62 =	vld [tilespmem:s25+$0xFFFFF180];
	v45 =	vmul.f32 v59, v30  }
0x211: {  	v44 =	vshll.u32 v44, $0x7;
	v58 =	vld [tilespmem:s11+$0x50];
	v13 =	vmul.f32 v13, v42  }
0x212: {  	v52 =	vor.u32 v0, v44;
	[tilespmem:v40+s23+$0x0] =	vst.idx.add.f32.msk $0xffff, v45;
	v11 =	vmul.f32 v11, v9  }
0x213: {  	[tilespmem:v63+s23+$0x0] =	vst.idx.add.f32.msk $0xffff, v13  }
0x214: {  	v40 =	vshll.u32 v37, $0x7;
	[tilespmem:v60+s23+$0x0] =	vst.idx.add.f32.msk $0xffff, v11  }
0x215: {  	v54 =	vmul.f32 v61, v33;
	v11 =	vor.u32 v0, v40;
	v13 =	vld [tilespmem:s25+$0xFFFFF090]  }
0x216: {  	v53 =	vld [tilespmem:s25+$0xFFFFF120]  }
0x217: {  	v57 =	vor.u32 v2, v47;
	[tilespmem:v52+s23+$0x0] =	vst.idx.add.f32.msk $0xffff, v54;
	v43 =	vmul.f32 v58, v29  }
0x218: {  	v39 =	vld [tilespmem:s25+$0xFFFFF010];
	v56 =	vmul.f32 v62, v32;
	v55 =	vor.u32 v3, v10  }
0x219: {  	[tilespmem:v41+s23+$0x0] =	vst.idx.add.f32.msk $0xffff, v43  }
0x21a: {  	[tilespmem:v11+s23+$0x0] =	vst.idx.add.f32.msk $0xffff, v56;
	v13 =	vmul.f32 v13, v42  }
0x21b: {  	v11 =	vmul.f32 v53, v9;
	v58 =	vld [tilespmem:s25+$0xFFFFF190]  }
0x21c: {  	v59 =	vor.u32 v2, v44;
	[tilespmem:v57+s23+$0x0] =	vst.idx.add.f32.msk $0xffff, v13  }
0x21d: {  	[tilespmem:v55+s23+$0x0] =	vst.idx.add.f32.msk $0xffff, v11  }
0x21e: {  	v11 =	vor.u32 v2, v40;
	v13 =	vld [tilespmem:s25+$0xFFFFF0A0]  }
0x21f: {  	v39 =	vmul.f32 v39, v33;
	v43 =	vld [tilespmem:s25+$0xFFFFF130]  }
0x220: {  	v61 =	vor.u32 v3, v47  }
0x221: {  	[tilespmem:v59+s23+$0x0] =	vst.idx.add.f32.msk $0xffff, v39;
	v60 =	vor.u32 v4, v10;
	v37 =	vmul.f32 v58, v32  }
0x222: {  	v45 =	vld [tilespmem:s25+$0xFFFFF020]  }
0x223: {  	[tilespmem:v11+s23+$0x0] =	vst.idx.add.f32.msk $0xffff, v37;
	v13 =	vmul.f32 v13, v42  }
0x224: {  	v62 =	vor.u32 v3, v44;
	v11 =	vmul.f32 v43, v9;
	v37 =	vld [tilespmem:s25+$0xFFFFF1A0]  }
0x225: {  	[tilespmem:v61+s23+$0x0] =	vst.idx.add.f32.msk $0xffff, v13  }
0x226: {  	[tilespmem:v60+s23+$0x0] =	vst.idx.add.f32.msk $0xffff, v11  }
0x227: {  	v13 =	vmul.f32 v45, v33;
	v11 =	vor.u32 v3, v40;
	v39 =	vld [tilespmem:s25+$0xFFFFF0B0]  }
0x228: {  	v41 =	vld [tilespmem:s25+$0xFFFFF140]  }
0x229: {  	[tilespmem:v62+s23+$0x0] =	vst.idx.add.f32.msk $0xffff, v13;
	v13 =	vor.u32 v4, v47  }
0x22a: {  	v63 =	vor.u32 v5, v10;
	v37 =	vmul.f32 v37, v32  }
0x22b: {  	v43 =	vld [tilespmem:s25+$0xFFFFF030]  }
0x22c: {  	[tilespmem:v11+s23+$0x0] =	vst.idx.add.f32.msk $0xffff, v37;
	v39 =	vmul.f32 v39, v42  }
0x22d: {  	v48 =	vor.u32 v4, v44;
	v11 =	vmul.f32 v41, v9;
	v37 =	vld [tilespmem:s25+$0xFFFFF1B0]  }
0x22e: {  	[tilespmem:v13+s23+$0x0] =	vst.idx.add.f32.msk $0xffff, v39  }
0x22f: {  	[tilespmem:v63+s23+$0x0] =	vst.idx.add.f32.msk $0xffff, v11  }
0x230: {  	v13 =	vmul.f32 v43, v33;
	v11 =	vor.u32 v4, v40;
	v39 =	vld [tilespmem:s25+$0xFFFFF0C0]  }
0x231: {  	v45 =	vld [tilespmem:s25+$0xFFFFF150]  }
0x232: {  	[tilespmem:v48+s23+$0x0] =	vst.idx.add.f32.msk $0xffff, v13;
	v13 =	vor.u32 v5, v47  }
0x233: {  	v49 =	vor.u32 v6, v10;
	v37 =	vmul.f32 v37, v32  }
0x234: {  	v41 =	vld [tilespmem:s25+$0xFFFFF040]  }
0x235: {  	[tilespmem:v11+s23+$0x0] =	vst.idx.add.f32.msk $0xffff, v37;
	v39 =	vmul.f32 v39, v42  }
0x236: {  	v50 =	vor.u32 v5, v44;
	v11 =	vmul.f32 v45, v9;
	v37 =	vld [tilespmem:s25+$0xFFFFF1C0]  }
0x237: {  	[tilespmem:v13+s23+$0x0] =	vst.idx.add.f32.msk $0xffff, v39  }
0x238: {  	[tilespmem:v49+s23+$0x0] =	vst.idx.add.f32.msk $0xffff, v11  }
0x239: {  	v13 =	vmul.f32 v41, v33;
	v11 =	vor.u32 v5, v40;
	v39 =	vld [tilespmem:s25+$0xFFFFF0D0]  }
0x23a: {  	v43 =	vld [tilespmem:s25+$0xFFFFF160]  }
0x23b: {  	[tilespmem:v50+s23+$0x0] =	vst.idx.add.f32.msk $0xffff, v13;
	v13 =	vor.u32 v6, v47  }
0x23c: {  	v38 =	vld [tilespmem:s11+$0xE0];
	v37 =	vmul.f32 v37, v32  }
0x23d: {  	v51 =	vor.u32 v7, v10;
	v45 =	vld [tilespmem:s25+$0xFFFFF050]  }
0x23e: {  	[tilespmem:v11+s23+$0x0] =	vst.idx.add.f32.msk $0xffff, v37;
	v39 =	vmul.f32 v39, v42  }
0x23f: {  	v52 =	vor.u32 v6, v44;
	v37 =	vld [tilespmem:s25+$0xFFFFF1D0]  }
0x240: {  	v11 =	vmul.f32 v43, v9;
	[tilespmem:v13+s23+$0x0] =	vst.idx.add.f32.msk $0xffff, v39  }
0x241: {  	v54 =	vor.u32 v6, v40;
	v56 =	vld [tilespmem:s25+$0xFFFFF0E0]  }
0x242: {  	v55 =	vmul.f32 v45, v33;
	[tilespmem:v51+s23+$0x0] =	vst.idx.add.f32.msk $0xffff, v11  }
0x243: {  	s26 =	sadd.s32 $0x22, s15;
	v57 =	vor.u32 v7, v47;
	v11 =	vld [tilespmem:s25+$0xFFFFF170]  }
0x244: {  	v53 =	vmov s26;
	[tilespmem:v52+s23+$0x0] =	vst.idx.add.f32.msk $0xffff, v55;
	v37 =	vmul.f32 v37, v32  }
0x245: {  	v10 =	vor.u32 v8, v10;
	v13 =	vand.u32 $0xFFFFFFFE, v53;
	v43 =	vld [tilespmem:s25+$0xFFFFF060]  }
0x246: {  	v13 =	vbroadcast v13, $0x0;
	[tilespmem:v54+s23+$0x0] =	vst.idx.add.f32.msk $0xffff, v37;
	v41 =	vmul.f32 v56, v42  }
0x247: {  	v37 =	vld [tilespmem:s25+$0xFFFFF1E0]  }
0x248: {  	v9 =	vmul.f32 v11, v9;
	v11 =	vor.u32 v7, v44;
	[tilespmem:v57+s23+$0x0] =	vst.idx.add.f32.msk $0xffff, v41  }
0x249: {  	v57 =	vld [tilespmem:s14+$0x1E0]  }
0x24a: {  	[tilespmem:v10+s23+$0x0] =	vst.idx.add.f32.msk $0xffff, v9;
	v10 =	vor.u32 v7, v40  }
0x24b: {  	s26 =	sadd.s32 $0x21, s15;
	v58 =	vmul.f32 v43, v33;
	v41 =	vld [tilespmem:s25+$0xFFFFF0F0]  }
0x24c: {  	v59 =	vmov s26;
	v9 =	vld.idx.msk [tilespmem:v13+s17+$0x0], $0xffff  }
0x24d: {  	s26 =	sadd.s32 $0x20, s15;
	v43 =	vand.u32 $0xFFFFFFFD, v59;
	[tilespmem:v11+s23+$0x0] =	vst.idx.add.f32.msk $0xffff, v58;
	v11 =	vmul.f32 v37, v32  }
0x24e: {  	v60 =	vor.u32 v8, v47;
	v62 =	vmov s26;
	v43 =	vbroadcast v43, $0x0;
	v61 =	vld [tilespmem:s25+$0xFFFFF070]  }
0x24f: {  	v37 =	vand.u32 $0xFFFFFFFC, v62;
	[tilespmem:v10+s23+$0x0] =	vst.idx.add.f32.msk $0xffff, v11  }
0x250: {  	v10 =	vor.u32 v8, v44;
	v11 =	vbroadcast v37, $0x0;
	v37 =	vld.idx.msk [tilespmem:v13+s16+$0x0], $0xffff  }
0x251: {  	v13 =	vmul.f32 v41, v42;
	v63 =	vld [tilespmem:s25+$0xFFFFF1F0]  }
0x252: {  	v48 =	vld [tilespmem:s25+$0x100]  }
0x253: {  	[tilespmem:v60+s23+$0x0] =	vst.idx.add.f32.msk $0xffff, v13;
	v13 =	vmul.f32 v61, v33  }
0x254: {  	v50 =	vld.idx.msk [tilespmem:v43+s17+$0x0], $0xffff  }
0x255: {  	s26 =	sadd.s32 $0x23, s15;
	v40 =	vor.u32 v8, v40;
	[tilespmem:v10+s23+$0x0] =	vst.idx.add.f32.msk $0xffff, v13  }
0x256: {  	v49 =	vmov s26;
	v10 =	vmul.f32 v63, v32;
	v32 =	vld.idx.msk [tilespmem:v43+s16+$0x0], $0xffff  }
0x257: {  	v13 =	vld.idx.msk [tilespmem:v11+s17+$0x0], $0xffff  }
0x258: {  	v33 =	vld.idx.msk [tilespmem:v11+s16+$0x0], $0xffff  }
0x259: {  	v11 =	vld [tilespmem:s25+$0x80]  }
0x25a: {  	[tilespmem:v40+s23+$0x0] =	vst.idx.add.f32.msk $0xffff, v10;
	v40 =	vshll.u32 v9, $0x7  }
0x25b: {  	v10 =	vld.idx.msk [tilespmem:v49+s17+$0x0], $0xffff;
	v9 =	vor.u32 v0, v40  }
0x25c: {  	v44 =	vld [tilespmem:s14+$0x60];
	v41 =	vshll.u32 v50, $0x7  }
0x25d: {  	v51 =	vld [tilespmem:s25+$0x0];
	v52 =	vor.u32 v0, v41  }
0x25e: {  	v39 =	vld.idx.msk [tilespmem:v49+s16+$0x0], $0xffff;
	v42 =	vshll.u32 v13, $0x7;
	v13 =	vmul.f32 v48, v37  }
0x25f: {  	v54 =	vld [tilespmem:s25+$0x180];
	v53 =	vor.u32 v0, v42  }
0x260: {  	[tilespmem:v9+s23+$0x0] =	vst.idx.add.f32.msk $0xffff, v13;
	v9 =	vshll.u32 v10, $0x7;
	v10 =	vmul.f32 v11, v32  }
0x261: {  	v11 =	vld [tilespmem:s25+$0x110];
	v13 =	vor.u32 v0, v9  }
0x262: {  	v43 =	vmul.f32 v51, v33;
	[tilespmem:v52+s23+$0x0] =	vst.idx.add.f32.msk $0xffff, v10  }
0x263: {  	v10 =	vor.u32 v2, v40;
	v45 =	vld [tilespmem:s25+$0x90]  }
0x264: {  	v55 =	vmul.f32 v54, v39;
	[tilespmem:v53+s23+$0x0] =	vst.idx.add.f32.msk $0xffff, v43  }
0x265: {  	v56 =	vor.u32 v2, v41;
	v46 =	vld [tilespmem:s25+$0x10]  }
0x266: {  	[tilespmem:v13+s23+$0x0] =	vst.idx.add.f32.msk $0xffff, v55;
	v11 =	vmul.f32 v11, v37  }
0x267: {  	v13 =	vor.u32 v2, v42;
	v43 =	vld [tilespmem:s25+$0x190]  }
0x268: {  	[tilespmem:v10+s23+$0x0] =	vst.idx.add.f32.msk $0xffff, v11;
	v11 =	vmul.f32 v45, v32  }
0x269: {  	v10 =	vor.u32 v2, v9;
	v58 =	vld [tilespmem:s25+$0x120]  }
0x26a: {  	v46 =	vmul.f32 v46, v33;
	[tilespmem:v56+s23+$0x0] =	vst.idx.add.f32.msk $0xffff, v11  }
0x26b: {  	v59 =	vld [tilespmem:s25+$0xA0]  }
0x26c: {  	v11 =	vmul.f32 v43, v39;
	[tilespmem:v13+s23+$0x0] =	vst.idx.add.f32.msk $0xffff, v46;
	v13 =	vor.u32 v3, v40  }
0x26d: {  	v60 =	vld [tilespmem:s25+$0x20]  }
0x26e: {  	[tilespmem:v10+s23+$0x0] =	vst.idx.add.f32.msk $0xffff, v11;
	v10 =	vmul.f32 v38, v31;
	v11 =	vor.u32 v3, v41  }
0x26f: {  	v45 =	vmul.f32 v58, v37;
	v61 =	vld [tilespmem:s25+$0x1A0]  }
0x270: {  	[tilespmem:v35+s23+$0x0] =	vst.idx.add.f32.msk $0xffff, v10;
	v10 =	vor.u32 v3, v42  }
0x271: {  	v62 =	vor.u32 v3, v9;
	[tilespmem:v13+s23+$0x0] =	vst.idx.add.f32.msk $0xffff, v45;
	v13 =	vmul.f32 v59, v32  }
0x272: {  	v63 =	vld [tilespmem:s25+$0x130]  }
0x273: {  	[tilespmem:v11+s23+$0x0] =	vst.idx.add.f32.msk $0xffff, v13;
	v11 =	vmul.f32 v60, v33  }
0x274: {  	v13 =	vld [tilespmem:s25+$0xB0];
	v49 =	vmul.f32 v61, v39  }
0x275: {  	v50 =	vor.u32 v4, v40;
	[tilespmem:v10+s23+$0x0] =	vst.idx.add.f32.msk $0xffff, v11  }
0x276: {  	[tilespmem:v62+s23+$0x0] =	vst.idx.add.f32.msk $0xffff, v49  }
0x277: {  	v10 =	vmul.f32 v44, v29;
	v11 =	vor.u32 v4, v41;
	v51 =	vld [tilespmem:s25+$0x30]  }
0x278: {  	v52 =	vmul.f32 v63, v37;
	v53 =	vld [tilespmem:s25+$0x1B0]  }
0x279: {  	[tilespmem:v36+s23+$0x0] =	vst.idx.add.f32.msk $0xffff, v10;
	v10 =	vor.u32 v4, v42  }
0x27a: {  	v54 =	vor.u32 v4, v9;
	[tilespmem:v50+s23+$0x0] =	vst.idx.add.f32.msk $0xffff, v52;
	v13 =	vmul.f32 v13, v32  }
0x27b: {  	v38 =	vld [tilespmem:s25+$0x140]  }
0x27c: {  	[tilespmem:v11+s23+$0x0] =	vst.idx.add.f32.msk $0xffff, v13;
	v11 =	vmul.f32 v51, v33  }
0x27d: {  	v13 =	vld [tilespmem:s25+$0xC0];
	v55 =	vmul.f32 v53, v39  }
0x27e: {  	v56 =	vor.u32 v5, v40;
	[tilespmem:v10+s23+$0x0] =	vst.idx.add.f32.msk $0xffff, v11  }
0x27f: {  	[tilespmem:v54+s23+$0x0] =	vst.idx.add.f32.msk $0xffff, v55  }
0x280: {  	v10 =	vmul.f32 v57, v30;
	v11 =	vor.u32 v5, v41;
	v57 =	vld [tilespmem:s25+$0x40]  }
0x281: {  	v58 =	vmul.f32 v38, v37;
	v59 =	vld [tilespmem:s25+$0x1C0]  }
0x282: {  	[tilespmem:v34+s23+$0x0] =	vst.idx.add.f32.msk $0xffff, v10;
	v10 =	vor.u32 v5, v42  }
0x283: {  	v60 =	vor.u32 v5, v9;
	[tilespmem:v56+s23+$0x0] =	vst.idx.add.f32.msk $0xffff, v58;
	v13 =	vmul.f32 v13, v32  }
0x284: {  	v36 =	vld [tilespmem:s25+$0x150]  }
0x285: {  	[tilespmem:v11+s23+$0x0] =	vst.idx.add.f32.msk $0xffff, v13;
	v11 =	vmul.f32 v57, v33  }
0x286: {  	v13 =	vld [tilespmem:s25+$0xD0];
	v61 =	vmul.f32 v59, v39  }
0x287: {  	v62 =	vor.u32 v6, v40;
	[tilespmem:v10+s23+$0x0] =	vst.idx.add.f32.msk $0xffff, v11  }
0x288: {  	[tilespmem:v60+s23+$0x0] =	vst.idx.add.f32.msk $0xffff, v61  }
0x289: {  	v10 =	vor.u32 v6, v41;
	v11 =	vld [tilespmem:s25+$0x50]  }
0x28a: {  	v63 =	vmul.f32 v36, v37;
	v35 =	vld [tilespmem:s25+$0x1D0]  }
0x28b: {  	v48 =	vld [tilespmem:s14+$0xF0];
	v49 =	vor.u32 v6, v42  }
0x28c: {  	v50 =	vor.u32 v6, v9;
	[tilespmem:v62+s23+$0x0] =	vst.idx.add.f32.msk $0xffff, v63;
	v13 =	vmul.f32 v13, v32  }
0x28d: {  	v34 =	vld [tilespmem:s25+$0x160]  }
0x28e: {  	[tilespmem:v10+s23+$0x0] =	vst.idx.add.f32.msk $0xffff, v13;
	v10 =	vmul.f32 v11, v33  }
0x28f: {  	v11 =	vld [tilespmem:s25+$0xE0];
	v13 =	vmul.f32 v35, v39  }
0x290: {  	[tilespmem:v49+s23+$0x0] =	vst.idx.add.f32.msk $0xffff, v10  }
0x291: {  	v10 =	vor.u32 v7, v40;
	[tilespmem:v50+s23+$0x0] =	vst.idx.add.f32.msk $0xffff, v13  }
0x292: {  	v13 =	vld [tilespmem:s25+$0x60]  }
0x293: {  	v51 =	vor.u32 v7, v41;
	v52 =	vld [tilespmem:s25+$0x1E0]  }
0x294: {  	v53 =	vld [tilespmem:s14+$0x70];
	v54 =	vor.u32 v7, v42;
	v34 =	vmul.f32 v34, v37  }
0x295: {  	v55 =	vld [tilespmem:s14+$0x1F0];
	v56 =	vor.u32 v7, v9  }
0x296: {  	[tilespmem:v10+s23+$0x0] =	vst.idx.add.f32.msk $0xffff, v34;
	v10 =	vmul.f32 v11, v32  }
0x297: {  	v11 =	vld [tilespmem:s25+$0x170];
	v13 =	vmul.f32 v13, v33  }
0x298: {  	[tilespmem:v51+s23+$0x0] =	vst.idx.add.f32.msk $0xffff, v10;
	v10 =	vmul.f32 v52, v39  }
0x299: {  	[tilespmem:v54+s23+$0x0] =	vst.idx.add.f32.msk $0xffff, v13  }
0x29a: {  	[tilespmem:v56+s23+$0x0] =	vst.idx.add.f32.msk $0xffff, v10  }
0x29b: {  	v10 =	vld [tilespmem:s25+$0xF0]  }
0x29c: {  	v57 =	vor.u32 v8, v40;
	v59 =	vmul.f32 v53, v29;
	v58 =	vld [tilespmem:s25+$0x70]  }
0x29d: {  	v60 =	vor.u32 v8, v41;
	v62 =	vmul.f32 v55, v30;
	v61 =	vld [tilespmem:s25+$0x1F0]  }
0x29e: {  	[tilespmem:v28+s23+$0x0] =	vst.idx.add.f32.msk $0xffff, v59;
	v63 =	vor.u32 v8, v42;
	v13 =	vmul.f32 v48, v31  }
0x29f: {  	p0 =	seq.s32 s9, $0x31;
	v9 =	vor.u32 v8, v9;
	[tilespmem:v27+s23+$0x0] =	vst.idx.add.f32.msk $0xffff, v62;
	v11 =	vmul.f32 v11, v37  }
.Ltmp4:
0x2a0: {  	[tilespmem:v26+s23+$0x0] =	vst.idx.add.f32.msk $0xffff, v13;
	v10 =	vmul.f32 v10, v32;
	(pc) =	sbr.rel @p0 .LBB2_13-.Ltmp4, $4  }
0x2a1: {  	[tilespmem:v57+s23+$0x0] =	vst.idx.add.f32.msk $0xffff, v11;
	v11 =	vmul.f32 v58, v33  }
0x2a2: {  	v13 =	vmul.f32 v61, v39;
	[tilespmem:v60+s23+$0x0] =	vst.idx.add.f32.msk $0xffff, v10  }
0x2a3: {  	[tilespmem:v63+s23+$0x0] =	vst.idx.add.f32.msk $0xffff, v11  }
0x2a4: {  	[tilespmem:v9+s23+$0x0] =	vst.idx.add.f32.msk $0xffff, v13  }
0x2a5: {  	s10 =	sadd.s32 s10, s13  }
0x2a6: {  	p0 =	sgt.u32 s10, $0xC310  }
.Ltmp5:
0x2a7: {  	s11 =	sshrl.u32 s10, $0x3;
	(pc) =	sbr.rel @p0 .LBB2_12-.Ltmp5, $4  }
0x2a8: {  	s14 =	sadd.s32 s4, s11  }
0x2a9: {  	[tilespmem:s16], [sflag:$0x1] =	stream.linear.gather [hbm4b:s14+s3], $0x40, $0x38;
	[tilespmem:$0x14300] =	vst v63  }
0x2aa: {  	s11 =	sadd.s32 s5, s11  }
0x2ab: {  	[tilespmem:s17], [sflag:$0x1] =	stream.linear.gather [hbm4b:s11+s3], $0x40, $0x38;
	[tilespmem:$0x14300] =	vst v63  }
.Ltmp6:
0x2ac: {  	s10 =	sshll.u32 s10, $0x9;
	(pc) =	sbr.rel .LBB2_13-.Ltmp6, $4  }
0x2ad: {  	s10 =	sadd.s32 s6, s10  }
0x2ae: {  	s10 =	sshrl.u32 s10, $0x3  }
0x2af: {  	s10 =	sadd.s32 s2, s10  }
0x2b0: {  	[tilespmem:s3], [sflag:$0x1] =	stream.strided.gather [hbm4b:s10+s18], $0x2000, s19, s18, $0x38;
	[tilespmem:$0x14300] =	vst v63  }
.LBB2_12:
0x2b1: {  	v9 =	vor.u32 s10, v0  }
0x2b2: {  	v9 =	vmin.u32 v9, $0xC34F  }
0x2b3: {  	v10 =	vshll.u32 v9, $0x2  }
0x2b4: {  	v11 =	vand.u32 $0x7, v9;
	v10 =	vand.u32 $0x7FFFFFE0, v10  }
0x2b5: {  	v30 =	vimm.s32 $0x0;
	v10 =	vor.u32 v11, v10  }
0x2b6: {  	v11 =	vperm.xlane v10, v30  }
0x2b7: {  	s11 =	sor.u32 $0x10, s10;
	v31 =	vimm.s32 $0x1;
	v29 =	vimm.s32 $0x2  }
0x2b8: {  	s15 =	sor.u32 $0x20, s10;
	s25 =	sor.u32 $0x30, s10;
	v13 =	vor.u32 s11, v0;
	v26 =	vperm.xlane v10, v31;
	v11 =	vadd.s32 v12, v11  }
0x2b9: {  	v27 =	vor.u32 s15, v0;
	v28 =	vor.u32 s25, v0;
	[tilespmem:$0x4200] =	vst v9;
	v9 =	vmin.u32 v13, $0xC34F  }
0x2ba: {  	[tilespmem:$0x4210] =	vst v9;
	v9 =	vmin.u32 v27, $0xC34F;
	v13 =	vadd.s32 v12, v26;
	v26 =	vperm.xlane v10, v29  }
0x2bb: {  	[tilespmem:$0x4220] =	vst v9;
	v9 =	vmin.u32 v28, $0xC34F  }
0x2bc: {  	[tilespmem:$0x4230] =	vst v9;
	v9 =	vadd.s32 v12, v26;
	v26 =	vperm.xlane v10, v14  }
0x2bd: {  	[tilespmem:s3], [sflag:$0x1] =	stream.indirect_vreg.gather [hbm4b:s12+s3], $0x80, v11, vm0, $0xb8;
	[tilespmem:$0x14300] =	vst v63  }
0x2be: {  	s26 =	simm.s32 $0x80;
	v11 =	vadd.s32 v12, v26;
	v26 =	vperm.xlane v10, v15  }
0x2bf: {  	[tilespmem:s26], [sflag:$0x1] =	stream.indirect_vreg.gather [hbm4b:s12+s3], $0x80, v13, vm0, $0xb8;
	[tilespmem:$0x14300] =	vst v63  }
0x2c0: {  	s11 =	simm.s32 $0x100;
	v13 =	vadd.s32 v12, v26;
	v26 =	vperm.xlane v10, v16  }
0x2c1: {  	[tilespmem:s11], [sflag:$0x1] =	stream.indirect_vreg.gather [hbm4b:s12+s3], $0x80, v9, vm0, $0xb8;
	[tilespmem:$0x14300] =	vst v63  }
0x2c2: {  	s14 =	simm.s32 $0x180;
	v9 =	vadd.s32 v12, v26;
	v26 =	vperm.xlane v10, v17  }
0x2c3: {  	v27 =	vimm.s32 $0x7;
	[tilespmem:s14], [sflag:$0x1] =	stream.indirect_vreg.gather [hbm4b:s12+s3], $0x80, v11, vm0, $0xb8;
	[tilespmem:$0x14300] =	vst v63  }
0x2c4: {  	s15 =	simm.s32 $0x200;
	v11 =	vadd.s32 v12, v26;
	v26 =	vperm.xlane v10, v27  }
0x2c5: {  	[tilespmem:s15], [sflag:$0x1] =	stream.indirect_vreg.gather [hbm4b:s12+s3], $0x80, v13, vm0, $0xb8;
	[tilespmem:$0x14300] =	vst v63  }
0x2c6: {  	s25 =	simm.s32 $0x280;
	v13 =	vadd.s32 v12, v26;
	v26 =	vperm.xlane v10, v18  }
0x2c7: {  	[tilespmem:s25], [sflag:$0x1] =	stream.indirect_vreg.gather [hbm4b:s12+s3], $0x80, v9, vm0, $0xb8;
	[tilespmem:$0x14300] =	vst v63  }
0x2c8: {  	s26 =	simm.s32 $0x300;
	v9 =	vadd.s32 v12, v26;
	v26 =	vperm.xlane v10, v19  }
0x2c9: {  	[tilespmem:s26], [sflag:$0x1] =	stream.indirect_vreg.gather [hbm4b:s12+s3], $0x80, v11, vm0, $0xb8;
	[tilespmem:$0x14300] =	vst v63  }
0x2ca: {  	s11 =	simm.s32 $0x380;
	v11 =	vadd.s32 v12, v26;
	v26 =	vperm.xlane v10, v20  }
0x2cb: {  	[tilespmem:s11], [sflag:$0x1] =	stream.indirect_vreg.gather [hbm4b:s12+s3], $0x80, v13, vm0, $0xb8;
	[tilespmem:$0x14300] =	vst v63  }
0x2cc: {  	v13 =	vadd.s32 v12, v26;
	v26 =	vperm.xlane v10, v21  }
0x2cd: {  	[tilespmem:s18], [sflag:$0x1] =	stream.indirect_vreg.gather [hbm4b:s12+s3], $0x80, v9, vm0, $0xb8;
	[tilespmem:$0x14300] =	vst v63  }
0x2ce: {  	s14 =	simm.s32 $0x480;
	v9 =	vadd.s32 v12, v26;
	v26 =	vperm.xlane v10, v22  }
0x2cf: {  	[tilespmem:s14], [sflag:$0x1] =	stream.indirect_vreg.gather [hbm4b:s12+s3], $0x80, v11, vm0, $0xb8;
	[tilespmem:$0x14300] =	vst v63  }
0x2d0: {  	s15 =	simm.s32 $0x500;
	v11 =	vadd.s32 v12, v26;
	v26 =	vperm.xlane v10, v23  }
0x2d1: {  	[tilespmem:s15], [sflag:$0x1] =	stream.indirect_vreg.gather [hbm4b:s12+s3], $0x80, v13, vm0, $0xb8;
	[tilespmem:$0x14300] =	vst v63  }
0x2d2: {  	s25 =	simm.s32 $0x580;
	v13 =	vadd.s32 v12, v26;
	v26 =	vperm.xlane v10, v24  }
0x2d3: {  	[tilespmem:s25], [sflag:$0x1] =	stream.indirect_vreg.gather [hbm4b:s12+s3], $0x80, v9, vm0, $0xb8;
	[tilespmem:$0x14300] =	vst v63  }
0x2d4: {  	s26 =	simm.s32 $0x600;
	v10 =	vperm.xlane v10, v25;
	v9 =	vadd.s32 v12, v26  }
0x2d5: {  	[tilespmem:s26], [sflag:$0x1] =	stream.indirect_vreg.gather [hbm4b:s12+s3], $0x80, v11, vm0, $0xb8;
	[tilespmem:$0x14300] =	vst v63  }
0x2d6: {  	s11 =	simm.s32 $0x680;
	v10 =	vadd.s32 v12, v10  }
0x2d7: {  	[tilespmem:s11], [sflag:$0x1] =	stream.indirect_vreg.gather [hbm4b:s12+s3], $0x80, v13, vm0, $0xb8;
	[tilespmem:$0x14300] =	vst v63  }
0x2d8: {  	s14 =	simm.s32 $0x700  }
0x2d9: {  	[tilespmem:s14], [sflag:$0x1] =	stream.indirect_vreg.gather [hbm4b:s12+s3], $0x80, v9, vm0, $0xb8;
	[tilespmem:$0x14300] =	vst v63  }
0x2da: {  	s15 =	simm.s32 $0x780  }
0x2db: {  	[tilespmem:s15], [sflag:$0x1] =	stream.indirect_vreg.gather [hbm4b:s12+s3], $0x80, v10, vm0, $0xb8;
	[tilespmem:$0x14300] =	vst v63  }
0x2dc: {  	v9 =	vld [tilespmem:$0x4210];
	_ =	sdelay $0x4  }
0x2dd: {  	v10 =	vshll.u32 v9, $0x2  }
0x2de: {  	v9 =	vand.u32 $0x7, v9;
	v10 =	vand.u32 $0xFFFFFFE0, v10  }
0x2df: {  	v9 =	vor.u32 v9, v10  }
0x2e0: {  	v10 =	vperm.xlane v9, v30;
	_ =	sdelay $0x1  }
0x2e1: {  	v11 =	vperm.xlane v9, v31;
	v10 =	vadd.s32 v12, v10;
	_ =	sdelay $0x1  }
0x2e2: {  	v13 =	vperm.xlane v9, v29;
	v11 =	vadd.s32 v12, v11;
	_ =	sdelay $0x1  }
0x2e3: {  	s25 =	simm.s32 $0x800;
	v26 =	vperm.xlane v9, v14;
	v13 =	vadd.s32 v12, v13  }
0x2e4: {  	[tilespmem:s25], [sflag:$0x1] =	stream.indirect_vreg.gather [hbm4b:s12+s3], $0x80, v10, vm0, $0xb8;
	[tilespmem:$0x14300] =	vst v63  }
0x2e5: {  	s26 =	simm.s32 $0x880;
	v10 =	vadd.s32 v12, v26;
	v26 =	vperm.xlane v9, v15  }
0x2e6: {  	[tilespmem:s26], [sflag:$0x1] =	stream.indirect_vreg.gather [hbm4b:s12+s3], $0x80, v11, vm0, $0xb8;
	[tilespmem:$0x14300] =	vst v63  }
0x2e7: {  	s11 =	simm.s32 $0x900;
	v11 =	vadd.s32 v12, v26;
	v26 =	vperm.xlane v9, v16  }
0x2e8: {  	[tilespmem:s11], [sflag:$0x1] =	stream.indirect_vreg.gather [hbm4b:s12+s3], $0x80, v13, vm0, $0xb8;
	[tilespmem:$0x14300] =	vst v63  }
0x2e9: {  	s14 =	simm.s32 $0x980;
	v13 =	vadd.s32 v12, v26;
	v26 =	vperm.xlane v9, v17  }
0x2ea: {  	[tilespmem:s14], [sflag:$0x1] =	stream.indirect_vreg.gather [hbm4b:s12+s3], $0x80, v10, vm0, $0xb8;
	[tilespmem:$0x14300] =	vst v63  }
0x2eb: {  	s15 =	simm.s32 $0xA00;
	v10 =	vadd.s32 v12, v26;
	v26 =	vperm.xlane v9, v27  }
0x2ec: {  	[tilespmem:s15], [sflag:$0x1] =	stream.indirect_vreg.gather [hbm4b:s12+s3], $0x80, v11, vm0, $0xb8;
	[tilespmem:$0x14300] =	vst v63  }
0x2ed: {  	s25 =	simm.s32 $0xA80;
	v11 =	vadd.s32 v12, v26;
	v26 =	vperm.xlane v9, v18  }
0x2ee: {  	[tilespmem:s25], [sflag:$0x1] =	stream.indirect_vreg.gather [hbm4b:s12+s3], $0x80, v13, vm0, $0xb8;
	[tilespmem:$0x14300] =	vst v63  }
0x2ef: {  	s26 =	simm.s32 $0xB00;
	v13 =	vadd.s32 v12, v26;
	v26 =	vperm.xlane v9, v19  }
0x2f0: {  	[tilespmem:s26], [sflag:$0x1] =	stream.indirect_vreg.gather [hbm4b:s12+s3], $0x80, v10, vm0, $0xb8;
	[tilespmem:$0x14300] =	vst v63  }
0x2f1: {  	s11 =	simm.s32 $0xB80;
	v10 =	vadd.s32 v12, v26;
	v26 =	vperm.xlane v9, v20  }
0x2f2: {  	[tilespmem:s11], [sflag:$0x1] =	stream.indirect_vreg.gather [hbm4b:s12+s3], $0x80, v11, vm0, $0xb8;
	[tilespmem:$0x14300] =	vst v63  }
0x2f3: {  	s14 =	simm.s32 $0xC00;
	v11 =	vadd.s32 v12, v26;
	v26 =	vperm.xlane v9, v21  }
0x2f4: {  	[tilespmem:s14], [sflag:$0x1] =	stream.indirect_vreg.gather [hbm4b:s12+s3], $0x80, v13, vm0, $0xb8;
	[tilespmem:$0x14300] =	vst v63  }
0x2f5: {  	s15 =	simm.s32 $0xC80;
	v13 =	vadd.s32 v12, v26;
	v26 =	vperm.xlane v9, v22  }
0x2f6: {  	[tilespmem:s15], [sflag:$0x1] =	stream.indirect_vreg.gather [hbm4b:s12+s3], $0x80, v10, vm0, $0xb8;
	[tilespmem:$0x14300] =	vst v63  }
0x2f7: {  	s25 =	simm.s32 $0xD00;
	v10 =	vadd.s32 v12, v26;
	v26 =	vperm.xlane v9, v23  }
0x2f8: {  	[tilespmem:s25], [sflag:$0x1] =	stream.indirect_vreg.gather [hbm4b:s12+s3], $0x80, v11, vm0, $0xb8;
	[tilespmem:$0x14300] =	vst v63  }
0x2f9: {  	s26 =	simm.s32 $0xD80;
	v11 =	vadd.s32 v12, v26;
	v26 =	vperm.xlane v9, v24  }
0x2fa: {  	[tilespmem:s26], [sflag:$0x1] =	stream.indirect_vreg.gather [hbm4b:s12+s3], $0x80, v13, vm0, $0xb8;
	[tilespmem:$0x14300] =	vst v63  }
0x2fb: {  	s11 =	simm.s32 $0xE00;
	v9 =	vperm.xlane v9, v25;
	v13 =	vadd.s32 v12, v26  }
0x2fc: {  	[tilespmem:s11], [sflag:$0x1] =	stream.indirect_vreg.gather [hbm4b:s12+s3], $0x80, v10, vm0, $0xb8;
	[tilespmem:$0x14300] =	vst v63  }
0x2fd: {  	s14 =	simm.s32 $0xE80;
	v9 =	vadd.s32 v12, v9  }
0x2fe: {  	[tilespmem:s14], [sflag:$0x1] =	stream.indirect_vreg.gather [hbm4b:s12+s3], $0x80, v11, vm0, $0xb8;
	[tilespmem:$0x14300] =	vst v63  }
0x2ff: {  	s15 =	simm.s32 $0xF00  }
0x300: {  	[tilespmem:s15], [sflag:$0x1] =	stream.indirect_vreg.gather [hbm4b:s12+s3], $0x80, v13, vm0, $0xb8;
	[tilespmem:$0x14300] =	vst v63  }
0x301: {  	s25 =	simm.s32 $0xF80  }
0x302: {  	[tilespmem:s25], [sflag:$0x1] =	stream.indirect_vreg.gather [hbm4b:s12+s3], $0x80, v9, vm0, $0xb8;
	[tilespmem:$0x14300] =	vst v63  }
0x303: {  	v9 =	vld [tilespmem:$0x4220];
	_ =	sdelay $0x4  }
0x304: {  	v10 =	vshll.u32 v9, $0x2  }
0x305: {  	v9 =	vand.u32 $0x7, v9;
	v10 =	vand.u32 $0xFFFFFFE0, v10  }
0x306: {  	v9 =	vor.u32 v9, v10  }
0x307: {  	v10 =	vperm.xlane v9, v30;
	_ =	sdelay $0x1  }
0x308: {  	v11 =	vperm.xlane v9, v31;
	v10 =	vadd.s32 v12, v10;
	_ =	sdelay $0x1  }
0x309: {  	v13 =	vperm.xlane v9, v29;
	v11 =	vadd.s32 v12, v11;
	_ =	sdelay $0x1  }
0x30a: {  	v26 =	vperm.xlane v9, v14;
	v13 =	vadd.s32 v12, v13  }
0x30b: {  	[tilespmem:s19], [sflag:$0x1] =	stream.indirect_vreg.gather [hbm4b:s12+s3], $0x80, v10, vm0, $0xb8;
	[tilespmem:$0x14300] =	vst v63  }
0x30c: {  	s26 =	simm.s32 $0x1080;
	v10 =	vadd.s32 v12, v26;
	v26 =	vperm.xlane v9, v15  }
0x30d: {  	[tilespmem:s26], [sflag:$0x1] =	stream.indirect_vreg.gather [hbm4b:s12+s3], $0x80, v11, vm0, $0xb8;
	[tilespmem:$0x14300] =	vst v63  }
0x30e: {  	s11 =	simm.s32 $0x1100;
	v11 =	vadd.s32 v12, v26;
	v26 =	vperm.xlane v9, v16  }
0x30f: {  	[tilespmem:s11], [sflag:$0x1] =	stream.indirect_vreg.gather [hbm4b:s12+s3], $0x80, v13, vm0, $0xb8;
	[tilespmem:$0x14300] =	vst v63  }
0x310: {  	s14 =	simm.s32 $0x1180;
	v13 =	vadd.s32 v12, v26;
	v26 =	vperm.xlane v9, v17  }
0x311: {  	[tilespmem:s14], [sflag:$0x1] =	stream.indirect_vreg.gather [hbm4b:s12+s3], $0x80, v10, vm0, $0xb8;
	[tilespmem:$0x14300] =	vst v63  }
0x312: {  	s15 =	simm.s32 $0x1200;
	v10 =	vadd.s32 v12, v26;
	v26 =	vperm.xlane v9, v27  }
0x313: {  	[tilespmem:s15], [sflag:$0x1] =	stream.indirect_vreg.gather [hbm4b:s12+s3], $0x80, v11, vm0, $0xb8;
	[tilespmem:$0x14300] =	vst v63  }
0x314: {  	s25 =	simm.s32 $0x1280;
	v11 =	vadd.s32 v12, v26;
	v26 =	vperm.xlane v9, v18  }
0x315: {  	[tilespmem:s25], [sflag:$0x1] =	stream.indirect_vreg.gather [hbm4b:s12+s3], $0x80, v13, vm0, $0xb8;
	[tilespmem:$0x14300] =	vst v63  }
0x316: {  	s26 =	simm.s32 $0x1300;
	v13 =	vadd.s32 v12, v26;
	v26 =	vperm.xlane v9, v19  }
0x317: {  	[tilespmem:s26], [sflag:$0x1] =	stream.indirect_vreg.gather [hbm4b:s12+s3], $0x80, v10, vm0, $0xb8;
	[tilespmem:$0x14300] =	vst v63  }
0x318: {  	s11 =	simm.s32 $0x1380;
	v10 =	vadd.s32 v12, v26;
	v26 =	vperm.xlane v9, v20  }
0x319: {  	[tilespmem:s11], [sflag:$0x1] =	stream.indirect_vreg.gather [hbm4b:s12+s3], $0x80, v11, vm0, $0xb8;
	[tilespmem:$0x14300] =	vst v63  }
0x31a: {  	s14 =	simm.s32 $0x1400;
	v11 =	vadd.s32 v12, v26;
	v26 =	vperm.xlane v9, v21  }
0x31b: {  	[tilespmem:s14], [sflag:$0x1] =	stream.indirect_vreg.gather [hbm4b:s12+s3], $0x80, v13, vm0, $0xb8;
	[tilespmem:$0x14300] =	vst v63  }
0x31c: {  	s15 =	simm.s32 $0x1480;
	v13 =	vadd.s32 v12, v26;
	v26 =	vperm.xlane v9, v22  }
0x31d: {  	[tilespmem:s15], [sflag:$0x1] =	stream.indirect_vreg.gather [hbm4b:s12+s3], $0x80, v10, vm0, $0xb8;
	[tilespmem:$0x14300] =	vst v63  }
0x31e: {  	s25 =	simm.s32 $0x1500;
	v10 =	vadd.s32 v12, v26;
	v26 =	vperm.xlane v9, v23  }
0x31f: {  	[tilespmem:s25], [sflag:$0x1] =	stream.indirect_vreg.gather [hbm4b:s12+s3], $0x80, v11, vm0, $0xb8;
	[tilespmem:$0x14300] =	vst v63  }
0x320: {  	s26 =	simm.s32 $0x1580;
	v11 =	vadd.s32 v12, v26;
	v26 =	vperm.xlane v9, v24  }
0x321: {  	[tilespmem:s26], [sflag:$0x1] =	stream.indirect_vreg.gather [hbm4b:s12+s3], $0x80, v13, vm0, $0xb8;
	[tilespmem:$0x14300] =	vst v63  }
0x322: {  	s11 =	simm.s32 $0x1600;
	v9 =	vperm.xlane v9, v25;
	v13 =	vadd.s32 v12, v26  }
0x323: {  	[tilespmem:s11], [sflag:$0x1] =	stream.indirect_vreg.gather [hbm4b:s12+s3], $0x80, v10, vm0, $0xb8;
	[tilespmem:$0x14300] =	vst v63  }
0x324: {  	s14 =	simm.s32 $0x1680;
	v9 =	vadd.s32 v12, v9  }
0x325: {  	[tilespmem:s14], [sflag:$0x1] =	stream.indirect_vreg.gather [hbm4b:s12+s3], $0x80, v11, vm0, $0xb8;
	[tilespmem:$0x14300] =	vst v63  }
0x326: {  	s15 =	simm.s32 $0x1700  }
0x327: {  	[tilespmem:s15], [sflag:$0x1] =	stream.indirect_vreg.gather [hbm4b:s12+s3], $0x80, v13, vm0, $0xb8;
	[tilespmem:$0x14300] =	vst v63  }
0x328: {  	s25 =	simm.s32 $0x1780  }
0x329: {  	[tilespmem:s25], [sflag:$0x1] =	stream.indirect_vreg.gather [hbm4b:s12+s3], $0x80, v9, vm0, $0xb8;
	[tilespmem:$0x14300] =	vst v63  }
0x32a: {  	v9 =	vld [tilespmem:$0x4230];
	_ =	sdelay $0x4  }
0x32b: {  	v10 =	vshll.u32 v9, $0x2  }
0x32c: {  	v9 =	vand.u32 $0x7, v9;
	v10 =	vand.u32 $0xFFFFFFE0, v10  }
0x32d: {  	v9 =	vor.u32 v9, v10  }
0x32e: {  	v10 =	vperm.xlane v9, v30;
	_ =	sdelay $0x1  }
0x32f: {  	v11 =	vperm.xlane v9, v31;
	v10 =	vadd.s32 v12, v10;
	_ =	sdelay $0x1  }
0x330: {  	v13 =	vperm.xlane v9, v29;
	v11 =	vadd.s32 v12, v11;
	_ =	sdelay $0x1  }
0x331: {  	s26 =	simm.s32 $0x1800;
	v26 =	vperm.xlane v9, v14;
	v13 =	vadd.s32 v12, v13  }
0x332: {  	[tilespmem:s26], [sflag:$0x1] =	stream.indirect_vreg.gather [hbm4b:s12+s3], $0x80, v10, vm0, $0xb8;
	[tilespmem:$0x14300] =	vst v63  }
0x333: {  	s11 =	simm.s32 $0x1880;
	v10 =	vadd.s32 v12, v26;
	v26 =	vperm.xlane v9, v15  }
0x334: {  	[tilespmem:s11], [sflag:$0x1] =	stream.indirect_vreg.gather [hbm4b:s12+s3], $0x80, v11, vm0, $0xb8;
	[tilespmem:$0x14300] =	vst v63  }
0x335: {  	s14 =	simm.s32 $0x1900;
	v11 =	vadd.s32 v12, v26;
	v26 =	vperm.xlane v9, v16  }
0x336: {  	[tilespmem:s14], [sflag:$0x1] =	stream.indirect_vreg.gather [hbm4b:s12+s3], $0x80, v13, vm0, $0xb8;
	[tilespmem:$0x14300] =	vst v63  }
0x337: {  	s15 =	simm.s32 $0x1980;
	v13 =	vadd.s32 v12, v26;
	v26 =	vperm.xlane v9, v17  }
0x338: {  	[tilespmem:s15], [sflag:$0x1] =	stream.indirect_vreg.gather [hbm4b:s12+s3], $0x80, v10, vm0, $0xb8;
	[tilespmem:$0x14300] =	vst v63  }
0x339: {  	s25 =	simm.s32 $0x1A00;
	v10 =	vadd.s32 v12, v26;
	v26 =	vperm.xlane v9, v27  }
0x33a: {  	[tilespmem:s25], [sflag:$0x1] =	stream.indirect_vreg.gather [hbm4b:s12+s3], $0x80, v11, vm0, $0xb8;
	[tilespmem:$0x14300] =	vst v63  }
0x33b: {  	s26 =	simm.s32 $0x1A80;
	v11 =	vadd.s32 v12, v26;
	v26 =	vperm.xlane v9, v18  }
0x33c: {  	[tilespmem:s26], [sflag:$0x1] =	stream.indirect_vreg.gather [hbm4b:s12+s3], $0x80, v13, vm0, $0xb8;
	[tilespmem:$0x14300] =	vst v63  }
0x33d: {  	s11 =	simm.s32 $0x1B00;
	v13 =	vadd.s32 v12, v26;
	v26 =	vperm.xlane v9, v19  }
0x33e: {  	[tilespmem:s11], [sflag:$0x1] =	stream.indirect_vreg.gather [hbm4b:s12+s3], $0x80, v10, vm0, $0xb8;
	[tilespmem:$0x14300] =	vst v63  }
0x33f: {  	s14 =	simm.s32 $0x1B80;
	v10 =	vadd.s32 v12, v26;
	v26 =	vperm.xlane v9, v20  }
0x340: {  	[tilespmem:s14], [sflag:$0x1] =	stream.indirect_vreg.gather [hbm4b:s12+s3], $0x80, v11, vm0, $0xb8;
	[tilespmem:$0x14300] =	vst v63  }
0x341: {  	s15 =	simm.s32 $0x1C00;
	v11 =	vadd.s32 v12, v26;
	v26 =	vperm.xlane v9, v21  }
0x342: {  	[tilespmem:s15], [sflag:$0x1] =	stream.indirect_vreg.gather [hbm4b:s12+s3], $0x80, v13, vm0, $0xb8;
	[tilespmem:$0x14300] =	vst v63  }
0x343: {  	s25 =	simm.s32 $0x1C80;
	v13 =	vadd.s32 v12, v26;
	v26 =	vperm.xlane v9, v22  }
0x344: {  	[tilespmem:s25], [sflag:$0x1] =	stream.indirect_vreg.gather [hbm4b:s12+s3], $0x80, v10, vm0, $0xb8;
	[tilespmem:$0x14300] =	vst v63  }
0x345: {  	s26 =	simm.s32 $0x1D00;
	v10 =	vadd.s32 v12, v26;
	v26 =	vperm.xlane v9, v23  }
0x346: {  	[tilespmem:s26], [sflag:$0x1] =	stream.indirect_vreg.gather [hbm4b:s12+s3], $0x80, v11, vm0, $0xb8;
	[tilespmem:$0x14300] =	vst v63  }
0x347: {  	s11 =	simm.s32 $0x1D80;
	v11 =	vadd.s32 v12, v26;
	v26 =	vperm.xlane v9, v24  }
0x348: {  	[tilespmem:s11], [sflag:$0x1] =	stream.indirect_vreg.gather [hbm4b:s12+s3], $0x80, v13, vm0, $0xb8;
	[tilespmem:$0x14300] =	vst v63  }
0x349: {  	s14 =	simm.s32 $0x1E00;
	v9 =	vperm.xlane v9, v25;
	v13 =	vadd.s32 v12, v26  }
0x34a: {  	[tilespmem:s14], [sflag:$0x1] =	stream.indirect_vreg.gather [hbm4b:s12+s3], $0x80, v10, vm0, $0xb8;
	[tilespmem:$0x14300] =	vst v63  }
0x34b: {  	s15 =	simm.s32 $0x1E80;
	v9 =	vadd.s32 v12, v9  }
0x34c: {  	[tilespmem:s15], [sflag:$0x1] =	stream.indirect_vreg.gather [hbm4b:s12+s3], $0x80, v11, vm0, $0xb8;
	[tilespmem:$0x14300] =	vst v63  }
0x34d: {  	s25 =	simm.s32 $0x1F00  }
0x34e: {  	[tilespmem:s25], [sflag:$0x1] =	stream.indirect_vreg.gather [hbm4b:s12+s3], $0x80, v13, vm0, $0xb8;
	[tilespmem:$0x14300] =	vst v63  }
0x34f: {  	s26 =	simm.s32 $0x1F80  }
0x350: {  	[tilespmem:s26], [sflag:$0x1] =	stream.indirect_vreg.gather [hbm4b:s12+s3], $0x80, v9, vm0, $0xb8;
	[tilespmem:$0x14300] =	vst v63  }
.LBB2_13:
0x351: {  	_ =	swait.ge [sflag:s24], $0x40;
	s10 =	simm.s32 $0x2  }
0x352: {  	[sflag:s24] =	ssyncset.done $0x0;
	v9 =	vmov s10  }
0x353: {  	[sflag:s24] =	ssyncadd.s32 $0xFFFFFFC0;
	v9 =	vand.u32 $0xFFFFFFFE, v9  }
0x354: {  	_ =	swait.ge [sflag:s24], $0x40;
	v9 =	vbroadcast v9, $0x0  }
0x355: {  	[sflag:s24] =	ssyncset.done $0x0  }
0x356: {  	[sflag:s24] =	ssyncadd.s32 $0xFFFFFFC0  }
0x357: {  	_ =	swait.ge [sflag:s24], $0x2000  }
0x358: {  	[sflag:s24] =	ssyncset.done $0x0  }
0x359: {  	[sflag:s24] =	ssyncadd.s32 $0xFFFFE000  }
0x35a: {  	v10 =	vld.idx.msk [tilespmem:v9+s21+$0x0], $0xffff  }
0x35b: {  	s14 =	simm.s32 $0x1  }
0x35c: {  	v11 =	vmov s14  }
0x35d: {  	s10 =	simm.s32 $0x3000;
	v11 =	vand.u32 $0xFFFFFFFD, v11;
	v9 =	vld.idx.msk [tilespmem:v9+s20+$0x0], $0xffff  }
0x35e: {  	v11 =	vbroadcast v11, $0x0;
	v13 =	vld [tilespmem:s10+$0xFFFFF100]  }
0x35f: {  	s11 =	simm.s32 $0x0;
	v10 =	vshll.u32 v10, $0x7  }
0x360: {  	v26 =	vmov s11;
	v27 =	vor.u32 v0, v10  }
0x361: {  	s15 =	simm.s32 $0x3;
	v26 =	vand.u32 $0xFFFFFFFC, v26  }
0x362: {  	v28 =	vmov s15;
	v26 =	vbroadcast v26, $0x0  }
0x363: {  	v13 =	vmul.f32 v13, v9  }
0x364: {  	v29 =	vld.idx.msk [tilespmem:v11+s21+$0x0], $0xffff  }
0x365: {  	[tilespmem:v27+s23+$0x0] =	vst.idx.add.f32.msk $0xffff, v13  }
0x366: {  	v13 =	vld [tilespmem:s10+$0xFFFFF110]  }
0x367: {  	v30 =	vld.idx.msk [tilespmem:v28+s21+$0x0], $0xffff  }
0x368: {  	v31 =	vld.idx.msk [tilespmem:v26+s21+$0x0], $0xffff;
	v32 =	vor.u32 v2, v10  }
0x369: {  	v27 =	vld.idx.msk [tilespmem:v11+s20+$0x0], $0xffff  }
0x36a: {  	v11 =	vld [tilespmem:s10+$0xFFFFF080]  }
0x36b: {  	v26 =	vld.idx.msk [tilespmem:v26+s20+$0x0], $0xffff;
	v33 =	vshll.u32 v29, $0x7;
	v13 =	vmul.f32 v13, v9  }
0x36c: {  	v34 =	vld [tilespmem:s10+$0xFFFFF000];
	v35 =	vor.u32 v0, v33  }
0x36d: {  	v29 =	vshll.u32 v31, $0x7;
	[tilespmem:v32+s23+$0x0] =	vst.idx.add.f32.msk $0xffff, v13  }
0x36e: {  	v13 =	vor.u32 v0, v29;
	v31 =	vld [tilespmem:s10+$0xFFFFF120]  }
0x36f: {  	v28 =	vld.idx.msk [tilespmem:v28+s20+$0x0], $0xffff;
	v11 =	vmul.f32 v11, v27  }
0x370: {  	v48 =	vld [tilespmem:s10+$0xFFFFF180];
	v36 =	vor.u32 v3, v10  }
0x371: {  	v30 =	vshll.u32 v30, $0x7;
	v34 =	vmul.f32 v34, v26;
	[tilespmem:v35+s23+$0x0] =	vst.idx.add.f32.msk $0xffff, v11  }
0x372: {  	v11 =	vor.u32 v0, v30;
	v35 =	vld [tilespmem:s10+$0xFFFFF090]  }
0x373: {  	[tilespmem:v13+s23+$0x0] =	vst.idx.add.f32.msk $0xffff, v34;
	v13 =	vmul.f32 v31, v9  }
0x374: {  	v49 =	vor.u32 v2, v33;
	v31 =	vld [tilespmem:s10+$0xFFFFF010]  }
0x375: {  	v32 =	vmul.f32 v48, v28;
	[tilespmem:v36+s23+$0x0] =	vst.idx.add.f32.msk $0xffff, v13  }
0x376: {  	v13 =	vor.u32 v2, v29;
	v36 =	vld [tilespmem:s10+$0xFFFFF130]  }
0x377: {  	[tilespmem:v11+s23+$0x0] =	vst.idx.add.f32.msk $0xffff, v32;
	v11 =	vmul.f32 v35, v27  }
0x378: {  	v50 =	vor.u32 v4, v10;
	v32 =	vld [tilespmem:s10+$0xFFFFF190]  }
0x379: {  	[tilespmem:v49+s23+$0x0] =	vst.idx.add.f32.msk $0xffff, v11;
	v31 =	vmul.f32 v31, v26  }
0x37a: {  	v11 =	vor.u32 v2, v30;
	v34 =	vld [tilespmem:s10+$0xFFFFF0A0]  }
0x37b: {  	[tilespmem:v13+s23+$0x0] =	vst.idx.add.f32.msk $0xffff, v31;
	v13 =	vmul.f32 v36, v9  }
0x37c: {  	v31 =	vor.u32 v3, v33;
	v51 =	vld [tilespmem:s10+$0xFFFFF020]  }
0x37d: {  	v32 =	vmul.f32 v32, v28;
	[tilespmem:v50+s23+$0x0] =	vst.idx.add.f32.msk $0xffff, v13  }
0x37e: {  	v13 =	vor.u32 v3, v29;
	v35 =	vld [tilespmem:s10+$0xFFFFF140]  }
0x37f: {  	[tilespmem:v11+s23+$0x0] =	vst.idx.add.f32.msk $0xffff, v32;
	v11 =	vmul.f32 v34, v27  }
0x380: {  	v52 =	vor.u32 v5, v10;
	v32 =	vld [tilespmem:s10+$0xFFFFF1A0]  }
0x381: {  	[tilespmem:v31+s23+$0x0] =	vst.idx.add.f32.msk $0xffff, v11;
	v11 =	vmul.f32 v51, v26  }
0x382: {  	v31 =	vor.u32 v3, v30;
	v53 =	vld [tilespmem:s10+$0xFFFFF0B0]  }
0x383: {  	[tilespmem:v13+s23+$0x0] =	vst.idx.add.f32.msk $0xffff, v11;
	v11 =	vmul.f32 v35, v9  }
0x384: {  	v13 =	vor.u32 v4, v33;
	v54 =	vld [tilespmem:s10+$0xFFFFF030]  }
0x385: {  	v32 =	vmul.f32 v32, v28;
	[tilespmem:v52+s23+$0x0] =	vst.idx.add.f32.msk $0xffff, v11  }
0x386: {  	v11 =	vor.u32 v4, v29;
	v34 =	vld [tilespmem:s10+$0xFFFFF150]  }
0x387: {  	[tilespmem:v31+s23+$0x0] =	vst.idx.add.f32.msk $0xffff, v32;
	v31 =	vmul.f32 v53, v27  }
0x388: {  	v55 =	vor.u32 v6, v10;
	v32 =	vld [tilespmem:s10+$0xFFFFF1B0]  }
0x389: {  	[tilespmem:v13+s23+$0x0] =	vst.idx.add.f32.msk $0xffff, v31;
	v13 =	vmul.f32 v54, v26  }
0x38a: {  	v56 =	vor.u32 v4, v30;
	v31 =	vld [tilespmem:s10+$0xFFFFF0C0]  }
0x38b: {  	[tilespmem:v11+s23+$0x0] =	vst.idx.add.f32.msk $0xffff, v13;
	v11 =	vmul.f32 v34, v9  }
0x38c: {  	v13 =	vor.u32 v5, v33;
	v57 =	vld [tilespmem:s10+$0xFFFFF040]  }
0x38d: {  	v32 =	vmul.f32 v32, v28;
	[tilespmem:v55+s23+$0x0] =	vst.idx.add.f32.msk $0xffff, v11  }
0x38e: {  	v11 =	vor.u32 v5, v29;
	v36 =	vld [tilespmem:s10+$0xFFFFF160]  }
0x38f: {  	[tilespmem:v56+s23+$0x0] =	vst.idx.add.f32.msk $0xffff, v32;
	v31 =	vmul.f32 v31, v27  }
0x390: {  	v58 =	vor.u32 v7, v10;
	v32 =	vld [tilespmem:s10+$0xFFFFF1C0]  }
0x391: {  	[tilespmem:v13+s23+$0x0] =	vst.idx.add.f32.msk $0xffff, v31;
	v13 =	vmul.f32 v57, v26  }
0x392: {  	v31 =	vor.u32 v5, v30;
	v59 =	vld [tilespmem:s10+$0xFFFFF0D0]  }
0x393: {  	[tilespmem:v11+s23+$0x0] =	vst.idx.add.f32.msk $0xffff, v13;
	v11 =	vmul.f32 v36, v9  }
0x394: {  	v13 =	vor.u32 v6, v33;
	v60 =	vld [tilespmem:s10+$0xFFFFF050]  }
0x395: {  	s25 =	simm.s32 $0x22;
	v32 =	vmul.f32 v32, v28;
	[tilespmem:v58+s23+$0x0] =	vst.idx.add.f32.msk $0xffff, v11  }
0x396: {  	v37 =	vmov s25;
	v11 =	vor.u32 v6, v29;
	v35 =	vld [tilespmem:s10+$0xFFFFF170]  }
0x397: {  	v61 =	vand.u32 $0xFFFFFFFE, v37;
	[tilespmem:v31+s23+$0x0] =	vst.idx.add.f32.msk $0xffff, v32;
	v31 =	vmul.f32 v59, v27  }
0x398: {  	v10 =	vor.u32 v8, v10;
	v32 =	vbroadcast v61, $0x0;
	v62 =	vld [tilespmem:s10+$0xFFFFF1D0]  }
0x399: {  	[tilespmem:v13+s23+$0x0] =	vst.idx.add.f32.msk $0xffff, v31;
	v13 =	vmul.f32 v60, v26  }
0x39a: {  	v31 =	vor.u32 v6, v30;
	v63 =	vld [tilespmem:s10+$0xFFFFF0E0]  }
0x39b: {  	[tilespmem:v11+s23+$0x0] =	vst.idx.add.f32.msk $0xffff, v13;
	v9 =	vmul.f32 v35, v9  }
0x39c: {  	v11 =	vld [tilespmem:s10+$0xFFFFF060]  }
0x39d: {  	v13 =	vmul.f32 v62, v28;
	[tilespmem:v10+s23+$0x0] =	vst.idx.add.f32.msk $0xffff, v9  }
0x39e: {  	v9 =	vor.u32 v7, v33;
	v10 =	vld.idx.msk [tilespmem:v32+s21+$0x0], $0xffff  }
0x39f: {  	[tilespmem:v31+s23+$0x0] =	vst.idx.add.f32.msk $0xffff, v13  }
0x3a0: {  	v13 =	vor.u32 v7, v29;
	v31 =	vld [tilespmem:s10+$0xFFFFF1E0]  }
0x3a1: {  	v37 =	vmul.f32 v63, v27;
	v42 =	vld.idx.msk [tilespmem:v32+s20+$0x0], $0xffff  }
0x3a2: {  	v38 =	vor.u32 v7, v30;
	v39 =	vld [tilespmem:s10+$0x100]  }
0x3a3: {  	[tilespmem:v9+s23+$0x0] =	vst.idx.add.f32.msk $0xffff, v37;
	v9 =	vmul.f32 v11, v26;
	v43 =	vshll.u32 v10, $0x7  }
0x3a4: {  	s26 =	simm.s32 $0x21;
	v10 =	vld [tilespmem:s10+$0xFFFFF0F0];
	v11 =	vor.u32 v0, v43  }
0x3a5: {  	v41 =	vmov s26;
	[tilespmem:v13+s23+$0x0] =	vst.idx.add.f32.msk $0xffff, v9;
	v9 =	vmul.f32 v31, v28  }
0x3a6: {  	v13 =	vand.u32 $0xFFFFFFFD, v41;
	v44 =	vld [tilespmem:s10+$0xFFFFF070]  }
0x3a7: {  	v31 =	vor.u32 v8, v33;
	v13 =	vbroadcast v13, $0x0;
	[tilespmem:v38+s23+$0x0] =	vst.idx.add.f32.msk $0xffff, v9;
	v9 =	vmul.f32 v39, v42  }
0x3a8: {  	v47 =	vld [tilespmem:s10+$0xFFFFF1F0]  }
0x3a9: {  	v29 =	vor.u32 v8, v29;
	[tilespmem:v11+s23+$0x0] =	vst.idx.add.f32.msk $0xffff, v9  }
0x3aa: {  	v9 =	vmul.f32 v10, v27;
	v10 =	vld [tilespmem:s10+$0x110]  }
0x3ab: {  	s14 =	simm.s32 $0x20;
	v11 =	vor.u32 v8, v30  }
0x3ac: {  	v45 =	vmov s14;
	[tilespmem:v31+s23+$0x0] =	vst.idx.add.f32.msk $0xffff, v9;
	v9 =	vmul.f32 v44, v26;
	v26 =	vor.u32 v2, v43  }
0x3ad: {  	v46 =	vand.u32 $0xFFFFFFFC, v45;
	v27 =	vld.idx.msk [tilespmem:v13+s21+$0x0], $0xffff  }
0x3ae: {  	v32 =	vbroadcast v46, $0x0;
	[tilespmem:v29+s23+$0x0] =	vst.idx.add.f32.msk $0xffff, v9;
	v9 =	vmul.f32 v47, v28  }
0x3af: {  	v31 =	vld.idx.msk [tilespmem:v13+s20+$0x0], $0xffff;
	v10 =	vmul.f32 v10, v42  }
0x3b0: {  	[tilespmem:v11+s23+$0x0] =	vst.idx.add.f32.msk $0xffff, v9  }
0x3b1: {  	s15 =	simm.s32 $0x23;
	[tilespmem:v26+s23+$0x0] =	vst.idx.add.f32.msk $0xffff, v10  }
0x3b2: {  	v30 =	vmov s15;
	v9 =	vld [tilespmem:s10+$0x120]  }
0x3b3: {  	v13 =	vld [tilespmem:s10+$0x80]  }
0x3b4: {  	v28 =	vld.idx.msk [tilespmem:v32+s21+$0x0], $0xffff;
	v11 =	vor.u32 v3, v43  }
0x3b5: {  	s25 =	simm.s32 $0x7;
	v29 =	vld.idx.msk [tilespmem:v32+s20+$0x0], $0xffff  }
0x3b6: {  	v48 =	vld [tilespmem:s10+$0x0];
	v26 =	vshll.u32 v27, $0x7;
	v27 =	vmov s25  }
0x3b7: {  	v10 =	vld.idx.msk [tilespmem:v30+s21+$0x0], $0xffff;
	v9 =	vmul.f32 v9, v42  }
0x3b8: {  	v30 =	vld.idx.msk [tilespmem:v30+s20+$0x0], $0xffff;
	v49 =	vor.u32 v0, v26  }
0x3b9: {  	v28 =	vshll.u32 v28, $0x7;
	[tilespmem:v11+s23+$0x0] =	vst.idx.add.f32.msk $0xffff, v9  }
0x3ba: {  	v50 =	vor.u32 v0, v28;
	v9 =	vld [tilespmem:s10+$0x130]  }
0x3bb: {  	v13 =	vmul.f32 v13, v31;
	v32 =	vld.idx.msk [tilespmem:v27+s20+$0x0], $0xffff  }
0x3bc: {  	v51 =	vor.u32 v4, v43;
	v11 =	vld [tilespmem:s10+$0x180]  }
0x3bd: {  	v33 =	vmul.f32 v48, v29;
	v10 =	vshll.u32 v10, $0x7;
	[tilespmem:v49+s23+$0x0] =	vst.idx.add.f32.msk $0xffff, v13  }
0x3be: {  	v13 =	vor.u32 v0, v10;
	v52 =	vld [tilespmem:s10+$0x90]  }
0x3bf: {  	[tilespmem:v50+s23+$0x0] =	vst.idx.add.f32.msk $0xffff, v33;
	v9 =	vmul.f32 v9, v42  }
0x3c0: {  	v53 =	vld [tilespmem:s10+$0x10]  }
0x3c1: {  	v54 =	vor.u32 v2, v26;
	v11 =	vmul.f32 v11, v30;
	[tilespmem:v51+s23+$0x0] =	vst.idx.add.f32.msk $0xffff, v9  }
0x3c2: {  	v9 =	vor.u32 v2, v28;
	v36 =	vld [tilespmem:s10+$0x140]  }
0x3c3: {  	[tilespmem:v13+s23+$0x0] =	vst.idx.add.f32.msk $0xffff, v11  }
0x3c4: {  	v55 =	vor.u32 v5, v43;
	v13 =	vmul.f32 v52, v31;
	v11 =	vld [tilespmem:s10+$0x190]  }
0x3c5: {  	s14 =	simm.s32 $0x4;
	v37 =	vld.idx.msk [tilespmem:v27+s21+$0x0], $0xffff;
	v27 =	vmul.f32 v53, v29  }
0x3c6: {  	v56 =	vor.u32 v2, v10;
	[tilespmem:v54+s23+$0x0] =	vst.idx.add.f32.msk $0xffff, v13;
	v13 =	vmov s14  }
0x3c7: {  	[tilespmem:v9+s23+$0x0] =	vst.idx.add.f32.msk $0xffff, v27;
	v9 =	vand.u32 $0xFFFFFFFC, v13;
	v13 =	vmul.f32 v36, v42  }
0x3c8: {  	v27 =	vld [tilespmem:s10+$0xA0];
	v9 =	vbroadcast v9, $0x0  }
0x3c9: {  	v11 =	vmul.f32 v11, v30;
	[tilespmem:v55+s23+$0x0] =	vst.idx.add.f32.msk $0xffff, v13  }
0x3ca: {  	v13 =	vor.u32 v3, v26;
	v57 =	vld [tilespmem:s10+$0x150]  }
0x3cb: {  	[tilespmem:v56+s23+$0x0] =	vst.idx.add.f32.msk $0xffff, v11  }
0x3cc: {  	v58 =	vor.u32 v6, v43;
	v11 =	vld [tilespmem:s10+$0x20]  }
0x3cd: {  	v59 =	vld [tilespmem:s10+$0x1A0];
	v27 =	vmul.f32 v27, v31  }
0x3ce: {  	v38 =	vor.u32 v3, v28;
	v33 =	vld.idx.msk [tilespmem:v9+s20+$0x0], $0xffff  }
0x3cf: {  	v39 =	vor.u32 v3, v10;
	[tilespmem:v13+s23+$0x0] =	vst.idx.add.f32.msk $0xffff, v27;
	v13 =	vmul.f32 v57, v42  }
0x3d0: {  	v27 =	vld [tilespmem:s10+$0xB0]  }
0x3d1: {  	v11 =	vmul.f32 v11, v29;
	[tilespmem:v58+s23+$0x0] =	vst.idx.add.f32.msk $0xffff, v13  }
0x3d2: {  	v60 =	vmul.f32 v59, v30;
	v13 =	vor.u32 v4, v26;
	v61 =	vld [tilespmem:s10+$0x160]  }
0x3d3: {  	[tilespmem:v38+s23+$0x0] =	vst.idx.add.f32.msk $0xffff, v11  }
0x3d4: {  	v11 =	vor.u32 v7, v43;
	[tilespmem:v39+s23+$0x0] =	vst.idx.add.f32.msk $0xffff, v60  }
0x3d5: {  	v62 =	vld [tilespmem:s10+$0x30];
	v27 =	vmul.f32 v27, v31  }
0x3d6: {  	v63 =	vld [tilespmem:s10+$0x1B0]  }
0x3d7: {  	v47 =	vor.u32 v4, v28;
	[tilespmem:v13+s23+$0x0] =	vst.idx.add.f32.msk $0xffff, v27;
	v13 =	vmul.f32 v61, v42  }
0x3d8: {  	s26 =	simm.s32 $0x5;
	v27 =	vor.u32 v4, v10;
	v50 =	vld [tilespmem:s10+$0xC0]  }
0x3d9: {  	v35 =	vor.u32 v7, v26;
	v48 =	vmov s26;
	[tilespmem:v11+s23+$0x0] =	vst.idx.add.f32.msk $0xffff, v13  }
0x3da: {  	v45 =	vor.u32 v5, v28;
	v41 =	vor.u32 v6, v28;
	v11 =	vmul.f32 v62, v29;
	v13 =	vld [tilespmem:s10+$0x170]  }
0x3db: {  	v46 =	vor.u32 v5, v10;
	v44 =	vld.idx.msk [tilespmem:v9+s21+$0x0], $0xffff;
	v38 =	vor.u32 v5, v26;
	v9 =	vmul.f32 v63, v30  }
0x3dc: {  	v40 =	vor.u32 v6, v10;
	v49 =	vor.u32 v8, v43;
	[tilespmem:v47+s23+$0x0] =	vst.idx.add.f32.msk $0xffff, v11;
	v11 =	vand.u32 $0xFFFFFFFD, v48  }
0x3dd: {  	v34 =	vor.u32 v7, v10;
	v36 =	vor.u32 v7, v28;
	[tilespmem:v27+s23+$0x0] =	vst.idx.add.f32.msk $0xffff, v9;
	v47 =	vbroadcast v11, $0x0  }
0x3de: {  	v28 =	vor.u32 v8, v28;
	v39 =	vor.u32 v6, v26;
	v48 =	vld [tilespmem:s10+$0x40];
	v50 =	vmul.f32 v50, v31  }
0x3df: {  	s11 =	simm.s32 $0x3000;
	s15 =	simm.s32 $0x8;
	s25 =	simm.s32 $0x6;
	v26 =	vor.u32 v8, v26;
	v27 =	vor.u32 v8, v10;
	v43 =	vld [tilespmem:s10+$0x1C0];
	v42 =	vmul.f32 v13, v42  }
.LBB2_14:
0x3e0: {  	p0 =	slt.u32 s15, $0x1C;
	v9 =	vmov s25;
	[tilespmem:v38+s23+$0x0] =	vst.idx.add.f32.msk $0xffff, v50  }
0x3e1: {  	v9 =	vand.u32 $0xFFFFFFFE, v9;
	[tilespmem:v49+s23+$0x0] =	vst.idx.add.f32.msk $0xffff, v42  }
0x3e2: {  	v9 =	vbroadcast v9, $0x0;
	v10 =	vld [tilespmem:s10+$0xD0]  }
0x3e3: {  	v38 =	vld.idx.msk [tilespmem:v47+s20+$0x0], $0xffff;
	v11 =	vmul.f32 v48, v29  }
0x3e4: {  	v13 =	vld.idx.msk [tilespmem:v47+s21+$0x0], $0xffff;
	v42 =	vmul.f32 v43, v30  }
0x3e5: {  	[tilespmem:v45+s23+$0x0] =	vst.idx.add.f32.msk $0xffff, v11  }
0x3e6: {  	[tilespmem:v46+s23+$0x0] =	vst.idx.add.f32.msk $0xffff, v42  }
0x3e7: {  	v11 =	vld [tilespmem:s10+$0x50];
	v10 =	vmul.f32 v10, v31  }
0x3e8: {  	v43 =	vld.idx.msk [tilespmem:v9+s21+$0x0], $0xffff  }
0x3e9: {  	v46 =	vld [tilespmem:s10+$0x1D0]  }
0x3ea: {  	[tilespmem:v39+s23+$0x0] =	vst.idx.add.f32.msk $0xffff, v10  }
0x3eb: {  	v10 =	vld [tilespmem:s10+$0xE0]  }
0x3ec: {  	s10 =	sadd.s32 $0x200, s10;
	v42 =	vld.idx.msk [tilespmem:v9+s20+$0x0], $0xffff;
	v9 =	vmul.f32 v11, v29  }
0x3ed: {  	v11 =	vld [tilespmem:s10+$0xFFFFF100]  }
0x3ee: {  	v45 =	vshll.u32 v43, $0x7;
	v47 =	vld [tilespmem:s10+$0xFFFFF000];
	v46 =	vmul.f32 v46, v30  }
0x3ef: {  	v49 =	vor.u32 v0, v45;
	v48 =	vld [tilespmem:s10+$0xFFFFF080]  }
0x3f0: {  	v43 =	vshll.u32 v13, $0x7;
	v13 =	vld [tilespmem:s10+$0xFFFFF180];
	v10 =	vmul.f32 v10, v31  }
0x3f1: {  	v39 =	vshll.u32 v44, $0x7;
	v44 =	vor.u32 v0, v43;
	[tilespmem:v41+s23+$0x0] =	vst.idx.add.f32.msk $0xffff, v9  }
0x3f2: {  	v37 =	vshll.u32 v37, $0x7;
	v9 =	vor.u32 v0, v39;
	v11 =	vmul.f32 v11, v42;
	[tilespmem:v40+s23+$0x0] =	vst.idx.add.f32.msk $0xffff, v46  }
0x3f3: {  	v41 =	vor.u32 v0, v37;
	v40 =	vmul.f32 v47, v33;
	v46 =	vld [tilespmem:s11+$0x60]  }
0x3f4: {  	v47 =	vmul.f32 v48, v38;
	[tilespmem:v49+s23+$0x0] =	vst.idx.add.f32.msk $0xffff, v11  }
0x3f5: {  	v11 =	vld [tilespmem:s10+$0xFFFFF110];
	v13 =	vmul.f32 v13, v32  }
0x3f6: {  	[tilespmem:v44+s23+$0x0] =	vst.idx.add.f32.msk $0xffff, v47  }
0x3f7: {  	[tilespmem:v9+s23+$0x0] =	vst.idx.add.f32.msk $0xffff, v40;
	v9 =	vor.u32 v2, v45  }
0x3f8: {  	[tilespmem:v41+s23+$0x0] =	vst.idx.add.f32.msk $0xffff, v13;
	v13 =	vmul.f32 v46, v29  }
0x3f9: {  	v40 =	vld [tilespmem:s10+$0xFFFFF090]  }
0x3fa: {  	v41 =	vld [tilespmem:s10+$0xFFFFF010];
	v11 =	vmul.f32 v11, v42  }
0x3fb: {  	v44 =	vor.u32 v2, v43;
	v46 =	vld [tilespmem:s10+$0xFFFFF190]  }
0x3fc: {  	v47 =	vor.u32 v2, v39;
	[tilespmem:v9+s23+$0x0] =	vst.idx.add.f32.msk $0xffff, v11  }
0x3fd: {  	v11 =	vor.u32 v2, v37;
	v9 =	vld [tilespmem:s10+$0xFFFFF120]  }
0x3fe: {  	v40 =	vmul.f32 v40, v38;
	v48 =	vld [tilespmem:s11+$0x1E0]  }
0x3ff: {  	v49 =	vor.u32 v3, v45;
	v41 =	vmul.f32 v41, v33;
	[tilespmem:v35+s23+$0x0] =	vst.idx.add.f32.msk $0xffff, v10  }
0x400: {  	[tilespmem:v44+s23+$0x0] =	vst.idx.add.f32.msk $0xffff, v40;
	v10 =	vmul.f32 v46, v32  }
0x401: {  	[tilespmem:v47+s23+$0x0] =	vst.idx.add.f32.msk $0xffff, v41  }
0x402: {  	v9 =	vmul.f32 v9, v42;
	[tilespmem:v11+s23+$0x0] =	vst.idx.add.f32.msk $0xffff, v10  }
0x403: {  	v10 =	vld [tilespmem:s10+$0xFFFFF0A0];
	v11 =	vmul.f32 v48, v30  }
0x404: {  	[tilespmem:v49+s23+$0x0] =	vst.idx.add.f32.msk $0xffff, v9  }
0x405: {  	v9 =	vor.u32 v3, v43;
	v35 =	vld [tilespmem:s10+$0xFFFFF130]  }
0x406: {  	v40 =	vld [tilespmem:s10+$0xFFFFF020]  }
0x407: {  	v41 =	vor.u32 v4, v45;
	v44 =	vld [tilespmem:s10+$0xFFFFF1A0]  }
0x408: {  	v10 =	vmul.f32 v10, v38;
	[tilespmem:v36+s23+$0x0] =	vst.idx.add.f32.msk $0xffff, v13  }
0x409: {  	v13 =	vor.u32 v3, v39;
	[tilespmem:v34+s23+$0x0] =	vst.idx.add.f32.msk $0xffff, v11  }
0x40a: {  	[tilespmem:v9+s23+$0x0] =	vst.idx.add.f32.msk $0xffff, v10;
	v9 =	vmul.f32 v35, v42;
	v10 =	vor.u32 v3, v37  }
0x40b: {  	v11 =	vmul.f32 v40, v33;
	v34 =	vld [tilespmem:s10+$0xFFFFF0B0]  }
0x40c: {  	[tilespmem:v41+s23+$0x0] =	vst.idx.add.f32.msk $0xffff, v9;
	v9 =	vmul.f32 v44, v32  }
0x40d: {  	v35 =	vor.u32 v4, v43;
	v36 =	vld [tilespmem:s10+$0xFFFFF140]  }
0x40e: {  	[tilespmem:v13+s23+$0x0] =	vst.idx.add.f32.msk $0xffff, v11  }
0x40f: {  	v11 =	vor.u32 v5, v45;
	[tilespmem:v10+s23+$0x0] =	vst.idx.add.f32.msk $0xffff, v9  }
0x410: {  	v9 =	vld [tilespmem:s10+$0xFFFFF030];
	v10 =	vmul.f32 v34, v38  }
0x411: {  	v13 =	vld [tilespmem:s10+$0xFFFFF1B0]  }
0x412: {  	v34 =	vor.u32 v4, v39;
	[tilespmem:v35+s23+$0x0] =	vst.idx.add.f32.msk $0xffff, v10;
	v10 =	vmul.f32 v36, v42  }
0x413: {  	v36 =	vor.u32 v4, v37;
	v35 =	vld [tilespmem:s10+$0xFFFFF0C0]  }
0x414: {  	[tilespmem:v11+s23+$0x0] =	vst.idx.add.f32.msk $0xffff, v10  }
0x415: {  	v9 =	vmul.f32 v9, v33;
	v10 =	vld [tilespmem:s10+$0xFFFFF150]  }
0x416: {  	v11 =	vor.u32 v5, v43;
	v13 =	vmul.f32 v13, v32;
	v40 =	vld [tilespmem:s11+$0xF0]  }
0x417: {  	[tilespmem:v34+s23+$0x0] =	vst.idx.add.f32.msk $0xffff, v9;
	v9 =	vor.u32 v6, v45  }
0x418: {  	v34 =	vmul.f32 v35, v38;
	[tilespmem:v36+s23+$0x0] =	vst.idx.add.f32.msk $0xffff, v13  }
0x419: {  	v13 =	vld [tilespmem:s10+$0xFFFFF040]  }
0x41a: {  	v10 =	vmul.f32 v10, v42;
	v35 =	vld [tilespmem:s10+$0xFFFFF1C0]  }
0x41b: {  	v36 =	vor.u32 v5, v39;
	[tilespmem:v11+s23+$0x0] =	vst.idx.add.f32.msk $0xffff, v34;
	v44 =	vmul.f32 v40, v31  }
0x41c: {  	[tilespmem:v9+s23+$0x0] =	vst.idx.add.f32.msk $0xffff, v10;
	v9 =	vor.u32 v5, v37  }
0x41d: {  	v10 =	vld [tilespmem:s10+$0xFFFFF160]  }
0x41e: {  	v11 =	vmul.f32 v13, v33;
	v13 =	vld [tilespmem:s10+$0xFFFFF0D0]  }
0x41f: {  	v31 =	vor.u32 v7, v45;
	v34 =	vmul.f32 v35, v32;
	v35 =	vld [tilespmem:s11+$0x70]  }
0x420: {  	[tilespmem:v36+s23+$0x0] =	vst.idx.add.f32.msk $0xffff, v11  }
0x421: {  	v11 =	vor.u32 v6, v43;
	[tilespmem:v9+s23+$0x0] =	vst.idx.add.f32.msk $0xffff, v34  }
0x422: {  	v9 =	vld [tilespmem:s10+$0xFFFFF050];
	v10 =	vmul.f32 v10, v42  }
0x423: {  	v13 =	vmul.f32 v13, v38;
	v34 =	vld [tilespmem:s10+$0xFFFFF1D0]  }
0x424: {  	s25 =	sadd.s32 $0x22, s14;
	v36 =	vor.u32 v6, v39;
	[tilespmem:v31+s23+$0x0] =	vst.idx.add.f32.msk $0xffff, v10;
	v47 =	vmul.f32 v35, v29  }
0x425: {  	v29 =	vmov s25;
	v31 =	vor.u32 v6, v37;
	v10 =	vld [tilespmem:s10+$0xFFFFF170]  }
0x426: {  	[tilespmem:v11+s23+$0x0] =	vst.idx.add.f32.msk $0xffff, v13;
	v11 =	vand.u32 $0xFFFFFFFE, v29  }
0x427: {  	v29 =	vor.u32 v8, v45;
	v9 =	vmul.f32 v9, v33;
	v13 =	vld [tilespmem:s10+$0xFFFFF0E0];
	v11 =	vbroadcast v11, $0x0  }
0x428: {  	v34 =	vmul.f32 v34, v32;
	v35 =	vld [tilespmem:s11+$0x1F0];
	s11 =	smov.u32 s10  }
0x429: {  	[tilespmem:v36+s23+$0x0] =	vst.idx.add.f32.msk $0xffff, v9  }
0x42a: {  	v9 =	vor.u32 v7, v43;
	v10 =	vmul.f32 v10, v42;
	[tilespmem:v31+s23+$0x0] =	vst.idx.add.f32.msk $0xffff, v34  }
0x42b: {  	v31 =	vld [tilespmem:s10+$0xFFFFF060]  }
0x42c: {  	v13 =	vmul.f32 v13, v38;
	[tilespmem:v29+s23+$0x0] =	vst.idx.add.f32.msk $0xffff, v10  }
0x42d: {  	v10 =	vld.idx.msk [tilespmem:v11+s21+$0x0], $0xffff;
	v48 =	vmul.f32 v35, v30  }
0x42e: {  	v29 =	vor.u32 v7, v39;
	v30 =	vld [tilespmem:s10+$0xFFFFF1E0]  }
0x42f: {  	s25 =	sadd.s32 $0x21, s14;
	[tilespmem:v9+s23+$0x0] =	vst.idx.add.f32.msk $0xffff, v13  }
0x430: {  	v34 =	vor.u32 v7, v37;
	v9 =	vmul.f32 v31, v33;
	v13 =	vld [tilespmem:s10+$0xFFFFF0F0];
	v31 =	vmov s25  }
0x431: {  	v31 =	vand.u32 $0xFFFFFFFD, v31;
	v42 =	vld.idx.msk [tilespmem:v11+s20+$0x0], $0xffff  }
0x432: {  	v11 =	vor.u32 v8, v43;
	v31 =	vbroadcast v31, $0x0;
	v35 =	vld [tilespmem:s10+$0x100]  }
0x433: {  	s25 =	sadd.s32 $0x20, s14;
	v43 =	vshll.u32 v10, $0x7;
	[tilespmem:v29+s23+$0x0] =	vst.idx.add.f32.msk $0xffff, v9;
	v9 =	vmul.f32 v30, v32  }
0x434: {  	v29 =	vmov s25;
	v30 =	vor.u32 v0, v43;
	v10 =	vld [tilespmem:s10+$0xFFFFF070]  }
0x435: {  	v29 =	vand.u32 $0xFFFFFFFC, v29;
	v13 =	vmul.f32 v13, v38;
	[tilespmem:v34+s23+$0x0] =	vst.idx.add.f32.msk $0xffff, v9  }
0x436: {  	v9 =	vor.u32 v8, v39;
	v29 =	vbroadcast v29, $0x0;
	v34 =	vld [tilespmem:s10+$0xFFFFF1F0]  }
0x437: {  	[tilespmem:v11+s23+$0x0] =	vst.idx.add.f32.msk $0xffff, v13;
	v11 =	vmul.f32 v35, v42  }
0x438: {  	s25 =	sadd.s32 $0x23, s14;
	s14 =	smov.u32 s15;
	v35 =	vor.u32 v8, v37;
	v13 =	vld.idx.msk [tilespmem:v31+s21+$0x0], $0xffff  }
0x439: {  	v10 =	vmul.f32 v10, v33;
	[tilespmem:v30+s23+$0x0] =	vst.idx.add.f32.msk $0xffff, v11;
	v11 =	vmov s25  }
0x43a: {  	v30 =	vld [tilespmem:s10+$0x110]  }
0x43b: {  	[tilespmem:v9+s23+$0x0] =	vst.idx.add.f32.msk $0xffff, v10;
	v9 =	vmul.f32 v34, v32  }
0x43c: {  	v32 =	vor.u32 v2, v43;
	v10 =	vld.idx.msk [tilespmem:v29+s21+$0x0], $0xffff  }
0x43d: {  	[tilespmem:v35+s23+$0x0] =	vst.idx.add.f32.msk $0xffff, v9  }
0x43e: {  	v9 =	vshll.u32 v13, $0x7;
	v13 =	vld.idx.msk [tilespmem:v11+s21+$0x0], $0xffff  }
0x43f: {  	v33 =	vor.u32 v0, v9;
	v49 =	vor.u32 v2, v9;
	v31 =	vld.idx.msk [tilespmem:v31+s20+$0x0], $0xffff;
	v30 =	vmul.f32 v30, v42  }
0x440: {  	v50 =	vor.u32 v3, v9;
	v51 =	vor.u32 v4, v9;
	v38 =	vor.u32 v5, v9;
	v29 =	vld.idx.msk [tilespmem:v29+s20+$0x0], $0xffff  }
0x441: {  	s25 =	sadd.s32 $0x3, s15;
	v39 =	vor.u32 v6, v9;
	v35 =	vor.u32 v7, v9;
	[tilespmem:v32+s23+$0x0] =	vst.idx.add.f32.msk $0xffff, v30  }
0x442: {  	v34 =	vmov s25;
	v9 =	vor.u32 v8, v9;
	v10 =	vshll.u32 v10, $0x7;
	v36 =	vld [tilespmem:s10+$0x120]  }
0x443: {  	v52 =	vor.u32 v0, v10;
	v53 =	vor.u32 v2, v10;
	v54 =	vor.u32 v3, v10;
	v55 =	vld [tilespmem:s10+$0x80]  }
0x444: {  	v58 =	vor.u32 v3, v43;
	v57 =	vor.u32 v4, v10;
	v13 =	vshll.u32 v13, $0x7;
	v56 =	vld [tilespmem:s10+$0x0]  }
0x445: {  	v59 =	vor.u32 v2, v13;
	v60 =	vor.u32 v3, v13;
	v30 =	vld.idx.msk [tilespmem:v11+s20+$0x0], $0xffff;
	v11 =	vor.u32 v0, v13  }
0x446: {  	v45 =	vor.u32 v5, v10;
	v62 =	vor.u32 v4, v13;
	v46 =	vor.u32 v5, v13;
	v61 =	vld [tilespmem:s10+$0x180]  }
0x447: {  	v41 =	vor.u32 v6, v10;
	v40 =	vor.u32 v6, v13;
	v32 =	vld.idx.msk [tilespmem:v34+s20+$0x0], $0xffff;
	v63 =	vmul.f32 v36, v42  }
0x448: {  	v36 =	vor.u32 v7, v10;
	v37 =	vld.idx.msk [tilespmem:v34+s21+$0x0], $0xffff;
	v55 =	vmul.f32 v55, v31;
	v34 =	vor.u32 v7, v13  }
0x449: {  	v10 =	vor.u32 v8, v10;
	v56 =	vmul.f32 v56, v29;
	[tilespmem:v58+s23+$0x0] =	vst.idx.add.f32.msk $0xffff, v63  }
0x44a: {  	v13 =	vor.u32 v8, v13;
	v58 =	vld [tilespmem:s10+$0x130]  }
0x44b: {  	[tilespmem:v33+s23+$0x0] =	vst.idx.add.f32.msk $0xffff, v55;
	v33 =	vmul.f32 v61, v30  }
0x44c: {  	[tilespmem:v52+s23+$0x0] =	vst.idx.add.f32.msk $0xffff, v56;
	v52 =	vor.u32 v4, v43  }
0x44d: {  	[tilespmem:v11+s23+$0x0] =	vst.idx.add.f32.msk $0xffff, v33  }
0x44e: {  	v11 =	vld [tilespmem:s10+$0x90]  }
0x44f: {  	v33 =	vld [tilespmem:s10+$0x10];
	v55 =	vmul.f32 v58, v42  }
0x450: {  	v56 =	vld [tilespmem:s10+$0x190]  }
0x451: {  	[tilespmem:v52+s23+$0x0] =	vst.idx.add.f32.msk $0xffff, v55  }
0x452: {  	v52 =	vld [tilespmem:s10+$0x140]  }
0x453: {  	v11 =	vmul.f32 v11, v31;
	[tilespmem:v26+s23+$0x0] =	vst.idx.add.f32.msk $0xffff, v44;
	v26 =	vmov v9  }
0x454: {  	v9 =	vmul.f32 v33, v29;
	v33 =	vor.u32 v5, v43;
	[tilespmem:v28+s23+$0x0] =	vst.idx.add.f32.msk $0xffff, v47;
	v28 =	vmov v10  }
0x455: {  	[tilespmem:v49+s23+$0x0] =	vst.idx.add.f32.msk $0xffff, v11;
	v10 =	vmul.f32 v56, v30  }
0x456: {  	v11 =	vmov s15;
	[tilespmem:v53+s23+$0x0] =	vst.idx.add.f32.msk $0xffff, v9  }
0x457: {  	v9 =	vand.u32 $0xFFFFFFFC, v11;
	v11 =	vmul.f32 v52, v42;
	[tilespmem:v59+s23+$0x0] =	vst.idx.add.f32.msk $0xffff, v10  }
0x458: {  	v9 =	vbroadcast v9, $0x0;
	v10 =	vld [tilespmem:s10+$0xA0]  }
0x459: {  	[tilespmem:v33+s23+$0x0] =	vst.idx.add.f32.msk $0xffff, v11  }
0x45a: {  	v11 =	vld [tilespmem:s10+$0x150]  }
0x45b: {  	v44 =	vld [tilespmem:s10+$0x20]  }
0x45c: {  	v47 =	vor.u32 v6, v43;
	v49 =	vld [tilespmem:s10+$0x1A0]  }
0x45d: {  	v10 =	vmul.f32 v10, v31;
	[tilespmem:v27+s23+$0x0] =	vst.idx.add.f32.msk $0xffff, v48;
	v27 =	vmov v13  }
0x45e: {  	v33 =	vld.idx.msk [tilespmem:v9+s20+$0x0], $0xffff  }
0x45f: {  	[tilespmem:v50+s23+$0x0] =	vst.idx.add.f32.msk $0xffff, v10;
	v10 =	vmul.f32 v11, v42  }
0x460: {  	v11 =	vmul.f32 v44, v29;
	v13 =	vld [tilespmem:s10+$0xB0]  }
0x461: {  	[tilespmem:v47+s23+$0x0] =	vst.idx.add.f32.msk $0xffff, v10;
	v10 =	vmul.f32 v49, v30  }
0x462: {  	v44 =	vld [tilespmem:s10+$0x160]  }
0x463: {  	[tilespmem:v54+s23+$0x0] =	vst.idx.add.f32.msk $0xffff, v11  }
0x464: {  	v11 =	vor.u32 v7, v43;
	[tilespmem:v60+s23+$0x0] =	vst.idx.add.f32.msk $0xffff, v10  }
0x465: {  	v10 =	vld [tilespmem:s10+$0x30];
	v13 =	vmul.f32 v13, v31  }
0x466: {  	v47 =	vld [tilespmem:s10+$0x1B0]  }
0x467: {  	[tilespmem:v51+s23+$0x0] =	vst.idx.add.f32.msk $0xffff, v13;
	v13 =	vmul.f32 v44, v42  }
0x468: {  	v48 =	vld [tilespmem:s10+$0xC0]  }
0x469: {  	[tilespmem:v11+s23+$0x0] =	vst.idx.add.f32.msk $0xffff, v13  }
0x46a: {  	s25 =	sadd.s32 $0x1, s15;
	v10 =	vmul.f32 v10, v29;
	v11 =	vld [tilespmem:s10+$0x170]  }
.Ltmp7:
0x46b: {  	v44 =	vld.idx.msk [tilespmem:v9+s21+$0x0], $0xffff;
	v9 =	vmov s25;
	v13 =	vmul.f32 v47, v30;
	(pc) =	sbr.rel @p0 .LBB2_14-.Ltmp7, $4  }
0x46c: {  	v49 =	vor.u32 v8, v43;
	v9 =	vand.u32 $0xFFFFFFFD, v9;
	[tilespmem:v57+s23+$0x0] =	vst.idx.add.f32.msk $0xffff, v10  }
0x46d: {  	v47 =	vbroadcast v9, $0x0;
	v50 =	vmul.f32 v48, v31;
	[tilespmem:v62+s23+$0x0] =	vst.idx.add.f32.msk $0xffff, v13  }
0x46e: {  	v48 =	vld [tilespmem:s10+$0x40]  }
0x46f: {  	s15 =	sadd.s32 $0x4, s15;
	s25 =	sadd.s32 $0x2, s14;
	v42 =	vmul.f32 v11, v42;
	v43 =	vld [tilespmem:s10+$0x1C0]  }
0x470: {  	v9 =	vmov s25  }
0x471: {  	v9 =	vand.u32 $0xFFFFFFFE, v9  }
0x472: {  	v9 =	vbroadcast v9, $0x0;
	_ =	sdelay $0x4  }
0x473: {  	[tilespmem:v38+s23+$0x0] =	vst.idx.add.f32.msk $0xffff, v50  }
0x474: {  	v10 =	vld.idx.msk [tilespmem:v9+s21+$0x0], $0xffff  }
0x475: {  	v57 =	vld.idx.msk [tilespmem:v47+s21+$0x0], $0xffff  }
0x476: {  	s15 =	sadd.s32 $0x200, s10;
	v11 =	vld [tilespmem:s10+$0xD0]  }
0x477: {  	v56 =	vld [tilespmem:s15+$0xFFFFF100]  }
0x478: {  	v13 =	vmul.f32 v48, v29;
	v9 =	vld.idx.msk [tilespmem:v9+s20+$0x0], $0xffff  }
0x479: {  	[tilespmem:v49+s23+$0x0] =	vst.idx.add.f32.msk $0xffff, v42;
	v10 =	vshll.u32 v10, $0x7  }
0x47a: {  	v43 =	vmul.f32 v43, v30;
	[tilespmem:v45+s23+$0x0] =	vst.idx.add.f32.msk $0xffff, v13;
	v13 =	vor.u32 v0, v10  }
0x47b: {  	v42 =	vld.idx.msk [tilespmem:v47+s20+$0x0], $0xffff  }
0x47c: {  	[tilespmem:v46+s23+$0x0] =	vst.idx.add.f32.msk $0xffff, v43;
	v11 =	vmul.f32 v11, v31  }
0x47d: {  	v59 =	vld [tilespmem:s10+$0x1D0];
	v38 =	vmul.f32 v56, v9  }
0x47e: {  	[tilespmem:v39+s23+$0x0] =	vst.idx.add.f32.msk $0xffff, v11  }
0x47f: {  	[tilespmem:v13+s23+$0x0] =	vst.idx.add.f32.msk $0xffff, v38  }
0x480: {  	v13 =	vld [tilespmem:s15+$0xFFFFF080]  }
0x481: {  	v47 =	vshll.u32 v57, $0x7;
	v11 =	vld [tilespmem:s15+$0xFFFFF110]  }
0x482: {  	v63 =	vor.u32 v0, v47  }
0x483: {  	v61 =	vld [tilespmem:s15+$0xFFFFF000];
	v60 =	vor.u32 v2, v10  }
0x484: {  	v62 =	vld [tilespmem:s15+$0xFFFFF180];
	v45 =	vmul.f32 v59, v30  }
0x485: {  	v44 =	vshll.u32 v44, $0x7;
	v58 =	vld [tilespmem:s10+$0x50];
	v13 =	vmul.f32 v13, v42  }
0x486: {  	v52 =	vor.u32 v0, v44;
	[tilespmem:v40+s23+$0x0] =	vst.idx.add.f32.msk $0xffff, v45;
	v11 =	vmul.f32 v11, v9  }
0x487: {  	[tilespmem:v63+s23+$0x0] =	vst.idx.add.f32.msk $0xffff, v13  }
0x488: {  	v40 =	vshll.u32 v37, $0x7;
	[tilespmem:v60+s23+$0x0] =	vst.idx.add.f32.msk $0xffff, v11  }
0x489: {  	v54 =	vmul.f32 v61, v33;
	v11 =	vor.u32 v0, v40;
	v13 =	vld [tilespmem:s15+$0xFFFFF090]  }
0x48a: {  	v53 =	vld [tilespmem:s15+$0xFFFFF120]  }
0x48b: {  	v57 =	vor.u32 v2, v47;
	[tilespmem:v52+s23+$0x0] =	vst.idx.add.f32.msk $0xffff, v54;
	v43 =	vmul.f32 v58, v29  }
0x48c: {  	v39 =	vld [tilespmem:s15+$0xFFFFF010];
	v56 =	vmul.f32 v62, v32;
	v55 =	vor.u32 v3, v10  }
0x48d: {  	[tilespmem:v41+s23+$0x0] =	vst.idx.add.f32.msk $0xffff, v43  }
0x48e: {  	[tilespmem:v11+s23+$0x0] =	vst.idx.add.f32.msk $0xffff, v56;
	v13 =	vmul.f32 v13, v42  }
0x48f: {  	v11 =	vmul.f32 v53, v9;
	v58 =	vld [tilespmem:s15+$0xFFFFF190]  }
0x490: {  	v59 =	vor.u32 v2, v44;
	[tilespmem:v57+s23+$0x0] =	vst.idx.add.f32.msk $0xffff, v13  }
0x491: {  	[tilespmem:v55+s23+$0x0] =	vst.idx.add.f32.msk $0xffff, v11  }
0x492: {  	v11 =	vor.u32 v2, v40;
	v13 =	vld [tilespmem:s15+$0xFFFFF0A0]  }
0x493: {  	v39 =	vmul.f32 v39, v33;
	v43 =	vld [tilespmem:s15+$0xFFFFF130]  }
0x494: {  	v61 =	vor.u32 v3, v47  }
0x495: {  	[tilespmem:v59+s23+$0x0] =	vst.idx.add.f32.msk $0xffff, v39;
	v60 =	vor.u32 v4, v10;
	v37 =	vmul.f32 v58, v32  }
0x496: {  	v45 =	vld [tilespmem:s15+$0xFFFFF020]  }
0x497: {  	[tilespmem:v11+s23+$0x0] =	vst.idx.add.f32.msk $0xffff, v37;
	v13 =	vmul.f32 v13, v42  }
0x498: {  	v62 =	vor.u32 v3, v44;
	v11 =	vmul.f32 v43, v9;
	v37 =	vld [tilespmem:s15+$0xFFFFF1A0]  }
0x499: {  	[tilespmem:v61+s23+$0x0] =	vst.idx.add.f32.msk $0xffff, v13  }
0x49a: {  	[tilespmem:v60+s23+$0x0] =	vst.idx.add.f32.msk $0xffff, v11  }
0x49b: {  	v13 =	vmul.f32 v45, v33;
	v11 =	vor.u32 v3, v40;
	v39 =	vld [tilespmem:s15+$0xFFFFF0B0]  }
0x49c: {  	v41 =	vld [tilespmem:s15+$0xFFFFF140]  }
0x49d: {  	[tilespmem:v62+s23+$0x0] =	vst.idx.add.f32.msk $0xffff, v13;
	v13 =	vor.u32 v4, v47  }
0x49e: {  	v63 =	vor.u32 v5, v10;
	v37 =	vmul.f32 v37, v32  }
0x49f: {  	v43 =	vld [tilespmem:s15+$0xFFFFF030]  }
0x4a0: {  	[tilespmem:v11+s23+$0x0] =	vst.idx.add.f32.msk $0xffff, v37;
	v39 =	vmul.f32 v39, v42  }
0x4a1: {  	v48 =	vor.u32 v4, v44;
	v11 =	vmul.f32 v41, v9;
	v37 =	vld [tilespmem:s15+$0xFFFFF1B0]  }
0x4a2: {  	[tilespmem:v13+s23+$0x0] =	vst.idx.add.f32.msk $0xffff, v39  }
0x4a3: {  	[tilespmem:v63+s23+$0x0] =	vst.idx.add.f32.msk $0xffff, v11  }
0x4a4: {  	v13 =	vmul.f32 v43, v33;
	v11 =	vor.u32 v4, v40;
	v39 =	vld [tilespmem:s15+$0xFFFFF0C0]  }
0x4a5: {  	v45 =	vld [tilespmem:s15+$0xFFFFF150]  }
0x4a6: {  	[tilespmem:v48+s23+$0x0] =	vst.idx.add.f32.msk $0xffff, v13;
	v13 =	vor.u32 v5, v47  }
0x4a7: {  	v49 =	vor.u32 v6, v10;
	v37 =	vmul.f32 v37, v32  }
0x4a8: {  	v41 =	vld [tilespmem:s15+$0xFFFFF040]  }
0x4a9: {  	[tilespmem:v11+s23+$0x0] =	vst.idx.add.f32.msk $0xffff, v37;
	v39 =	vmul.f32 v39, v42  }
0x4aa: {  	v50 =	vor.u32 v5, v44;
	v11 =	vmul.f32 v45, v9;
	v37 =	vld [tilespmem:s15+$0xFFFFF1C0]  }
0x4ab: {  	[tilespmem:v13+s23+$0x0] =	vst.idx.add.f32.msk $0xffff, v39  }
0x4ac: {  	[tilespmem:v49+s23+$0x0] =	vst.idx.add.f32.msk $0xffff, v11  }
0x4ad: {  	v13 =	vmul.f32 v41, v33;
	v11 =	vor.u32 v5, v40;
	v39 =	vld [tilespmem:s15+$0xFFFFF0D0]  }
0x4ae: {  	v43 =	vld [tilespmem:s15+$0xFFFFF160]  }
0x4af: {  	[tilespmem:v50+s23+$0x0] =	vst.idx.add.f32.msk $0xffff, v13;
	v13 =	vor.u32 v6, v47  }
0x4b0: {  	v38 =	vld [tilespmem:s10+$0xE0];
	v37 =	vmul.f32 v37, v32  }
0x4b1: {  	v51 =	vor.u32 v7, v10;
	v45 =	vld [tilespmem:s15+$0xFFFFF050]  }
0x4b2: {  	[tilespmem:v11+s23+$0x0] =	vst.idx.add.f32.msk $0xffff, v37;
	v39 =	vmul.f32 v39, v42  }
0x4b3: {  	v52 =	vor.u32 v6, v44;
	v37 =	vld [tilespmem:s15+$0xFFFFF1D0]  }
0x4b4: {  	v11 =	vmul.f32 v43, v9;
	[tilespmem:v13+s23+$0x0] =	vst.idx.add.f32.msk $0xffff, v39  }
0x4b5: {  	v54 =	vor.u32 v6, v40;
	v56 =	vld [tilespmem:s15+$0xFFFFF0E0]  }
0x4b6: {  	v55 =	vmul.f32 v45, v33;
	[tilespmem:v51+s23+$0x0] =	vst.idx.add.f32.msk $0xffff, v11  }
0x4b7: {  	s25 =	sadd.s32 $0x22, s14;
	v57 =	vor.u32 v7, v47;
	v11 =	vld [tilespmem:s15+$0xFFFFF170]  }
0x4b8: {  	v53 =	vmov s25;
	[tilespmem:v52+s23+$0x0] =	vst.idx.add.f32.msk $0xffff, v55;
	v37 =	vmul.f32 v37, v32  }
0x4b9: {  	v10 =	vor.u32 v8, v10;
	v13 =	vand.u32 $0xFFFFFFFE, v53;
	v43 =	vld [tilespmem:s15+$0xFFFFF060]  }
0x4ba: {  	v13 =	vbroadcast v13, $0x0;
	[tilespmem:v54+s23+$0x0] =	vst.idx.add.f32.msk $0xffff, v37;
	v41 =	vmul.f32 v56, v42  }
0x4bb: {  	v37 =	vld [tilespmem:s15+$0xFFFFF1E0]  }
0x4bc: {  	v9 =	vmul.f32 v11, v9;
	v11 =	vor.u32 v7, v44;
	[tilespmem:v57+s23+$0x0] =	vst.idx.add.f32.msk $0xffff, v41  }
0x4bd: {  	v57 =	vld [tilespmem:s11+$0x1E0]  }
0x4be: {  	[tilespmem:v10+s23+$0x0] =	vst.idx.add.f32.msk $0xffff, v9;
	v10 =	vor.u32 v7, v40  }
0x4bf: {  	s26 =	sadd.s32 $0x21, s14;
	v58 =	vmul.f32 v43, v33;
	v41 =	vld [tilespmem:s15+$0xFFFFF0F0]  }
0x4c0: {  	v59 =	vmov s26;
	v9 =	vld.idx.msk [tilespmem:v13+s21+$0x0], $0xffff  }
0x4c1: {  	s25 =	sadd.s32 $0x20, s14;
	v43 =	vand.u32 $0xFFFFFFFD, v59;
	[tilespmem:v11+s23+$0x0] =	vst.idx.add.f32.msk $0xffff, v58;
	v11 =	vmul.f32 v37, v32  }
0x4c2: {  	v60 =	vor.u32 v8, v47;
	v62 =	vmov s25;
	v43 =	vbroadcast v43, $0x0;
	v61 =	vld [tilespmem:s15+$0xFFFFF070]  }
0x4c3: {  	v37 =	vand.u32 $0xFFFFFFFC, v62;
	[tilespmem:v10+s23+$0x0] =	vst.idx.add.f32.msk $0xffff, v11  }
0x4c4: {  	v10 =	vor.u32 v8, v44;
	v11 =	vbroadcast v37, $0x0;
	v37 =	vld.idx.msk [tilespmem:v13+s20+$0x0], $0xffff  }
0x4c5: {  	v13 =	vmul.f32 v41, v42;
	v63 =	vld [tilespmem:s15+$0xFFFFF1F0]  }
0x4c6: {  	v48 =	vld [tilespmem:s15+$0x100]  }
0x4c7: {  	[tilespmem:v60+s23+$0x0] =	vst.idx.add.f32.msk $0xffff, v13;
	v13 =	vmul.f32 v61, v33  }
0x4c8: {  	v50 =	vld.idx.msk [tilespmem:v43+s21+$0x0], $0xffff  }
0x4c9: {  	s26 =	sadd.s32 $0x23, s14;
	v40 =	vor.u32 v8, v40;
	[tilespmem:v10+s23+$0x0] =	vst.idx.add.f32.msk $0xffff, v13  }
0x4ca: {  	v49 =	vmov s26;
	v10 =	vmul.f32 v63, v32;
	v32 =	vld.idx.msk [tilespmem:v43+s20+$0x0], $0xffff  }
0x4cb: {  	v13 =	vld.idx.msk [tilespmem:v11+s21+$0x0], $0xffff  }
0x4cc: {  	v33 =	vld.idx.msk [tilespmem:v11+s20+$0x0], $0xffff  }
0x4cd: {  	v11 =	vld [tilespmem:s15+$0x80]  }
0x4ce: {  	[tilespmem:v40+s23+$0x0] =	vst.idx.add.f32.msk $0xffff, v10;
	v40 =	vshll.u32 v9, $0x7  }
0x4cf: {  	v10 =	vld.idx.msk [tilespmem:v49+s21+$0x0], $0xffff;
	v9 =	vor.u32 v0, v40  }
0x4d0: {  	v44 =	vld [tilespmem:s11+$0x60];
	v41 =	vshll.u32 v50, $0x7  }
0x4d1: {  	v51 =	vld [tilespmem:s15+$0x0];
	v52 =	vor.u32 v0, v41  }
0x4d2: {  	v39 =	vld.idx.msk [tilespmem:v49+s20+$0x0], $0xffff;
	v42 =	vshll.u32 v13, $0x7;
	v13 =	vmul.f32 v48, v37  }
0x4d3: {  	v54 =	vld [tilespmem:s15+$0x180];
	v53 =	vor.u32 v0, v42  }
0x4d4: {  	[tilespmem:v9+s23+$0x0] =	vst.idx.add.f32.msk $0xffff, v13;
	v9 =	vshll.u32 v10, $0x7;
	v10 =	vmul.f32 v11, v32  }
0x4d5: {  	v11 =	vld [tilespmem:s15+$0x110];
	v13 =	vor.u32 v0, v9  }
0x4d6: {  	v43 =	vmul.f32 v51, v33;
	[tilespmem:v52+s23+$0x0] =	vst.idx.add.f32.msk $0xffff, v10  }
0x4d7: {  	v10 =	vor.u32 v2, v40;
	v45 =	vld [tilespmem:s15+$0x90]  }
0x4d8: {  	v55 =	vmul.f32 v54, v39;
	[tilespmem:v53+s23+$0x0] =	vst.idx.add.f32.msk $0xffff, v43  }
0x4d9: {  	v56 =	vor.u32 v2, v41;
	v46 =	vld [tilespmem:s15+$0x10]  }
0x4da: {  	[tilespmem:v13+s23+$0x0] =	vst.idx.add.f32.msk $0xffff, v55;
	v11 =	vmul.f32 v11, v37  }
0x4db: {  	v13 =	vor.u32 v2, v42;
	v43 =	vld [tilespmem:s15+$0x190]  }
0x4dc: {  	[tilespmem:v10+s23+$0x0] =	vst.idx.add.f32.msk $0xffff, v11;
	v11 =	vmul.f32 v45, v32  }
0x4dd: {  	v10 =	vor.u32 v2, v9;
	v58 =	vld [tilespmem:s15+$0x120]  }
0x4de: {  	v46 =	vmul.f32 v46, v33;
	[tilespmem:v56+s23+$0x0] =	vst.idx.add.f32.msk $0xffff, v11  }
0x4df: {  	v59 =	vld [tilespmem:s15+$0xA0]  }
0x4e0: {  	v11 =	vmul.f32 v43, v39;
	[tilespmem:v13+s23+$0x0] =	vst.idx.add.f32.msk $0xffff, v46;
	v13 =	vor.u32 v3, v40  }
0x4e1: {  	v60 =	vld [tilespmem:s15+$0x20]  }
0x4e2: {  	[tilespmem:v10+s23+$0x0] =	vst.idx.add.f32.msk $0xffff, v11;
	v10 =	vmul.f32 v38, v31;
	v11 =	vor.u32 v3, v41  }
0x4e3: {  	v45 =	vmul.f32 v58, v37;
	v61 =	vld [tilespmem:s15+$0x1A0]  }
0x4e4: {  	[tilespmem:v35+s23+$0x0] =	vst.idx.add.f32.msk $0xffff, v10;
	v10 =	vor.u32 v3, v42  }
0x4e5: {  	v62 =	vor.u32 v3, v9;
	[tilespmem:v13+s23+$0x0] =	vst.idx.add.f32.msk $0xffff, v45;
	v13 =	vmul.f32 v59, v32  }
0x4e6: {  	v63 =	vld [tilespmem:s15+$0x130]  }
0x4e7: {  	[tilespmem:v11+s23+$0x0] =	vst.idx.add.f32.msk $0xffff, v13;
	v11 =	vmul.f32 v60, v33  }
0x4e8: {  	v13 =	vld [tilespmem:s15+$0xB0];
	v49 =	vmul.f32 v61, v39  }
0x4e9: {  	v50 =	vor.u32 v4, v40;
	[tilespmem:v10+s23+$0x0] =	vst.idx.add.f32.msk $0xffff, v11  }
0x4ea: {  	[tilespmem:v62+s23+$0x0] =	vst.idx.add.f32.msk $0xffff, v49  }
0x4eb: {  	v10 =	vmul.f32 v44, v29;
	v11 =	vor.u32 v4, v41;
	v51 =	vld [tilespmem:s15+$0x30]  }
0x4ec: {  	v52 =	vmul.f32 v63, v37;
	v53 =	vld [tilespmem:s15+$0x1B0]  }
0x4ed: {  	[tilespmem:v36+s23+$0x0] =	vst.idx.add.f32.msk $0xffff, v10;
	v10 =	vor.u32 v4, v42  }
0x4ee: {  	v54 =	vor.u32 v4, v9;
	[tilespmem:v50+s23+$0x0] =	vst.idx.add.f32.msk $0xffff, v52;
	v13 =	vmul.f32 v13, v32  }
0x4ef: {  	v38 =	vld [tilespmem:s15+$0x140]  }
0x4f0: {  	[tilespmem:v11+s23+$0x0] =	vst.idx.add.f32.msk $0xffff, v13;
	v11 =	vmul.f32 v51, v33  }
0x4f1: {  	v13 =	vld [tilespmem:s15+$0xC0];
	v55 =	vmul.f32 v53, v39  }
0x4f2: {  	v56 =	vor.u32 v5, v40;
	[tilespmem:v10+s23+$0x0] =	vst.idx.add.f32.msk $0xffff, v11  }
0x4f3: {  	[tilespmem:v54+s23+$0x0] =	vst.idx.add.f32.msk $0xffff, v55  }
0x4f4: {  	v10 =	vmul.f32 v57, v30;
	v11 =	vor.u32 v5, v41;
	v57 =	vld [tilespmem:s15+$0x40]  }
0x4f5: {  	v58 =	vmul.f32 v38, v37;
	v59 =	vld [tilespmem:s15+$0x1C0]  }
0x4f6: {  	[tilespmem:v34+s23+$0x0] =	vst.idx.add.f32.msk $0xffff, v10;
	v10 =	vor.u32 v5, v42  }
0x4f7: {  	v60 =	vor.u32 v5, v9;
	[tilespmem:v56+s23+$0x0] =	vst.idx.add.f32.msk $0xffff, v58;
	v13 =	vmul.f32 v13, v32  }
0x4f8: {  	v36 =	vld [tilespmem:s15+$0x150]  }
0x4f9: {  	[tilespmem:v11+s23+$0x0] =	vst.idx.add.f32.msk $0xffff, v13;
	v11 =	vmul.f32 v57, v33  }
0x4fa: {  	v13 =	vld [tilespmem:s15+$0xD0];
	v61 =	vmul.f32 v59, v39  }
0x4fb: {  	v62 =	vor.u32 v6, v40;
	[tilespmem:v10+s23+$0x0] =	vst.idx.add.f32.msk $0xffff, v11  }
0x4fc: {  	[tilespmem:v60+s23+$0x0] =	vst.idx.add.f32.msk $0xffff, v61  }
0x4fd: {  	v10 =	vor.u32 v6, v41;
	v11 =	vld [tilespmem:s15+$0x50]  }
0x4fe: {  	v63 =	vmul.f32 v36, v37;
	v35 =	vld [tilespmem:s15+$0x1D0]  }
0x4ff: {  	v48 =	vld [tilespmem:s11+$0xF0];
	v49 =	vor.u32 v6, v42  }
0x500: {  	v50 =	vor.u32 v6, v9;
	[tilespmem:v62+s23+$0x0] =	vst.idx.add.f32.msk $0xffff, v63;
	v13 =	vmul.f32 v13, v32  }
0x501: {  	v34 =	vld [tilespmem:s15+$0x160]  }
0x502: {  	[tilespmem:v10+s23+$0x0] =	vst.idx.add.f32.msk $0xffff, v13;
	v10 =	vmul.f32 v11, v33  }
0x503: {  	v11 =	vld [tilespmem:s15+$0xE0];
	v13 =	vmul.f32 v35, v39  }
0x504: {  	[tilespmem:v49+s23+$0x0] =	vst.idx.add.f32.msk $0xffff, v10  }
0x505: {  	v10 =	vor.u32 v7, v40;
	[tilespmem:v50+s23+$0x0] =	vst.idx.add.f32.msk $0xffff, v13  }
0x506: {  	v13 =	vld [tilespmem:s15+$0x60]  }
0x507: {  	v51 =	vor.u32 v7, v41;
	v52 =	vld [tilespmem:s15+$0x1E0]  }
0x508: {  	v53 =	vld [tilespmem:s11+$0x70];
	v54 =	vor.u32 v7, v42;
	v34 =	vmul.f32 v34, v37  }
0x509: {  	v55 =	vld [tilespmem:s11+$0x1F0];
	v56 =	vor.u32 v7, v9  }
0x50a: {  	[tilespmem:v10+s23+$0x0] =	vst.idx.add.f32.msk $0xffff, v34;
	v10 =	vmul.f32 v11, v32  }
0x50b: {  	v11 =	vld [tilespmem:s15+$0x170];
	v13 =	vmul.f32 v13, v33  }
0x50c: {  	[tilespmem:v51+s23+$0x0] =	vst.idx.add.f32.msk $0xffff, v10;
	v10 =	vmul.f32 v52, v39  }
0x50d: {  	[tilespmem:v54+s23+$0x0] =	vst.idx.add.f32.msk $0xffff, v13  }
0x50e: {  	[tilespmem:v56+s23+$0x0] =	vst.idx.add.f32.msk $0xffff, v10  }
0x50f: {  	v10 =	vld [tilespmem:s15+$0xF0]  }
0x510: {  	v57 =	vor.u32 v8, v40;
	v59 =	vmul.f32 v53, v29;
	v58 =	vld [tilespmem:s15+$0x70]  }
0x511: {  	v60 =	vor.u32 v8, v41;
	v62 =	vmul.f32 v55, v30;
	v61 =	vld [tilespmem:s15+$0x1F0]  }
0x512: {  	s9 =	sadd.s32 $0x1, s9;
	[tilespmem:v28+s23+$0x0] =	vst.idx.add.f32.msk $0xffff, v59;
	v63 =	vor.u32 v8, v42;
	v13 =	vmul.f32 v48, v31  }
0x513: {  	p0 =	sne.s32 s9, $0x32;
	v9 =	vor.u32 v8, v9;
	[tilespmem:v27+s23+$0x0] =	vst.idx.add.f32.msk $0xffff, v62;
	v11 =	vmul.f32 v11, v37  }
.Ltmp8:
0x514: {  	[tilespmem:v26+s23+$0x0] =	vst.idx.add.f32.msk $0xffff, v13;
	v10 =	vmul.f32 v10, v32;
	(pc) =	sbr.rel @p0 .LBB2_4-.Ltmp8, $4  }
0x515: {  	[tilespmem:v57+s23+$0x0] =	vst.idx.add.f32.msk $0xffff, v11;
	v11 =	vmul.f32 v58, v33  }
0x516: {  	v13 =	vmul.f32 v61, v39;
	[tilespmem:v60+s23+$0x0] =	vst.idx.add.f32.msk $0xffff, v10  }
0x517: {  	[tilespmem:v63+s23+$0x0] =	vst.idx.add.f32.msk $0xffff, v11  }
0x518: {  	[tilespmem:v9+s23+$0x0] =	vst.idx.add.f32.msk $0xffff, v13  }
0x519: {  	s9 =	rddreg [dreg:$0x6];
	s10 =	simm.s32 $0x3  }
0x51a: {  	[hbm4b:s9+s18] =	stream.strided.scatter [tilespmem:s23], [sflag:$0x3], $0x10000, s19, s18, $0x38;
	[tilespmem:$0x14300] =	vst v63  }
0x51b: {  	_ =	swait.ge [sflag:s10], $0x10000  }
0x51c: {  	s11 =	rddreg [dreg:$0x8]  }
0x51d: {  	s26 =	rddreg [dreg:$0x7];
	s11 =	sadd.s32 $0x1, s11  }
0x51e: {  	p0 =	sne.s32 s11, s26  }
.Ltmp9:
0x51f: {  	_ = 	snop;
	(pc) =	sbr.rel @p0 .LBB2_1-.Ltmp9, $3  }
0x520: {  	_ =	sdelay $0x1  }
0x521: {  	[sflag:s10] =	ssyncset.done $0x0  }
0x522: {  	[sflag:s10] =	ssyncadd.s32 $0xFFFF0000  }
0x523: {  	_ =	sfence.sel $0x180000  }
0x524: {  	[bflag:$0x0] =	sbarrier.arrive $0xFFFF  }
0x525: {  	_ =	strace $0x9000004A  }
0x526: {  	s0 =	stileid.u32;
	[bflag:$0x2] =	sbarrier.arrive $0xFFFF  }
0x527: {  	p0 =	sne.s32 s0, $0x0;
	s0 =	rddreg [dreg:$0x2]  }
0x528: {  	s0 =	sadd.s32 @!p0 $0x100000, s0  }
0x529: {  	[sflag:s0] =	ssyncadd.tile.s32 @!p0 $0x1;
	_ =	shalt  }
.Lfunc_end2:
_tile_overlayer_lowered:
.L_overlay_start_2:
0x52a: {  	(tag) =	ssettag $0x2  }
0x52b: {  	s0 =	rddreg [dreg:$0x0];
	s2 =	stileid.u32  }
0x52c: {  	s1 =	rddreg [dreg:$0x1];
	p0 =	sne.s32 s2, $0x0  }
0x52d: {  	s3 =	rddreg [dreg:$0x2];
	[bflag:$0x3] =	sbarrier.arrive $0xFFFF;
	s2 =	simm.s32 @!p0 $0x1C03  }
0x52e: {  	[timem:s3], [sflag:s2] =	dma.local @!p0 [hbm:s0], s1  }
0x52f: {  	s0 =	simm.s32 @!p0 $0x3  }
0x530: {  	_ =	swait.ge @!p0 [sflag:s0], s1  }
0x531: {  	s1 =	ssub.s32 @!p0 $0x0, s1;
	[sflag:s0] =	ssyncset.done @!p0 $0x0  }
0x532: {  	[sflag:s0] =	ssyncadd.s32 @!p0 s1  }
0x533: {  	[bflag:$0x3] =	sbarrier.arrive $0xFFFF  }
0x534: {  	_ =	shalt  }

</sc_bundles>
